<compile_context>
chip_gen: v7x
topology: tpu7x:2x2x1
jax: 0.10.2.dev20260603
libtpu: 0.0.44.dev20260713+nightly
codegen_flags: <defaults>
</compile_context>

<pallas_src>
import functools

import jax
import jax.numpy as jnp
from jax import lax
from jax.experimental import pallas as pl
from jax.experimental.pallas import tpu as pltpu
from jax.experimental.pallas import tpu_sc as plsc

N = 10000
E = 160000
NP = 10240
EP = 163840
NC, NS = 2, 16
NW = NC * NS
EPT = EP // NW
BR = 512

_mesh = plsc.VectorSubcoreMesh(core_axis_name="c", subcore_axis_name="s")
_sc_params = pltpu.CompilerParams(needs_layout_passes=False,
                                  use_tc_tiling_on_sc=False)

_Z16 = functools.partial(jnp.zeros, (16,), jnp.float32)


@functools.partial(
    pl.kernel, mesh=_mesh, compiler_params=_sc_params,
    out_type=jax.ShapeDtypeStruct((NC, 2, NP), jnp.float32),
    scratch_types=[
        pltpu.VMEM((NP,), jnp.float32),
        pltpu.VMEM((NP,), jnp.float32),
        pltpu.VMEM((EPT,), jnp.int32),
        pltpu.VMEM((EPT,), jnp.int32),
        pltpu.VMEM((NP // NS,), jnp.float32),
        pltpu.VMEM((NP // NS,), jnp.float32),
        pltpu.VMEM((NP // NS,), jnp.float32),
        pltpu.VMEM_SHARED((NS, 2, NP), jnp.float32),
    ],
)
def _deg(srcf, dstf, out_hbm, cs, cd, srcv, dstv, tmp, accs, accd, shared):
    c = lax.axis_index("c")
    s = lax.axis_index("s")
    w = c * NS + s
    zero16 = _Z16()
    ones16 = jnp.full((16,), 1.0, jnp.float32)

    def z(i, _):
        cs[pl.ds(i * 16, 16)] = zero16
        cd[pl.ds(i * 16, 16)] = zero16
        return 0
    lax.fori_loop(0, NP // 16, z, 0)

    pltpu.sync_copy(srcf.at[pl.ds(w * EPT, EPT)], srcv)
    pltpu.sync_copy(dstf.at[pl.ds(w * EPT, EPT)], dstv)

    def acc_edges(i, _):
        plsc.addupdate_scatter(cs, [srcv[pl.ds(i * 16, 16)]], ones16)
        plsc.addupdate_scatter(cd, [dstv[pl.ds(i * 16, 16)]], ones16)
        return 0
    lax.fori_loop(0, EPT // 16, acc_edges, 0)

    pltpu.sync_copy(cs, shared.at[s, 0])
    pltpu.sync_copy(cd, shared.at[s, 1])
    plsc.subcore_barrier()

    nrows = NP // NS
    base = s * nrows

    def z2(i, _):
        accs[pl.ds(i * 16, 16)] = zero16
        accd[pl.ds(i * 16, 16)] = zero16
        return 0
    lax.fori_loop(0, nrows // 16, z2, 0)

    def red(t, _):
        pltpu.sync_copy(shared.at[t, 0, pl.ds(base, nrows)], tmp)

        def a1(i, _):
            accs[pl.ds(i * 16, 16)] = accs[pl.ds(i * 16, 16)] + tmp[pl.ds(i * 16, 16)]
            return 0
        lax.fori_loop(0, nrows // 16, a1, 0)
        pltpu.sync_copy(shared.at[t, 1, pl.ds(base, nrows)], tmp)

        def a2(i, _):
            accd[pl.ds(i * 16, 16)] = accd[pl.ds(i * 16, 16)] + tmp[pl.ds(i * 16, 16)]
            return 0
        lax.fori_loop(0, nrows // 16, a2, 0)
        return 0
    lax.fori_loop(0, NS, red, 0)

    pltpu.sync_copy(accs, out_hbm.at[c, 0, pl.ds(base, nrows)])
    pltpu.sync_copy(accd, out_hbm.at[c, 1, pl.ds(base, nrows)])


@functools.partial(
    pl.kernel, mesh=_mesh, compiler_params=_sc_params,
    out_type=jax.ShapeDtypeStruct((NC, NP, 128), jnp.float32),
    scratch_types=[
        pltpu.VMEM((80, 64), jnp.int32),
        pltpu.VMEM((80, 64), jnp.int32),
        pltpu.VMEM((4, 64, 128), jnp.float32),
        pltpu.VMEM_SHARED((NP, 128), jnp.float32),
        pltpu.SemaphoreType.DMA,
        pltpu.SemaphoreType.DMA,
        pltpu.SemaphoreType.DMA,
        pltpu.SemaphoreType.DMA,
    ],
)
def _agg1(y0, y1, src3, dst3, out_hbm, srcv, dstv, rows, acc,
          g0, g1, g2, g3):
    c = lax.axis_index("c")
    s = lax.axis_index("s")
    nch = EP // NS // 64
    half = nch // 2

    zero16 = _Z16()

    def z(i, _):
        rows[0, i // 8, pl.ds((i % 8) * 16, 16)] = zero16
        return 0
    lax.fori_loop(0, 512, z, 0)

    nrows = NP // NS

    def zacc(t, _):
        pltpu.sync_copy(rows.at[0], acc.at[pl.ds(s * nrows + t * 64, 64)])
        return 0
    lax.fori_loop(0, nrows // 64, zacc, 0)
    plsc.subcore_barrier()

    def run_edges(y_hbm):
        gsem = (g0, g1, g2, g3)
        nbuf = 4

        def wait_g(b):
            pltpu.make_async_copy(y_hbm.at[srcv.at[0]],
                                  rows.at[b], gsem[b]).wait()

        for h in range(2):
            base = s * nch + h * half
            pltpu.sync_copy(src3.at[pl.ds(base, half)], srcv)
            pltpu.sync_copy(dst3.at[pl.ds(base, half)], dstv)
            for b in range(nbuf):
                pltpu.async_copy(y_hbm.at[srcv.at[b]], rows.at[b], gsem[b])

            def step(g, _):
                for b in range(nbuf):
                    j = g * nbuf + b
                    wait_g(b)
                    pltpu.sync_copy(rows.at[b], acc.at[dstv.at[j]], add=True)

                    @pl.when(j + nbuf < half)
                    def _():
                        pltpu.async_copy(y_hbm.at[srcv.at[j + nbuf]],
                                         rows.at[b], gsem[b])
                return 0
            lax.fori_loop(0, half // nbuf, step, 0)

    @pl.when(c == 0)
    def _():
        run_edges(y0)

    @pl.when(c == 1)
    def _():
        run_edges(y1)

    plsc.subcore_barrier()

    def wb(t, _):
        pltpu.sync_copy(acc.at[pl.ds(s * nrows + t * 64, 64)], rows.at[0])
        pltpu.sync_copy(rows.at[0], out_hbm.at[c, pl.ds(s * nrows + t * 64, 64)])
        return 0
    lax.fori_loop(0, nrows // 64, wb, 0)


@functools.partial(
    pl.kernel, mesh=_mesh, compiler_params=_sc_params,
    out_type=jax.ShapeDtypeStruct((NC, NP, 16), jnp.float32),
    scratch_types=[
        pltpu.VMEM((EPT // 128, 128), jnp.int32),
        pltpu.VMEM((EPT // 128, 128), jnp.int32),
        pltpu.VMEM((4, 128, 16), jnp.float32),
        pltpu.VMEM_SHARED((NP, 16), jnp.float32),
        pltpu.SemaphoreType.DMA,
        pltpu.SemaphoreType.DMA,
        pltpu.SemaphoreType.DMA,
        pltpu.SemaphoreType.DMA,
    ],
)
def _agg2(q, src2, dst2, out_hbm, srcv, dstv, rows, acc,
          g0, g1, g2, g3):
    c = lax.axis_index("c")
    s = lax.axis_index("s")
    w = c * NS + s
    nch = EPT // 128
    pltpu.sync_copy(src2.at[pl.ds(w * nch, nch)], srcv)
    pltpu.sync_copy(dst2.at[pl.ds(w * nch, nch)], dstv)

    zero16 = _Z16()

    def z(j, _):
        rows[0, j, pl.ds(0, 16)] = zero16
        return 0
    lax.fori_loop(0, 128, z, 0)

    nrows = NP // NS

    def zacc(t, _):
        pltpu.sync_copy(rows.at[0], acc.at[pl.ds(s * nrows + t * 128, 128)])
        return 0
    lax.fori_loop(0, nrows // 128, zacc, 0)
    plsc.subcore_barrier()

    gsem = (g0, g1, g2, g3)
    nbuf = 4

    def wait_g(b):
        pltpu.make_async_copy(q.at[srcv.at[0]], rows.at[b], gsem[b]).wait()

    for b in range(nbuf):
        pltpu.async_copy(q.at[srcv.at[b]], rows.at[b], gsem[b])

    def step(g, _):
        for b in range(nbuf):
            j = g * nbuf + b
            wait_g(b)
            pltpu.sync_copy(rows.at[b], acc.at[dstv.at[j]], add=True)

            @pl.when(j + nbuf < nch)
            def _():
                pltpu.async_copy(q.at[srcv.at[j + nbuf]], rows.at[b], gsem[b])
        return 0
    lax.fori_loop(0, nch // nbuf, step, 0)

    plsc.subcore_barrier()

    def wb(t, _):
        pltpu.sync_copy(acc.at[pl.ds(s * nrows + t * 128, 128)], rows.at[0])
        pltpu.sync_copy(rows.at[0], out_hbm.at[c, pl.ds(s * nrows + t * 128, 128)])
        return 0
    lax.fori_loop(0, nrows // 128, wb, 0)


def _k1_body(x_ref, w_ref, cnt_ref, y_ref, dinv_ref):
    cnt = cnt_ref[...]
    dinv = lax.rsqrt(jnp.maximum(cnt[0] + cnt[1], 1.0))
    dinv_ref[...] = dinv
    y = jnp.dot(x_ref[...], w_ref[...], preferred_element_type=jnp.float32)
    y_ref[0] = y * dinv[0][:, None]


def _k1(x_p, W1, counts):
    return pl.pallas_call(
        _k1_body,
        grid=(2, NP // BR),
        in_specs=[
            pl.BlockSpec((BR, 256), lambda c, r: (r, 0)),
            pl.BlockSpec((256, 128), lambda c, r: (0, c)),
            pl.BlockSpec((2, 2, BR), lambda c, r: (0, 0, r)),
        ],
        out_specs=[
            pl.BlockSpec((1, BR, 128), lambda c, r: (c, r, 0)),
            pl.BlockSpec((2, BR), lambda c, r: (0, r)),
        ],
        out_shape=[
            jax.ShapeDtypeStruct((2, NP, 128), jnp.float32),
            jax.ShapeDtypeStruct((2, NP), jnp.float32),
        ],
    )(x_p, W1, counts)


def _k2_body(agg_ref, dinv_ref, b1_ref, w4t_ref, w4b_ref, w2_ref, et_ref,
             b2_ref, idx_ref, q_ref):
    a = agg_ref[...]
    dinv = dinv_ref[...]
    aggf = jnp.concatenate([a[0], a[1]], axis=1)
    h = jnp.maximum(aggf * dinv[1][:, None] + b1_ref[...], 0.0)
    acc = jnp.dot(h, w4t_ref[...], preferred_element_type=jnp.float32)
    M = jnp.dot(w2_ref[...], w4b_ref[...],
                preferred_element_type=jnp.float32).reshape(4, 256, 16)
    idx = idx_ref[...]
    et = et_ref[...]
    for l in range(4):
        g = jnp.dot(et, M[l], preferred_element_type=jnp.float32)
        oh = (idx[:, l][:, None]
              == lax.broadcasted_iota(jnp.int32, (BR, 256), 1)).astype(jnp.float32)
        acc = acc + jnp.dot(oh, g, preferred_element_type=jnp.float32)
    c0 = jnp.dot(b2_ref[...], w4b_ref[...], preferred_element_type=jnp.float32)
    q_ref[...] = (acc + c0) * dinv[0][:, None]


def _k2(agg, dinv, b1, W4t, W4b, W2, et, b2, idx_p):
    return pl.pallas_call(
        _k2_body,
        grid=(NP // BR,),
        in_specs=[
            pl.BlockSpec((2, BR, 128), lambda r: (0, r, 0)),
            pl.BlockSpec((2, BR), lambda r: (0, r)),
            pl.BlockSpec((1, 256), lambda r: (0, 0)),
            pl.BlockSpec((256, 16), lambda r: (0, 0)),
            pl.BlockSpec((2, 16), lambda r: (0, 0)),
            pl.BlockSpec((1024, 2), lambda r: (0, 0)),
            pl.BlockSpec((256, 256), lambda r: (0, 0)),
            pl.BlockSpec((1, 2), lambda r: (0, 0)),
            pl.BlockSpec((BR, 4), lambda r: (r, 0)),
        ],
        out_specs=pl.BlockSpec((BR, 16), lambda r: (r, 0)),
        out_shape=jax.ShapeDtypeStruct((NP, 16), jnp.float32),
    )(agg, dinv, b1, W4t, W4b, W2, et, b2, idx_p)


def _k3_body(p_ref, dinv_ref, b4_ref, o_ref):
    p = p_ref[...]
    o_ref[...] = (p[0] + p[1]) * dinv_ref[...][1][:, None] + b4_ref[...]


def _k3(parts, dinv, b4):
    return pl.pallas_call(
        _k3_body,
        grid=(NP // BR,),
        in_specs=[
            pl.BlockSpec((2, BR, 16), lambda r: (0, r, 0)),
            pl.BlockSpec((2, BR), lambda r: (0, r)),
            pl.BlockSpec((1, 16), lambda r: (0, 0)),
        ],
        out_specs=pl.BlockSpec((BR, 16), lambda r: (r, 0)),
        out_shape=jax.ShapeDtypeStruct((NP, 16), jnp.float32),
    )(parts, dinv, b4)


def kernel(in_feat, edge_index, encoder_input_data, W1, b1, embed_table,
           W2, b2, W4, b4):
    ei = edge_index.astype(jnp.int32)
    padv = jnp.full((EP - E,), N, jnp.int32)
    src_p = jnp.concatenate([ei[0], padv])
    dst_p = jnp.concatenate([ei[1], padv])
    src2 = src_p.reshape(EP // 128, 128)
    dst2 = dst_p.reshape(EP // 128, 128)
    x_p = jnp.pad(in_feat, ((0, NP - N), (0, 0)))
    idx_p = jnp.pad(encoder_input_data.astype(jnp.int32), ((0, NP - N), (0, 0)))

    src3 = src_p.reshape(EP // 64, 64)
    dst3 = dst_p.reshape(EP // 64, 64)

    counts = _deg(src_p, dst_p)
    y3, dinv = _k1(x_p, W1, counts)
    agg = _agg1(y3[0], y3[1], src3, dst3)
    q = _k2(agg, dinv, b1.reshape(1, 256), W4[:256], W4[256:], W2,
            embed_table, b2.reshape(1, 2), idx_p)
    parts = _agg2(q, src2, dst2)
    out = _k3(parts, dinv, b4.reshape(1, 16))
    return out[:N]

# --- scband reference (transcript-rebuilt; emitter-appended) ---
"""Pipeline reference for scband-gcn-59382217834794 (READ-ONLY COPY).

The authoritative reference and input builder live on the scoring server;
editing this copy changes nothing except your own understanding.
"""

import jax, jax.numpy as jnp
import numpy as np

N_NODES = 10000
N_EDGES = 160000
IN_FEATS = 256
H_FEATS = 256
NUM_CLASSES = 16
OUT_EMBED = 1024
SEQ_LEN = 4


def gcn_conv(x, edge_index, W, b):
    # DGL GraphConv with norm='both': D_out^{-1/2} A D_in^{-1/2} X W + b
    src = edge_index[0]
    dst = edge_index[1]
    n = x.shape[0]
    deg_out = jnp.clip(jnp.bincount(src, length=n), 1).astype(x.dtype)
    deg_in = jnp.clip(jnp.bincount(dst, length=n), 1).astype(x.dtype)
    feat = x * (deg_out[:, None] ** -0.5)
    msg = feat[src]
    agg = jax.ops.segment_sum(msg, dst, num_segments=n)
    agg = agg * (deg_in[:, None] ** -0.5)
    return agg @ W + b


def setup_inputs(seed: int = 0) -> dict:
    key = jax.random.key(seed)
    ks = jax.random.split(key, 10)
    in_feat = jax.random.normal(ks[0], (N_NODES, IN_FEATS), dtype=jnp.float32)
    edge_index = jax.random.randint(ks[1], (2, N_EDGES), 0, N_NODES, dtype=jnp.int64 if jax.config.jax_enable_x64 else jnp.int32)
    encoder_input_data = jax.random.randint(ks[2], (N_NODES, SEQ_LEN), 0, IN_FEATS)
    s1 = 1.0 / np.sqrt(IN_FEATS)
    W1 = jax.random.uniform(ks[3], (IN_FEATS, H_FEATS), jnp.float32, -s1, s1)
    b1 = jnp.zeros((H_FEATS,), jnp.float32)
    embed_table = jax.random.normal(ks[4], (IN_FEATS, H_FEATS), dtype=jnp.float32)
    s2 = 1.0 / np.sqrt(OUT_EMBED)
    W2 = jax.random.uniform(ks[5], (OUT_EMBED, 2), jnp.float32, -s2, s2)
    b2 = jax.random.uniform(ks[6], (2,), jnp.float32, -s2, s2)
    s4 = 1.0 / np.sqrt(H_FEATS + 2)
    W4 = jax.random.uniform(ks[7], (H_FEATS + 2, NUM_CLASSES), jnp.float32, -s4, s4)
    b4 = jnp.zeros((NUM_CLASSES,), jnp.float32)
    return {"in_feat": in_feat, "edge_index": edge_index, "encoder_input_data": encoder_input_data,
            "W1": W1, "b1": b1, "embed_table": embed_table, "W2": W2, "b2": b2, "W4": W4, "b4": b4}


def reference(in_feat, edge_index, encoder_input_data, W1, b1, embed_table, W2, b2, W4, b4):
    h = gcn_conv(in_feat, edge_index, W1, b1)
    h = jax.nn.relu(h)
    emb = jnp.take(embed_table, encoder_input_data, axis=0)  # [N, L, H]
    emb = emb.reshape(emb.shape[0], -1)  # Flatten(start_dim=1) -> [N, OUT_EMBED]
    emb = emb @ W2 + b2  # [N, 2]
    h = jnp.concatenate([h, emb], axis=1)  # [N, H+2]
    out = gcn_conv(h, edge_index, W4, b4)  # [N, NUM_CLASSES]
    return out

if __name__ == "__main__":
    import jax
    _d = setup_inputs()
    print(jax.jit(kernel)(*tuple(_d.values())))

</pallas_src>

<mosaic_0001>
#map = affine_map<(d0, d1) -> (0)>
#map1 = affine_map<(d0, d1) -> (0, 0, 0)>
module attributes {stable_mosaic.version = 14 : i64} {
  func.func @_deg(%arg0: i32, %arg1: i32, %arg2: memref<163840xi32, #tpu.memory_space<hbm>>, %arg3: memref<163840xi32, #tpu.memory_space<hbm>>, %arg4: memref<2x2x10240xf32, #tpu.memory_space<hbm>>, %arg5: memref<10240xf32, #tpu.memory_space<vmem>>, %arg6: memref<10240xf32, #tpu.memory_space<vmem>>, %arg7: memref<5120xi32, #tpu.memory_space<vmem>>, %arg8: memref<5120xi32, #tpu.memory_space<vmem>>, %arg9: memref<640xf32, #tpu.memory_space<vmem>>, %arg10: memref<640xf32, #tpu.memory_space<vmem>>, %arg11: memref<640xf32, #tpu.memory_space<vmem>>, %arg12: memref<16x2x10240xf32, #tpu.memory_space<vmem_shared>>) attributes {dimension_semantics = [#tpu.dimension_semantics<core_parallel>, #tpu.dimension_semantics<subcore_parallel>], iteration_bounds = array<i64: 2, 16>, scalar_prefetch = 0 : i64, scratch_operands = 8 : i64, tpu.core_type = #tpu.core_type<sc_vector_subcore>, window_params = [{transform_indices = #map}, {transform_indices = #map}, {transform_indices = #map1}]} {
    %mul3A = arith.constant 16 : i32
    %mul3A_0 = arith.muli %arg0, %mul3A : i32
    %add3A = arith.addi %mul3A_0, %arg1 : i32
    %broadcast_in_dim3A = arith.constant 0.000000e+00 : f32
    %broadcast_in_dim3A_1 = vector.broadcast %broadcast_in_dim3A : f32 to vector<16xf32>
    %broadcast_in_dim3A_2 = arith.constant 1.000000e+00 : f32
    %broadcast_in_dim3A_3 = vector.broadcast %broadcast_in_dim3A_2 : f32 to vector<16xf32>
    %scan3A = arith.constant 0 : i32
    %scan3A_4 = arith.constant 0 : i32
    %scan3A_5 = arith.constant 640 : i32
    %scan3A_6 = arith.addi %scan3A_4, %scan3A_5 : i32
    %scan3A_7 = arith.constant 1 : i32
    %scan3A_8 = scf.for %scan3A_40 = %scan3A_4 to %scan3A_6 step %scan3A_7 iter_args(%scan3A_41 = %scan3A) -> (i32)  : i32 {
      %mul3A_42 = arith.constant 16 : i32
      %mul3A_43 = arith.muli %scan3A_40, %mul3A_42 : i32
      %swap3A = arith.index_cast %mul3A_43 : i32 to index
      %swap3A_44 = tpu.vector_load %arg5[%swap3A] {strides = array<i32>} : memref<10240xf32, #tpu.memory_space<vmem>>, vector<16xf32>,
      tpu.vector_store %arg5[%swap3A], %broadcast_in_dim3A_1 {strides = array<i32>} : memref<10240xf32, #tpu.memory_space<vmem>>, vector<16xf32>,
      %mul3A_45 = arith.constant 16 : i32
      %mul3A_46 = arith.muli %scan3A_40, %mul3A_45 : i32
      %swap3A_47 = arith.index_cast %mul3A_46 : i32 to index
      %swap3A_48 = tpu.vector_load %arg6[%swap3A_47] {strides = array<i32>} : memref<10240xf32, #tpu.memory_space<vmem>>, vector<16xf32>,
      tpu.vector_store %arg6[%swap3A_47], %broadcast_in_dim3A_1 {strides = array<i32>} : memref<10240xf32, #tpu.memory_space<vmem>>, vector<16xf32>,
      %scan3A_49 = arith.constant 0 : i32
      scf.yield %scan3A_49 : i32
    }
    %scan3A_9 = arith.constant 640 : i32
    %mul3A_10 = arith.constant 5120 : i32
    %mul3A_11 = arith.muli %add3A, %mul3A_10 : i32
    "tpu.region"() ({
      %run_scoped3A_40 = tpu.sem_alloc : memref<!tpu.dma_semaphore, #tpu.memory_space<semaphore_mem>>
      %dma_start3A = tpu.memref_slice %arg2[%mul3A_11] : memref<163840xi32, #tpu.memory_space<hbm>> -> memref<5120xi32, #tpu.memory_space<hbm>>
      %dma_start3A_41 = tpu.memref_slice %arg2[%mul3A_11] : memref<163840xi32, #tpu.memory_space<hbm>> -> memref<5120xi32, #tpu.memory_space<hbm>>
      tpu.enqueue_dma source(%dma_start3A_41 : memref<5120xi32, #tpu.memory_space<hbm>>) target(%arg7 : memref<5120xi32, #tpu.memory_space<vmem>>) target_semaphore(%run_scoped3A_40 : memref<!tpu.dma_semaphore, #tpu.memory_space<semaphore_mem>>)
      %dma_wait3A = tpu.memref_slice %arg2[%mul3A_11] : memref<163840xi32, #tpu.memory_space<hbm>> -> memref<5120xi32, #tpu.memory_space<hbm>>
      %dma_wait3A_42 = tpu.memref_slice %arg2[%mul3A_11] : memref<163840xi32, #tpu.memory_space<hbm>> -> memref<5120xi32, #tpu.memory_space<hbm>>
      tpu.wait_dma2 semaphore(%run_scoped3A_40 : memref<!tpu.dma_semaphore, #tpu.memory_space<semaphore_mem>>) src(%dma_wait3A_42 : memref<5120xi32, #tpu.memory_space<hbm>>) dst(%arg7 : memref<5120xi32, #tpu.memory_space<vmem>>)
      tpu.yield
    }) : () -> ()
    %mul3A_12 = arith.constant 5120 : i32
    %mul3A_13 = arith.muli %add3A, %mul3A_12 : i32
    "tpu.region"() ({
      %run_scoped3A_40 = tpu.sem_alloc : memref<!tpu.dma_semaphore, #tpu.memory_space<semaphore_mem>>
      %dma_start3A = tpu.memref_slice %arg3[%mul3A_13] : memref<163840xi32, #tpu.memory_space<hbm>> -> memref<5120xi32, #tpu.memory_space<hbm>>
      %dma_start3A_41 = tpu.memref_slice %arg3[%mul3A_13] : memref<163840xi32, #tpu.memory_space<hbm>> -> memref<5120xi32, #tpu.memory_space<hbm>>
      tpu.enqueue_dma source(%dma_start3A_41 : memref<5120xi32, #tpu.memory_space<hbm>>) target(%arg8 : memref<5120xi32, #tpu.memory_space<vmem>>) target_semaphore(%run_scoped3A_40 : memref<!tpu.dma_semaphore, #tpu.memory_space<semaphore_mem>>)
      %dma_wait3A = tpu.memref_slice %arg3[%mul3A_13] : memref<163840xi32, #tpu.memory_space<hbm>> -> memref<5120xi32, #tpu.memory_space<hbm>>
      %dma_wait3A_42 = tpu.memref_slice %arg3[%mul3A_13] : memref<163840xi32, #tpu.memory_space<hbm>> -> memref<5120xi32, #tpu.memory_space<hbm>>
      tpu.wait_dma2 semaphore(%run_scoped3A_40 : memref<!tpu.dma_semaphore, #tpu.memory_space<semaphore_mem>>) src(%dma_wait3A_42 : memref<5120xi32, #tpu.memory_space<hbm>>) dst(%arg8 : memref<5120xi32, #tpu.memory_space<vmem>>)
      tpu.yield
    }) : () -> ()
    %scan3A_14 = arith.constant 0 : i32
    %scan3A_15 = arith.constant 0 : i32
    %scan3A_16 = arith.constant 320 : i32
    %scan3A_17 = arith.addi %scan3A_15, %scan3A_16 : i32
    %scan3A_18 = arith.constant 1 : i32
    %scan3A_19 = scf.for %scan3A_40 = %scan3A_15 to %scan3A_17 step %scan3A_18 iter_args(%scan3A_41 = %scan3A_14) -> (i32)  : i32 {
      %mul3A_42 = arith.constant 16 : i32
      %mul3A_43 = arith.muli %scan3A_40, %mul3A_42 : i32
      %get3A = arith.index_cast %mul3A_43 : i32 to index
      %get3A_44 = tpu.vector_load %arg7[%get3A] {strides = array<i32>} : memref<5120xi32, #tpu.memory_space<vmem>>, vector<16xi32>,
      tpu.vector_store_idx %arg5[%get3A_44], %broadcast_in_dim3A_3 {add = true} : memref<10240xf32, #tpu.memory_space<vmem>>[vector<16xi32>], vector<16xf32>,
      %mul3A_45 = arith.constant 16 : i32
      %mul3A_46 = arith.muli %scan3A_40, %mul3A_45 : i32
      %get3A_47 = arith.index_cast %mul3A_46 : i32 to index
      %get3A_48 = tpu.vector_load %arg8[%get3A_47] {strides = array<i32>} : memref<5120xi32, #tpu.memory_space<vmem>>, vector<16xi32>,
      tpu.vector_store_idx %arg6[%get3A_48], %broadcast_in_dim3A_3 {add = true} : memref<10240xf32, #tpu.memory_space<vmem>>[vector<16xi32>], vector<16xf32>,
      %scan3A_49 = arith.constant 0 : i32
      scf.yield %scan3A_49 : i32
    }
    %scan3A_20 = arith.constant 320 : i32
    %run_scoped3A = arith.constant 0 : i32
    "tpu.region"() ({
      %run_scoped3A_40 = tpu.sem_alloc : memref<!tpu.dma_semaphore, #tpu.memory_space<semaphore_mem>>
      %dma_start3A = arith.constant 0 : i32
      %dma_start3A_41 = tpu.memref_slice %arg12[%arg1, %run_scoped3A, %dma_start3A] : memref<16x2x10240xf32, #tpu.memory_space<vmem_shared>> -> memref<1x1x10240xf32, #tpu.memory_space<vmem_shared>>
      %dma_start3A_42 = tpu.memref_squeeze %dma_start3A_41 : memref<1x1x10240xf32, #tpu.memory_space<vmem_shared>> -> memref<10240xf32, #tpu.memory_space<vmem_shared>>
      %dma_start3A_43 = arith.constant 0 : i32
      %dma_start3A_44 = tpu.memref_slice %arg12[%arg1, %run_scoped3A, %dma_start3A_43] : memref<16x2x10240xf32, #tpu.memory_space<vmem_shared>> -> memref<1x1x10240xf32, #tpu.memory_space<vmem_shared>>
      %dma_start3A_45 = tpu.memref_squeeze %dma_start3A_44 : memref<1x1x10240xf32, #tpu.memory_space<vmem_shared>> -> memref<10240xf32, #tpu.memory_space<vmem_shared>>
      tpu.enqueue_dma source(%arg5 : memref<10240xf32, #tpu.memory_space<vmem>>) target(%dma_start3A_45 : memref<10240xf32, #tpu.memory_space<vmem_shared>>) target_semaphore(%run_scoped3A_40 : memref<!tpu.dma_semaphore, #tpu.memory_space<semaphore_mem>>)
      %dma_wait3A = arith.constant 0 : i32
      %dma_wait3A_46 = tpu.memref_slice %arg12[%arg1, %run_scoped3A, %dma_wait3A] : memref<16x2x10240xf32, #tpu.memory_space<vmem_shared>> -> memref<1x1x10240xf32, #tpu.memory_space<vmem_shared>>
      %dma_wait3A_47 = tpu.memref_squeeze %dma_wait3A_46 : memref<1x1x10240xf32, #tpu.memory_space<vmem_shared>> -> memref<10240xf32, #tpu.memory_space<vmem_shared>>
      %dma_wait3A_48 = arith.constant 0 : i32
      %dma_wait3A_49 = tpu.memref_slice %arg12[%arg1, %run_scoped3A, %dma_wait3A_48] : memref<16x2x10240xf32, #tpu.memory_space<vmem_shared>> -> memref<1x1x10240xf32, #tpu.memory_space<vmem_shared>>
      %dma_wait3A_50 = tpu.memref_squeeze %dma_wait3A_49 : memref<1x1x10240xf32, #tpu.memory_space<vmem_shared>> -> memref<10240xf32, #tpu.memory_space<vmem_shared>>
      tpu.wait_dma2 semaphore(%run_scoped3A_40 : memref<!tpu.dma_semaphore, #tpu.memory_space<semaphore_mem>>) src(%arg5 : memref<10240xf32, #tpu.memory_space<vmem>>) dst(%dma_wait3A_50 : memref<10240xf32, #tpu.memory_space<vmem_shared>>)
      tpu.yield
    }) : () -> ()
    %run_scoped3A_21 = arith.constant 1 : i32
    "tpu.region"() ({
      %run_scoped3A_40 = tpu.sem_alloc : memref<!tpu.dma_semaphore, #tpu.memory_space<semaphore_mem>>
      %dma_start3A = arith.constant 0 : i32
      %dma_start3A_41 = tpu.memref_slice %arg12[%arg1, %run_scoped3A_21, %dma_start3A] : memref<16x2x10240xf32, #tpu.memory_space<vmem_shared>> -> memref<1x1x10240xf32, #tpu.memory_space<vmem_shared>>
      %dma_start3A_42 = tpu.memref_squeeze %dma_start3A_41 : memref<1x1x10240xf32, #tpu.memory_space<vmem_shared>> -> memref<10240xf32, #tpu.memory_space<vmem_shared>>
      %dma_start3A_43 = arith.constant 0 : i32
      %dma_start3A_44 = tpu.memref_slice %arg12[%arg1, %run_scoped3A_21, %dma_start3A_43] : memref<16x2x10240xf32, #tpu.memory_space<vmem_shared>> -> memref<1x1x10240xf32, #tpu.memory_space<vmem_shared>>
      %dma_start3A_45 = tpu.memref_squeeze %dma_start3A_44 : memref<1x1x10240xf32, #tpu.memory_space<vmem_shared>> -> memref<10240xf32, #tpu.memory_space<vmem_shared>>
      tpu.enqueue_dma source(%arg6 : memref<10240xf32, #tpu.memory_space<vmem>>) target(%dma_start3A_45 : memref<10240xf32, #tpu.memory_space<vmem_shared>>) target_semaphore(%run_scoped3A_40 : memref<!tpu.dma_semaphore, #tpu.memory_space<semaphore_mem>>)
      %dma_wait3A = arith.constant 0 : i32
      %dma_wait3A_46 = tpu.memref_slice %arg12[%arg1, %run_scoped3A_21, %dma_wait3A] : memref<16x2x10240xf32, #tpu.memory_space<vmem_shared>> -> memref<1x1x10240xf32, #tpu.memory_space<vmem_shared>>
      %dma_wait3A_47 = tpu.memref_squeeze %dma_wait3A_46 : memref<1x1x10240xf32, #tpu.memory_space<vmem_shared>> -> memref<10240xf32, #tpu.memory_space<vmem_shared>>
      %dma_wait3A_48 = arith.constant 0 : i32
      %dma_wait3A_49 = tpu.memref_slice %arg12[%arg1, %run_scoped3A_21, %dma_wait3A_48] : memref<16x2x10240xf32, #tpu.memory_space<vmem_shared>> -> memref<1x1x10240xf32, #tpu.memory_space<vmem_shared>>
      %dma_wait3A_50 = tpu.memref_squeeze %dma_wait3A_49 : memref<1x1x10240xf32, #tpu.memory_space<vmem_shared>> -> memref<10240xf32, #tpu.memory_space<vmem_shared>>
      tpu.wait_dma2 semaphore(%run_scoped3A_40 : memref<!tpu.dma_semaphore, #tpu.memory_space<semaphore_mem>>) src(%arg6 : memref<10240xf32, #tpu.memory_space<vmem>>) dst(%dma_wait3A_50 : memref<10240xf32, #tpu.memory_space<vmem_shared>>)
      tpu.yield
    }) : () -> ()
    %barrier3A = arith.constant 0 : index
    tpu.barrier barrier_id(%barrier3A)
    %mul3A_22 = arith.constant 640 : i32
    %mul3A_23 = arith.muli %arg1, %mul3A_22 : i32
    %scan3A_24 = arith.constant 0 : i32
    %scan3A_25 = arith.constant 0 : i32
    %scan3A_26 = arith.constant 40 : i32
    %scan3A_27 = arith.addi %scan3A_25, %scan3A_26 : i32
    %scan3A_28 = arith.constant 1 : i32
    %scan3A_29 = scf.for %scan3A_40 = %scan3A_25 to %scan3A_27 step %scan3A_28 iter_args(%scan3A_41 = %scan3A_24) -> (i32)  : i32 {
      %mul3A_42 = arith.constant 16 : i32
      %mul3A_43 = arith.muli %scan3A_40, %mul3A_42 : i32
      %swap3A = arith.index_cast %mul3A_43 : i32 to index
      %swap3A_44 = tpu.vector_load %arg10[%swap3A] {strides = array<i32>} : memref<640xf32, #tpu.memory_space<vmem>>, vector<16xf32>,
      tpu.vector_store %arg10[%swap3A], %broadcast_in_dim3A_1 {strides = array<i32>} : memref<640xf32, #tpu.memory_space<vmem>>, vector<16xf32>,
      %mul3A_45 = arith.constant 16 : i32
      %mul3A_46 = arith.muli %scan3A_40, %mul3A_45 : i32
      %swap3A_47 = arith.index_cast %mul3A_46 : i32 to index
      %swap3A_48 = tpu.vector_load %arg11[%swap3A_47] {strides = array<i32>} : memref<640xf32, #tpu.memory_space<vmem>>, vector<16xf32>,
      tpu.vector_store %arg11[%swap3A_47], %broadcast_in_dim3A_1 {strides = array<i32>} : memref<640xf32, #tpu.memory_space<vmem>>, vector<16xf32>,
      %scan3A_49 = arith.constant 0 : i32
      scf.yield %scan3A_49 : i32
    }
    %scan3A_30 = arith.constant 40 : i32
    %scan3A_31 = arith.constant 0 : i32
    %scan3A_32 = arith.constant 0 : i32
    %scan3A_33 = arith.constant 16 : i32
    %scan3A_34 = arith.addi %scan3A_32, %scan3A_33 : i32
    %scan3A_35 = arith.constant 1 : i32
    %scan3A_36 = scf.for %scan3A_40 = %scan3A_32 to %scan3A_34 step %scan3A_35 iter_args(%scan3A_41 = %scan3A_31) -> (i32)  : i32 {
      %run_scoped3A_42 = arith.constant 0 : i32
      "tpu.region"() ({
        %run_scoped3A_59 = tpu.sem_alloc : memref<!tpu.dma_semaphore, #tpu.memory_space<semaphore_mem>>
        %dma_start3A = tpu.memref_slice %arg12[%scan3A_40, %run_scoped3A_42, %mul3A_23] : memref<16x2x10240xf32, #tpu.memory_space<vmem_shared>> -> memref<1x1x640xf32, #tpu.memory_space<vmem_shared>>
        %dma_start3A_60 = tpu.memref_squeeze %dma_start3A : memref<1x1x640xf32, #tpu.memory_space<vmem_shared>> -> memref<640xf32, #tpu.memory_space<vmem_shared>>
        %dma_start3A_61 = tpu.memref_slice %arg12[%scan3A_40, %run_scoped3A_42, %mul3A_23] : memref<16x2x10240xf32, #tpu.memory_space<vmem_shared>> -> memref<1x1x640xf32, #tpu.memory_space<vmem_shared>>
        %dma_start3A_62 = tpu.memref_squeeze %dma_start3A_61 : memref<1x1x640xf32, #tpu.memory_space<vmem_shared>> -> memref<640xf32, #tpu.memory_space<vmem_shared>>
        tpu.enqueue_dma source(%dma_start3A_62 : memref<640xf32, #tpu.memory_space<vmem_shared>>) target(%arg9 : memref<640xf32, #tpu.memory_space<vmem>>) target_semaphore(%run_scoped3A_59 : memref<!tpu.dma_semaphore, #tpu.memory_space<semaphore_mem>>)
        %dma_wait3A = tpu.memref_slice %arg12[%scan3A_40, %run_scoped3A_42, %mul3A_23] : memref<16x2x10240xf32, #tpu.memory_space<vmem_shared>> -> memref<1x1x640xf32, #tpu.memory_space<vmem_shared>>
        %dma_wait3A_63 = tpu.memref_squeeze %dma_wait3A : memref<1x1x640xf32, #tpu.memory_space<vmem_shared>> -> memref<640xf32, #tpu.memory_space<vmem_shared>>
        %dma_wait3A_64 = tpu.memref_slice %arg12[%scan3A_40, %run_scoped3A_42, %mul3A_23] : memref<16x2x10240xf32, #tpu.memory_space<vmem_shared>> -> memref<1x1x640xf32, #tpu.memory_space<vmem_shared>>
        %dma_wait3A_65 = tpu.memref_squeeze %dma_wait3A_64 : memref<1x1x640xf32, #tpu.memory_space<vmem_shared>> -> memref<640xf32, #tpu.memory_space<vmem_shared>>
        tpu.wait_dma2 semaphore(%run_scoped3A_59 : memref<!tpu.dma_semaphore, #tpu.memory_space<semaphore_mem>>) src(%dma_wait3A_65 : memref<640xf32, #tpu.memory_space<vmem_shared>>) dst(%arg9 : memref<640xf32, #tpu.memory_space<vmem>>)
        tpu.yield
      }) : () -> ()
      %scan3A_43 = arith.constant 0 : i32
      %scan3A_44 = arith.constant 0 : i32
      %scan3A_45 = arith.constant 40 : i32
      %scan3A_46 = arith.addi %scan3A_44, %scan3A_45 : i32
      %scan3A_47 = arith.constant 1 : i32
      %scan3A_48 = scf.for %scan3A_59 = %scan3A_44 to %scan3A_46 step %scan3A_47 iter_args(%scan3A_60 = %scan3A_43) -> (i32)  : i32 {
        %mul3A_61 = arith.constant 16 : i32
        %mul3A_62 = arith.muli %scan3A_59, %mul3A_61 : i32
        %get3A = arith.index_cast %mul3A_62 : i32 to index
        %get3A_63 = tpu.vector_load %arg10[%get3A] {strides = array<i32>} : memref<640xf32, #tpu.memory_space<vmem>>, vector<16xf32>,
        %mul3A_64 = arith.constant 16 : i32
        %mul3A_65 = arith.muli %scan3A_59, %mul3A_64 : i32
        %get3A_66 = arith.index_cast %mul3A_65 : i32 to index
        %get3A_67 = tpu.vector_load %arg9[%get3A_66] {strides = array<i32>} : memref<640xf32, #tpu.memory_space<vmem>>, vector<16xf32>,
        %add3A_68 = arith.addf %get3A_63, %get3A_67 : vector<16xf32>
        %mul3A_69 = arith.constant 16 : i32
        %mul3A_70 = arith.muli %scan3A_59, %mul3A_69 : i32
        %swap3A = arith.index_cast %mul3A_70 : i32 to index
        %swap3A_71 = tpu.vector_load %arg10[%swap3A] {strides = array<i32>} : memref<640xf32, #tpu.memory_space<vmem>>, vector<16xf32>,
        tpu.vector_store %arg10[%swap3A], %add3A_68 {strides = array<i32>} : memref<640xf32, #tpu.memory_space<vmem>>, vector<16xf32>,
        %scan3A_72 = arith.constant 0 : i32
        scf.yield %scan3A_72 : i32
      }
      %scan3A_49 = arith.constant 40 : i32
      %run_scoped3A_50 = arith.constant 1 : i32
      "tpu.region"() ({
        %run_scoped3A_59 = tpu.sem_alloc : memref<!tpu.dma_semaphore, #tpu.memory_space<semaphore_mem>>
        %dma_start3A = tpu.memref_slice %arg12[%scan3A_40, %run_scoped3A_50, %mul3A_23] : memref<16x2x10240xf32, #tpu.memory_space<vmem_shared>> -> memref<1x1x640xf32, #tpu.memory_space<vmem_shared>>
        %dma_start3A_60 = tpu.memref_squeeze %dma_start3A : memref<1x1x640xf32, #tpu.memory_space<vmem_shared>> -> memref<640xf32, #tpu.memory_space<vmem_shared>>
        %dma_start3A_61 = tpu.memref_slice %arg12[%scan3A_40, %run_scoped3A_50, %mul3A_23] : memref<16x2x10240xf32, #tpu.memory_space<vmem_shared>> -> memref<1x1x640xf32, #tpu.memory_space<vmem_shared>>
        %dma_start3A_62 = tpu.memref_squeeze %dma_start3A_61 : memref<1x1x640xf32, #tpu.memory_space<vmem_shared>> -> memref<640xf32, #tpu.memory_space<vmem_shared>>
        tpu.enqueue_dma source(%dma_start3A_62 : memref<640xf32, #tpu.memory_space<vmem_shared>>) target(%arg9 : memref<640xf32, #tpu.memory_space<vmem>>) target_semaphore(%run_scoped3A_59 : memref<!tpu.dma_semaphore, #tpu.memory_space<semaphore_mem>>)
        %dma_wait3A = tpu.memref_slice %arg12[%scan3A_40, %run_scoped3A_50, %mul3A_23] : memref<16x2x10240xf32, #tpu.memory_space<vmem_shared>> -> memref<1x1x640xf32, #tpu.memory_space<vmem_shared>>
        %dma_wait3A_63 = tpu.memref_squeeze %dma_wait3A : memref<1x1x640xf32, #tpu.memory_space<vmem_shared>> -> memref<640xf32, #tpu.memory_space<vmem_shared>>
        %dma_wait3A_64 = tpu.memref_slice %arg12[%scan3A_40, %run_scoped3A_50, %mul3A_23] : memref<16x2x10240xf32, #tpu.memory_space<vmem_shared>> -> memref<1x1x640xf32, #tpu.memory_space<vmem_shared>>
        %dma_wait3A_65 = tpu.memref_squeeze %dma_wait3A_64 : memref<1x1x640xf32, #tpu.memory_space<vmem_shared>> -> memref<640xf32, #tpu.memory_space<vmem_shared>>
        tpu.wait_dma2 semaphore(%run_scoped3A_59 : memref<!tpu.dma_semaphore, #tpu.memory_space<semaphore_mem>>) src(%dma_wait3A_65 : memref<640xf32, #tpu.memory_space<vmem_shared>>) dst(%arg9 : memref<640xf32, #tpu.memory_space<vmem>>)
        tpu.yield
      }) : () -> ()
      %scan3A_51 = arith.constant 0 : i32
      %scan3A_52 = arith.constant 0 : i32
      %scan3A_53 = arith.constant 40 : i32
      %scan3A_54 = arith.addi %scan3A_52, %scan3A_53 : i32
      %scan3A_55 = arith.constant 1 : i32
      %scan3A_56 = scf.for %scan3A_59 = %scan3A_52 to %scan3A_54 step %scan3A_55 iter_args(%scan3A_60 = %scan3A_51) -> (i32)  : i32 {
        %mul3A_61 = arith.constant 16 : i32
        %mul3A_62 = arith.muli %scan3A_59, %mul3A_61 : i32
        %get3A = arith.index_cast %mul3A_62 : i32 to index
        %get3A_63 = tpu.vector_load %arg11[%get3A] {strides = array<i32>} : memref<640xf32, #tpu.memory_space<vmem>>, vector<16xf32>,
        %mul3A_64 = arith.constant 16 : i32
        %mul3A_65 = arith.muli %scan3A_59, %mul3A_64 : i32
        %get3A_66 = arith.index_cast %mul3A_65 : i32 to index
        %get3A_67 = tpu.vector_load %arg9[%get3A_66] {strides = array<i32>} : memref<640xf32, #tpu.memory_space<vmem>>, vector<16xf32>,
        %add3A_68 = arith.addf %get3A_63, %get3A_67 : vector<16xf32>
        %mul3A_69 = arith.constant 16 : i32
        %mul3A_70 = arith.muli %scan3A_59, %mul3A_69 : i32
        %swap3A = arith.index_cast %mul3A_70 : i32 to index
        %swap3A_71 = tpu.vector_load %arg11[%swap3A] {strides = array<i32>} : memref<640xf32, #tpu.memory_space<vmem>>, vector<16xf32>,
        tpu.vector_store %arg11[%swap3A], %add3A_68 {strides = array<i32>} : memref<640xf32, #tpu.memory_space<vmem>>, vector<16xf32>,
        %scan3A_72 = arith.constant 0 : i32
        scf.yield %scan3A_72 : i32
      }
      %scan3A_57 = arith.constant 40 : i32
      %scan3A_58 = arith.constant 0 : i32
      scf.yield %scan3A_58 : i32
    }
    %scan3A_37 = arith.constant 16 : i32
    %run_scoped3A_38 = arith.constant 0 : i32
    "tpu.region"() ({
      %run_scoped3A_40 = tpu.sem_alloc : memref<!tpu.dma_semaphore, #tpu.memory_space<semaphore_mem>>
      %dma_start3A = tpu.memref_slice %arg4[%arg0, %run_scoped3A_38, %mul3A_23] : memref<2x2x10240xf32, #tpu.memory_space<hbm>> -> memref<1x1x640xf32, #tpu.memory_space<hbm>>
      %dma_start3A_41 = tpu.memref_squeeze %dma_start3A : memref<1x1x640xf32, #tpu.memory_space<hbm>> -> memref<640xf32, #tpu.memory_space<hbm>>
      %dma_start3A_42 = tpu.memref_slice %arg4[%arg0, %run_scoped3A_38, %mul3A_23] : memref<2x2x10240xf32, #tpu.memory_space<hbm>> -> memref<1x1x640xf32, #tpu.memory_space<hbm>>
      %dma_start3A_43 = tpu.memref_squeeze %dma_start3A_42 : memref<1x1x640xf32, #tpu.memory_space<hbm>> -> memref<640xf32, #tpu.memory_space<hbm>>
      tpu.enqueue_dma source(%arg10 : memref<640xf32, #tpu.memory_space<vmem>>) target(%dma_start3A_43 : memref<640xf32, #tpu.memory_space<hbm>>) target_semaphore(%run_scoped3A_40 : memref<!tpu.dma_semaphore, #tpu.memory_space<semaphore_mem>>)
      %dma_wait3A = tpu.memref_slice %arg4[%arg0, %run_scoped3A_38, %mul3A_23] : memref<2x2x10240xf32, #tpu.memory_space<hbm>> -> memref<1x1x640xf32, #tpu.memory_space<hbm>>
      %dma_wait3A_44 = tpu.memref_squeeze %dma_wait3A : memref<1x1x640xf32, #tpu.memory_space<hbm>> -> memref<640xf32, #tpu.memory_space<hbm>>
      %dma_wait3A_45 = tpu.memref_slice %arg4[%arg0, %run_scoped3A_38, %mul3A_23] : memref<2x2x10240xf32, #tpu.memory_space<hbm>> -> memref<1x1x640xf32, #tpu.memory_space<hbm>>
      %dma_wait3A_46 = tpu.memref_squeeze %dma_wait3A_45 : memref<1x1x640xf32, #tpu.memory_space<hbm>> -> memref<640xf32, #tpu.memory_space<hbm>>
      tpu.wait_dma2 semaphore(%run_scoped3A_40 : memref<!tpu.dma_semaphore, #tpu.memory_space<semaphore_mem>>) src(%arg10 : memref<640xf32, #tpu.memory_space<vmem>>) dst(%dma_wait3A_46 : memref<640xf32, #tpu.memory_space<hbm>>)
      tpu.yield
    }) : () -> ()
    %run_scoped3A_39 = arith.constant 1 : i32
    "tpu.region"() ({
      %run_scoped3A_40 = tpu.sem_alloc : memref<!tpu.dma_semaphore, #tpu.memory_space<semaphore_mem>>
      %dma_start3A = tpu.memref_slice %arg4[%arg0, %run_scoped3A_39, %mul3A_23] : memref<2x2x10240xf32, #tpu.memory_space<hbm>> -> memref<1x1x640xf32, #tpu.memory_space<hbm>>
      %dma_start3A_41 = tpu.memref_squeeze %dma_start3A : memref<1x1x640xf32, #tpu.memory_space<hbm>> -> memref<640xf32, #tpu.memory_space<hbm>>
      %dma_start3A_42 = tpu.memref_slice %arg4[%arg0, %run_scoped3A_39, %mul3A_23] : memref<2x2x10240xf32, #tpu.memory_space<hbm>> -> memref<1x1x640xf32, #tpu.memory_space<hbm>>
      %dma_start3A_43 = tpu.memref_squeeze %dma_start3A_42 : memref<1x1x640xf32, #tpu.memory_space<hbm>> -> memref<640xf32, #tpu.memory_space<hbm>>
      tpu.enqueue_dma source(%arg11 : memref<640xf32, #tpu.memory_space<vmem>>) target(%dma_start3A_43 : memref<640xf32, #tpu.memory_space<hbm>>) target_semaphore(%run_scoped3A_40 : memref<!tpu.dma_semaphore, #tpu.memory_space<semaphore_mem>>)
      %dma_wait3A = tpu.memref_slice %arg4[%arg0, %run_scoped3A_39, %mul3A_23] : memref<2x2x10240xf32, #tpu.memory_space<hbm>> -> memref<1x1x640xf32, #tpu.memory_space<hbm>>
      %dma_wait3A_44 = tpu.memref_squeeze %dma_wait3A : memref<1x1x640xf32, #tpu.memory_space<hbm>> -> memref<640xf32, #tpu.memory_space<hbm>>
      %dma_wait3A_45 = tpu.memref_slice %arg4[%arg0, %run_scoped3A_39, %mul3A_23] : memref<2x2x10240xf32, #tpu.memory_space<hbm>> -> memref<1x1x640xf32, #tpu.memory_space<hbm>>
      %dma_wait3A_46 = tpu.memref_squeeze %dma_wait3A_45 : memref<1x1x640xf32, #tpu.memory_space<hbm>> -> memref<640xf32, #tpu.memory_space<hbm>>
      tpu.wait_dma2 semaphore(%run_scoped3A_40 : memref<!tpu.dma_semaphore, #tpu.memory_space<semaphore_mem>>) src(%arg11 : memref<640xf32, #tpu.memory_space<vmem>>) dst(%dma_wait3A_46 : memref<640xf32, #tpu.memory_space<hbm>>)
      tpu.yield
    }) : () -> ()
    return
  }
}

#map = affine_map<(d0, d1) -> (0, 0)>
#map1 = affine_map<(d0, d1) -> (0, 0, 0)>
module attributes {stable_mosaic.version = 14 : i64} {
  func.func @_agg2(%arg0: i32, %arg1: i32, %arg2: memref<10240x16xf32, #tpu.memory_space<hbm>>, %arg3: memref<1280x128xi32, #tpu.memory_space<hbm>>, %arg4: memref<1280x128xi32, #tpu.memory_space<hbm>>, %arg5: memref<2x10240x16xf32, #tpu.memory_space<hbm>>, %arg6: memref<40x128xi32, #tpu.memory_space<vmem>>, %arg7: memref<40x128xi32, #tpu.memory_space<vmem>>, %arg8: memref<4x128x16xf32, #tpu.memory_space<vmem>>, %arg9: memref<10240x16xf32, #tpu.memory_space<vmem_shared>>, %arg10: memref<!tpu.dma_semaphore, #tpu.memory_space<semaphore_mem>>, %arg11: memref<!tpu.dma_semaphore, #tpu.memory_space<semaphore_mem>>, %arg12: memref<!tpu.dma_semaphore, #tpu.memory_space<semaphore_mem>>, %arg13: memref<!tpu.dma_semaphore, #tpu.memory_space<semaphore_mem>>) attributes {dimension_semantics = [#tpu.dimension_semantics<core_parallel>, #tpu.dimension_semantics<subcore_parallel>], iteration_bounds = array<i64: 2, 16>, scalar_prefetch = 0 : i64, scratch_operands = 8 : i64, tpu.core_type = #tpu.core_type<sc_vector_subcore>, window_params = [{transform_indices = #map}, {transform_indices = #map}, {transform_indices = #map}, {transform_indices = #map1}]} {
    %mul3A = arith.constant 16 : i32
    %mul3A_0 = arith.muli %arg0, %mul3A : i32
    %add3A = arith.addi %mul3A_0, %arg1 : i32
    %mul3A_1 = arith.constant 40 : i32
    %mul3A_2 = arith.muli %add3A, %mul3A_1 : i32
    "tpu.region"() ({
      %run_scoped3A = tpu.sem_alloc : memref<!tpu.dma_semaphore, #tpu.memory_space<semaphore_mem>>
      %dma_start3A_81 = arith.constant 0 : i32
      %dma_start3A_82 = tpu.memref_slice %arg3[%mul3A_2, %dma_start3A_81] : memref<1280x128xi32, #tpu.memory_space<hbm>> -> memref<40x128xi32, #tpu.memory_space<hbm>>
      %dma_start3A_83 = arith.constant 0 : i32
      %dma_start3A_84 = tpu.memref_slice %arg3[%mul3A_2, %dma_start3A_83] : memref<1280x128xi32, #tpu.memory_space<hbm>> -> memref<40x128xi32, #tpu.memory_space<hbm>>
      tpu.enqueue_dma source(%dma_start3A_84 : memref<40x128xi32, #tpu.memory_space<hbm>>) target(%arg6 : memref<40x128xi32, #tpu.memory_space<vmem>>) target_semaphore(%run_scoped3A : memref<!tpu.dma_semaphore, #tpu.memory_space<semaphore_mem>>)
      %dma_wait3A = arith.constant 0 : i32
      %dma_wait3A_85 = tpu.memref_slice %arg3[%mul3A_2, %dma_wait3A] : memref<1280x128xi32, #tpu.memory_space<hbm>> -> memref<40x128xi32, #tpu.memory_space<hbm>>
      %dma_wait3A_86 = arith.constant 0 : i32
      %dma_wait3A_87 = tpu.memref_slice %arg3[%mul3A_2, %dma_wait3A_86] : memref<1280x128xi32, #tpu.memory_space<hbm>> -> memref<40x128xi32, #tpu.memory_space<hbm>>
      tpu.wait_dma2 semaphore(%run_scoped3A : memref<!tpu.dma_semaphore, #tpu.memory_space<semaphore_mem>>) src(%dma_wait3A_87 : memref<40x128xi32, #tpu.memory_space<hbm>>) dst(%arg6 : memref<40x128xi32, #tpu.memory_space<vmem>>)
      tpu.yield
    }) : () -> ()
    %mul3A_3 = arith.constant 40 : i32
    %mul3A_4 = arith.muli %add3A, %mul3A_3 : i32
    "tpu.region"() ({
      %run_scoped3A = tpu.sem_alloc : memref<!tpu.dma_semaphore, #tpu.memory_space<semaphore_mem>>
      %dma_start3A_81 = arith.constant 0 : i32
      %dma_start3A_82 = tpu.memref_slice %arg4[%mul3A_4, %dma_start3A_81] : memref<1280x128xi32, #tpu.memory_space<hbm>> -> memref<40x128xi32, #tpu.memory_space<hbm>>
      %dma_start3A_83 = arith.constant 0 : i32
      %dma_start3A_84 = tpu.memref_slice %arg4[%mul3A_4, %dma_start3A_83] : memref<1280x128xi32, #tpu.memory_space<hbm>> -> memref<40x128xi32, #tpu.memory_space<hbm>>
      tpu.enqueue_dma source(%dma_start3A_84 : memref<40x128xi32, #tpu.memory_space<hbm>>) target(%arg7 : memref<40x128xi32, #tpu.memory_space<vmem>>) target_semaphore(%run_scoped3A : memref<!tpu.dma_semaphore, #tpu.memory_space<semaphore_mem>>)
      %dma_wait3A = arith.constant 0 : i32
      %dma_wait3A_85 = tpu.memref_slice %arg4[%mul3A_4, %dma_wait3A] : memref<1280x128xi32, #tpu.memory_space<hbm>> -> memref<40x128xi32, #tpu.memory_space<hbm>>
      %dma_wait3A_86 = arith.constant 0 : i32
      %dma_wait3A_87 = tpu.memref_slice %arg4[%mul3A_4, %dma_wait3A_86] : memref<1280x128xi32, #tpu.memory_space<hbm>> -> memref<40x128xi32, #tpu.memory_space<hbm>>
      tpu.wait_dma2 semaphore(%run_scoped3A : memref<!tpu.dma_semaphore, #tpu.memory_space<semaphore_mem>>) src(%dma_wait3A_87 : memref<40x128xi32, #tpu.memory_space<hbm>>) dst(%arg7 : memref<40x128xi32, #tpu.memory_space<vmem>>)
      tpu.yield
    }) : () -> ()
    %broadcast_in_dim3A = arith.constant 0.000000e+00 : f32
    %broadcast_in_dim3A_5 = vector.broadcast %broadcast_in_dim3A : f32 to vector<16xf32>
    %scan3A = arith.constant 0 : i32
    %scan3A_6 = arith.constant 0 : i32
    %scan3A_7 = arith.constant 128 : i32
    %scan3A_8 = arith.addi %scan3A_6, %scan3A_7 : i32
    %scan3A_9 = arith.constant 1 : i32
    %scan3A_10 = scf.for %scan3A_81 = %scan3A_6 to %scan3A_8 step %scan3A_9 iter_args(%scan3A_82 = %scan3A) -> (i32)  : i32 {
      %swap3A = arith.constant 0 : i32
      %swap3A_83 = arith.index_cast %swap3A : i32 to index
      %swap3A_84 = arith.index_cast %scan3A_81 : i32 to index
      %swap3A_85 = arith.constant 0 : index
      %swap3A_86 = tpu.vector_load %arg8[%swap3A_83, %swap3A_84, %swap3A_85] {strides = array<i32>} : memref<4x128x16xf32, #tpu.memory_space<vmem>>, vector<16xf32>,
      tpu.vector_store %arg8[%swap3A_83, %swap3A_84, %swap3A_85], %broadcast_in_dim3A_5 {strides = array<i32>} : memref<4x128x16xf32, #tpu.memory_space<vmem>>, vector<16xf32>,
      %scan3A_87 = arith.constant 0 : i32
      scf.yield %scan3A_87 : i32
    }
    %scan3A_11 = arith.constant 128 : i32
    %scan3A_12 = arith.constant 0 : i32
    %scan3A_13 = arith.constant 0 : i32
    %scan3A_14 = arith.constant 5 : i32
    %scan3A_15 = arith.addi %scan3A_13, %scan3A_14 : i32
    %scan3A_16 = arith.constant 1 : i32
    %scan3A_17 = scf.for %scan3A_81 = %scan3A_13 to %scan3A_15 step %scan3A_16 iter_args(%scan3A_82 = %scan3A_12) -> (i32)  : i32 {
      %mul3A_83 = arith.constant 640 : i32
      %mul3A_84 = arith.muli %arg1, %mul3A_83 : i32
      %mul3A_85 = arith.constant 128 : i32
      %mul3A_86 = arith.muli %scan3A_81, %mul3A_85 : i32
      %add3A_87 = arith.addi %mul3A_84, %mul3A_86 : i32
      %run_scoped3A = arith.constant 0 : i32
      "tpu.region"() ({
        %run_scoped3A_89 = tpu.sem_alloc : memref<!tpu.dma_semaphore, #tpu.memory_space<semaphore_mem>>
        %dma_start3A_90 = arith.constant 0 : i32
        %dma_start3A_91 = arith.constant 0 : i32
        %dma_start3A_92 = tpu.memref_slice %arg8[%run_scoped3A, %dma_start3A_90, %dma_start3A_91] : memref<4x128x16xf32, #tpu.memory_space<vmem>> -> memref<1x128x16xf32, #tpu.memory_space<vmem>>
        %dma_start3A_93 = tpu.memref_squeeze %dma_start3A_92 : memref<1x128x16xf32, #tpu.memory_space<vmem>> -> memref<128x16xf32, #tpu.memory_space<vmem>>
        %dma_start3A_94 = arith.constant 0 : i32
        %dma_start3A_95 = tpu.memref_slice %arg9[%add3A_87, %dma_start3A_94] : memref<10240x16xf32, #tpu.memory_space<vmem_shared>> -> memref<128x16xf32, #tpu.memory_space<vmem_shared>>
        %dma_start3A_96 = arith.constant 0 : i32
        %dma_start3A_97 = tpu.memref_slice %arg9[%add3A_87, %dma_start3A_96] : memref<10240x16xf32, #tpu.memory_space<vmem_shared>> -> memref<128x16xf32, #tpu.memory_space<vmem_shared>>
        %dma_start3A_98 = arith.constant 0 : i32
        %dma_start3A_99 = arith.constant 0 : i32
        %dma_start3A_100 = tpu.memref_slice %arg8[%run_scoped3A, %dma_start3A_98, %dma_start3A_99] : memref<4x128x16xf32, #tpu.memory_space<vmem>> -> memref<1x128x16xf32, #tpu.memory_space<vmem>>
        %dma_start3A_101 = tpu.memref_squeeze %dma_start3A_100 : memref<1x128x16xf32, #tpu.memory_space<vmem>> -> memref<128x16xf32, #tpu.memory_space<vmem>>
        tpu.enqueue_dma source(%dma_start3A_101 : memref<128x16xf32, #tpu.memory_space<vmem>>) target(%dma_start3A_97 : memref<128x16xf32, #tpu.memory_space<vmem_shared>>) target_semaphore(%run_scoped3A_89 : memref<!tpu.dma_semaphore, #tpu.memory_space<semaphore_mem>>)
        %dma_wait3A = arith.constant 0 : i32
        %dma_wait3A_102 = arith.constant 0 : i32
        %dma_wait3A_103 = tpu.memref_slice %arg8[%run_scoped3A, %dma_wait3A, %dma_wait3A_102] : memref<4x128x16xf32, #tpu.memory_space<vmem>> -> memref<1x128x16xf32, #tpu.memory_space<vmem>>
        %dma_wait3A_104 = tpu.memref_squeeze %dma_wait3A_103 : memref<1x128x16xf32, #tpu.memory_space<vmem>> -> memref<128x16xf32, #tpu.memory_space<vmem>>
        %dma_wait3A_105 = arith.constant 0 : i32
        %dma_wait3A_106 = tpu.memref_slice %arg9[%add3A_87, %dma_wait3A_105] : memref<10240x16xf32, #tpu.memory_space<vmem_shared>> -> memref<128x16xf32, #tpu.memory_space<vmem_shared>>
        %dma_wait3A_107 = arith.constant 0 : i32
        %dma_wait3A_108 = tpu.memref_slice %arg9[%add3A_87, %dma_wait3A_107] : memref<10240x16xf32, #tpu.memory_space<vmem_shared>> -> memref<128x16xf32, #tpu.memory_space<vmem_shared>>
        %dma_wait3A_109 = arith.constant 0 : i32
        %dma_wait3A_110 = arith.constant 0 : i32
        %dma_wait3A_111 = tpu.memref_slice %arg8[%run_scoped3A, %dma_wait3A_109, %dma_wait3A_110] : memref<4x128x16xf32, #tpu.memory_space<vmem>> -> memref<1x128x16xf32, #tpu.memory_space<vmem>>
        %dma_wait3A_112 = tpu.memref_squeeze %dma_wait3A_111 : memref<1x128x16xf32, #tpu.memory_space<vmem>> -> memref<128x16xf32, #tpu.memory_space<vmem>>
        tpu.wait_dma2 semaphore(%run_scoped3A_89 : memref<!tpu.dma_semaphore, #tpu.memory_space<semaphore_mem>>) src(%dma_wait3A_112 : memref<128x16xf32, #tpu.memory_space<vmem>>) dst(%dma_wait3A_108 : memref<128x16xf32, #tpu.memory_space<vmem_shared>>)
        tpu.yield
      }) : () -> ()
      %scan3A_88 = arith.constant 0 : i32
      scf.yield %scan3A_88 : i32
    }
    %scan3A_18 = arith.constant 5 : i32
    %barrier3A = arith.constant 0 : index
    tpu.barrier barrier_id(%barrier3A)
    %dma_start3A = arith.constant 0 : i32
    %dma_start3A_19 = arith.constant 0 : i32
    %dma_start3A_20 = arith.constant 0 : i32
    %dma_start3A_21 = arith.constant 0 : i32
    %dma_start3A_22 = tpu.memref_slice %arg8[%dma_start3A_19, %dma_start3A_20, %dma_start3A_21] : memref<4x128x16xf32, #tpu.memory_space<vmem>> -> memref<1x128x16xf32, #tpu.memory_space<vmem>>
    %dma_start3A_23 = tpu.memref_squeeze %dma_start3A_22 : memref<1x128x16xf32, #tpu.memory_space<vmem>> -> memref<128x16xf32, #tpu.memory_space<vmem>>
    %dma_start3A_24 = arith.constant 0 : i32
    %dma_start3A_25 = tpu.memref_slice %arg6[%dma_start3A, %dma_start3A_24] : memref<40x128xi32, #tpu.memory_space<vmem>> -> memref<1x128xi32, #tpu.memory_space<vmem>>
    %dma_start3A_26 = tpu.memref_squeeze %dma_start3A_25 : memref<1x128xi32, #tpu.memory_space<vmem>> -> memref<128xi32, #tpu.memory_space<vmem>>
    %dma_start3A_27 = arith.constant 0 : i32
    %dma_start3A_28 = arith.constant 0 : i32
    %dma_start3A_29 = tpu.memref_slice %arg2[%dma_start3A_27, %dma_start3A_28] : memref<10240x16xf32, #tpu.memory_space<hbm>> -> memref<10240x16xf32, #tpu.memory_space<hbm>>
    tpu.enqueue_indirect_dma source(%dma_start3A_29 : memref<10240x16xf32, #tpu.memory_space<hbm>>) target(%dma_start3A_23 : memref<128x16xf32, #tpu.memory_space<vmem>>) offsets(%dma_start3A_26 : memref<128xi32, #tpu.memory_space<vmem>>) semaphore(%arg10 : memref<!tpu.dma_semaphore, #tpu.memory_space<semaphore_mem>>)
    %dma_start3A_30 = arith.constant 1 : i32
    %dma_start3A_31 = arith.constant 1 : i32
    %dma_start3A_32 = arith.constant 0 : i32
    %dma_start3A_33 = arith.constant 0 : i32
    %dma_start3A_34 = tpu.memref_slice %arg8[%dma_start3A_31, %dma_start3A_32, %dma_start3A_33] : memref<4x128x16xf32, #tpu.memory_space<vmem>> -> memref<1x128x16xf32, #tpu.memory_space<vmem>>
    %dma_start3A_35 = tpu.memref_squeeze %dma_start3A_34 : memref<1x128x16xf32, #tpu.memory_space<vmem>> -> memref<128x16xf32, #tpu.memory_space<vmem>>
    %dma_start3A_36 = arith.constant 0 : i32
    %dma_start3A_37 = tpu.memref_slice %arg6[%dma_start3A_30, %dma_start3A_36] : memref<40x128xi32, #tpu.memory_space<vmem>> -> memref<1x128xi32, #tpu.memory_space<vmem>>
    %dma_start3A_38 = tpu.memref_squeeze %dma_start3A_37 : memref<1x128xi32, #tpu.memory_space<vmem>> -> memref<128xi32, #tpu.memory_space<vmem>>
    %dma_start3A_39 = arith.constant 0 : i32
    %dma_start3A_40 = arith.constant 0 : i32
    %dma_start3A_41 = tpu.memref_slice %arg2[%dma_start3A_39, %dma_start3A_40] : memref<10240x16xf32, #tpu.memory_space<hbm>> -> memref<10240x16xf32, #tpu.memory_space<hbm>>
    tpu.enqueue_indirect_dma source(%dma_start3A_41 : memref<10240x16xf32, #tpu.memory_space<hbm>>) target(%dma_start3A_35 : memref<128x16xf32, #tpu.memory_space<vmem>>) offsets(%dma_start3A_38 : memref<128xi32, #tpu.memory_space<vmem>>) semaphore(%arg11 : memref<!tpu.dma_semaphore, #tpu.memory_space<semaphore_mem>>)
    %dma_start3A_42 = arith.constant 2 : i32
    %dma_start3A_43 = arith.constant 2 : i32
    %dma_start3A_44 = arith.constant 0 : i32
    %dma_start3A_45 = arith.constant 0 : i32
    %dma_start3A_46 = tpu.memref_slice %arg8[%dma_start3A_43, %dma_start3A_44, %dma_start3A_45] : memref<4x128x16xf32, #tpu.memory_space<vmem>> -> memref<1x128x16xf32, #tpu.memory_space<vmem>>
    %dma_start3A_47 = tpu.memref_squeeze %dma_start3A_46 : memref<1x128x16xf32, #tpu.memory_space<vmem>> -> memref<128x16xf32, #tpu.memory_space<vmem>>
    %dma_start3A_48 = arith.constant 0 : i32
    %dma_start3A_49 = tpu.memref_slice %arg6[%dma_start3A_42, %dma_start3A_48] : memref<40x128xi32, #tpu.memory_space<vmem>> -> memref<1x128xi32, #tpu.memory_space<vmem>>
    %dma_start3A_50 = tpu.memref_squeeze %dma_start3A_49 : memref<1x128xi32, #tpu.memory_space<vmem>> -> memref<128xi32, #tpu.memory_space<vmem>>
    %dma_start3A_51 = arith.constant 0 : i32
    %dma_start3A_52 = arith.constant 0 : i32
    %dma_start3A_53 = tpu.memref_slice %arg2[%dma_start3A_51, %dma_start3A_52] : memref<10240x16xf32, #tpu.memory_space<hbm>> -> memref<10240x16xf32, #tpu.memory_space<hbm>>
    tpu.enqueue_indirect_dma source(%dma_start3A_53 : memref<10240x16xf32, #tpu.memory_space<hbm>>) target(%dma_start3A_47 : memref<128x16xf32, #tpu.memory_space<vmem>>) offsets(%dma_start3A_50 : memref<128xi32, #tpu.memory_space<vmem>>) semaphore(%arg12 : memref<!tpu.dma_semaphore, #tpu.memory_space<semaphore_mem>>)
    %dma_start3A_54 = arith.constant 3 : i32
    %dma_start3A_55 = arith.constant 3 : i32
    %dma_start3A_56 = arith.constant 0 : i32
    %dma_start3A_57 = arith.constant 0 : i32
    %dma_start3A_58 = tpu.memref_slice %arg8[%dma_start3A_55, %dma_start3A_56, %dma_start3A_57] : memref<4x128x16xf32, #tpu.memory_space<vmem>> -> memref<1x128x16xf32, #tpu.memory_space<vmem>>
    %dma_start3A_59 = tpu.memref_squeeze %dma_start3A_58 : memref<1x128x16xf32, #tpu.memory_space<vmem>> -> memref<128x16xf32, #tpu.memory_space<vmem>>
    %dma_start3A_60 = arith.constant 0 : i32
    %dma_start3A_61 = tpu.memref_slice %arg6[%dma_start3A_54, %dma_start3A_60] : memref<40x128xi32, #tpu.memory_space<vmem>> -> memref<1x128xi32, #tpu.memory_space<vmem>>
    %dma_start3A_62 = tpu.memref_squeeze %dma_start3A_61 : memref<1x128xi32, #tpu.memory_space<vmem>> -> memref<128xi32, #tpu.memory_space<vmem>>
    %dma_start3A_63 = arith.constant 0 : i32
    %dma_start3A_64 = arith.constant 0 : i32
    %dma_start3A_65 = tpu.memref_slice %arg2[%dma_start3A_63, %dma_start3A_64] : memref<10240x16xf32, #tpu.memory_space<hbm>> -> memref<10240x16xf32, #tpu.memory_space<hbm>>
    tpu.enqueue_indirect_dma source(%dma_start3A_65 : memref<10240x16xf32, #tpu.memory_space<hbm>>) target(%dma_start3A_59 : memref<128x16xf32, #tpu.memory_space<vmem>>) offsets(%dma_start3A_62 : memref<128xi32, #tpu.memory_space<vmem>>) semaphore(%arg13 : memref<!tpu.dma_semaphore, #tpu.memory_space<semaphore_mem>>)
    %scan3A_66 = arith.constant 0 : i32
    %scan3A_67 = arith.constant 0 : i32
    %scan3A_68 = arith.constant 10 : i32
    %scan3A_69 = arith.addi %scan3A_67, %scan3A_68 : i32
    %scan3A_70 = arith.constant 1 : i32
    %scan3A_71 = scf.for %scan3A_81 = %scan3A_67 to %scan3A_69 step %scan3A_70 iter_args(%scan3A_82 = %scan3A_66) -> (i32)  : i32 {
      %mul3A_83 = arith.constant 4 : i32
      %mul3A_84 = arith.muli %scan3A_81, %mul3A_83 : i32
      %add3A_85 = arith.constant 0 : i32
      %add3A_86 = arith.addi %mul3A_84, %add3A_85 : i32
      %dma_wait3A = arith.constant 0 : i32
      %dma_wait3A_87 = arith.constant 0 : i32
      %dma_wait3A_88 = arith.constant 0 : i32
      %dma_wait3A_89 = arith.constant 0 : i32
      %dma_wait3A_90 = tpu.memref_slice %arg8[%dma_wait3A_87, %dma_wait3A_88, %dma_wait3A_89] : memref<4x128x16xf32, #tpu.memory_space<vmem>> -> memref<1x128x16xf32, #tpu.memory_space<vmem>>
      %dma_wait3A_91 = tpu.memref_squeeze %dma_wait3A_90 : memref<1x128x16xf32, #tpu.memory_space<vmem>> -> memref<128x16xf32, #tpu.memory_space<vmem>>
      %dma_wait3A_92 = arith.constant 0 : i32
      %dma_wait3A_93 = tpu.memref_slice %arg6[%dma_wait3A, %dma_wait3A_92] : memref<40x128xi32, #tpu.memory_space<vmem>> -> memref<1x128xi32, #tpu.memory_space<vmem>>
      %dma_wait3A_94 = tpu.memref_squeeze %dma_wait3A_93 : memref<1x128xi32, #tpu.memory_space<vmem>> -> memref<128xi32, #tpu.memory_space<vmem>>
      %dma_wait3A_95 = arith.constant 0 : i32
      %dma_wait3A_96 = arith.constant 0 : i32
      %dma_wait3A_97 = tpu.memref_slice %arg2[%dma_wait3A_95, %dma_wait3A_96] : memref<10240x16xf32, #tpu.memory_space<hbm>> -> memref<10240x16xf32, #tpu.memory_space<hbm>>
      tpu.wait_indirect_dma semaphore(%arg10 : memref<!tpu.dma_semaphore, #tpu.memory_space<semaphore_mem>>) src(%dma_wait3A_97 : memref<10240x16xf32, #tpu.memory_space<hbm>>) dst(%dma_wait3A_91 : memref<128x16xf32, #tpu.memory_space<vmem>>)
      %run_scoped3A = arith.constant 0 : i32
      "tpu.region"() ({
        %run_scoped3A_175 = tpu.sem_alloc : memref<!tpu.dma_semaphore, #tpu.memory_space<semaphore_mem>>
        %dma_start3A_176 = arith.constant 0 : i32
        %dma_start3A_177 = arith.constant 0 : i32
        %dma_start3A_178 = tpu.memref_slice %arg8[%run_scoped3A, %dma_start3A_176, %dma_start3A_177] : memref<4x128x16xf32, #tpu.memory_space<vmem>> -> memref<1x128x16xf32, #tpu.memory_space<vmem>>
        %dma_start3A_179 = tpu.memref_squeeze %dma_start3A_178 : memref<1x128x16xf32, #tpu.memory_space<vmem>> -> memref<128x16xf32, #tpu.memory_space<vmem>>
        %dma_start3A_180 = arith.constant 0 : i32
        %dma_start3A_181 = tpu.memref_slice %arg7[%add3A_86, %dma_start3A_180] : memref<40x128xi32, #tpu.memory_space<vmem>> -> memref<1x128xi32, #tpu.memory_space<vmem>>
        %dma_start3A_182 = tpu.memref_squeeze %dma_start3A_181 : memref<1x128xi32, #tpu.memory_space<vmem>> -> memref<128xi32, #tpu.memory_space<vmem>>
        %dma_start3A_183 = arith.constant 0 : i32
        %dma_start3A_184 = arith.constant 0 : i32
        %dma_start3A_185 = tpu.memref_slice %arg9[%dma_start3A_183, %dma_start3A_184] : memref<10240x16xf32, #tpu.memory_space<vmem_shared>> -> memref<10240x16xf32, #tpu.memory_space<vmem_shared>>
        tpu.enqueue_indirect_dma source(%dma_start3A_179 : memref<128x16xf32, #tpu.memory_space<vmem>>) target(%dma_start3A_185 : memref<10240x16xf32, #tpu.memory_space<vmem_shared>>) offsets(%dma_start3A_182 : memref<128xi32, #tpu.memory_space<vmem>>) semaphore(%run_scoped3A_175 : memref<!tpu.dma_semaphore, #tpu.memory_space<semaphore_mem>>) {add = true}
        %dma_wait3A_186 = arith.constant 0 : i32
        %dma_wait3A_187 = arith.constant 0 : i32
        %dma_wait3A_188 = tpu.memref_slice %arg8[%run_scoped3A, %dma_wait3A_186, %dma_wait3A_187] : memref<4x128x16xf32, #tpu.memory_space<vmem>> -> memref<1x128x16xf32, #tpu.memory_space<vmem>>
        %dma_wait3A_189 = tpu.memref_squeeze %dma_wait3A_188 : memref<1x128x16xf32, #tpu.memory_space<vmem>> -> memref<128x16xf32, #tpu.memory_space<vmem>>
        %dma_wait3A_190 = arith.constant 0 : i32
        %dma_wait3A_191 = tpu.memref_slice %arg7[%add3A_86, %dma_wait3A_190] : memref<40x128xi32, #tpu.memory_space<vmem>> -> memref<1x128xi32, #tpu.memory_space<vmem>>
        %dma_wait3A_192 = tpu.memref_squeeze %dma_wait3A_191 : memref<1x128xi32, #tpu.memory_space<vmem>> -> memref<128xi32, #tpu.memory_space<vmem>>
        %dma_wait3A_193 = arith.constant 0 : i32
        %dma_wait3A_194 = arith.constant 0 : i32
        %dma_wait3A_195 = tpu.memref_slice %arg9[%dma_wait3A_193, %dma_wait3A_194] : memref<10240x16xf32, #tpu.memory_space<vmem_shared>> -> memref<10240x16xf32, #tpu.memory_space<vmem_shared>>
        tpu.wait_indirect_dma semaphore(%run_scoped3A_175 : memref<!tpu.dma_semaphore, #tpu.memory_space<semaphore_mem>>) src(%dma_wait3A_189 : memref<128x16xf32, #tpu.memory_space<vmem>>) dst(%dma_wait3A_195 : memref<10240x16xf32, #tpu.memory_space<vmem_shared>>)
        tpu.yield
      }) : () -> ()
      %add3A_98 = arith.constant 4 : i32
      %add3A_99 = arith.addi %add3A_86, %add3A_98 : i32
      %lt3A = arith.constant 40 : i32
      %lt3A_100 = arith.cmpi slt, %add3A_99, %lt3A : i32
      %convert_element_type3A = arith.extui %lt3A_100 : i1 to i32
      %cond3A = arith.constant 0 : i32
      %cond3A_101 = arith.cmpi ne, %convert_element_type3A, %cond3A : i32
      scf.if %cond3A_101 {
        %add3A_175 = arith.constant 4 : i32
        %add3A_176 = arith.addi %add3A_86, %add3A_175 : i32
        %dma_start3A_177 = arith.constant 0 : i32
        %dma_start3A_178 = arith.constant 0 : i32
        %dma_start3A_179 = arith.constant 0 : i32
        %dma_start3A_180 = tpu.memref_slice %arg8[%dma_start3A_177, %dma_start3A_178, %dma_start3A_179] : memref<4x128x16xf32, #tpu.memory_space<vmem>> -> memref<1x128x16xf32, #tpu.memory_space<vmem>>
        %dma_start3A_181 = tpu.memref_squeeze %dma_start3A_180 : memref<1x128x16xf32, #tpu.memory_space<vmem>> -> memref<128x16xf32, #tpu.memory_space<vmem>>
        %dma_start3A_182 = arith.constant 0 : i32
        %dma_start3A_183 = tpu.memref_slice %arg6[%add3A_176, %dma_start3A_182] : memref<40x128xi32, #tpu.memory_space<vmem>> -> memref<1x128xi32, #tpu.memory_space<vmem>>
        %dma_start3A_184 = tpu.memref_squeeze %dma_start3A_183 : memref<1x128xi32, #tpu.memory_space<vmem>> -> memref<128xi32, #tpu.memory_space<vmem>>
        %dma_start3A_185 = arith.constant 0 : i32
        %dma_start3A_186 = arith.constant 0 : i32
        %dma_start3A_187 = tpu.memref_slice %arg2[%dma_start3A_185, %dma_start3A_186] : memref<10240x16xf32, #tpu.memory_space<hbm>> -> memref<10240x16xf32, #tpu.memory_space<hbm>>
        tpu.enqueue_indirect_dma source(%dma_start3A_187 : memref<10240x16xf32, #tpu.memory_space<hbm>>) target(%dma_start3A_181 : memref<128x16xf32, #tpu.memory_space<vmem>>) offsets(%dma_start3A_184 : memref<128xi32, #tpu.memory_space<vmem>>) semaphore(%arg10 : memref<!tpu.dma_semaphore, #tpu.memory_space<semaphore_mem>>)
      } else {
      }
      %mul3A_102 = arith.constant 4 : i32
      %mul3A_103 = arith.muli %scan3A_81, %mul3A_102 : i32
      %add3A_104 = arith.constant 1 : i32
      %add3A_105 = arith.addi %mul3A_103, %add3A_104 : i32
      %dma_wait3A_106 = arith.constant 0 : i32
      %dma_wait3A_107 = arith.constant 1 : i32
      %dma_wait3A_108 = arith.constant 0 : i32
      %dma_wait3A_109 = arith.constant 0 : i32
      %dma_wait3A_110 = tpu.memref_slice %arg8[%dma_wait3A_107, %dma_wait3A_108, %dma_wait3A_109] : memref<4x128x16xf32, #tpu.memory_space<vmem>> -> memref<1x128x16xf32, #tpu.memory_space<vmem>>
      %dma_wait3A_111 = tpu.memref_squeeze %dma_wait3A_110 : memref<1x128x16xf32, #tpu.memory_space<vmem>> -> memref<128x16xf32, #tpu.memory_space<vmem>>
      %dma_wait3A_112 = arith.constant 0 : i32
      %dma_wait3A_113 = tpu.memref_slice %arg6[%dma_wait3A_106, %dma_wait3A_112] : memref<40x128xi32, #tpu.memory_space<vmem>> -> memref<1x128xi32, #tpu.memory_space<vmem>>
      %dma_wait3A_114 = tpu.memref_squeeze %dma_wait3A_113 : memref<1x128xi32, #tpu.memory_space<vmem>> -> memref<128xi32, #tpu.memory_space<vmem>>
      %dma_wait3A_115 = arith.constant 0 : i32
      %dma_wait3A_116 = arith.constant 0 : i32
      %dma_wait3A_117 = tpu.memref_slice %arg2[%dma_wait3A_115, %dma_wait3A_116] : memref<10240x16xf32, #tpu.memory_space<hbm>> -> memref<10240x16xf32, #tpu.memory_space<hbm>>
      tpu.wait_indirect_dma semaphore(%arg11 : memref<!tpu.dma_semaphore, #tpu.memory_space<semaphore_mem>>) src(%dma_wait3A_117 : memref<10240x16xf32, #tpu.memory_space<hbm>>) dst(%dma_wait3A_111 : memref<128x16xf32, #tpu.memory_space<vmem>>)
      %run_scoped3A_118 = arith.constant 1 : i32
      "tpu.region"() ({
        %run_scoped3A_175 = tpu.sem_alloc : memref<!tpu.dma_semaphore, #tpu.memory_space<semaphore_mem>>
        %dma_start3A_176 = arith.constant 0 : i32
        %dma_start3A_177 = arith.constant 0 : i32
        %dma_start3A_178 = tpu.memref_slice %arg8[%run_scoped3A_118, %dma_start3A_176, %dma_start3A_177] : memref<4x128x16xf32, #tpu.memory_space<vmem>> -> memref<1x128x16xf32, #tpu.memory_space<vmem>>
        %dma_start3A_179 = tpu.memref_squeeze %dma_start3A_178 : memref<1x128x16xf32, #tpu.memory_space<vmem>> -> memref<128x16xf32, #tpu.memory_space<vmem>>
        %dma_start3A_180 = arith.constant 0 : i32
        %dma_start3A_181 = tpu.memref_slice %arg7[%add3A_105, %dma_start3A_180] : memref<40x128xi32, #tpu.memory_space<vmem>> -> memref<1x128xi32, #tpu.memory_space<vmem>>
        %dma_start3A_182 = tpu.memref_squeeze %dma_start3A_181 : memref<1x128xi32, #tpu.memory_space<vmem>> -> memref<128xi32, #tpu.memory_space<vmem>>
        %dma_start3A_183 = arith.constant 0 : i32
        %dma_start3A_184 = arith.constant 0 : i32
        %dma_start3A_185 = tpu.memref_slice %arg9[%dma_start3A_183, %dma_start3A_184] : memref<10240x16xf32, #tpu.memory_space<vmem_shared>> -> memref<10240x16xf32, #tpu.memory_space<vmem_shared>>
        tpu.enqueue_indirect_dma source(%dma_start3A_179 : memref<128x16xf32, #tpu.memory_space<vmem>>) target(%dma_start3A_185 : memref<10240x16xf32, #tpu.memory_space<vmem_shared>>) offsets(%dma_start3A_182 : memref<128xi32, #tpu.memory_space<vmem>>) semaphore(%run_scoped3A_175 : memref<!tpu.dma_semaphore, #tpu.memory_space<semaphore_mem>>) {add = true}
        %dma_wait3A_186 = arith.constant 0 : i32
        %dma_wait3A_187 = arith.constant 0 : i32
        %dma_wait3A_188 = tpu.memref_slice %arg8[%run_scoped3A_118, %dma_wait3A_186, %dma_wait3A_187] : memref<4x128x16xf32, #tpu.memory_space<vmem>> -> memref<1x128x16xf32, #tpu.memory_space<vmem>>
        %dma_wait3A_189 = tpu.memref_squeeze %dma_wait3A_188 : memref<1x128x16xf32, #tpu.memory_space<vmem>> -> memref<128x16xf32, #tpu.memory_space<vmem>>
        %dma_wait3A_190 = arith.constant 0 : i32
        %dma_wait3A_191 = tpu.memref_slice %arg7[%add3A_105, %dma_wait3A_190] : memref<40x128xi32, #tpu.memory_space<vmem>> -> memref<1x128xi32, #tpu.memory_space<vmem>>
        %dma_wait3A_192 = tpu.memref_squeeze %dma_wait3A_191 : memref<1x128xi32, #tpu.memory_space<vmem>> -> memref<128xi32, #tpu.memory_space<vmem>>
        %dma_wait3A_193 = arith.constant 0 : i32
        %dma_wait3A_194 = arith.constant 0 : i32
        %dma_wait3A_195 = tpu.memref_slice %arg9[%dma_wait3A_193, %dma_wait3A_194] : memref<10240x16xf32, #tpu.memory_space<vmem_shared>> -> memref<10240x16xf32, #tpu.memory_space<vmem_shared>>
        tpu.wait_indirect_dma semaphore(%run_scoped3A_175 : memref<!tpu.dma_semaphore, #tpu.memory_space<semaphore_mem>>) src(%dma_wait3A_189 : memref<128x16xf32, #tpu.memory_space<vmem>>) dst(%dma_wait3A_195 : memref<10240x16xf32, #tpu.memory_space<vmem_shared>>)
        tpu.yield
      }) : () -> ()
      %add3A_119 = arith.constant 4 : i32
      %add3A_120 = arith.addi %add3A_105, %add3A_119 : i32
      %lt3A_121 = arith.constant 40 : i32
      %lt3A_122 = arith.cmpi slt, %add3A_120, %lt3A_121 : i32
      %convert_element_type3A_123 = arith.extui %lt3A_122 : i1 to i32
      %cond3A_124 = arith.constant 0 : i32
      %cond3A_125 = arith.cmpi ne, %convert_element_type3A_123, %cond3A_124 : i32
      scf.if %cond3A_125 {
        %add3A_175 = arith.constant 4 : i32
        %add3A_176 = arith.addi %add3A_105, %add3A_175 : i32
        %dma_start3A_177 = arith.constant 1 : i32
        %dma_start3A_178 = arith.constant 0 : i32
        %dma_start3A_179 = arith.constant 0 : i32
        %dma_start3A_180 = tpu.memref_slice %arg8[%dma_start3A_177, %dma_start3A_178, %dma_start3A_179] : memref<4x128x16xf32, #tpu.memory_space<vmem>> -> memref<1x128x16xf32, #tpu.memory_space<vmem>>
        %dma_start3A_181 = tpu.memref_squeeze %dma_start3A_180 : memref<1x128x16xf32, #tpu.memory_space<vmem>> -> memref<128x16xf32, #tpu.memory_space<vmem>>
        %dma_start3A_182 = arith.constant 0 : i32
        %dma_start3A_183 = tpu.memref_slice %arg6[%add3A_176, %dma_start3A_182] : memref<40x128xi32, #tpu.memory_space<vmem>> -> memref<1x128xi32, #tpu.memory_space<vmem>>
        %dma_start3A_184 = tpu.memref_squeeze %dma_start3A_183 : memref<1x128xi32, #tpu.memory_space<vmem>> -> memref<128xi32, #tpu.memory_space<vmem>>
        %dma_start3A_185 = arith.constant 0 : i32
        %dma_start3A_186 = arith.constant 0 : i32
        %dma_start3A_187 = tpu.memref_slice %arg2[%dma_start3A_185, %dma_start3A_186] : memref<10240x16xf32, #tpu.memory_space<hbm>> -> memref<10240x16xf32, #tpu.memory_space<hbm>>
        tpu.enqueue_indirect_dma source(%dma_start3A_187 : memref<10240x16xf32, #tpu.memory_space<hbm>>) target(%dma_start3A_181 : memref<128x16xf32, #tpu.memory_space<vmem>>) offsets(%dma_start3A_184 : memref<128xi32, #tpu.memory_space<vmem>>) semaphore(%arg11 : memref<!tpu.dma_semaphore, #tpu.memory_space<semaphore_mem>>)
      } else {
      }
      %mul3A_126 = arith.constant 4 : i32
      %mul3A_127 = arith.muli %scan3A_81, %mul3A_126 : i32
      %add3A_128 = arith.constant 2 : i32
      %add3A_129 = arith.addi %mul3A_127, %add3A_128 : i32
      %dma_wait3A_130 = arith.constant 0 : i32
      %dma_wait3A_131 = arith.constant 2 : i32
      %dma_wait3A_132 = arith.constant 0 : i32
      %dma_wait3A_133 = arith.constant 0 : i32
      %dma_wait3A_134 = tpu.memref_slice %arg8[%dma_wait3A_131, %dma_wait3A_132, %dma_wait3A_133] : memref<4x128x16xf32, #tpu.memory_space<vmem>> -> memref<1x128x16xf32, #tpu.memory_space<vmem>>
      %dma_wait3A_135 = tpu.memref_squeeze %dma_wait3A_134 : memref<1x128x16xf32, #tpu.memory_space<vmem>> -> memref<128x16xf32, #tpu.memory_space<vmem>>
      %dma_wait3A_136 = arith.constant 0 : i32
      %dma_wait3A_137 = tpu.memref_slice %arg6[%dma_wait3A_130, %dma_wait3A_136] : memref<40x128xi32, #tpu.memory_space<vmem>> -> memref<1x128xi32, #tpu.memory_space<vmem>>
      %dma_wait3A_138 = tpu.memref_squeeze %dma_wait3A_137 : memref<1x128xi32, #tpu.memory_space<vmem>> -> memref<128xi32, #tpu.memory_space<vmem>>
      %dma_wait3A_139 = arith.constant 0 : i32
      %dma_wait3A_140 = arith.constant 0 : i32
      %dma_wait3A_141 = tpu.memref_slice %arg2[%dma_wait3A_139, %dma_wait3A_140] : memref<10240x16xf32, #tpu.memory_space<hbm>> -> memref<10240x16xf32, #tpu.memory_space<hbm>>
      tpu.wait_indirect_dma semaphore(%arg12 : memref<!tpu.dma_semaphore, #tpu.memory_space<semaphore_mem>>) src(%dma_wait3A_141 : memref<10240x16xf32, #tpu.memory_space<hbm>>) dst(%dma_wait3A_135 : memref<128x16xf32, #tpu.memory_space<vmem>>)
      %run_scoped3A_142 = arith.constant 2 : i32
      "tpu.region"() ({
        %run_scoped3A_175 = tpu.sem_alloc : memref<!tpu.dma_semaphore, #tpu.memory_space<semaphore_mem>>
        %dma_start3A_176 = arith.constant 0 : i32
        %dma_start3A_177 = arith.constant 0 : i32
        %dma_start3A_178 = tpu.memref_slice %arg8[%run_scoped3A_142, %dma_start3A_176, %dma_start3A_177] : memref<4x128x16xf32, #tpu.memory_space<vmem>> -> memref<1x128x16xf32, #tpu.memory_space<vmem>>
        %dma_start3A_179 = tpu.memref_squeeze %dma_start3A_178 : memref<1x128x16xf32, #tpu.memory_space<vmem>> -> memref<128x16xf32, #tpu.memory_space<vmem>>
        %dma_start3A_180 = arith.constant 0 : i32
        %dma_start3A_181 = tpu.memref_slice %arg7[%add3A_129, %dma_start3A_180] : memref<40x128xi32, #tpu.memory_space<vmem>> -> memref<1x128xi32, #tpu.memory_space<vmem>>
        %dma_start3A_182 = tpu.memref_squeeze %dma_start3A_181 : memref<1x128xi32, #tpu.memory_space<vmem>> -> memref<128xi32, #tpu.memory_space<vmem>>
        %dma_start3A_183 = arith.constant 0 : i32
        %dma_start3A_184 = arith.constant 0 : i32
        %dma_start3A_185 = tpu.memref_slice %arg9[%dma_start3A_183, %dma_start3A_184] : memref<10240x16xf32, #tpu.memory_space<vmem_shared>> -> memref<10240x16xf32, #tpu.memory_space<vmem_shared>>
        tpu.enqueue_indirect_dma source(%dma_start3A_179 : memref<128x16xf32, #tpu.memory_space<vmem>>) target(%dma_start3A_185 : memref<10240x16xf32, #tpu.memory_space<vmem_shared>>) offsets(%dma_start3A_182 : memref<128xi32, #tpu.memory_space<vmem>>) semaphore(%run_scoped3A_175 : memref<!tpu.dma_semaphore, #tpu.memory_space<semaphore_mem>>) {add = true}
        %dma_wait3A_186 = arith.constant 0 : i32
        %dma_wait3A_187 = arith.constant 0 : i32
        %dma_wait3A_188 = tpu.memref_slice %arg8[%run_scoped3A_142, %dma_wait3A_186, %dma_wait3A_187] : memref<4x128x16xf32, #tpu.memory_space<vmem>> -> memref<1x128x16xf32, #tpu.memory_space<vmem>>
        %dma_wait3A_189 = tpu.memref_squeeze %dma_wait3A_188 : memref<1x128x16xf32, #tpu.memory_space<vmem>> -> memref<128x16xf32, #tpu.memory_space<vmem>>
        %dma_wait3A_190 = arith.constant 0 : i32
        %dma_wait3A_191 = tpu.memref_slice %arg7[%add3A_129, %dma_wait3A_190] : memref<40x128xi32, #tpu.memory_space<vmem>> -> memref<1x128xi32, #tpu.memory_space<vmem>>
        %dma_wait3A_192 = tpu.memref_squeeze %dma_wait3A_191 : memref<1x128xi32, #tpu.memory_space<vmem>> -> memref<128xi32, #tpu.memory_space<vmem>>
        %dma_wait3A_193 = arith.constant 0 : i32
        %dma_wait3A_194 = arith.constant 0 : i32
        %dma_wait3A_195 = tpu.memref_slice %arg9[%dma_wait3A_193, %dma_wait3A_194] : memref<10240x16xf32, #tpu.memory_space<vmem_shared>> -> memref<10240x16xf32, #tpu.memory_space<vmem_shared>>
        tpu.wait_indirect_dma semaphore(%run_scoped3A_175 : memref<!tpu.dma_semaphore, #tpu.memory_space<semaphore_mem>>) src(%dma_wait3A_189 : memref<128x16xf32, #tpu.memory_space<vmem>>) dst(%dma_wait3A_195 : memref<10240x16xf32, #tpu.memory_space<vmem_shared>>)
        tpu.yield
      }) : () -> ()
      %add3A_143 = arith.constant 4 : i32
      %add3A_144 = arith.addi %add3A_129, %add3A_143 : i32
      %lt3A_145 = arith.constant 40 : i32
      %lt3A_146 = arith.cmpi slt, %add3A_144, %lt3A_145 : i32
      %convert_element_type3A_147 = arith.extui %lt3A_146 : i1 to i32
      %cond3A_148 = arith.constant 0 : i32
      %cond3A_149 = arith.cmpi ne, %convert_element_type3A_147, %cond3A_148 : i32
      scf.if %cond3A_149 {
        %add3A_175 = arith.constant 4 : i32
        %add3A_176 = arith.addi %add3A_129, %add3A_175 : i32
        %dma_start3A_177 = arith.constant 2 : i32
        %dma_start3A_178 = arith.constant 0 : i32
        %dma_start3A_179 = arith.constant 0 : i32
        %dma_start3A_180 = tpu.memref_slice %arg8[%dma_start3A_177, %dma_start3A_178, %dma_start3A_179] : memref<4x128x16xf32, #tpu.memory_space<vmem>> -> memref<1x128x16xf32, #tpu.memory_space<vmem>>
        %dma_start3A_181 = tpu.memref_squeeze %dma_start3A_180 : memref<1x128x16xf32, #tpu.memory_space<vmem>> -> memref<128x16xf32, #tpu.memory_space<vmem>>
        %dma_start3A_182 = arith.constant 0 : i32
        %dma_start3A_183 = tpu.memref_slice %arg6[%add3A_176, %dma_start3A_182] : memref<40x128xi32, #tpu.memory_space<vmem>> -> memref<1x128xi32, #tpu.memory_space<vmem>>
        %dma_start3A_184 = tpu.memref_squeeze %dma_start3A_183 : memref<1x128xi32, #tpu.memory_space<vmem>> -> memref<128xi32, #tpu.memory_space<vmem>>
        %dma_start3A_185 = arith.constant 0 : i32
        %dma_start3A_186 = arith.constant 0 : i32
        %dma_start3A_187 = tpu.memref_slice %arg2[%dma_start3A_185, %dma_start3A_186] : memref<10240x16xf32, #tpu.memory_space<hbm>> -> memref<10240x16xf32, #tpu.memory_space<hbm>>
        tpu.enqueue_indirect_dma source(%dma_start3A_187 : memref<10240x16xf32, #tpu.memory_space<hbm>>) target(%dma_start3A_181 : memref<128x16xf32, #tpu.memory_space<vmem>>) offsets(%dma_start3A_184 : memref<128xi32, #tpu.memory_space<vmem>>) semaphore(%arg12 : memref<!tpu.dma_semaphore, #tpu.memory_space<semaphore_mem>>)
      } else {
      }
      %mul3A_150 = arith.constant 4 : i32
      %mul3A_151 = arith.muli %scan3A_81, %mul3A_150 : i32
      %add3A_152 = arith.constant 3 : i32
      %add3A_153 = arith.addi %mul3A_151, %add3A_152 : i32
      %dma_wait3A_154 = arith.constant 0 : i32
      %dma_wait3A_155 = arith.constant 3 : i32
      %dma_wait3A_156 = arith.constant 0 : i32
      %dma_wait3A_157 = arith.constant 0 : i32
      %dma_wait3A_158 = tpu.memref_slice %arg8[%dma_wait3A_155, %dma_wait3A_156, %dma_wait3A_157] : memref<4x128x16xf32, #tpu.memory_space<vmem>> -> memref<1x128x16xf32, #tpu.memory_space<vmem>>
      %dma_wait3A_159 = tpu.memref_squeeze %dma_wait3A_158 : memref<1x128x16xf32, #tpu.memory_space<vmem>> -> memref<128x16xf32, #tpu.memory_space<vmem>>
      %dma_wait3A_160 = arith.constant 0 : i32
      %dma_wait3A_161 = tpu.memref_slice %arg6[%dma_wait3A_154, %dma_wait3A_160] : memref<40x128xi32, #tpu.memory_space<vmem>> -> memref<1x128xi32, #tpu.memory_space<vmem>>
      %dma_wait3A_162 = tpu.memref_squeeze %dma_wait3A_161 : memref<1x128xi32, #tpu.memory_space<vmem>> -> memref<128xi32, #tpu.memory_space<vmem>>
      %dma_wait3A_163 = arith.constant 0 : i32
      %dma_wait3A_164 = arith.constant 0 : i32
      %dma_wait3A_165 = tpu.memref_slice %arg2[%dma_wait3A_163, %dma_wait3A_164] : memref<10240x16xf32, #tpu.memory_space<hbm>> -> memref<10240x16xf32, #tpu.memory_space<hbm>>
      tpu.wait_indirect_dma semaphore(%arg13 : memref<!tpu.dma_semaphore, #tpu.memory_space<semaphore_mem>>) src(%dma_wait3A_165 : memref<10240x16xf32, #tpu.memory_space<hbm>>) dst(%dma_wait3A_159 : memref<128x16xf32, #tpu.memory_space<vmem>>)
      %run_scoped3A_166 = arith.constant 3 : i32
      "tpu.region"() ({
        %run_scoped3A_175 = tpu.sem_alloc : memref<!tpu.dma_semaphore, #tpu.memory_space<semaphore_mem>>
        %dma_start3A_176 = arith.constant 0 : i32
        %dma_start3A_177 = arith.constant 0 : i32
        %dma_start3A_178 = tpu.memref_slice %arg8[%run_scoped3A_166, %dma_start3A_176, %dma_start3A_177] : memref<4x128x16xf32, #tpu.memory_space<vmem>> -> memref<1x128x16xf32, #tpu.memory_space<vmem>>
        %dma_start3A_179 = tpu.memref_squeeze %dma_start3A_178 : memref<1x128x16xf32, #tpu.memory_space<vmem>> -> memref<128x16xf32, #tpu.memory_space<vmem>>
        %dma_start3A_180 = arith.constant 0 : i32
        %dma_start3A_181 = tpu.memref_slice %arg7[%add3A_153, %dma_start3A_180] : memref<40x128xi32, #tpu.memory_space<vmem>> -> memref<1x128xi32, #tpu.memory_space<vmem>>
        %dma_start3A_182 = tpu.memref_squeeze %dma_start3A_181 : memref<1x128xi32, #tpu.memory_space<vmem>> -> memref<128xi32, #tpu.memory_space<vmem>>
        %dma_start3A_183 = arith.constant 0 : i32
        %dma_start3A_184 = arith.constant 0 : i32
        %dma_start3A_185 = tpu.memref_slice %arg9[%dma_start3A_183, %dma_start3A_184] : memref<10240x16xf32, #tpu.memory_space<vmem_shared>> -> memref<10240x16xf32, #tpu.memory_space<vmem_shared>>
        tpu.enqueue_indirect_dma source(%dma_start3A_179 : memref<128x16xf32, #tpu.memory_space<vmem>>) target(%dma_start3A_185 : memref<10240x16xf32, #tpu.memory_space<vmem_shared>>) offsets(%dma_start3A_182 : memref<128xi32, #tpu.memory_space<vmem>>) semaphore(%run_scoped3A_175 : memref<!tpu.dma_semaphore, #tpu.memory_space<semaphore_mem>>) {add = true}
        %dma_wait3A_186 = arith.constant 0 : i32
        %dma_wait3A_187 = arith.constant 0 : i32
        %dma_wait3A_188 = tpu.memref_slice %arg8[%run_scoped3A_166, %dma_wait3A_186, %dma_wait3A_187] : memref<4x128x16xf32, #tpu.memory_space<vmem>> -> memref<1x128x16xf32, #tpu.memory_space<vmem>>
        %dma_wait3A_189 = tpu.memref_squeeze %dma_wait3A_188 : memref<1x128x16xf32, #tpu.memory_space<vmem>> -> memref<128x16xf32, #tpu.memory_space<vmem>>
        %dma_wait3A_190 = arith.constant 0 : i32
        %dma_wait3A_191 = tpu.memref_slice %arg7[%add3A_153, %dma_wait3A_190] : memref<40x128xi32, #tpu.memory_space<vmem>> -> memref<1x128xi32, #tpu.memory_space<vmem>>
        %dma_wait3A_192 = tpu.memref_squeeze %dma_wait3A_191 : memref<1x128xi32, #tpu.memory_space<vmem>> -> memref<128xi32, #tpu.memory_space<vmem>>
        %dma_wait3A_193 = arith.constant 0 : i32
        %dma_wait3A_194 = arith.constant 0 : i32
        %dma_wait3A_195 = tpu.memref_slice %arg9[%dma_wait3A_193, %dma_wait3A_194] : memref<10240x16xf32, #tpu.memory_space<vmem_shared>> -> memref<10240x16xf32, #tpu.memory_space<vmem_shared>>
        tpu.wait_indirect_dma semaphore(%run_scoped3A_175 : memref<!tpu.dma_semaphore, #tpu.memory_space<semaphore_mem>>) src(%dma_wait3A_189 : memref<128x16xf32, #tpu.memory_space<vmem>>) dst(%dma_wait3A_195 : memref<10240x16xf32, #tpu.memory_space<vmem_shared>>)
        tpu.yield
      }) : () -> ()
      %add3A_167 = arith.constant 4 : i32
      %add3A_168 = arith.addi %add3A_153, %add3A_167 : i32
      %lt3A_169 = arith.constant 40 : i32
      %lt3A_170 = arith.cmpi slt, %add3A_168, %lt3A_169 : i32
      %convert_element_type3A_171 = arith.extui %lt3A_170 : i1 to i32
      %cond3A_172 = arith.constant 0 : i32
      %cond3A_173 = arith.cmpi ne, %convert_element_type3A_171, %cond3A_172 : i32
      scf.if %cond3A_173 {
        %add3A_175 = arith.constant 4 : i32
        %add3A_176 = arith.addi %add3A_153, %add3A_175 : i32
        %dma_start3A_177 = arith.constant 3 : i32
        %dma_start3A_178 = arith.constant 0 : i32
        %dma_start3A_179 = arith.constant 0 : i32
        %dma_start3A_180 = tpu.memref_slice %arg8[%dma_start3A_177, %dma_start3A_178, %dma_start3A_179] : memref<4x128x16xf32, #tpu.memory_space<vmem>> -> memref<1x128x16xf32, #tpu.memory_space<vmem>>
        %dma_start3A_181 = tpu.memref_squeeze %dma_start3A_180 : memref<1x128x16xf32, #tpu.memory_space<vmem>> -> memref<128x16xf32, #tpu.memory_space<vmem>>
        %dma_start3A_182 = arith.constant 0 : i32
        %dma_start3A_183 = tpu.memref_slice %arg6[%add3A_176, %dma_start3A_182] : memref<40x128xi32, #tpu.memory_space<vmem>> -> memref<1x128xi32, #tpu.memory_space<vmem>>
        %dma_start3A_184 = tpu.memref_squeeze %dma_start3A_183 : memref<1x128xi32, #tpu.memory_space<vmem>> -> memref<128xi32, #tpu.memory_space<vmem>>
        %dma_start3A_185 = arith.constant 0 : i32
        %dma_start3A_186 = arith.constant 0 : i32
        %dma_start3A_187 = tpu.memref_slice %arg2[%dma_start3A_185, %dma_start3A_186] : memref<10240x16xf32, #tpu.memory_space<hbm>> -> memref<10240x16xf32, #tpu.memory_space<hbm>>
        tpu.enqueue_indirect_dma source(%dma_start3A_187 : memref<10240x16xf32, #tpu.memory_space<hbm>>) target(%dma_start3A_181 : memref<128x16xf32, #tpu.memory_space<vmem>>) offsets(%dma_start3A_184 : memref<128xi32, #tpu.memory_space<vmem>>) semaphore(%arg13 : memref<!tpu.dma_semaphore, #tpu.memory_space<semaphore_mem>>)
      } else {
      }
      %scan3A_174 = arith.constant 0 : i32
      scf.yield %scan3A_174 : i32
    }
    %scan3A_72 = arith.constant 10 : i32
    %barrier3A_73 = arith.constant 0 : index
    tpu.barrier barrier_id(%barrier3A_73)
    %scan3A_74 = arith.constant 0 : i32
    %scan3A_75 = arith.constant 0 : i32
    %scan3A_76 = arith.constant 5 : i32
    %scan3A_77 = arith.addi %scan3A_75, %scan3A_76 : i32
    %scan3A_78 = arith.constant 1 : i32
    %scan3A_79 = scf.for %scan3A_81 = %scan3A_75 to %scan3A_77 step %scan3A_78 iter_args(%scan3A_82 = %scan3A_74) -> (i32)  : i32 {
      %mul3A_83 = arith.constant 640 : i32
      %mul3A_84 = arith.muli %arg1, %mul3A_83 : i32
      %mul3A_85 = arith.constant 128 : i32
      %mul3A_86 = arith.muli %scan3A_81, %mul3A_85 : i32
      %add3A_87 = arith.addi %mul3A_84, %mul3A_86 : i32
      %run_scoped3A = arith.constant 0 : i32
      "tpu.region"() ({
        %run_scoped3A_95 = tpu.sem_alloc : memref<!tpu.dma_semaphore, #tpu.memory_space<semaphore_mem>>
        %dma_start3A_96 = arith.constant 0 : i32
        %dma_start3A_97 = arith.constant 0 : i32
        %dma_start3A_98 = tpu.memref_slice %arg8[%run_scoped3A, %dma_start3A_96, %dma_start3A_97] : memref<4x128x16xf32, #tpu.memory_space<vmem>> -> memref<1x128x16xf32, #tpu.memory_space<vmem>>
        %dma_start3A_99 = tpu.memref_squeeze %dma_start3A_98 : memref<1x128x16xf32, #tpu.memory_space<vmem>> -> memref<128x16xf32, #tpu.memory_space<vmem>>
        %dma_start3A_100 = arith.constant 0 : i32
        %dma_start3A_101 = tpu.memref_slice %arg9[%add3A_87, %dma_start3A_100] : memref<10240x16xf32, #tpu.memory_space<vmem_shared>> -> memref<128x16xf32, #tpu.memory_space<vmem_shared>>
        %dma_start3A_102 = arith.constant 0 : i32
        %dma_start3A_103 = arith.constant 0 : i32
        %dma_start3A_104 = tpu.memref_slice %arg8[%run_scoped3A, %dma_start3A_102, %dma_start3A_103] : memref<4x128x16xf32, #tpu.memory_space<vmem>> -> memref<1x128x16xf32, #tpu.memory_space<vmem>>
        %dma_start3A_105 = tpu.memref_squeeze %dma_start3A_104 : memref<1x128x16xf32, #tpu.memory_space<vmem>> -> memref<128x16xf32, #tpu.memory_space<vmem>>
        %dma_start3A_106 = arith.constant 0 : i32
        %dma_start3A_107 = tpu.memref_slice %arg9[%add3A_87, %dma_start3A_106] : memref<10240x16xf32, #tpu.memory_space<vmem_shared>> -> memref<128x16xf32, #tpu.memory_space<vmem_shared>>
        tpu.enqueue_dma source(%dma_start3A_107 : memref<128x16xf32, #tpu.memory_space<vmem_shared>>) target(%dma_start3A_105 : memref<128x16xf32, #tpu.memory_space<vmem>>) target_semaphore(%run_scoped3A_95 : memref<!tpu.dma_semaphore, #tpu.memory_space<semaphore_mem>>)
        %dma_wait3A = arith.constant 0 : i32
        %dma_wait3A_108 = arith.constant 0 : i32
        %dma_wait3A_109 = tpu.memref_slice %arg8[%run_scoped3A, %dma_wait3A, %dma_wait3A_108] : memref<4x128x16xf32, #tpu.memory_space<vmem>> -> memref<1x128x16xf32, #tpu.memory_space<vmem>>
        %dma_wait3A_110 = tpu.memref_squeeze %dma_wait3A_109 : memref<1x128x16xf32, #tpu.memory_space<vmem>> -> memref<128x16xf32, #tpu.memory_space<vmem>>
        %dma_wait3A_111 = arith.constant 0 : i32
        %dma_wait3A_112 = tpu.memref_slice %arg9[%add3A_87, %dma_wait3A_111] : memref<10240x16xf32, #tpu.memory_space<vmem_shared>> -> memref<128x16xf32, #tpu.memory_space<vmem_shared>>
        %dma_wait3A_113 = arith.constant 0 : i32
        %dma_wait3A_114 = arith.constant 0 : i32
        %dma_wait3A_115 = tpu.memref_slice %arg8[%run_scoped3A, %dma_wait3A_113, %dma_wait3A_114] : memref<4x128x16xf32, #tpu.memory_space<vmem>> -> memref<1x128x16xf32, #tpu.memory_space<vmem>>
        %dma_wait3A_116 = tpu.memref_squeeze %dma_wait3A_115 : memref<1x128x16xf32, #tpu.memory_space<vmem>> -> memref<128x16xf32, #tpu.memory_space<vmem>>
        %dma_wait3A_117 = arith.constant 0 : i32
        %dma_wait3A_118 = tpu.memref_slice %arg9[%add3A_87, %dma_wait3A_117] : memref<10240x16xf32, #tpu.memory_space<vmem_shared>> -> memref<128x16xf32, #tpu.memory_space<vmem_shared>>
        tpu.wait_dma2 semaphore(%run_scoped3A_95 : memref<!tpu.dma_semaphore, #tpu.memory_space<semaphore_mem>>) src(%dma_wait3A_118 : memref<128x16xf32, #tpu.memory_space<vmem_shared>>) dst(%dma_wait3A_116 : memref<128x16xf32, #tpu.memory_space<vmem>>)
        tpu.yield
      }) : () -> ()
      %mul3A_88 = arith.constant 640 : i32
      %mul3A_89 = arith.muli %arg1, %mul3A_88 : i32
      %mul3A_90 = arith.constant 128 : i32
      %mul3A_91 = arith.muli %scan3A_81, %mul3A_90 : i32
      %add3A_92 = arith.addi %mul3A_89, %mul3A_91 : i32
      %run_scoped3A_93 = arith.constant 0 : i32
      "tpu.region"() ({
        %run_scoped3A_95 = tpu.sem_alloc : memref<!tpu.dma_semaphore, #tpu.memory_space<semaphore_mem>>
        %dma_start3A_96 = arith.constant 0 : i32
        %dma_start3A_97 = arith.constant 0 : i32
        %dma_start3A_98 = tpu.memref_slice %arg8[%run_scoped3A_93, %dma_start3A_96, %dma_start3A_97] : memref<4x128x16xf32, #tpu.memory_space<vmem>> -> memref<1x128x16xf32, #tpu.memory_space<vmem>>
        %dma_start3A_99 = tpu.memref_squeeze %dma_start3A_98 : memref<1x128x16xf32, #tpu.memory_space<vmem>> -> memref<128x16xf32, #tpu.memory_space<vmem>>
        %dma_start3A_100 = arith.constant 0 : i32
        %dma_start3A_101 = tpu.memref_slice %arg5[%arg0, %add3A_92, %dma_start3A_100] : memref<2x10240x16xf32, #tpu.memory_space<hbm>> -> memref<1x128x16xf32, #tpu.memory_space<hbm>>
        %dma_start3A_102 = tpu.memref_squeeze %dma_start3A_101 : memref<1x128x16xf32, #tpu.memory_space<hbm>> -> memref<128x16xf32, #tpu.memory_space<hbm>>
        %dma_start3A_103 = arith.constant 0 : i32
        %dma_start3A_104 = tpu.memref_slice %arg5[%arg0, %add3A_92, %dma_start3A_103] : memref<2x10240x16xf32, #tpu.memory_space<hbm>> -> memref<1x128x16xf32, #tpu.memory_space<hbm>>
        %dma_start3A_105 = tpu.memref_squeeze %dma_start3A_104 : memref<1x128x16xf32, #tpu.memory_space<hbm>> -> memref<128x16xf32, #tpu.memory_space<hbm>>
        %dma_start3A_106 = arith.constant 0 : i32
        %dma_start3A_107 = arith.constant 0 : i32
        %dma_start3A_108 = tpu.memref_slice %arg8[%run_scoped3A_93, %dma_start3A_106, %dma_start3A_107] : memref<4x128x16xf32, #tpu.memory_space<vmem>> -> memref<1x128x16xf32, #tpu.memory_space<vmem>>
        %dma_start3A_109 = tpu.memref_squeeze %dma_start3A_108 : memref<1x128x16xf32, #tpu.memory_space<vmem>> -> memref<128x16xf32, #tpu.memory_space<vmem>>
        tpu.enqueue_dma source(%dma_start3A_109 : memref<128x16xf32, #tpu.memory_space<vmem>>) target(%dma_start3A_105 : memref<128x16xf32, #tpu.memory_space<hbm>>) target_semaphore(%run_scoped3A_95 : memref<!tpu.dma_semaphore, #tpu.memory_space<semaphore_mem>>)
        %dma_wait3A = arith.constant 0 : i32
        %dma_wait3A_110 = arith.constant 0 : i32
        %dma_wait3A_111 = tpu.memref_slice %arg8[%run_scoped3A_93, %dma_wait3A, %dma_wait3A_110] : memref<4x128x16xf32, #tpu.memory_space<vmem>> -> memref<1x128x16xf32, #tpu.memory_space<vmem>>
        %dma_wait3A_112 = tpu.memref_squeeze %dma_wait3A_111 : memref<1x128x16xf32, #tpu.memory_space<vmem>> -> memref<128x16xf32, #tpu.memory_space<vmem>>
        %dma_wait3A_113 = arith.constant 0 : i32
        %dma_wait3A_114 = tpu.memref_slice %arg5[%arg0, %add3A_92, %dma_wait3A_113] : memref<2x10240x16xf32, #tpu.memory_space<hbm>> -> memref<1x128x16xf32, #tpu.memory_space<hbm>>
        %dma_wait3A_115 = tpu.memref_squeeze %dma_wait3A_114 : memref<1x128x16xf32, #tpu.memory_space<hbm>> -> memref<128x16xf32, #tpu.memory_space<hbm>>
        %dma_wait3A_116 = arith.constant 0 : i32
        %dma_wait3A_117 = tpu.memref_slice %arg5[%arg0, %add3A_92, %dma_wait3A_116] : memref<2x10240x16xf32, #tpu.memory_space<hbm>> -> memref<1x128x16xf32, #tpu.memory_space<hbm>>
        %dma_wait3A_118 = tpu.memref_squeeze %dma_wait3A_117 : memref<1x128x16xf32, #tpu.memory_space<hbm>> -> memref<128x16xf32, #tpu.memory_space<hbm>>
        %dma_wait3A_119 = arith.constant 0 : i32
        %dma_wait3A_120 = arith.constant 0 : i32
        %dma_wait3A_121 = tpu.memref_slice %arg8[%run_scoped3A_93, %dma_wait3A_119, %dma_wait3A_120] : memref<4x128x16xf32, #tpu.memory_space<vmem>> -> memref<1x128x16xf32, #tpu.memory_space<vmem>>
        %dma_wait3A_122 = tpu.memref_squeeze %dma_wait3A_121 : memref<1x128x16xf32, #tpu.memory_space<vmem>> -> memref<128x16xf32, #tpu.memory_space<vmem>>
        tpu.wait_dma2 semaphore(%run_scoped3A_95 : memref<!tpu.dma_semaphore, #tpu.memory_space<semaphore_mem>>) src(%dma_wait3A_122 : memref<128x16xf32, #tpu.memory_space<vmem>>) dst(%dma_wait3A_118 : memref<128x16xf32, #tpu.memory_space<hbm>>)
        tpu.yield
      }) : () -> ()
      %scan3A_94 = arith.constant 0 : i32
      scf.yield %scan3A_94 : i32
    }
    %scan3A_80 = arith.constant 5 : i32
    return
  }
}

#map = affine_map<(d0, d1) -> (0, 0)>
#map1 = affine_map<(d0, d1) -> (0, 0, 0)>
module attributes {stable_mosaic.version = 14 : i64} {
  func.func @_agg1(%arg0: i32, %arg1: i32, %arg2: memref<10240x128xf32, #tpu.memory_space<hbm>>, %arg3: memref<10240x128xf32, #tpu.memory_space<hbm>>, %arg4: memref<2560x64xi32, #tpu.memory_space<hbm>>, %arg5: memref<2560x64xi32, #tpu.memory_space<hbm>>, %arg6: memref<2x10240x128xf32, #tpu.memory_space<hbm>>, %arg7: memref<80x64xi32, #tpu.memory_space<vmem>>, %arg8: memref<80x64xi32, #tpu.memory_space<vmem>>, %arg9: memref<4x64x128xf32, #tpu.memory_space<vmem>>, %arg10: memref<10240x128xf32, #tpu.memory_space<vmem_shared>>, %arg11: memref<!tpu.dma_semaphore, #tpu.memory_space<semaphore_mem>>, %arg12: memref<!tpu.dma_semaphore, #tpu.memory_space<semaphore_mem>>, %arg13: memref<!tpu.dma_semaphore, #tpu.memory_space<semaphore_mem>>, %arg14: memref<!tpu.dma_semaphore, #tpu.memory_space<semaphore_mem>>) attributes {dimension_semantics = [#tpu.dimension_semantics<core_parallel>, #tpu.dimension_semantics<subcore_parallel>], iteration_bounds = array<i64: 2, 16>, scalar_prefetch = 0 : i64, scratch_operands = 8 : i64, tpu.core_type = #tpu.core_type<sc_vector_subcore>, window_params = [{transform_indices = #map}, {transform_indices = #map}, {transform_indices = #map}, {transform_indices = #map}, {transform_indices = #map1}]} {
    %broadcast_in_dim3A = arith.constant 0.000000e+00 : f32
    %broadcast_in_dim3A_0 = vector.broadcast %broadcast_in_dim3A : f32 to vector<16xf32>
    %scan3A = arith.constant 0 : i32
    %scan3A_1 = arith.constant 0 : i32
    %scan3A_2 = arith.constant 512 : i32
    %scan3A_3 = arith.addi %scan3A_1, %scan3A_2 : i32
    %scan3A_4 = arith.constant 1 : i32
    %scan3A_5 = scf.for %scan3A_29 = %scan3A_1 to %scan3A_3 step %scan3A_4 iter_args(%scan3A_30 = %scan3A) -> (i32)  : i32 {
      %jit3A = arith.constant 8 : i32
      %div3A = arith.divsi %scan3A_29, %jit3A : i32
      %sign3A = arith.constant 0 : i32
      %sign3A_31 = arith.cmpi sgt, %scan3A_29, %sign3A : i32
      %sign3A_32 = arith.extui %sign3A_31 : i1 to i32
      %sign3A_33 = arith.constant 0 : i32
      %sign3A_34 = arith.cmpi slt, %scan3A_29, %sign3A_33 : i32
      %sign3A_35 = arith.extui %sign3A_34 : i1 to i32
      %sign3A_36 = arith.subi %sign3A_32, %sign3A_35 : i32
      %sign3A_37 = arith.constant 0 : i32
      %sign3A_38 = arith.cmpi sgt, %jit3A, %sign3A_37 : i32
      %sign3A_39 = arith.extui %sign3A_38 : i1 to i32
      %sign3A_40 = arith.constant 0 : i32
      %sign3A_41 = arith.cmpi slt, %jit3A, %sign3A_40 : i32
      %sign3A_42 = arith.extui %sign3A_41 : i1 to i32
      %sign3A_43 = arith.subi %sign3A_39, %sign3A_42 : i32
      %ne3A = arith.cmpi ne, %sign3A_36, %sign3A_43 : i32
      %rem3A = arith.remsi %scan3A_29, %jit3A : i32
      %ne3A_44 = arith.constant 0 : i32
      %ne3A_45 = arith.cmpi ne, %rem3A, %ne3A_44 : i32
      %and3A = arith.andi %ne3A, %ne3A_45 : i1
      %sub3A = arith.constant 1 : i32
      %sub3A_46 = arith.subi %div3A, %sub3A : i32
      %select_n3A = arith.select %and3A, %sub3A_46, %div3A : i32
      %jit3A_47 = arith.constant 8 : i32
      %eq3A_48 = arith.constant 0 : i32
      %eq3A_49 = arith.cmpi eq, %jit3A_47, %eq3A_48 : i32
      %jit3A_50 = arith.constant 1 : i32
      %select_n3A_51 = arith.select %eq3A_49, %jit3A_50, %jit3A_47 : i32
      %rem3A_52 = arith.remsi %scan3A_29, %select_n3A_51 : i32
      %ne3A_53 = arith.constant 0 : i32
      %ne3A_54 = arith.cmpi ne, %rem3A_52, %ne3A_53 : i32
      %lt3A = arith.constant 0 : i32
      %lt3A_55 = arith.cmpi slt, %rem3A_52, %lt3A : i32
      %lt3A_56 = arith.constant 0 : i32
      %lt3A_57 = arith.cmpi slt, %select_n3A_51, %lt3A_56 : i32
      %ne3A_58 = arith.xori %lt3A_55, %lt3A_57 : i1
      %and3A_59 = arith.andi %ne3A_58, %ne3A_54 : i1
      %add3A = arith.addi %rem3A_52, %select_n3A_51 : i32
      %select_n3A_60 = arith.select %and3A_59, %add3A, %rem3A_52 : i32
      %mul3A = arith.constant 16 : i32
      %mul3A_61 = arith.muli %select_n3A_60, %mul3A : i32
      %swap3A = arith.constant 0 : i32
      %swap3A_62 = arith.index_cast %swap3A : i32 to index
      %swap3A_63 = arith.index_cast %select_n3A : i32 to index
      %swap3A_64 = arith.index_cast %mul3A_61 : i32 to index
      %swap3A_65 = tpu.vector_load %arg9[%swap3A_62, %swap3A_63, %swap3A_64] {strides = array<i32>} : memref<4x64x128xf32, #tpu.memory_space<vmem>>, vector<16xf32>,
      tpu.vector_store %arg9[%swap3A_62, %swap3A_63, %swap3A_64], %broadcast_in_dim3A_0 {strides = array<i32>} : memref<4x64x128xf32, #tpu.memory_space<vmem>>, vector<16xf32>,
      %scan3A_66 = arith.constant 0 : i32
      scf.yield %scan3A_66 : i32
    }
    %scan3A_6 = arith.constant 512 : i32
    %scan3A_7 = arith.constant 0 : i32
    %scan3A_8 = arith.constant 0 : i32
    %scan3A_9 = arith.constant 10 : i32
    %scan3A_10 = arith.addi %scan3A_8, %scan3A_9 : i32
    %scan3A_11 = arith.constant 1 : i32
    %scan3A_12 = scf.for %scan3A_29 = %scan3A_8 to %scan3A_10 step %scan3A_11 iter_args(%scan3A_30 = %scan3A_7) -> (i32)  : i32 {
      %mul3A = arith.constant 640 : i32
      %mul3A_31 = arith.muli %arg1, %mul3A : i32
      %mul3A_32 = arith.constant 64 : i32
      %mul3A_33 = arith.muli %scan3A_29, %mul3A_32 : i32
      %add3A = arith.addi %mul3A_31, %mul3A_33 : i32
      %run_scoped3A = arith.constant 0 : i32
      "tpu.region"() ({
        %run_scoped3A_35 = tpu.sem_alloc : memref<!tpu.dma_semaphore, #tpu.memory_space<semaphore_mem>>
        %dma_start3A = arith.constant 0 : i32
        %dma_start3A_36 = arith.constant 0 : i32
        %dma_start3A_37 = tpu.memref_slice %arg9[%run_scoped3A, %dma_start3A, %dma_start3A_36] : memref<4x64x128xf32, #tpu.memory_space<vmem>> -> memref<1x64x128xf32, #tpu.memory_space<vmem>>
        %dma_start3A_38 = tpu.memref_squeeze %dma_start3A_37 : memref<1x64x128xf32, #tpu.memory_space<vmem>> -> memref<64x128xf32, #tpu.memory_space<vmem>>
        %dma_start3A_39 = arith.constant 0 : i32
        %dma_start3A_40 = tpu.memref_slice %arg10[%add3A, %dma_start3A_39] : memref<10240x128xf32, #tpu.memory_space<vmem_shared>> -> memref<64x128xf32, #tpu.memory_space<vmem_shared>>
        %dma_start3A_41 = arith.constant 0 : i32
        %dma_start3A_42 = tpu.memref_slice %arg10[%add3A, %dma_start3A_41] : memref<10240x128xf32, #tpu.memory_space<vmem_shared>> -> memref<64x128xf32, #tpu.memory_space<vmem_shared>>
        %dma_start3A_43 = arith.constant 0 : i32
        %dma_start3A_44 = arith.constant 0 : i32
        %dma_start3A_45 = tpu.memref_slice %arg9[%run_scoped3A, %dma_start3A_43, %dma_start3A_44] : memref<4x64x128xf32, #tpu.memory_space<vmem>> -> memref<1x64x128xf32, #tpu.memory_space<vmem>>
        %dma_start3A_46 = tpu.memref_squeeze %dma_start3A_45 : memref<1x64x128xf32, #tpu.memory_space<vmem>> -> memref<64x128xf32, #tpu.memory_space<vmem>>
        tpu.enqueue_dma source(%dma_start3A_46 : memref<64x128xf32, #tpu.memory_space<vmem>>) target(%dma_start3A_42 : memref<64x128xf32, #tpu.memory_space<vmem_shared>>) target_semaphore(%run_scoped3A_35 : memref<!tpu.dma_semaphore, #tpu.memory_space<semaphore_mem>>)
        %dma_wait3A = arith.constant 0 : i32
        %dma_wait3A_47 = arith.constant 0 : i32
        %dma_wait3A_48 = tpu.memref_slice %arg9[%run_scoped3A, %dma_wait3A, %dma_wait3A_47] : memref<4x64x128xf32, #tpu.memory_space<vmem>> -> memref<1x64x128xf32, #tpu.memory_space<vmem>>
        %dma_wait3A_49 = tpu.memref_squeeze %dma_wait3A_48 : memref<1x64x128xf32, #tpu.memory_space<vmem>> -> memref<64x128xf32, #tpu.memory_space<vmem>>
        %dma_wait3A_50 = arith.constant 0 : i32
        %dma_wait3A_51 = tpu.memref_slice %arg10[%add3A, %dma_wait3A_50] : memref<10240x128xf32, #tpu.memory_space<vmem_shared>> -> memref<64x128xf32, #tpu.memory_space<vmem_shared>>
        %dma_wait3A_52 = arith.constant 0 : i32
        %dma_wait3A_53 = tpu.memref_slice %arg10[%add3A, %dma_wait3A_52] : memref<10240x128xf32, #tpu.memory_space<vmem_shared>> -> memref<64x128xf32, #tpu.memory_space<vmem_shared>>
        %dma_wait3A_54 = arith.constant 0 : i32
        %dma_wait3A_55 = arith.constant 0 : i32
        %dma_wait3A_56 = tpu.memref_slice %arg9[%run_scoped3A, %dma_wait3A_54, %dma_wait3A_55] : memref<4x64x128xf32, #tpu.memory_space<vmem>> -> memref<1x64x128xf32, #tpu.memory_space<vmem>>
        %dma_wait3A_57 = tpu.memref_squeeze %dma_wait3A_56 : memref<1x64x128xf32, #tpu.memory_space<vmem>> -> memref<64x128xf32, #tpu.memory_space<vmem>>
        tpu.wait_dma2 semaphore(%run_scoped3A_35 : memref<!tpu.dma_semaphore, #tpu.memory_space<semaphore_mem>>) src(%dma_wait3A_57 : memref<64x128xf32, #tpu.memory_space<vmem>>) dst(%dma_wait3A_53 : memref<64x128xf32, #tpu.memory_space<vmem_shared>>)
        tpu.yield
      }) : () -> ()
      %scan3A_34 = arith.constant 0 : i32
      scf.yield %scan3A_34 : i32
    }
    %scan3A_13 = arith.constant 10 : i32
    %barrier3A = arith.constant 0 : index
    tpu.barrier barrier_id(%barrier3A)
    %eq3A = arith.constant 0 : i32
    %eq3A_14 = arith.cmpi eq, %arg0, %eq3A : i32
    %convert_element_type3A = arith.extui %eq3A_14 : i1 to i32
    %cond3A = arith.constant 0 : i32
    %cond3A_15 = arith.cmpi ne, %convert_element_type3A, %cond3A : i32
    scf.if %cond3A_15 {
      %mul3A = arith.constant 160 : i32
      %mul3A_29 = arith.muli %arg1, %mul3A : i32
      %add3A = arith.constant 0 : i32
      %add3A_30 = arith.addi %mul3A_29, %add3A : i32
      "tpu.region"() ({
        %run_scoped3A = tpu.sem_alloc : memref<!tpu.dma_semaphore, #tpu.memory_space<semaphore_mem>>
        %dma_start3A_144 = arith.constant 0 : i32
        %dma_start3A_145 = tpu.memref_slice %arg4[%add3A_30, %dma_start3A_144] : memref<2560x64xi32, #tpu.memory_space<hbm>> -> memref<80x64xi32, #tpu.memory_space<hbm>>
        %dma_start3A_146 = arith.constant 0 : i32
        %dma_start3A_147 = tpu.memref_slice %arg4[%add3A_30, %dma_start3A_146] : memref<2560x64xi32, #tpu.memory_space<hbm>> -> memref<80x64xi32, #tpu.memory_space<hbm>>
        tpu.enqueue_dma source(%dma_start3A_147 : memref<80x64xi32, #tpu.memory_space<hbm>>) target(%arg7 : memref<80x64xi32, #tpu.memory_space<vmem>>) target_semaphore(%run_scoped3A : memref<!tpu.dma_semaphore, #tpu.memory_space<semaphore_mem>>)
        %dma_wait3A = arith.constant 0 : i32
        %dma_wait3A_148 = tpu.memref_slice %arg4[%add3A_30, %dma_wait3A] : memref<2560x64xi32, #tpu.memory_space<hbm>> -> memref<80x64xi32, #tpu.memory_space<hbm>>
        %dma_wait3A_149 = arith.constant 0 : i32
        %dma_wait3A_150 = tpu.memref_slice %arg4[%add3A_30, %dma_wait3A_149] : memref<2560x64xi32, #tpu.memory_space<hbm>> -> memref<80x64xi32, #tpu.memory_space<hbm>>
        tpu.wait_dma2 semaphore(%run_scoped3A : memref<!tpu.dma_semaphore, #tpu.memory_space<semaphore_mem>>) src(%dma_wait3A_150 : memref<80x64xi32, #tpu.memory_space<hbm>>) dst(%arg7 : memref<80x64xi32, #tpu.memory_space<vmem>>)
        tpu.yield
      }) : () -> ()
      "tpu.region"() ({
        %run_scoped3A = tpu.sem_alloc : memref<!tpu.dma_semaphore, #tpu.memory_space<semaphore_mem>>
        %dma_start3A_144 = arith.constant 0 : i32
        %dma_start3A_145 = tpu.memref_slice %arg5[%add3A_30, %dma_start3A_144] : memref<2560x64xi32, #tpu.memory_space<hbm>> -> memref<80x64xi32, #tpu.memory_space<hbm>>
        %dma_start3A_146 = arith.constant 0 : i32
        %dma_start3A_147 = tpu.memref_slice %arg5[%add3A_30, %dma_start3A_146] : memref<2560x64xi32, #tpu.memory_space<hbm>> -> memref<80x64xi32, #tpu.memory_space<hbm>>
        tpu.enqueue_dma source(%dma_start3A_147 : memref<80x64xi32, #tpu.memory_space<hbm>>) target(%arg8 : memref<80x64xi32, #tpu.memory_space<vmem>>) target_semaphore(%run_scoped3A : memref<!tpu.dma_semaphore, #tpu.memory_space<semaphore_mem>>)
        %dma_wait3A = arith.constant 0 : i32
        %dma_wait3A_148 = tpu.memref_slice %arg5[%add3A_30, %dma_wait3A] : memref<2560x64xi32, #tpu.memory_space<hbm>> -> memref<80x64xi32, #tpu.memory_space<hbm>>
        %dma_wait3A_149 = arith.constant 0 : i32
        %dma_wait3A_150 = tpu.memref_slice %arg5[%add3A_30, %dma_wait3A_149] : memref<2560x64xi32, #tpu.memory_space<hbm>> -> memref<80x64xi32, #tpu.memory_space<hbm>>
        tpu.wait_dma2 semaphore(%run_scoped3A : memref<!tpu.dma_semaphore, #tpu.memory_space<semaphore_mem>>) src(%dma_wait3A_150 : memref<80x64xi32, #tpu.memory_space<hbm>>) dst(%arg8 : memref<80x64xi32, #tpu.memory_space<vmem>>)
        tpu.yield
      }) : () -> ()
      %dma_start3A = arith.constant 0 : i32
      %dma_start3A_31 = arith.constant 0 : i32
      %dma_start3A_32 = arith.constant 0 : i32
      %dma_start3A_33 = arith.constant 0 : i32
      %dma_start3A_34 = tpu.memref_slice %arg9[%dma_start3A_31, %dma_start3A_32, %dma_start3A_33] : memref<4x64x128xf32, #tpu.memory_space<vmem>> -> memref<1x64x128xf32, #tpu.memory_space<vmem>>
      %dma_start3A_35 = tpu.memref_squeeze %dma_start3A_34 : memref<1x64x128xf32, #tpu.memory_space<vmem>> -> memref<64x128xf32, #tpu.memory_space<vmem>>
      %dma_start3A_36 = arith.constant 0 : i32
      %dma_start3A_37 = tpu.memref_slice %arg7[%dma_start3A, %dma_start3A_36] : memref<80x64xi32, #tpu.memory_space<vmem>> -> memref<1x64xi32, #tpu.memory_space<vmem>>
      %dma_start3A_38 = tpu.memref_squeeze %dma_start3A_37 : memref<1x64xi32, #tpu.memory_space<vmem>> -> memref<64xi32, #tpu.memory_space<vmem>>
      %dma_start3A_39 = arith.constant 0 : i32
      %dma_start3A_40 = arith.constant 0 : i32
      %dma_start3A_41 = tpu.memref_slice %arg2[%dma_start3A_39, %dma_start3A_40] : memref<10240x128xf32, #tpu.memory_space<hbm>> -> memref<10240x128xf32, #tpu.memory_space<hbm>>
      tpu.enqueue_indirect_dma source(%dma_start3A_41 : memref<10240x128xf32, #tpu.memory_space<hbm>>) target(%dma_start3A_35 : memref<64x128xf32, #tpu.memory_space<vmem>>) offsets(%dma_start3A_38 : memref<64xi32, #tpu.memory_space<vmem>>) semaphore(%arg11 : memref<!tpu.dma_semaphore, #tpu.memory_space<semaphore_mem>>)
      %dma_start3A_42 = arith.constant 1 : i32
      %dma_start3A_43 = arith.constant 1 : i32
      %dma_start3A_44 = arith.constant 0 : i32
      %dma_start3A_45 = arith.constant 0 : i32
      %dma_start3A_46 = tpu.memref_slice %arg9[%dma_start3A_43, %dma_start3A_44, %dma_start3A_45] : memref<4x64x128xf32, #tpu.memory_space<vmem>> -> memref<1x64x128xf32, #tpu.memory_space<vmem>>
      %dma_start3A_47 = tpu.memref_squeeze %dma_start3A_46 : memref<1x64x128xf32, #tpu.memory_space<vmem>> -> memref<64x128xf32, #tpu.memory_space<vmem>>
      %dma_start3A_48 = arith.constant 0 : i32
      %dma_start3A_49 = tpu.memref_slice %arg7[%dma_start3A_42, %dma_start3A_48] : memref<80x64xi32, #tpu.memory_space<vmem>> -> memref<1x64xi32, #tpu.memory_space<vmem>>
      %dma_start3A_50 = tpu.memref_squeeze %dma_start3A_49 : memref<1x64xi32, #tpu.memory_space<vmem>> -> memref<64xi32, #tpu.memory_space<vmem>>
      %dma_start3A_51 = arith.constant 0 : i32
      %dma_start3A_52 = arith.constant 0 : i32
      %dma_start3A_53 = tpu.memref_slice %arg2[%dma_start3A_51, %dma_start3A_52] : memref<10240x128xf32, #tpu.memory_space<hbm>> -> memref<10240x128xf32, #tpu.memory_space<hbm>>
      tpu.enqueue_indirect_dma source(%dma_start3A_53 : memref<10240x128xf32, #tpu.memory_space<hbm>>) target(%dma_start3A_47 : memref<64x128xf32, #tpu.memory_space<vmem>>) offsets(%dma_start3A_50 : memref<64xi32, #tpu.memory_space<vmem>>) semaphore(%arg12 : memref<!tpu.dma_semaphore, #tpu.memory_space<semaphore_mem>>)
      %dma_start3A_54 = arith.constant 2 : i32
      %dma_start3A_55 = arith.constant 2 : i32
      %dma_start3A_56 = arith.constant 0 : i32
      %dma_start3A_57 = arith.constant 0 : i32
      %dma_start3A_58 = tpu.memref_slice %arg9[%dma_start3A_55, %dma_start3A_56, %dma_start3A_57] : memref<4x64x128xf32, #tpu.memory_space<vmem>> -> memref<1x64x128xf32, #tpu.memory_space<vmem>>
      %dma_start3A_59 = tpu.memref_squeeze %dma_start3A_58 : memref<1x64x128xf32, #tpu.memory_space<vmem>> -> memref<64x128xf32, #tpu.memory_space<vmem>>
      %dma_start3A_60 = arith.constant 0 : i32
      %dma_start3A_61 = tpu.memref_slice %arg7[%dma_start3A_54, %dma_start3A_60] : memref<80x64xi32, #tpu.memory_space<vmem>> -> memref<1x64xi32, #tpu.memory_space<vmem>>
      %dma_start3A_62 = tpu.memref_squeeze %dma_start3A_61 : memref<1x64xi32, #tpu.memory_space<vmem>> -> memref<64xi32, #tpu.memory_space<vmem>>
      %dma_start3A_63 = arith.constant 0 : i32
      %dma_start3A_64 = arith.constant 0 : i32
      %dma_start3A_65 = tpu.memref_slice %arg2[%dma_start3A_63, %dma_start3A_64] : memref<10240x128xf32, #tpu.memory_space<hbm>> -> memref<10240x128xf32, #tpu.memory_space<hbm>>
      tpu.enqueue_indirect_dma source(%dma_start3A_65 : memref<10240x128xf32, #tpu.memory_space<hbm>>) target(%dma_start3A_59 : memref<64x128xf32, #tpu.memory_space<vmem>>) offsets(%dma_start3A_62 : memref<64xi32, #tpu.memory_space<vmem>>) semaphore(%arg13 : memref<!tpu.dma_semaphore, #tpu.memory_space<semaphore_mem>>)
      %dma_start3A_66 = arith.constant 3 : i32
      %dma_start3A_67 = arith.constant 3 : i32
      %dma_start3A_68 = arith.constant 0 : i32
      %dma_start3A_69 = arith.constant 0 : i32
      %dma_start3A_70 = tpu.memref_slice %arg9[%dma_start3A_67, %dma_start3A_68, %dma_start3A_69] : memref<4x64x128xf32, #tpu.memory_space<vmem>> -> memref<1x64x128xf32, #tpu.memory_space<vmem>>
      %dma_start3A_71 = tpu.memref_squeeze %dma_start3A_70 : memref<1x64x128xf32, #tpu.memory_space<vmem>> -> memref<64x128xf32, #tpu.memory_space<vmem>>
      %dma_start3A_72 = arith.constant 0 : i32
      %dma_start3A_73 = tpu.memref_slice %arg7[%dma_start3A_66, %dma_start3A_72] : memref<80x64xi32, #tpu.memory_space<vmem>> -> memref<1x64xi32, #tpu.memory_space<vmem>>
      %dma_start3A_74 = tpu.memref_squeeze %dma_start3A_73 : memref<1x64xi32, #tpu.memory_space<vmem>> -> memref<64xi32, #tpu.memory_space<vmem>>
      %dma_start3A_75 = arith.constant 0 : i32
      %dma_start3A_76 = arith.constant 0 : i32
      %dma_start3A_77 = tpu.memref_slice %arg2[%dma_start3A_75, %dma_start3A_76] : memref<10240x128xf32, #tpu.memory_space<hbm>> -> memref<10240x128xf32, #tpu.memory_space<hbm>>
      tpu.enqueue_indirect_dma source(%dma_start3A_77 : memref<10240x128xf32, #tpu.memory_space<hbm>>) target(%dma_start3A_71 : memref<64x128xf32, #tpu.memory_space<vmem>>) offsets(%dma_start3A_74 : memref<64xi32, #tpu.memory_space<vmem>>) semaphore(%arg14 : memref<!tpu.dma_semaphore, #tpu.memory_space<semaphore_mem>>)
      %scan3A_78 = arith.constant 0 : i32
      %scan3A_79 = arith.constant 0 : i32
      %scan3A_80 = arith.constant 20 : i32
      %scan3A_81 = arith.addi %scan3A_79, %scan3A_80 : i32
      %scan3A_82 = arith.constant 1 : i32
      %scan3A_83 = scf.for %scan3A_144 = %scan3A_79 to %scan3A_81 step %scan3A_82 iter_args(%scan3A_145 = %scan3A_78) -> (i32)  : i32 {
        %mul3A_146 = arith.constant 4 : i32
        %mul3A_147 = arith.muli %scan3A_144, %mul3A_146 : i32
        %add3A_148 = arith.constant 0 : i32
        %add3A_149 = arith.addi %mul3A_147, %add3A_148 : i32
        %dma_wait3A = arith.constant 0 : i32
        %dma_wait3A_150 = arith.constant 0 : i32
        %dma_wait3A_151 = arith.constant 0 : i32
        %dma_wait3A_152 = arith.constant 0 : i32
        %dma_wait3A_153 = tpu.memref_slice %arg9[%dma_wait3A_150, %dma_wait3A_151, %dma_wait3A_152] : memref<4x64x128xf32, #tpu.memory_space<vmem>> -> memref<1x64x128xf32, #tpu.memory_space<vmem>>
        %dma_wait3A_154 = tpu.memref_squeeze %dma_wait3A_153 : memref<1x64x128xf32, #tpu.memory_space<vmem>> -> memref<64x128xf32, #tpu.memory_space<vmem>>
        %dma_wait3A_155 = arith.constant 0 : i32
        %dma_wait3A_156 = tpu.memref_slice %arg7[%dma_wait3A, %dma_wait3A_155] : memref<80x64xi32, #tpu.memory_space<vmem>> -> memref<1x64xi32, #tpu.memory_space<vmem>>
        %dma_wait3A_157 = tpu.memref_squeeze %dma_wait3A_156 : memref<1x64xi32, #tpu.memory_space<vmem>> -> memref<64xi32, #tpu.memory_space<vmem>>
        %dma_wait3A_158 = arith.constant 0 : i32
        %dma_wait3A_159 = arith.constant 0 : i32
        %dma_wait3A_160 = tpu.memref_slice %arg2[%dma_wait3A_158, %dma_wait3A_159] : memref<10240x128xf32, #tpu.memory_space<hbm>> -> memref<10240x128xf32, #tpu.memory_space<hbm>>
        tpu.wait_indirect_dma semaphore(%arg11 : memref<!tpu.dma_semaphore, #tpu.memory_space<semaphore_mem>>) src(%dma_wait3A_160 : memref<10240x128xf32, #tpu.memory_space<hbm>>) dst(%dma_wait3A_154 : memref<64x128xf32, #tpu.memory_space<vmem>>)
        %run_scoped3A = arith.constant 0 : i32
        "tpu.region"() ({
          %run_scoped3A_240 = tpu.sem_alloc : memref<!tpu.dma_semaphore, #tpu.memory_space<semaphore_mem>>
          %dma_start3A_241 = arith.constant 0 : i32
          %dma_start3A_242 = arith.constant 0 : i32
          %dma_start3A_243 = tpu.memref_slice %arg9[%run_scoped3A, %dma_start3A_241, %dma_start3A_242] : memref<4x64x128xf32, #tpu.memory_space<vmem>> -> memref<1x64x128xf32, #tpu.memory_space<vmem>>
          %dma_start3A_244 = tpu.memref_squeeze %dma_start3A_243 : memref<1x64x128xf32, #tpu.memory_space<vmem>> -> memref<64x128xf32, #tpu.memory_space<vmem>>
          %dma_start3A_245 = arith.constant 0 : i32
          %dma_start3A_246 = tpu.memref_slice %arg8[%add3A_149, %dma_start3A_245] : memref<80x64xi32, #tpu.memory_space<vmem>> -> memref<1x64xi32, #tpu.memory_space<vmem>>
          %dma_start3A_247 = tpu.memref_squeeze %dma_start3A_246 : memref<1x64xi32, #tpu.memory_space<vmem>> -> memref<64xi32, #tpu.memory_space<vmem>>
          %dma_start3A_248 = arith.constant 0 : i32
          %dma_start3A_249 = arith.constant 0 : i32
          %dma_start3A_250 = tpu.memref_slice %arg10[%dma_start3A_248, %dma_start3A_249] : memref<10240x128xf32, #tpu.memory_space<vmem_shared>> -> memref<10240x128xf32, #tpu.memory_space<vmem_shared>>
          tpu.enqueue_indirect_dma source(%dma_start3A_244 : memref<64x128xf32, #tpu.memory_space<vmem>>) target(%dma_start3A_250 : memref<10240x128xf32, #tpu.memory_space<vmem_shared>>) offsets(%dma_start3A_247 : memref<64xi32, #tpu.memory_space<vmem>>) semaphore(%run_scoped3A_240 : memref<!tpu.dma_semaphore, #tpu.memory_space<semaphore_mem>>) {add = true}
          %dma_wait3A_251 = arith.constant 0 : i32
          %dma_wait3A_252 = arith.constant 0 : i32
          %dma_wait3A_253 = tpu.memref_slice %arg9[%run_scoped3A, %dma_wait3A_251, %dma_wait3A_252] : memref<4x64x128xf32, #tpu.memory_space<vmem>> -> memref<1x64x128xf32, #tpu.memory_space<vmem>>
          %dma_wait3A_254 = tpu.memref_squeeze %dma_wait3A_253 : memref<1x64x128xf32, #tpu.memory_space<vmem>> -> memref<64x128xf32, #tpu.memory_space<vmem>>
          %dma_wait3A_255 = arith.constant 0 : i32
          %dma_wait3A_256 = tpu.memref_slice %arg8[%add3A_149, %dma_wait3A_255] : memref<80x64xi32, #tpu.memory_space<vmem>> -> memref<1x64xi32, #tpu.memory_space<vmem>>
          %dma_wait3A_257 = tpu.memref_squeeze %dma_wait3A_256 : memref<1x64xi32, #tpu.memory_space<vmem>> -> memref<64xi32, #tpu.memory_space<vmem>>
          %dma_wait3A_258 = arith.constant 0 : i32
          %dma_wait3A_259 = arith.constant 0 : i32
          %dma_wait3A_260 = tpu.memref_slice %arg10[%dma_wait3A_258, %dma_wait3A_259] : memref<10240x128xf32, #tpu.memory_space<vmem_shared>> -> memref<10240x128xf32, #tpu.memory_space<vmem_shared>>
          tpu.wait_indirect_dma semaphore(%run_scoped3A_240 : memref<!tpu.dma_semaphore, #tpu.memory_space<semaphore_mem>>) src(%dma_wait3A_254 : memref<64x128xf32, #tpu.memory_space<vmem>>) dst(%dma_wait3A_260 : memref<10240x128xf32, #tpu.memory_space<vmem_shared>>)
          tpu.yield
        }) : () -> ()
        %add3A_161 = arith.constant 4 : i32
        %add3A_162 = arith.addi %add3A_149, %add3A_161 : i32
        %lt3A = arith.constant 80 : i32
        %lt3A_163 = arith.cmpi slt, %add3A_162, %lt3A : i32
        %convert_element_type3A_164 = arith.extui %lt3A_163 : i1 to i32
        %cond3A_165 = arith.constant 0 : i32
        %cond3A_166 = arith.cmpi ne, %convert_element_type3A_164, %cond3A_165 : i32
        scf.if %cond3A_166 {
          %add3A_240 = arith.constant 4 : i32
          %add3A_241 = arith.addi %add3A_149, %add3A_240 : i32
          %dma_start3A_242 = arith.constant 0 : i32
          %dma_start3A_243 = arith.constant 0 : i32
          %dma_start3A_244 = arith.constant 0 : i32
          %dma_start3A_245 = tpu.memref_slice %arg9[%dma_start3A_242, %dma_start3A_243, %dma_start3A_244] : memref<4x64x128xf32, #tpu.memory_space<vmem>> -> memref<1x64x128xf32, #tpu.memory_space<vmem>>
          %dma_start3A_246 = tpu.memref_squeeze %dma_start3A_245 : memref<1x64x128xf32, #tpu.memory_space<vmem>> -> memref<64x128xf32, #tpu.memory_space<vmem>>
          %dma_start3A_247 = arith.constant 0 : i32
          %dma_start3A_248 = tpu.memref_slice %arg7[%add3A_241, %dma_start3A_247] : memref<80x64xi32, #tpu.memory_space<vmem>> -> memref<1x64xi32, #tpu.memory_space<vmem>>
          %dma_start3A_249 = tpu.memref_squeeze %dma_start3A_248 : memref<1x64xi32, #tpu.memory_space<vmem>> -> memref<64xi32, #tpu.memory_space<vmem>>
          %dma_start3A_250 = arith.constant 0 : i32
          %dma_start3A_251 = arith.constant 0 : i32
          %dma_start3A_252 = tpu.memref_slice %arg2[%dma_start3A_250, %dma_start3A_251] : memref<10240x128xf32, #tpu.memory_space<hbm>> -> memref<10240x128xf32, #tpu.memory_space<hbm>>
          tpu.enqueue_indirect_dma source(%dma_start3A_252 : memref<10240x128xf32, #tpu.memory_space<hbm>>) target(%dma_start3A_246 : memref<64x128xf32, #tpu.memory_space<vmem>>) offsets(%dma_start3A_249 : memref<64xi32, #tpu.memory_space<vmem>>) semaphore(%arg11 : memref<!tpu.dma_semaphore, #tpu.memory_space<semaphore_mem>>)
        } else {
        }
        %mul3A_167 = arith.constant 4 : i32
        %mul3A_168 = arith.muli %scan3A_144, %mul3A_167 : i32
        %add3A_169 = arith.constant 1 : i32
        %add3A_170 = arith.addi %mul3A_168, %add3A_169 : i32
        %dma_wait3A_171 = arith.constant 0 : i32
        %dma_wait3A_172 = arith.constant 1 : i32
        %dma_wait3A_173 = arith.constant 0 : i32
        %dma_wait3A_174 = arith.constant 0 : i32
        %dma_wait3A_175 = tpu.memref_slice %arg9[%dma_wait3A_172, %dma_wait3A_173, %dma_wait3A_174] : memref<4x64x128xf32, #tpu.memory_space<vmem>> -> memref<1x64x128xf32, #tpu.memory_space<vmem>>
        %dma_wait3A_176 = tpu.memref_squeeze %dma_wait3A_175 : memref<1x64x128xf32, #tpu.memory_space<vmem>> -> memref<64x128xf32, #tpu.memory_space<vmem>>
        %dma_wait3A_177 = arith.constant 0 : i32
        %dma_wait3A_178 = tpu.memref_slice %arg7[%dma_wait3A_171, %dma_wait3A_177] : memref<80x64xi32, #tpu.memory_space<vmem>> -> memref<1x64xi32, #tpu.memory_space<vmem>>
        %dma_wait3A_179 = tpu.memref_squeeze %dma_wait3A_178 : memref<1x64xi32, #tpu.memory_space<vmem>> -> memref<64xi32, #tpu.memory_space<vmem>>
        %dma_wait3A_180 = arith.constant 0 : i32
        %dma_wait3A_181 = arith.constant 0 : i32
        %dma_wait3A_182 = tpu.memref_slice %arg2[%dma_wait3A_180, %dma_wait3A_181] : memref<10240x128xf32, #tpu.memory_space<hbm>> -> memref<10240x128xf32, #tpu.memory_space<hbm>>
        tpu.wait_indirect_dma semaphore(%arg12 : memref<!tpu.dma_semaphore, #tpu.memory_space<semaphore_mem>>) src(%dma_wait3A_182 : memref<10240x128xf32, #tpu.memory_space<hbm>>) dst(%dma_wait3A_176 : memref<64x128xf32, #tpu.memory_space<vmem>>)
        %run_scoped3A_183 = arith.constant 1 : i32
        "tpu.region"() ({
          %run_scoped3A_240 = tpu.sem_alloc : memref<!tpu.dma_semaphore, #tpu.memory_space<semaphore_mem>>
          %dma_start3A_241 = arith.constant 0 : i32
          %dma_start3A_242 = arith.constant 0 : i32
          %dma_start3A_243 = tpu.memref_slice %arg9[%run_scoped3A_183, %dma_start3A_241, %dma_start3A_242] : memref<4x64x128xf32, #tpu.memory_space<vmem>> -> memref<1x64x128xf32, #tpu.memory_space<vmem>>
          %dma_start3A_244 = tpu.memref_squeeze %dma_start3A_243 : memref<1x64x128xf32, #tpu.memory_space<vmem>> -> memref<64x128xf32, #tpu.memory_space<vmem>>
          %dma_start3A_245 = arith.constant 0 : i32
          %dma_start3A_246 = tpu.memref_slice %arg8[%add3A_170, %dma_start3A_245] : memref<80x64xi32, #tpu.memory_space<vmem>> -> memref<1x64xi32, #tpu.memory_space<vmem>>
          %dma_start3A_247 = tpu.memref_squeeze %dma_start3A_246 : memref<1x64xi32, #tpu.memory_space<vmem>> -> memref<64xi32, #tpu.memory_space<vmem>>
          %dma_start3A_248 = arith.constant 0 : i32
          %dma_start3A_249 = arith.constant 0 : i32
          %dma_start3A_250 = tpu.memref_slice %arg10[%dma_start3A_248, %dma_start3A_249] : memref<10240x128xf32, #tpu.memory_space<vmem_shared>> -> memref<10240x128xf32, #tpu.memory_space<vmem_shared>>
          tpu.enqueue_indirect_dma source(%dma_start3A_244 : memref<64x128xf32, #tpu.memory_space<vmem>>) target(%dma_start3A_250 : memref<10240x128xf32, #tpu.memory_space<vmem_shared>>) offsets(%dma_start3A_247 : memref<64xi32, #tpu.memory_space<vmem>>) semaphore(%run_scoped3A_240 : memref<!tpu.dma_semaphore, #tpu.memory_space<semaphore_mem>>) {add = true}
          %dma_wait3A_251 = arith.constant 0 : i32
          %dma_wait3A_252 = arith.constant 0 : i32
          %dma_wait3A_253 = tpu.memref_slice %arg9[%run_scoped3A_183, %dma_wait3A_251, %dma_wait3A_252] : memref<4x64x128xf32, #tpu.memory_space<vmem>> -> memref<1x64x128xf32, #tpu.memory_space<vmem>>
          %dma_wait3A_254 = tpu.memref_squeeze %dma_wait3A_253 : memref<1x64x128xf32, #tpu.memory_space<vmem>> -> memref<64x128xf32, #tpu.memory_space<vmem>>
          %dma_wait3A_255 = arith.constant 0 : i32
          %dma_wait3A_256 = tpu.memref_slice %arg8[%add3A_170, %dma_wait3A_255] : memref<80x64xi32, #tpu.memory_space<vmem>> -> memref<1x64xi32, #tpu.memory_space<vmem>>
          %dma_wait3A_257 = tpu.memref_squeeze %dma_wait3A_256 : memref<1x64xi32, #tpu.memory_space<vmem>> -> memref<64xi32, #tpu.memory_space<vmem>>
          %dma_wait3A_258 = arith.constant 0 : i32
          %dma_wait3A_259 = arith.constant 0 : i32
          %dma_wait3A_260 = tpu.memref_slice %arg10[%dma_wait3A_258, %dma_wait3A_259] : memref<10240x128xf32, #tpu.memory_space<vmem_shared>> -> memref<10240x128xf32, #tpu.memory_space<vmem_shared>>
          tpu.wait_indirect_dma semaphore(%run_scoped3A_240 : memref<!tpu.dma_semaphore, #tpu.memory_space<semaphore_mem>>) src(%dma_wait3A_254 : memref<64x128xf32, #tpu.memory_space<vmem>>) dst(%dma_wait3A_260 : memref<10240x128xf32, #tpu.memory_space<vmem_shared>>)
          tpu.yield
        }) : () -> ()
        %add3A_184 = arith.constant 4 : i32
        %add3A_185 = arith.addi %add3A_170, %add3A_184 : i32
        %lt3A_186 = arith.constant 80 : i32
        %lt3A_187 = arith.cmpi slt, %add3A_185, %lt3A_186 : i32
        %convert_element_type3A_188 = arith.extui %lt3A_187 : i1 to i32
        %cond3A_189 = arith.constant 0 : i32
        %cond3A_190 = arith.cmpi ne, %convert_element_type3A_188, %cond3A_189 : i32
        scf.if %cond3A_190 {
          %add3A_240 = arith.constant 4 : i32
          %add3A_241 = arith.addi %add3A_170, %add3A_240 : i32
          %dma_start3A_242 = arith.constant 1 : i32
          %dma_start3A_243 = arith.constant 0 : i32
          %dma_start3A_244 = arith.constant 0 : i32
          %dma_start3A_245 = tpu.memref_slice %arg9[%dma_start3A_242, %dma_start3A_243, %dma_start3A_244] : memref<4x64x128xf32, #tpu.memory_space<vmem>> -> memref<1x64x128xf32, #tpu.memory_space<vmem>>
          %dma_start3A_246 = tpu.memref_squeeze %dma_start3A_245 : memref<1x64x128xf32, #tpu.memory_space<vmem>> -> memref<64x128xf32, #tpu.memory_space<vmem>>
          %dma_start3A_247 = arith.constant 0 : i32
          %dma_start3A_248 = tpu.memref_slice %arg7[%add3A_241, %dma_start3A_247] : memref<80x64xi32, #tpu.memory_space<vmem>> -> memref<1x64xi32, #tpu.memory_space<vmem>>
          %dma_start3A_249 = tpu.memref_squeeze %dma_start3A_248 : memref<1x64xi32, #tpu.memory_space<vmem>> -> memref<64xi32, #tpu.memory_space<vmem>>
          %dma_start3A_250 = arith.constant 0 : i32
          %dma_start3A_251 = arith.constant 0 : i32
          %dma_start3A_252 = tpu.memref_slice %arg2[%dma_start3A_250, %dma_start3A_251] : memref<10240x128xf32, #tpu.memory_space<hbm>> -> memref<10240x128xf32, #tpu.memory_space<hbm>>
          tpu.enqueue_indirect_dma source(%dma_start3A_252 : memref<10240x128xf32, #tpu.memory_space<hbm>>) target(%dma_start3A_246 : memref<64x128xf32, #tpu.memory_space<vmem>>) offsets(%dma_start3A_249 : memref<64xi32, #tpu.memory_space<vmem>>) semaphore(%arg12 : memref<!tpu.dma_semaphore, #tpu.memory_space<semaphore_mem>>)
        } else {
        }
        %mul3A_191 = arith.constant 4 : i32
        %mul3A_192 = arith.muli %scan3A_144, %mul3A_191 : i32
        %add3A_193 = arith.constant 2 : i32
        %add3A_194 = arith.addi %mul3A_192, %add3A_193 : i32
        %dma_wait3A_195 = arith.constant 0 : i32
        %dma_wait3A_196 = arith.constant 2 : i32
        %dma_wait3A_197 = arith.constant 0 : i32
        %dma_wait3A_198 = arith.constant 0 : i32
        %dma_wait3A_199 = tpu.memref_slice %arg9[%dma_wait3A_196, %dma_wait3A_197, %dma_wait3A_198] : memref<4x64x128xf32, #tpu.memory_space<vmem>> -> memref<1x64x128xf32, #tpu.memory_space<vmem>>
        %dma_wait3A_200 = tpu.memref_squeeze %dma_wait3A_199 : memref<1x64x128xf32, #tpu.memory_space<vmem>> -> memref<64x128xf32, #tpu.memory_space<vmem>>
        %dma_wait3A_201 = arith.constant 0 : i32
        %dma_wait3A_202 = tpu.memref_slice %arg7[%dma_wait3A_195, %dma_wait3A_201] : memref<80x64xi32, #tpu.memory_space<vmem>> -> memref<1x64xi32, #tpu.memory_space<vmem>>
        %dma_wait3A_203 = tpu.memref_squeeze %dma_wait3A_202 : memref<1x64xi32, #tpu.memory_space<vmem>> -> memref<64xi32, #tpu.memory_space<vmem>>
        %dma_wait3A_204 = arith.constant 0 : i32
        %dma_wait3A_205 = arith.constant 0 : i32
        %dma_wait3A_206 = tpu.memref_slice %arg2[%dma_wait3A_204, %dma_wait3A_205] : memref<10240x128xf32, #tpu.memory_space<hbm>> -> memref<10240x128xf32, #tpu.memory_space<hbm>>
        tpu.wait_indirect_dma semaphore(%arg13 : memref<!tpu.dma_semaphore, #tpu.memory_space<semaphore_mem>>) src(%dma_wait3A_206 : memref<10240x128xf32, #tpu.memory_space<hbm>>) dst(%dma_wait3A_200 : memref<64x128xf32, #tpu.memory_space<vmem>>)
        %run_scoped3A_207 = arith.constant 2 : i32
        "tpu.region"() ({
          %run_scoped3A_240 = tpu.sem_alloc : memref<!tpu.dma_semaphore, #tpu.memory_space<semaphore_mem>>
          %dma_start3A_241 = arith.constant 0 : i32
          %dma_start3A_242 = arith.constant 0 : i32
          %dma_start3A_243 = tpu.memref_slice %arg9[%run_scoped3A_207, %dma_start3A_241, %dma_start3A_242] : memref<4x64x128xf32, #tpu.memory_space<vmem>> -> memref<1x64x128xf32, #tpu.memory_space<vmem>>
          %dma_start3A_244 = tpu.memref_squeeze %dma_start3A_243 : memref<1x64x128xf32, #tpu.memory_space<vmem>> -> memref<64x128xf32, #tpu.memory_space<vmem>>
          %dma_start3A_245 = arith.constant 0 : i32
          %dma_start3A_246 = tpu.memref_slice %arg8[%add3A_194, %dma_start3A_245] : memref<80x64xi32, #tpu.memory_space<vmem>> -> memref<1x64xi32, #tpu.memory_space<vmem>>
          %dma_start3A_247 = tpu.memref_squeeze %dma_start3A_246 : memref<1x64xi32, #tpu.memory_space<vmem>> -> memref<64xi32, #tpu.memory_space<vmem>>
          %dma_start3A_248 = arith.constant 0 : i32
          %dma_start3A_249 = arith.constant 0 : i32
          %dma_start3A_250 = tpu.memref_slice %arg10[%dma_start3A_248, %dma_start3A_249] : memref<10240x128xf32, #tpu.memory_space<vmem_shared>> -> memref<10240x128xf32, #tpu.memory_space<vmem_shared>>
          tpu.enqueue_indirect_dma source(%dma_start3A_244 : memref<64x128xf32, #tpu.memory_space<vmem>>) target(%dma_start3A_250 : memref<10240x128xf32, #tpu.memory_space<vmem_shared>>) offsets(%dma_start3A_247 : memref<64xi32, #tpu.memory_space<vmem>>) semaphore(%run_scoped3A_240 : memref<!tpu.dma_semaphore, #tpu.memory_space<semaphore_mem>>) {add = true}
          %dma_wait3A_251 = arith.constant 0 : i32
          %dma_wait3A_252 = arith.constant 0 : i32
          %dma_wait3A_253 = tpu.memref_slice %arg9[%run_scoped3A_207, %dma_wait3A_251, %dma_wait3A_252] : memref<4x64x128xf32, #tpu.memory_space<vmem>> -> memref<1x64x128xf32, #tpu.memory_space<vmem>>
          %dma_wait3A_254 = tpu.memref_squeeze %dma_wait3A_253 : memref<1x64x128xf32, #tpu.memory_space<vmem>> -> memref<64x128xf32, #tpu.memory_space<vmem>>
          %dma_wait3A_255 = arith.constant 0 : i32
          %dma_wait3A_256 = tpu.memref_slice %arg8[%add3A_194, %dma_wait3A_255] : memref<80x64xi32, #tpu.memory_space<vmem>> -> memref<1x64xi32, #tpu.memory_space<vmem>>
          %dma_wait3A_257 = tpu.memref_squeeze %dma_wait3A_256 : memref<1x64xi32, #tpu.memory_space<vmem>> -> memref<64xi32, #tpu.memory_space<vmem>>
          %dma_wait3A_258 = arith.constant 0 : i32
          %dma_wait3A_259 = arith.constant 0 : i32
          %dma_wait3A_260 = tpu.memref_slice %arg10[%dma_wait3A_258, %dma_wait3A_259] : memref<10240x128xf32, #tpu.memory_space<vmem_shared>> -> memref<10240x128xf32, #tpu.memory_space<vmem_shared>>
          tpu.wait_indirect_dma semaphore(%run_scoped3A_240 : memref<!tpu.dma_semaphore, #tpu.memory_space<semaphore_mem>>) src(%dma_wait3A_254 : memref<64x128xf32, #tpu.memory_space<vmem>>) dst(%dma_wait3A_260 : memref<10240x128xf32, #tpu.memory_space<vmem_shared>>)
          tpu.yield
        }) : () -> ()
        %add3A_208 = arith.constant 4 : i32
        %add3A_209 = arith.addi %add3A_194, %add3A_208 : i32
        %lt3A_210 = arith.constant 80 : i32
        %lt3A_211 = arith.cmpi slt, %add3A_209, %lt3A_210 : i32
        %convert_element_type3A_212 = arith.extui %lt3A_211 : i1 to i32
        %cond3A_213 = arith.constant 0 : i32
        %cond3A_214 = arith.cmpi ne, %convert_element_type3A_212, %cond3A_213 : i32
        scf.if %cond3A_214 {
          %add3A_240 = arith.constant 4 : i32
          %add3A_241 = arith.addi %add3A_194, %add3A_240 : i32
          %dma_start3A_242 = arith.constant 2 : i32
          %dma_start3A_243 = arith.constant 0 : i32
          %dma_start3A_244 = arith.constant 0 : i32
          %dma_start3A_245 = tpu.memref_slice %arg9[%dma_start3A_242, %dma_start3A_243, %dma_start3A_244] : memref<4x64x128xf32, #tpu.memory_space<vmem>> -> memref<1x64x128xf32, #tpu.memory_space<vmem>>
          %dma_start3A_246 = tpu.memref_squeeze %dma_start3A_245 : memref<1x64x128xf32, #tpu.memory_space<vmem>> -> memref<64x128xf32, #tpu.memory_space<vmem>>
          %dma_start3A_247 = arith.constant 0 : i32
          %dma_start3A_248 = tpu.memref_slice %arg7[%add3A_241, %dma_start3A_247] : memref<80x64xi32, #tpu.memory_space<vmem>> -> memref<1x64xi32, #tpu.memory_space<vmem>>
          %dma_start3A_249 = tpu.memref_squeeze %dma_start3A_248 : memref<1x64xi32, #tpu.memory_space<vmem>> -> memref<64xi32, #tpu.memory_space<vmem>>
          %dma_start3A_250 = arith.constant 0 : i32
          %dma_start3A_251 = arith.constant 0 : i32
          %dma_start3A_252 = tpu.memref_slice %arg2[%dma_start3A_250, %dma_start3A_251] : memref<10240x128xf32, #tpu.memory_space<hbm>> -> memref<10240x128xf32, #tpu.memory_space<hbm>>
          tpu.enqueue_indirect_dma source(%dma_start3A_252 : memref<10240x128xf32, #tpu.memory_space<hbm>>) target(%dma_start3A_246 : memref<64x128xf32, #tpu.memory_space<vmem>>) offsets(%dma_start3A_249 : memref<64xi32, #tpu.memory_space<vmem>>) semaphore(%arg13 : memref<!tpu.dma_semaphore, #tpu.memory_space<semaphore_mem>>)
        } else {
        }
        %mul3A_215 = arith.constant 4 : i32
        %mul3A_216 = arith.muli %scan3A_144, %mul3A_215 : i32
        %add3A_217 = arith.constant 3 : i32
        %add3A_218 = arith.addi %mul3A_216, %add3A_217 : i32
        %dma_wait3A_219 = arith.constant 0 : i32
        %dma_wait3A_220 = arith.constant 3 : i32
        %dma_wait3A_221 = arith.constant 0 : i32
        %dma_wait3A_222 = arith.constant 0 : i32
        %dma_wait3A_223 = tpu.memref_slice %arg9[%dma_wait3A_220, %dma_wait3A_221, %dma_wait3A_222] : memref<4x64x128xf32, #tpu.memory_space<vmem>> -> memref<1x64x128xf32, #tpu.memory_space<vmem>>
        %dma_wait3A_224 = tpu.memref_squeeze %dma_wait3A_223 : memref<1x64x128xf32, #tpu.memory_space<vmem>> -> memref<64x128xf32, #tpu.memory_space<vmem>>
        %dma_wait3A_225 = arith.constant 0 : i32
        %dma_wait3A_226 = tpu.memref_slice %arg7[%dma_wait3A_219, %dma_wait3A_225] : memref<80x64xi32, #tpu.memory_space<vmem>> -> memref<1x64xi32, #tpu.memory_space<vmem>>
        %dma_wait3A_227 = tpu.memref_squeeze %dma_wait3A_226 : memref<1x64xi32, #tpu.memory_space<vmem>> -> memref<64xi32, #tpu.memory_space<vmem>>
        %dma_wait3A_228 = arith.constant 0 : i32
        %dma_wait3A_229 = arith.constant 0 : i32
        %dma_wait3A_230 = tpu.memref_slice %arg2[%dma_wait3A_228, %dma_wait3A_229] : memref<10240x128xf32, #tpu.memory_space<hbm>> -> memref<10240x128xf32, #tpu.memory_space<hbm>>
        tpu.wait_indirect_dma semaphore(%arg14 : memref<!tpu.dma_semaphore, #tpu.memory_space<semaphore_mem>>) src(%dma_wait3A_230 : memref<10240x128xf32, #tpu.memory_space<hbm>>) dst(%dma_wait3A_224 : memref<64x128xf32, #tpu.memory_space<vmem>>)
        %run_scoped3A_231 = arith.constant 3 : i32
        "tpu.region"() ({
          %run_scoped3A_240 = tpu.sem_alloc : memref<!tpu.dma_semaphore, #tpu.memory_space<semaphore_mem>>
          %dma_start3A_241 = arith.constant 0 : i32
          %dma_start3A_242 = arith.constant 0 : i32
          %dma_start3A_243 = tpu.memref_slice %arg9[%run_scoped3A_231, %dma_start3A_241, %dma_start3A_242] : memref<4x64x128xf32, #tpu.memory_space<vmem>> -> memref<1x64x128xf32, #tpu.memory_space<vmem>>
          %dma_start3A_244 = tpu.memref_squeeze %dma_start3A_243 : memref<1x64x128xf32, #tpu.memory_space<vmem>> -> memref<64x128xf32, #tpu.memory_space<vmem>>
          %dma_start3A_245 = arith.constant 0 : i32
          %dma_start3A_246 = tpu.memref_slice %arg8[%add3A_218, %dma_start3A_245] : memref<80x64xi32, #tpu.memory_space<vmem>> -> memref<1x64xi32, #tpu.memory_space<vmem>>
          %dma_start3A_247 = tpu.memref_squeeze %dma_start3A_246 : memref<1x64xi32, #tpu.memory_space<vmem>> -> memref<64xi32, #tpu.memory_space<vmem>>
          %dma_start3A_248 = arith.constant 0 : i32
          %dma_start3A_249 = arith.constant 0 : i32
          %dma_start3A_250 = tpu.memref_slice %arg10[%dma_start3A_248, %dma_start3A_249] : memref<10240x128xf32, #tpu.memory_space<vmem_shared>> -> memref<10240x128xf32, #tpu.memory_space<vmem_shared>>
          tpu.enqueue_indirect_dma source(%dma_start3A_244 : memref<64x128xf32, #tpu.memory_space<vmem>>) target(%dma_start3A_250 : memref<10240x128xf32, #tpu.memory_space<vmem_shared>>) offsets(%dma_start3A_247 : memref<64xi32, #tpu.memory_space<vmem>>) semaphore(%run_scoped3A_240 : memref<!tpu.dma_semaphore, #tpu.memory_space<semaphore_mem>>) {add = true}
          %dma_wait3A_251 = arith.constant 0 : i32
          %dma_wait3A_252 = arith.constant 0 : i32
          %dma_wait3A_253 = tpu.memref_slice %arg9[%run_scoped3A_231, %dma_wait3A_251, %dma_wait3A_252] : memref<4x64x128xf32, #tpu.memory_space<vmem>> -> memref<1x64x128xf32, #tpu.memory_space<vmem>>
          %dma_wait3A_254 = tpu.memref_squeeze %dma_wait3A_253 : memref<1x64x128xf32, #tpu.memory_space<vmem>> -> memref<64x128xf32, #tpu.memory_space<vmem>>
          %dma_wait3A_255 = arith.constant 0 : i32
          %dma_wait3A_256 = tpu.memref_slice %arg8[%add3A_218, %dma_wait3A_255] : memref<80x64xi32, #tpu.memory_space<vmem>> -> memref<1x64xi32, #tpu.memory_space<vmem>>
          %dma_wait3A_257 = tpu.memref_squeeze %dma_wait3A_256 : memref<1x64xi32, #tpu.memory_space<vmem>> -> memref<64xi32, #tpu.memory_space<vmem>>
          %dma_wait3A_258 = arith.constant 0 : i32
          %dma_wait3A_259 = arith.constant 0 : i32
          %dma_wait3A_260 = tpu.memref_slice %arg10[%dma_wait3A_258, %dma_wait3A_259] : memref<10240x128xf32, #tpu.memory_space<vmem_shared>> -> memref<10240x128xf32, #tpu.memory_space<vmem_shared>>
          tpu.wait_indirect_dma semaphore(%run_scoped3A_240 : memref<!tpu.dma_semaphore, #tpu.memory_space<semaphore_mem>>) src(%dma_wait3A_254 : memref<64x128xf32, #tpu.memory_space<vmem>>) dst(%dma_wait3A_260 : memref<10240x128xf32, #tpu.memory_space<vmem_shared>>)
          tpu.yield
        }) : () -> ()
        %add3A_232 = arith.constant 4 : i32
        %add3A_233 = arith.addi %add3A_218, %add3A_232 : i32
        %lt3A_234 = arith.constant 80 : i32
        %lt3A_235 = arith.cmpi slt, %add3A_233, %lt3A_234 : i32
        %convert_element_type3A_236 = arith.extui %lt3A_235 : i1 to i32
        %cond3A_237 = arith.constant 0 : i32
        %cond3A_238 = arith.cmpi ne, %convert_element_type3A_236, %cond3A_237 : i32
        scf.if %cond3A_238 {
          %add3A_240 = arith.constant 4 : i32
          %add3A_241 = arith.addi %add3A_218, %add3A_240 : i32
          %dma_start3A_242 = arith.constant 3 : i32
          %dma_start3A_243 = arith.constant 0 : i32
          %dma_start3A_244 = arith.constant 0 : i32
          %dma_start3A_245 = tpu.memref_slice %arg9[%dma_start3A_242, %dma_start3A_243, %dma_start3A_244] : memref<4x64x128xf32, #tpu.memory_space<vmem>> -> memref<1x64x128xf32, #tpu.memory_space<vmem>>
          %dma_start3A_246 = tpu.memref_squeeze %dma_start3A_245 : memref<1x64x128xf32, #tpu.memory_space<vmem>> -> memref<64x128xf32, #tpu.memory_space<vmem>>
          %dma_start3A_247 = arith.constant 0 : i32
          %dma_start3A_248 = tpu.memref_slice %arg7[%add3A_241, %dma_start3A_247] : memref<80x64xi32, #tpu.memory_space<vmem>> -> memref<1x64xi32, #tpu.memory_space<vmem>>
          %dma_start3A_249 = tpu.memref_squeeze %dma_start3A_248 : memref<1x64xi32, #tpu.memory_space<vmem>> -> memref<64xi32, #tpu.memory_space<vmem>>
          %dma_start3A_250 = arith.constant 0 : i32
          %dma_start3A_251 = arith.constant 0 : i32
          %dma_start3A_252 = tpu.memref_slice %arg2[%dma_start3A_250, %dma_start3A_251] : memref<10240x128xf32, #tpu.memory_space<hbm>> -> memref<10240x128xf32, #tpu.memory_space<hbm>>
          tpu.enqueue_indirect_dma source(%dma_start3A_252 : memref<10240x128xf32, #tpu.memory_space<hbm>>) target(%dma_start3A_246 : memref<64x128xf32, #tpu.memory_space<vmem>>) offsets(%dma_start3A_249 : memref<64xi32, #tpu.memory_space<vmem>>) semaphore(%arg14 : memref<!tpu.dma_semaphore, #tpu.memory_space<semaphore_mem>>)
        } else {
        }
        %scan3A_239 = arith.constant 0 : i32
        scf.yield %scan3A_239 : i32
      }
      %scan3A_84 = arith.constant 20 : i32
      %mul3A_85 = arith.constant 160 : i32
      %mul3A_86 = arith.muli %arg1, %mul3A_85 : i32
      %add3A_87 = arith.constant 80 : i32
      %add3A_88 = arith.addi %mul3A_86, %add3A_87 : i32
      "tpu.region"() ({
        %run_scoped3A = tpu.sem_alloc : memref<!tpu.dma_semaphore, #tpu.memory_space<semaphore_mem>>
        %dma_start3A_144 = arith.constant 0 : i32
        %dma_start3A_145 = tpu.memref_slice %arg4[%add3A_88, %dma_start3A_144] : memref<2560x64xi32, #tpu.memory_space<hbm>> -> memref<80x64xi32, #tpu.memory_space<hbm>>
        %dma_start3A_146 = arith.constant 0 : i32
        %dma_start3A_147 = tpu.memref_slice %arg4[%add3A_88, %dma_start3A_146] : memref<2560x64xi32, #tpu.memory_space<hbm>> -> memref<80x64xi32, #tpu.memory_space<hbm>>
        tpu.enqueue_dma source(%dma_start3A_147 : memref<80x64xi32, #tpu.memory_space<hbm>>) target(%arg7 : memref<80x64xi32, #tpu.memory_space<vmem>>) target_semaphore(%run_scoped3A : memref<!tpu.dma_semaphore, #tpu.memory_space<semaphore_mem>>)
        %dma_wait3A = arith.constant 0 : i32
        %dma_wait3A_148 = tpu.memref_slice %arg4[%add3A_88, %dma_wait3A] : memref<2560x64xi32, #tpu.memory_space<hbm>> -> memref<80x64xi32, #tpu.memory_space<hbm>>
        %dma_wait3A_149 = arith.constant 0 : i32
        %dma_wait3A_150 = tpu.memref_slice %arg4[%add3A_88, %dma_wait3A_149] : memref<2560x64xi32, #tpu.memory_space<hbm>> -> memref<80x64xi32, #tpu.memory_space<hbm>>
        tpu.wait_dma2 semaphore(%run_scoped3A : memref<!tpu.dma_semaphore, #tpu.memory_space<semaphore_mem>>) src(%dma_wait3A_150 : memref<80x64xi32, #tpu.memory_space<hbm>>) dst(%arg7 : memref<80x64xi32, #tpu.memory_space<vmem>>)
        tpu.yield
      }) : () -> ()
      "tpu.region"() ({
        %run_scoped3A = tpu.sem_alloc : memref<!tpu.dma_semaphore, #tpu.memory_space<semaphore_mem>>
        %dma_start3A_144 = arith.constant 0 : i32
        %dma_start3A_145 = tpu.memref_slice %arg5[%add3A_88, %dma_start3A_144] : memref<2560x64xi32, #tpu.memory_space<hbm>> -> memref<80x64xi32, #tpu.memory_space<hbm>>
        %dma_start3A_146 = arith.constant 0 : i32
        %dma_start3A_147 = tpu.memref_slice %arg5[%add3A_88, %dma_start3A_146] : memref<2560x64xi32, #tpu.memory_space<hbm>> -> memref<80x64xi32, #tpu.memory_space<hbm>>
        tpu.enqueue_dma source(%dma_start3A_147 : memref<80x64xi32, #tpu.memory_space<hbm>>) target(%arg8 : memref<80x64xi32, #tpu.memory_space<vmem>>) target_semaphore(%run_scoped3A : memref<!tpu.dma_semaphore, #tpu.memory_space<semaphore_mem>>)
        %dma_wait3A = arith.constant 0 : i32
        %dma_wait3A_148 = tpu.memref_slice %arg5[%add3A_88, %dma_wait3A] : memref<2560x64xi32, #tpu.memory_space<hbm>> -> memref<80x64xi32, #tpu.memory_space<hbm>>
        %dma_wait3A_149 = arith.constant 0 : i32
        %dma_wait3A_150 = tpu.memref_slice %arg5[%add3A_88, %dma_wait3A_149] : memref<2560x64xi32, #tpu.memory_space<hbm>> -> memref<80x64xi32, #tpu.memory_space<hbm>>
        tpu.wait_dma2 semaphore(%run_scoped3A : memref<!tpu.dma_semaphore, #tpu.memory_space<semaphore_mem>>) src(%dma_wait3A_150 : memref<80x64xi32, #tpu.memory_space<hbm>>) dst(%arg8 : memref<80x64xi32, #tpu.memory_space<vmem>>)
        tpu.yield
      }) : () -> ()
      %dma_start3A_89 = arith.constant 0 : i32
      %dma_start3A_90 = arith.constant 0 : i32
      %dma_start3A_91 = arith.constant 0 : i32
      %dma_start3A_92 = arith.constant 0 : i32
      %dma_start3A_93 = tpu.memref_slice %arg9[%dma_start3A_90, %dma_start3A_91, %dma_start3A_92] : memref<4x64x128xf32, #tpu.memory_space<vmem>> -> memref<1x64x128xf32, #tpu.memory_space<vmem>>
      %dma_start3A_94 = tpu.memref_squeeze %dma_start3A_93 : memref<1x64x128xf32, #tpu.memory_space<vmem>> -> memref<64x128xf32, #tpu.memory_space<vmem>>
      %dma_start3A_95 = arith.constant 0 : i32
      %dma_start3A_96 = tpu.memref_slice %arg7[%dma_start3A_89, %dma_start3A_95] : memref<80x64xi32, #tpu.memory_space<vmem>> -> memref<1x64xi32, #tpu.memory_space<vmem>>
      %dma_start3A_97 = tpu.memref_squeeze %dma_start3A_96 : memref<1x64xi32, #tpu.memory_space<vmem>> -> memref<64xi32, #tpu.memory_space<vmem>>
      %dma_start3A_98 = arith.constant 0 : i32
      %dma_start3A_99 = arith.constant 0 : i32
      %dma_start3A_100 = tpu.memref_slice %arg2[%dma_start3A_98, %dma_start3A_99] : memref<10240x128xf32, #tpu.memory_space<hbm>> -> memref<10240x128xf32, #tpu.memory_space<hbm>>
      tpu.enqueue_indirect_dma source(%dma_start3A_100 : memref<10240x128xf32, #tpu.memory_space<hbm>>) target(%dma_start3A_94 : memref<64x128xf32, #tpu.memory_space<vmem>>) offsets(%dma_start3A_97 : memref<64xi32, #tpu.memory_space<vmem>>) semaphore(%arg11 : memref<!tpu.dma_semaphore, #tpu.memory_space<semaphore_mem>>)
      %dma_start3A_101 = arith.constant 1 : i32
      %dma_start3A_102 = arith.constant 1 : i32
      %dma_start3A_103 = arith.constant 0 : i32
      %dma_start3A_104 = arith.constant 0 : i32
      %dma_start3A_105 = tpu.memref_slice %arg9[%dma_start3A_102, %dma_start3A_103, %dma_start3A_104] : memref<4x64x128xf32, #tpu.memory_space<vmem>> -> memref<1x64x128xf32, #tpu.memory_space<vmem>>
      %dma_start3A_106 = tpu.memref_squeeze %dma_start3A_105 : memref<1x64x128xf32, #tpu.memory_space<vmem>> -> memref<64x128xf32, #tpu.memory_space<vmem>>
      %dma_start3A_107 = arith.constant 0 : i32
      %dma_start3A_108 = tpu.memref_slice %arg7[%dma_start3A_101, %dma_start3A_107] : memref<80x64xi32, #tpu.memory_space<vmem>> -> memref<1x64xi32, #tpu.memory_space<vmem>>
      %dma_start3A_109 = tpu.memref_squeeze %dma_start3A_108 : memref<1x64xi32, #tpu.memory_space<vmem>> -> memref<64xi32, #tpu.memory_space<vmem>>
      %dma_start3A_110 = arith.constant 0 : i32
      %dma_start3A_111 = arith.constant 0 : i32
      %dma_start3A_112 = tpu.memref_slice %arg2[%dma_start3A_110, %dma_start3A_111] : memref<10240x128xf32, #tpu.memory_space<hbm>> -> memref<10240x128xf32, #tpu.memory_space<hbm>>
      tpu.enqueue_indirect_dma source(%dma_start3A_112 : memref<10240x128xf32, #tpu.memory_space<hbm>>) target(%dma_start3A_106 : memref<64x128xf32, #tpu.memory_space<vmem>>) offsets(%dma_start3A_109 : memref<64xi32, #tpu.memory_space<vmem>>) semaphore(%arg12 : memref<!tpu.dma_semaphore, #tpu.memory_space<semaphore_mem>>)
      %dma_start3A_113 = arith.constant 2 : i32
      %dma_start3A_114 = arith.constant 2 : i32
      %dma_start3A_115 = arith.constant 0 : i32
      %dma_start3A_116 = arith.constant 0 : i32
      %dma_start3A_117 = tpu.memref_slice %arg9[%dma_start3A_114, %dma_start3A_115, %dma_start3A_116] : memref<4x64x128xf32, #tpu.memory_space<vmem>> -> memref<1x64x128xf32, #tpu.memory_space<vmem>>
      %dma_start3A_118 = tpu.memref_squeeze %dma_start3A_117 : memref<1x64x128xf32, #tpu.memory_space<vmem>> -> memref<64x128xf32, #tpu.memory_space<vmem>>
      %dma_start3A_119 = arith.constant 0 : i32
      %dma_start3A_120 = tpu.memref_slice %arg7[%dma_start3A_113, %dma_start3A_119] : memref<80x64xi32, #tpu.memory_space<vmem>> -> memref<1x64xi32, #tpu.memory_space<vmem>>
      %dma_start3A_121 = tpu.memref_squeeze %dma_start3A_120 : memref<1x64xi32, #tpu.memory_space<vmem>> -> memref<64xi32, #tpu.memory_space<vmem>>
      %dma_start3A_122 = arith.constant 0 : i32
      %dma_start3A_123 = arith.constant 0 : i32
      %dma_start3A_124 = tpu.memref_slice %arg2[%dma_start3A_122, %dma_start3A_123] : memref<10240x128xf32, #tpu.memory_space<hbm>> -> memref<10240x128xf32, #tpu.memory_space<hbm>>
      tpu.enqueue_indirect_dma source(%dma_start3A_124 : memref<10240x128xf32, #tpu.memory_space<hbm>>) target(%dma_start3A_118 : memref<64x128xf32, #tpu.memory_space<vmem>>) offsets(%dma_start3A_121 : memref<64xi32, #tpu.memory_space<vmem>>) semaphore(%arg13 : memref<!tpu.dma_semaphore, #tpu.memory_space<semaphore_mem>>)
      %dma_start3A_125 = arith.constant 3 : i32
      %dma_start3A_126 = arith.constant 3 : i32
      %dma_start3A_127 = arith.constant 0 : i32
      %dma_start3A_128 = arith.constant 0 : i32
      %dma_start3A_129 = tpu.memref_slice %arg9[%dma_start3A_126, %dma_start3A_127, %dma_start3A_128] : memref<4x64x128xf32, #tpu.memory_space<vmem>> -> memref<1x64x128xf32, #tpu.memory_space<vmem>>
      %dma_start3A_130 = tpu.memref_squeeze %dma_start3A_129 : memref<1x64x128xf32, #tpu.memory_space<vmem>> -> memref<64x128xf32, #tpu.memory_space<vmem>>
      %dma_start3A_131 = arith.constant 0 : i32
      %dma_start3A_132 = tpu.memref_slice %arg7[%dma_start3A_125, %dma_start3A_131] : memref<80x64xi32, #tpu.memory_space<vmem>> -> memref<1x64xi32, #tpu.memory_space<vmem>>
      %dma_start3A_133 = tpu.memref_squeeze %dma_start3A_132 : memref<1x64xi32, #tpu.memory_space<vmem>> -> memref<64xi32, #tpu.memory_space<vmem>>
      %dma_start3A_134 = arith.constant 0 : i32
      %dma_start3A_135 = arith.constant 0 : i32
      %dma_start3A_136 = tpu.memref_slice %arg2[%dma_start3A_134, %dma_start3A_135] : memref<10240x128xf32, #tpu.memory_space<hbm>> -> memref<10240x128xf32, #tpu.memory_space<hbm>>
      tpu.enqueue_indirect_dma source(%dma_start3A_136 : memref<10240x128xf32, #tpu.memory_space<hbm>>) target(%dma_start3A_130 : memref<64x128xf32, #tpu.memory_space<vmem>>) offsets(%dma_start3A_133 : memref<64xi32, #tpu.memory_space<vmem>>) semaphore(%arg14 : memref<!tpu.dma_semaphore, #tpu.memory_space<semaphore_mem>>)
      %scan3A_137 = arith.constant 0 : i32
      %scan3A_138 = arith.constant 0 : i32
      %scan3A_139 = arith.constant 20 : i32
      %scan3A_140 = arith.addi %scan3A_138, %scan3A_139 : i32
      %scan3A_141 = arith.constant 1 : i32
      %scan3A_142 = scf.for %scan3A_144 = %scan3A_138 to %scan3A_140 step %scan3A_141 iter_args(%scan3A_145 = %scan3A_137) -> (i32)  : i32 {
        %mul3A_146 = arith.constant 4 : i32
        %mul3A_147 = arith.muli %scan3A_144, %mul3A_146 : i32
        %add3A_148 = arith.constant 0 : i32
        %add3A_149 = arith.addi %mul3A_147, %add3A_148 : i32
        %dma_wait3A = arith.constant 0 : i32
        %dma_wait3A_150 = arith.constant 0 : i32
        %dma_wait3A_151 = arith.constant 0 : i32
        %dma_wait3A_152 = arith.constant 0 : i32
        %dma_wait3A_153 = tpu.memref_slice %arg9[%dma_wait3A_150, %dma_wait3A_151, %dma_wait3A_152] : memref<4x64x128xf32, #tpu.memory_space<vmem>> -> memref<1x64x128xf32, #tpu.memory_space<vmem>>
        %dma_wait3A_154 = tpu.memref_squeeze %dma_wait3A_153 : memref<1x64x128xf32, #tpu.memory_space<vmem>> -> memref<64x128xf32, #tpu.memory_space<vmem>>
        %dma_wait3A_155 = arith.constant 0 : i32
        %dma_wait3A_156 = tpu.memref_slice %arg7[%dma_wait3A, %dma_wait3A_155] : memref<80x64xi32, #tpu.memory_space<vmem>> -> memref<1x64xi32, #tpu.memory_space<vmem>>
        %dma_wait3A_157 = tpu.memref_squeeze %dma_wait3A_156 : memref<1x64xi32, #tpu.memory_space<vmem>> -> memref<64xi32, #tpu.memory_space<vmem>>
        %dma_wait3A_158 = arith.constant 0 : i32
        %dma_wait3A_159 = arith.constant 0 : i32
        %dma_wait3A_160 = tpu.memref_slice %arg2[%dma_wait3A_158, %dma_wait3A_159] : memref<10240x128xf32, #tpu.memory_space<hbm>> -> memref<10240x128xf32, #tpu.memory_space<hbm>>
        tpu.wait_indirect_dma semaphore(%arg11 : memref<!tpu.dma_semaphore, #tpu.memory_space<semaphore_mem>>) src(%dma_wait3A_160 : memref<10240x128xf32, #tpu.memory_space<hbm>>) dst(%dma_wait3A_154 : memref<64x128xf32, #tpu.memory_space<vmem>>)
        %run_scoped3A = arith.constant 0 : i32
        "tpu.region"() ({
          %run_scoped3A_240 = tpu.sem_alloc : memref<!tpu.dma_semaphore, #tpu.memory_space<semaphore_mem>>
          %dma_start3A_241 = arith.constant 0 : i32
          %dma_start3A_242 = arith.constant 0 : i32
          %dma_start3A_243 = tpu.memref_slice %arg9[%run_scoped3A, %dma_start3A_241, %dma_start3A_242] : memref<4x64x128xf32, #tpu.memory_space<vmem>> -> memref<1x64x128xf32, #tpu.memory_space<vmem>>
          %dma_start3A_244 = tpu.memref_squeeze %dma_start3A_243 : memref<1x64x128xf32, #tpu.memory_space<vmem>> -> memref<64x128xf32, #tpu.memory_space<vmem>>
          %dma_start3A_245 = arith.constant 0 : i32
          %dma_start3A_246 = tpu.memref_slice %arg8[%add3A_149, %dma_start3A_245] : memref<80x64xi32, #tpu.memory_space<vmem>> -> memref<1x64xi32, #tpu.memory_space<vmem>>
          %dma_start3A_247 = tpu.memref_squeeze %dma_start3A_246 : memref<1x64xi32, #tpu.memory_space<vmem>> -> memref<64xi32, #tpu.memory_space<vmem>>
          %dma_start3A_248 = arith.constant 0 : i32
          %dma_start3A_249 = arith.constant 0 : i32
          %dma_start3A_250 = tpu.memref_slice %arg10[%dma_start3A_248, %dma_start3A_249] : memref<10240x128xf32, #tpu.memory_space<vmem_shared>> -> memref<10240x128xf32, #tpu.memory_space<vmem_shared>>
          tpu.enqueue_indirect_dma source(%dma_start3A_244 : memref<64x128xf32, #tpu.memory_space<vmem>>) target(%dma_start3A_250 : memref<10240x128xf32, #tpu.memory_space<vmem_shared>>) offsets(%dma_start3A_247 : memref<64xi32, #tpu.memory_space<vmem>>) semaphore(%run_scoped3A_240 : memref<!tpu.dma_semaphore, #tpu.memory_space<semaphore_mem>>) {add = true}
          %dma_wait3A_251 = arith.constant 0 : i32
          %dma_wait3A_252 = arith.constant 0 : i32
          %dma_wait3A_253 = tpu.memref_slice %arg9[%run_scoped3A, %dma_wait3A_251, %dma_wait3A_252] : memref<4x64x128xf32, #tpu.memory_space<vmem>> -> memref<1x64x128xf32, #tpu.memory_space<vmem>>
          %dma_wait3A_254 = tpu.memref_squeeze %dma_wait3A_253 : memref<1x64x128xf32, #tpu.memory_space<vmem>> -> memref<64x128xf32, #tpu.memory_space<vmem>>
          %dma_wait3A_255 = arith.constant 0 : i32
          %dma_wait3A_256 = tpu.memref_slice %arg8[%add3A_149, %dma_wait3A_255] : memref<80x64xi32, #tpu.memory_space<vmem>> -> memref<1x64xi32, #tpu.memory_space<vmem>>
          %dma_wait3A_257 = tpu.memref_squeeze %dma_wait3A_256 : memref<1x64xi32, #tpu.memory_space<vmem>> -> memref<64xi32, #tpu.memory_space<vmem>>
          %dma_wait3A_258 = arith.constant 0 : i32
          %dma_wait3A_259 = arith.constant 0 : i32
          %dma_wait3A_260 = tpu.memref_slice %arg10[%dma_wait3A_258, %dma_wait3A_259] : memref<10240x128xf32, #tpu.memory_space<vmem_shared>> -> memref<10240x128xf32, #tpu.memory_space<vmem_shared>>
          tpu.wait_indirect_dma semaphore(%run_scoped3A_240 : memref<!tpu.dma_semaphore, #tpu.memory_space<semaphore_mem>>) src(%dma_wait3A_254 : memref<64x128xf32, #tpu.memory_space<vmem>>) dst(%dma_wait3A_260 : memref<10240x128xf32, #tpu.memory_space<vmem_shared>>)
          tpu.yield
        }) : () -> ()
        %add3A_161 = arith.constant 4 : i32
        %add3A_162 = arith.addi %add3A_149, %add3A_161 : i32
        %lt3A = arith.constant 80 : i32
        %lt3A_163 = arith.cmpi slt, %add3A_162, %lt3A : i32
        %convert_element_type3A_164 = arith.extui %lt3A_163 : i1 to i32
        %cond3A_165 = arith.constant 0 : i32
        %cond3A_166 = arith.cmpi ne, %convert_element_type3A_164, %cond3A_165 : i32
        scf.if %cond3A_166 {
          %add3A_240 = arith.constant 4 : i32
          %add3A_241 = arith.addi %add3A_149, %add3A_240 : i32
          %dma_start3A_242 = arith.constant 0 : i32
          %dma_start3A_243 = arith.constant 0 : i32
          %dma_start3A_244 = arith.constant 0 : i32
          %dma_start3A_245 = tpu.memref_slice %arg9[%dma_start3A_242, %dma_start3A_243, %dma_start3A_244] : memref<4x64x128xf32, #tpu.memory_space<vmem>> -> memref<1x64x128xf32, #tpu.memory_space<vmem>>
          %dma_start3A_246 = tpu.memref_squeeze %dma_start3A_245 : memref<1x64x128xf32, #tpu.memory_space<vmem>> -> memref<64x128xf32, #tpu.memory_space<vmem>>
          %dma_start3A_247 = arith.constant 0 : i32
          %dma_start3A_248 = tpu.memref_slice %arg7[%add3A_241, %dma_start3A_247] : memref<80x64xi32, #tpu.memory_space<vmem>> -> memref<1x64xi32, #tpu.memory_space<vmem>>
          %dma_start3A_249 = tpu.memref_squeeze %dma_start3A_248 : memref<1x64xi32, #tpu.memory_space<vmem>> -> memref<64xi32, #tpu.memory_space<vmem>>
          %dma_start3A_250 = arith.constant 0 : i32
          %dma_start3A_251 = arith.constant 0 : i32
          %dma_start3A_252 = tpu.memref_slice %arg2[%dma_start3A_250, %dma_start3A_251] : memref<10240x128xf32, #tpu.memory_space<hbm>> -> memref<10240x128xf32, #tpu.memory_space<hbm>>
          tpu.enqueue_indirect_dma source(%dma_start3A_252 : memref<10240x128xf32, #tpu.memory_space<hbm>>) target(%dma_start3A_246 : memref<64x128xf32, #tpu.memory_space<vmem>>) offsets(%dma_start3A_249 : memref<64xi32, #tpu.memory_space<vmem>>) semaphore(%arg11 : memref<!tpu.dma_semaphore, #tpu.memory_space<semaphore_mem>>)
        } else {
        }
        %mul3A_167 = arith.constant 4 : i32
        %mul3A_168 = arith.muli %scan3A_144, %mul3A_167 : i32
        %add3A_169 = arith.constant 1 : i32
        %add3A_170 = arith.addi %mul3A_168, %add3A_169 : i32
        %dma_wait3A_171 = arith.constant 0 : i32
        %dma_wait3A_172 = arith.constant 1 : i32
        %dma_wait3A_173 = arith.constant 0 : i32
        %dma_wait3A_174 = arith.constant 0 : i32
        %dma_wait3A_175 = tpu.memref_slice %arg9[%dma_wait3A_172, %dma_wait3A_173, %dma_wait3A_174] : memref<4x64x128xf32, #tpu.memory_space<vmem>> -> memref<1x64x128xf32, #tpu.memory_space<vmem>>
        %dma_wait3A_176 = tpu.memref_squeeze %dma_wait3A_175 : memref<1x64x128xf32, #tpu.memory_space<vmem>> -> memref<64x128xf32, #tpu.memory_space<vmem>>
        %dma_wait3A_177 = arith.constant 0 : i32
        %dma_wait3A_178 = tpu.memref_slice %arg7[%dma_wait3A_171, %dma_wait3A_177] : memref<80x64xi32, #tpu.memory_space<vmem>> -> memref<1x64xi32, #tpu.memory_space<vmem>>
        %dma_wait3A_179 = tpu.memref_squeeze %dma_wait3A_178 : memref<1x64xi32, #tpu.memory_space<vmem>> -> memref<64xi32, #tpu.memory_space<vmem>>
        %dma_wait3A_180 = arith.constant 0 : i32
        %dma_wait3A_181 = arith.constant 0 : i32
        %dma_wait3A_182 = tpu.memref_slice %arg2[%dma_wait3A_180, %dma_wait3A_181] : memref<10240x128xf32, #tpu.memory_space<hbm>> -> memref<10240x128xf32, #tpu.memory_space<hbm>>
        tpu.wait_indirect_dma semaphore(%arg12 : memref<!tpu.dma_semaphore, #tpu.memory_space<semaphore_mem>>) src(%dma_wait3A_182 : memref<10240x128xf32, #tpu.memory_space<hbm>>) dst(%dma_wait3A_176 : memref<64x128xf32, #tpu.memory_space<vmem>>)
        %run_scoped3A_183 = arith.constant 1 : i32
        "tpu.region"() ({
          %run_scoped3A_240 = tpu.sem_alloc : memref<!tpu.dma_semaphore, #tpu.memory_space<semaphore_mem>>
          %dma_start3A_241 = arith.constant 0 : i32
          %dma_start3A_242 = arith.constant 0 : i32
          %dma_start3A_243 = tpu.memref_slice %arg9[%run_scoped3A_183, %dma_start3A_241, %dma_start3A_242] : memref<4x64x128xf32, #tpu.memory_space<vmem>> -> memref<1x64x128xf32, #tpu.memory_space<vmem>>
          %dma_start3A_244 = tpu.memref_squeeze %dma_start3A_243 : memref<1x64x128xf32, #tpu.memory_space<vmem>> -> memref<64x128xf32, #tpu.memory_space<vmem>>
          %dma_start3A_245 = arith.constant 0 : i32
          %dma_start3A_246 = tpu.memref_slice %arg8[%add3A_170, %dma_start3A_245] : memref<80x64xi32, #tpu.memory_space<vmem>> -> memref<1x64xi32, #tpu.memory_space<vmem>>
          %dma_start3A_247 = tpu.memref_squeeze %dma_start3A_246 : memref<1x64xi32, #tpu.memory_space<vmem>> -> memref<64xi32, #tpu.memory_space<vmem>>
          %dma_start3A_248 = arith.constant 0 : i32
          %dma_start3A_249 = arith.constant 0 : i32
          %dma_start3A_250 = tpu.memref_slice %arg10[%dma_start3A_248, %dma_start3A_249] : memref<10240x128xf32, #tpu.memory_space<vmem_shared>> -> memref<10240x128xf32, #tpu.memory_space<vmem_shared>>
          tpu.enqueue_indirect_dma source(%dma_start3A_244 : memref<64x128xf32, #tpu.memory_space<vmem>>) target(%dma_start3A_250 : memref<10240x128xf32, #tpu.memory_space<vmem_shared>>) offsets(%dma_start3A_247 : memref<64xi32, #tpu.memory_space<vmem>>) semaphore(%run_scoped3A_240 : memref<!tpu.dma_semaphore, #tpu.memory_space<semaphore_mem>>) {add = true}
          %dma_wait3A_251 = arith.constant 0 : i32
          %dma_wait3A_252 = arith.constant 0 : i32
          %dma_wait3A_253 = tpu.memref_slice %arg9[%run_scoped3A_183, %dma_wait3A_251, %dma_wait3A_252] : memref<4x64x128xf32, #tpu.memory_space<vmem>> -> memref<1x64x128xf32, #tpu.memory_space<vmem>>
          %dma_wait3A_254 = tpu.memref_squeeze %dma_wait3A_253 : memref<1x64x128xf32, #tpu.memory_space<vmem>> -> memref<64x128xf32, #tpu.memory_space<vmem>>
          %dma_wait3A_255 = arith.constant 0 : i32
          %dma_wait3A_256 = tpu.memref_slice %arg8[%add3A_170, %dma_wait3A_255] : memref<80x64xi32, #tpu.memory_space<vmem>> -> memref<1x64xi32, #tpu.memory_space<vmem>>
          %dma_wait3A_257 = tpu.memref_squeeze %dma_wait3A_256 : memref<1x64xi32, #tpu.memory_space<vmem>> -> memref<64xi32, #tpu.memory_space<vmem>>
          %dma_wait3A_258 = arith.constant 0 : i32
          %dma_wait3A_259 = arith.constant 0 : i32
          %dma_wait3A_260 = tpu.memref_slice %arg10[%dma_wait3A_258, %dma_wait3A_259] : memref<10240x128xf32, #tpu.memory_space<vmem_shared>> -> memref<10240x128xf32, #tpu.memory_space<vmem_shared>>
          tpu.wait_indirect_dma semaphore(%run_scoped3A_240 : memref<!tpu.dma_semaphore, #tpu.memory_space<semaphore_mem>>) src(%dma_wait3A_254 : memref<64x128xf32, #tpu.memory_space<vmem>>) dst(%dma_wait3A_260 : memref<10240x128xf32, #tpu.memory_space<vmem_shared>>)
          tpu.yield
        }) : () -> ()
        %add3A_184 = arith.constant 4 : i32
        %add3A_185 = arith.addi %add3A_170, %add3A_184 : i32
        %lt3A_186 = arith.constant 80 : i32
        %lt3A_187 = arith.cmpi slt, %add3A_185, %lt3A_186 : i32
        %convert_element_type3A_188 = arith.extui %lt3A_187 : i1 to i32
        %cond3A_189 = arith.constant 0 : i32
        %cond3A_190 = arith.cmpi ne, %convert_element_type3A_188, %cond3A_189 : i32
        scf.if %cond3A_190 {
          %add3A_240 = arith.constant 4 : i32
          %add3A_241 = arith.addi %add3A_170, %add3A_240 : i32
          %dma_start3A_242 = arith.constant 1 : i32
          %dma_start3A_243 = arith.constant 0 : i32
          %dma_start3A_244 = arith.constant 0 : i32
          %dma_start3A_245 = tpu.memref_slice %arg9[%dma_start3A_242, %dma_start3A_243, %dma_start3A_244] : memref<4x64x128xf32, #tpu.memory_space<vmem>> -> memref<1x64x128xf32, #tpu.memory_space<vmem>>
          %dma_start3A_246 = tpu.memref_squeeze %dma_start3A_245 : memref<1x64x128xf32, #tpu.memory_space<vmem>> -> memref<64x128xf32, #tpu.memory_space<vmem>>
          %dma_start3A_247 = arith.constant 0 : i32
          %dma_start3A_248 = tpu.memref_slice %arg7[%add3A_241, %dma_start3A_247] : memref<80x64xi32, #tpu.memory_space<vmem>> -> memref<1x64xi32, #tpu.memory_space<vmem>>
          %dma_start3A_249 = tpu.memref_squeeze %dma_start3A_248 : memref<1x64xi32, #tpu.memory_space<vmem>> -> memref<64xi32, #tpu.memory_space<vmem>>
          %dma_start3A_250 = arith.constant 0 : i32
          %dma_start3A_251 = arith.constant 0 : i32
          %dma_start3A_252 = tpu.memref_slice %arg2[%dma_start3A_250, %dma_start3A_251] : memref<10240x128xf32, #tpu.memory_space<hbm>> -> memref<10240x128xf32, #tpu.memory_space<hbm>>
          tpu.enqueue_indirect_dma source(%dma_start3A_252 : memref<10240x128xf32, #tpu.memory_space<hbm>>) target(%dma_start3A_246 : memref<64x128xf32, #tpu.memory_space<vmem>>) offsets(%dma_start3A_249 : memref<64xi32, #tpu.memory_space<vmem>>) semaphore(%arg12 : memref<!tpu.dma_semaphore, #tpu.memory_space<semaphore_mem>>)
        } else {
        }
        %mul3A_191 = arith.constant 4 : i32
        %mul3A_192 = arith.muli %scan3A_144, %mul3A_191 : i32
        %add3A_193 = arith.constant 2 : i32
        %add3A_194 = arith.addi %mul3A_192, %add3A_193 : i32
        %dma_wait3A_195 = arith.constant 0 : i32
        %dma_wait3A_196 = arith.constant 2 : i32
        %dma_wait3A_197 = arith.constant 0 : i32
        %dma_wait3A_198 = arith.constant 0 : i32
        %dma_wait3A_199 = tpu.memref_slice %arg9[%dma_wait3A_196, %dma_wait3A_197, %dma_wait3A_198] : memref<4x64x128xf32, #tpu.memory_space<vmem>> -> memref<1x64x128xf32, #tpu.memory_space<vmem>>
        %dma_wait3A_200 = tpu.memref_squeeze %dma_wait3A_199 : memref<1x64x128xf32, #tpu.memory_space<vmem>> -> memref<64x128xf32, #tpu.memory_space<vmem>>
        %dma_wait3A_201 = arith.constant 0 : i32
        %dma_wait3A_202 = tpu.memref_slice %arg7[%dma_wait3A_195, %dma_wait3A_201] : memref<80x64xi32, #tpu.memory_space<vmem>> -> memref<1x64xi32, #tpu.memory_space<vmem>>
        %dma_wait3A_203 = tpu.memref_squeeze %dma_wait3A_202 : memref<1x64xi32, #tpu.memory_space<vmem>> -> memref<64xi32, #tpu.memory_space<vmem>>
        %dma_wait3A_204 = arith.constant 0 : i32
        %dma_wait3A_205 = arith.constant 0 : i32
        %dma_wait3A_206 = tpu.memref_slice %arg2[%dma_wait3A_204, %dma_wait3A_205] : memref<10240x128xf32, #tpu.memory_space<hbm>> -> memref<10240x128xf32, #tpu.memory_space<hbm>>
        tpu.wait_indirect_dma semaphore(%arg13 : memref<!tpu.dma_semaphore, #tpu.memory_space<semaphore_mem>>) src(%dma_wait3A_206 : memref<10240x128xf32, #tpu.memory_space<hbm>>) dst(%dma_wait3A_200 : memref<64x128xf32, #tpu.memory_space<vmem>>)
        %run_scoped3A_207 = arith.constant 2 : i32
        "tpu.region"() ({
          %run_scoped3A_240 = tpu.sem_alloc : memref<!tpu.dma_semaphore, #tpu.memory_space<semaphore_mem>>
          %dma_start3A_241 = arith.constant 0 : i32
          %dma_start3A_242 = arith.constant 0 : i32
          %dma_start3A_243 = tpu.memref_slice %arg9[%run_scoped3A_207, %dma_start3A_241, %dma_start3A_242] : memref<4x64x128xf32, #tpu.memory_space<vmem>> -> memref<1x64x128xf32, #tpu.memory_space<vmem>>
          %dma_start3A_244 = tpu.memref_squeeze %dma_start3A_243 : memref<1x64x128xf32, #tpu.memory_space<vmem>> -> memref<64x128xf32, #tpu.memory_space<vmem>>
          %dma_start3A_245 = arith.constant 0 : i32
          %dma_start3A_246 = tpu.memref_slice %arg8[%add3A_194, %dma_start3A_245] : memref<80x64xi32, #tpu.memory_space<vmem>> -> memref<1x64xi32, #tpu.memory_space<vmem>>
          %dma_start3A_247 = tpu.memref_squeeze %dma_start3A_246 : memref<1x64xi32, #tpu.memory_space<vmem>> -> memref<64xi32, #tpu.memory_space<vmem>>
          %dma_start3A_248 = arith.constant 0 : i32
          %dma_start3A_249 = arith.constant 0 : i32
          %dma_start3A_250 = tpu.memref_slice %arg10[%dma_start3A_248, %dma_start3A_249] : memref<10240x128xf32, #tpu.memory_space<vmem_shared>> -> memref<10240x128xf32, #tpu.memory_space<vmem_shared>>
          tpu.enqueue_indirect_dma source(%dma_start3A_244 : memref<64x128xf32, #tpu.memory_space<vmem>>) target(%dma_start3A_250 : memref<10240x128xf32, #tpu.memory_space<vmem_shared>>) offsets(%dma_start3A_247 : memref<64xi32, #tpu.memory_space<vmem>>) semaphore(%run_scoped3A_240 : memref<!tpu.dma_semaphore, #tpu.memory_space<semaphore_mem>>) {add = true}
          %dma_wait3A_251 = arith.constant 0 : i32
          %dma_wait3A_252 = arith.constant 0 : i32
          %dma_wait3A_253 = tpu.memref_slice %arg9[%run_scoped3A_207, %dma_wait3A_251, %dma_wait3A_252] : memref<4x64x128xf32, #tpu.memory_space<vmem>> -> memref<1x64x128xf32, #tpu.memory_space<vmem>>
          %dma_wait3A_254 = tpu.memref_squeeze %dma_wait3A_253 : memref<1x64x128xf32, #tpu.memory_space<vmem>> -> memref<64x128xf32, #tpu.memory_space<vmem>>
          %dma_wait3A_255 = arith.constant 0 : i32
          %dma_wait3A_256 = tpu.memref_slice %arg8[%add3A_194, %dma_wait3A_255] : memref<80x64xi32, #tpu.memory_space<vmem>> -> memref<1x64xi32, #tpu.memory_space<vmem>>
          %dma_wait3A_257 = tpu.memref_squeeze %dma_wait3A_256 : memref<1x64xi32, #tpu.memory_space<vmem>> -> memref<64xi32, #tpu.memory_space<vmem>>
          %dma_wait3A_258 = arith.constant 0 : i32
          %dma_wait3A_259 = arith.constant 0 : i32
          %dma_wait3A_260 = tpu.memref_slice %arg10[%dma_wait3A_258, %dma_wait3A_259] : memref<10240x128xf32, #tpu.memory_space<vmem_shared>> -> memref<10240x128xf32, #tpu.memory_space<vmem_shared>>
          tpu.wait_indirect_dma semaphore(%run_scoped3A_240 : memref<!tpu.dma_semaphore, #tpu.memory_space<semaphore_mem>>) src(%dma_wait3A_254 : memref<64x128xf32, #tpu.memory_space<vmem>>) dst(%dma_wait3A_260 : memref<10240x128xf32, #tpu.memory_space<vmem_shared>>)
          tpu.yield
        }) : () -> ()
        %add3A_208 = arith.constant 4 : i32
        %add3A_209 = arith.addi %add3A_194, %add3A_208 : i32
        %lt3A_210 = arith.constant 80 : i32
        %lt3A_211 = arith.cmpi slt, %add3A_209, %lt3A_210 : i32
        %convert_element_type3A_212 = arith.extui %lt3A_211 : i1 to i32
        %cond3A_213 = arith.constant 0 : i32
        %cond3A_214 = arith.cmpi ne, %convert_element_type3A_212, %cond3A_213 : i32
        scf.if %cond3A_214 {
          %add3A_240 = arith.constant 4 : i32
          %add3A_241 = arith.addi %add3A_194, %add3A_240 : i32
          %dma_start3A_242 = arith.constant 2 : i32
          %dma_start3A_243 = arith.constant 0 : i32
          %dma_start3A_244 = arith.constant 0 : i32
          %dma_start3A_245 = tpu.memref_slice %arg9[%dma_start3A_242, %dma_start3A_243, %dma_start3A_244] : memref<4x64x128xf32, #tpu.memory_space<vmem>> -> memref<1x64x128xf32, #tpu.memory_space<vmem>>
          %dma_start3A_246 = tpu.memref_squeeze %dma_start3A_245 : memref<1x64x128xf32, #tpu.memory_space<vmem>> -> memref<64x128xf32, #tpu.memory_space<vmem>>
          %dma_start3A_247 = arith.constant 0 : i32
          %dma_start3A_248 = tpu.memref_slice %arg7[%add3A_241, %dma_start3A_247] : memref<80x64xi32, #tpu.memory_space<vmem>> -> memref<1x64xi32, #tpu.memory_space<vmem>>
          %dma_start3A_249 = tpu.memref_squeeze %dma_start3A_248 : memref<1x64xi32, #tpu.memory_space<vmem>> -> memref<64xi32, #tpu.memory_space<vmem>>
          %dma_start3A_250 = arith.constant 0 : i32
          %dma_start3A_251 = arith.constant 0 : i32
          %dma_start3A_252 = tpu.memref_slice %arg2[%dma_start3A_250, %dma_start3A_251] : memref<10240x128xf32, #tpu.memory_space<hbm>> -> memref<10240x128xf32, #tpu.memory_space<hbm>>
          tpu.enqueue_indirect_dma source(%dma_start3A_252 : memref<10240x128xf32, #tpu.memory_space<hbm>>) target(%dma_start3A_246 : memref<64x128xf32, #tpu.memory_space<vmem>>) offsets(%dma_start3A_249 : memref<64xi32, #tpu.memory_space<vmem>>) semaphore(%arg13 : memref<!tpu.dma_semaphore, #tpu.memory_space<semaphore_mem>>)
        } else {
        }
        %mul3A_215 = arith.constant 4 : i32
        %mul3A_216 = arith.muli %scan3A_144, %mul3A_215 : i32
        %add3A_217 = arith.constant 3 : i32
        %add3A_218 = arith.addi %mul3A_216, %add3A_217 : i32
        %dma_wait3A_219 = arith.constant 0 : i32
        %dma_wait3A_220 = arith.constant 3 : i32
        %dma_wait3A_221 = arith.constant 0 : i32
        %dma_wait3A_222 = arith.constant 0 : i32
        %dma_wait3A_223 = tpu.memref_slice %arg9[%dma_wait3A_220, %dma_wait3A_221, %dma_wait3A_222] : memref<4x64x128xf32, #tpu.memory_space<vmem>> -> memref<1x64x128xf32, #tpu.memory_space<vmem>>
        %dma_wait3A_224 = tpu.memref_squeeze %dma_wait3A_223 : memref<1x64x128xf32, #tpu.memory_space<vmem>> -> memref<64x128xf32, #tpu.memory_space<vmem>>
        %dma_wait3A_225 = arith.constant 0 : i32
        %dma_wait3A_226 = tpu.memref_slice %arg7[%dma_wait3A_219, %dma_wait3A_225] : memref<80x64xi32, #tpu.memory_space<vmem>> -> memref<1x64xi32, #tpu.memory_space<vmem>>
        %dma_wait3A_227 = tpu.memref_squeeze %dma_wait3A_226 : memref<1x64xi32, #tpu.memory_space<vmem>> -> memref<64xi32, #tpu.memory_space<vmem>>
        %dma_wait3A_228 = arith.constant 0 : i32
        %dma_wait3A_229 = arith.constant 0 : i32
        %dma_wait3A_230 = tpu.memref_slice %arg2[%dma_wait3A_228, %dma_wait3A_229] : memref<10240x128xf32, #tpu.memory_space<hbm>> -> memref<10240x128xf32, #tpu.memory_space<hbm>>
        tpu.wait_indirect_dma semaphore(%arg14 : memref<!tpu.dma_semaphore, #tpu.memory_space<semaphore_mem>>) src(%dma_wait3A_230 : memref<10240x128xf32, #tpu.memory_space<hbm>>) dst(%dma_wait3A_224 : memref<64x128xf32, #tpu.memory_space<vmem>>)
        %run_scoped3A_231 = arith.constant 3 : i32
        "tpu.region"() ({
          %run_scoped3A_240 = tpu.sem_alloc : memref<!tpu.dma_semaphore, #tpu.memory_space<semaphore_mem>>
          %dma_start3A_241 = arith.constant 0 : i32
          %dma_start3A_242 = arith.constant 0 : i32
          %dma_start3A_243 = tpu.memref_slice %arg9[%run_scoped3A_231, %dma_start3A_241, %dma_start3A_242] : memref<4x64x128xf32, #tpu.memory_space<vmem>> -> memref<1x64x128xf32, #tpu.memory_space<vmem>>
          %dma_start3A_244 = tpu.memref_squeeze %dma_start3A_243 : memref<1x64x128xf32, #tpu.memory_space<vmem>> -> memref<64x128xf32, #tpu.memory_space<vmem>>
          %dma_start3A_245 = arith.constant 0 : i32
          %dma_start3A_246 = tpu.memref_slice %arg8[%add3A_218, %dma_start3A_245] : memref<80x64xi32, #tpu.memory_space<vmem>> -> memref<1x64xi32, #tpu.memory_space<vmem>>
          %dma_start3A_247 = tpu.memref_squeeze %dma_start3A_246 : memref<1x64xi32, #tpu.memory_space<vmem>> -> memref<64xi32, #tpu.memory_space<vmem>>
          %dma_start3A_248 = arith.constant 0 : i32
          %dma_start3A_249 = arith.constant 0 : i32
          %dma_start3A_250 = tpu.memref_slice %arg10[%dma_start3A_248, %dma_start3A_249] : memref<10240x128xf32, #tpu.memory_space<vmem_shared>> -> memref<10240x128xf32, #tpu.memory_space<vmem_shared>>
          tpu.enqueue_indirect_dma source(%dma_start3A_244 : memref<64x128xf32, #tpu.memory_space<vmem>>) target(%dma_start3A_250 : memref<10240x128xf32, #tpu.memory_space<vmem_shared>>) offsets(%dma_start3A_247 : memref<64xi32, #tpu.memory_space<vmem>>) semaphore(%run_scoped3A_240 : memref<!tpu.dma_semaphore, #tpu.memory_space<semaphore_mem>>) {add = true}
          %dma_wait3A_251 = arith.constant 0 : i32
          %dma_wait3A_252 = arith.constant 0 : i32
          %dma_wait3A_253 = tpu.memref_slice %arg9[%run_scoped3A_231, %dma_wait3A_251, %dma_wait3A_252] : memref<4x64x128xf32, #tpu.memory_space<vmem>> -> memref<1x64x128xf32, #tpu.memory_space<vmem>>
          %dma_wait3A_254 = tpu.memref_squeeze %dma_wait3A_253 : memref<1x64x128xf32, #tpu.memory_space<vmem>> -> memref<64x128xf32, #tpu.memory_space<vmem>>
          %dma_wait3A_255 = arith.constant 0 : i32
          %dma_wait3A_256 = tpu.memref_slice %arg8[%add3A_218, %dma_wait3A_255] : memref<80x64xi32, #tpu.memory_space<vmem>> -> memref<1x64xi32, #tpu.memory_space<vmem>>
          %dma_wait3A_257 = tpu.memref_squeeze %dma_wait3A_256 : memref<1x64xi32, #tpu.memory_space<vmem>> -> memref<64xi32, #tpu.memory_space<vmem>>
          %dma_wait3A_258 = arith.constant 0 : i32
          %dma_wait3A_259 = arith.constant 0 : i32
          %dma_wait3A_260 = tpu.memref_slice %arg10[%dma_wait3A_258, %dma_wait3A_259] : memref<10240x128xf32, #tpu.memory_space<vmem_shared>> -> memref<10240x128xf32, #tpu.memory_space<vmem_shared>>
          tpu.wait_indirect_dma semaphore(%run_scoped3A_240 : memref<!tpu.dma_semaphore, #tpu.memory_space<semaphore_mem>>) src(%dma_wait3A_254 : memref<64x128xf32, #tpu.memory_space<vmem>>) dst(%dma_wait3A_260 : memref<10240x128xf32, #tpu.memory_space<vmem_shared>>)
          tpu.yield
        }) : () -> ()
        %add3A_232 = arith.constant 4 : i32
        %add3A_233 = arith.addi %add3A_218, %add3A_232 : i32
        %lt3A_234 = arith.constant 80 : i32
        %lt3A_235 = arith.cmpi slt, %add3A_233, %lt3A_234 : i32
        %convert_element_type3A_236 = arith.extui %lt3A_235 : i1 to i32
        %cond3A_237 = arith.constant 0 : i32
        %cond3A_238 = arith.cmpi ne, %convert_element_type3A_236, %cond3A_237 : i32
        scf.if %cond3A_238 {
          %add3A_240 = arith.constant 4 : i32
          %add3A_241 = arith.addi %add3A_218, %add3A_240 : i32
          %dma_start3A_242 = arith.constant 3 : i32
          %dma_start3A_243 = arith.constant 0 : i32
          %dma_start3A_244 = arith.constant 0 : i32
          %dma_start3A_245 = tpu.memref_slice %arg9[%dma_start3A_242, %dma_start3A_243, %dma_start3A_244] : memref<4x64x128xf32, #tpu.memory_space<vmem>> -> memref<1x64x128xf32, #tpu.memory_space<vmem>>
          %dma_start3A_246 = tpu.memref_squeeze %dma_start3A_245 : memref<1x64x128xf32, #tpu.memory_space<vmem>> -> memref<64x128xf32, #tpu.memory_space<vmem>>
          %dma_start3A_247 = arith.constant 0 : i32
          %dma_start3A_248 = tpu.memref_slice %arg7[%add3A_241, %dma_start3A_247] : memref<80x64xi32, #tpu.memory_space<vmem>> -> memref<1x64xi32, #tpu.memory_space<vmem>>
          %dma_start3A_249 = tpu.memref_squeeze %dma_start3A_248 : memref<1x64xi32, #tpu.memory_space<vmem>> -> memref<64xi32, #tpu.memory_space<vmem>>
          %dma_start3A_250 = arith.constant 0 : i32
          %dma_start3A_251 = arith.constant 0 : i32
          %dma_start3A_252 = tpu.memref_slice %arg2[%dma_start3A_250, %dma_start3A_251] : memref<10240x128xf32, #tpu.memory_space<hbm>> -> memref<10240x128xf32, #tpu.memory_space<hbm>>
          tpu.enqueue_indirect_dma source(%dma_start3A_252 : memref<10240x128xf32, #tpu.memory_space<hbm>>) target(%dma_start3A_246 : memref<64x128xf32, #tpu.memory_space<vmem>>) offsets(%dma_start3A_249 : memref<64xi32, #tpu.memory_space<vmem>>) semaphore(%arg14 : memref<!tpu.dma_semaphore, #tpu.memory_space<semaphore_mem>>)
        } else {
        }
        %scan3A_239 = arith.constant 0 : i32
        scf.yield %scan3A_239 : i32
      }
      %scan3A_143 = arith.constant 20 : i32
    } else {
    }
    %eq3A_16 = arith.constant 1 : i32
    %eq3A_17 = arith.cmpi eq, %arg0, %eq3A_16 : i32
    %convert_element_type3A_18 = arith.extui %eq3A_17 : i1 to i32
    %cond3A_19 = arith.constant 0 : i32
    %cond3A_20 = arith.cmpi ne, %convert_element_type3A_18, %cond3A_19 : i32
    scf.if %cond3A_20 {
      %mul3A = arith.constant 160 : i32
      %mul3A_29 = arith.muli %arg1, %mul3A : i32
      %add3A = arith.constant 0 : i32
      %add3A_30 = arith.addi %mul3A_29, %add3A : i32
      "tpu.region"() ({
        %run_scoped3A = tpu.sem_alloc : memref<!tpu.dma_semaphore, #tpu.memory_space<semaphore_mem>>
        %dma_start3A_144 = arith.constant 0 : i32
        %dma_start3A_145 = tpu.memref_slice %arg4[%add3A_30, %dma_start3A_144] : memref<2560x64xi32, #tpu.memory_space<hbm>> -> memref<80x64xi32, #tpu.memory_space<hbm>>
        %dma_start3A_146 = arith.constant 0 : i32
        %dma_start3A_147 = tpu.memref_slice %arg4[%add3A_30, %dma_start3A_146] : memref<2560x64xi32, #tpu.memory_space<hbm>> -> memref<80x64xi32, #tpu.memory_space<hbm>>
        tpu.enqueue_dma source(%dma_start3A_147 : memref<80x64xi32, #tpu.memory_space<hbm>>) target(%arg7 : memref<80x64xi32, #tpu.memory_space<vmem>>) target_semaphore(%run_scoped3A : memref<!tpu.dma_semaphore, #tpu.memory_space<semaphore_mem>>)
        %dma_wait3A = arith.constant 0 : i32
        %dma_wait3A_148 = tpu.memref_slice %arg4[%add3A_30, %dma_wait3A] : memref<2560x64xi32, #tpu.memory_space<hbm>> -> memref<80x64xi32, #tpu.memory_space<hbm>>
        %dma_wait3A_149 = arith.constant 0 : i32
        %dma_wait3A_150 = tpu.memref_slice %arg4[%add3A_30, %dma_wait3A_149] : memref<2560x64xi32, #tpu.memory_space<hbm>> -> memref<80x64xi32, #tpu.memory_space<hbm>>
        tpu.wait_dma2 semaphore(%run_scoped3A : memref<!tpu.dma_semaphore, #tpu.memory_space<semaphore_mem>>) src(%dma_wait3A_150 : memref<80x64xi32, #tpu.memory_space<hbm>>) dst(%arg7 : memref<80x64xi32, #tpu.memory_space<vmem>>)
        tpu.yield
      }) : () -> ()
      "tpu.region"() ({
        %run_scoped3A = tpu.sem_alloc : memref<!tpu.dma_semaphore, #tpu.memory_space<semaphore_mem>>
        %dma_start3A_144 = arith.constant 0 : i32
        %dma_start3A_145 = tpu.memref_slice %arg5[%add3A_30, %dma_start3A_144] : memref<2560x64xi32, #tpu.memory_space<hbm>> -> memref<80x64xi32, #tpu.memory_space<hbm>>
        %dma_start3A_146 = arith.constant 0 : i32
        %dma_start3A_147 = tpu.memref_slice %arg5[%add3A_30, %dma_start3A_146] : memref<2560x64xi32, #tpu.memory_space<hbm>> -> memref<80x64xi32, #tpu.memory_space<hbm>>
        tpu.enqueue_dma source(%dma_start3A_147 : memref<80x64xi32, #tpu.memory_space<hbm>>) target(%arg8 : memref<80x64xi32, #tpu.memory_space<vmem>>) target_semaphore(%run_scoped3A : memref<!tpu.dma_semaphore, #tpu.memory_space<semaphore_mem>>)
        %dma_wait3A = arith.constant 0 : i32
        %dma_wait3A_148 = tpu.memref_slice %arg5[%add3A_30, %dma_wait3A] : memref<2560x64xi32, #tpu.memory_space<hbm>> -> memref<80x64xi32, #tpu.memory_space<hbm>>
        %dma_wait3A_149 = arith.constant 0 : i32
        %dma_wait3A_150 = tpu.memref_slice %arg5[%add3A_30, %dma_wait3A_149] : memref<2560x64xi32, #tpu.memory_space<hbm>> -> memref<80x64xi32, #tpu.memory_space<hbm>>
        tpu.wait_dma2 semaphore(%run_scoped3A : memref<!tpu.dma_semaphore, #tpu.memory_space<semaphore_mem>>) src(%dma_wait3A_150 : memref<80x64xi32, #tpu.memory_space<hbm>>) dst(%arg8 : memref<80x64xi32, #tpu.memory_space<vmem>>)
        tpu.yield
      }) : () -> ()
      %dma_start3A = arith.constant 0 : i32
      %dma_start3A_31 = arith.constant 0 : i32
      %dma_start3A_32 = arith.constant 0 : i32
      %dma_start3A_33 = arith.constant 0 : i32
      %dma_start3A_34 = tpu.memref_slice %arg9[%dma_start3A_31, %dma_start3A_32, %dma_start3A_33] : memref<4x64x128xf32, #tpu.memory_space<vmem>> -> memref<1x64x128xf32, #tpu.memory_space<vmem>>
      %dma_start3A_35 = tpu.memref_squeeze %dma_start3A_34 : memref<1x64x128xf32, #tpu.memory_space<vmem>> -> memref<64x128xf32, #tpu.memory_space<vmem>>
      %dma_start3A_36 = arith.constant 0 : i32
      %dma_start3A_37 = tpu.memref_slice %arg7[%dma_start3A, %dma_start3A_36] : memref<80x64xi32, #tpu.memory_space<vmem>> -> memref<1x64xi32, #tpu.memory_space<vmem>>
      %dma_start3A_38 = tpu.memref_squeeze %dma_start3A_37 : memref<1x64xi32, #tpu.memory_space<vmem>> -> memref<64xi32, #tpu.memory_space<vmem>>
      %dma_start3A_39 = arith.constant 0 : i32
      %dma_start3A_40 = arith.constant 0 : i32
      %dma_start3A_41 = tpu.memref_slice %arg3[%dma_start3A_39, %dma_start3A_40] : memref<10240x128xf32, #tpu.memory_space<hbm>> -> memref<10240x128xf32, #tpu.memory_space<hbm>>
      tpu.enqueue_indirect_dma source(%dma_start3A_41 : memref<10240x128xf32, #tpu.memory_space<hbm>>) target(%dma_start3A_35 : memref<64x128xf32, #tpu.memory_space<vmem>>) offsets(%dma_start3A_38 : memref<64xi32, #tpu.memory_space<vmem>>) semaphore(%arg11 : memref<!tpu.dma_semaphore, #tpu.memory_space<semaphore_mem>>)
      %dma_start3A_42 = arith.constant 1 : i32
      %dma_start3A_43 = arith.constant 1 : i32
      %dma_start3A_44 = arith.constant 0 : i32
      %dma_start3A_45 = arith.constant 0 : i32
      %dma_start3A_46 = tpu.memref_slice %arg9[%dma_start3A_43, %dma_start3A_44, %dma_start3A_45] : memref<4x64x128xf32, #tpu.memory_space<vmem>> -> memref<1x64x128xf32, #tpu.memory_space<vmem>>
      %dma_start3A_47 = tpu.memref_squeeze %dma_start3A_46 : memref<1x64x128xf32, #tpu.memory_space<vmem>> -> memref<64x128xf32, #tpu.memory_space<vmem>>
      %dma_start3A_48 = arith.constant 0 : i32
      %dma_start3A_49 = tpu.memref_slice %arg7[%dma_start3A_42, %dma_start3A_48] : memref<80x64xi32, #tpu.memory_space<vmem>> -> memref<1x64xi32, #tpu.memory_space<vmem>>
      %dma_start3A_50 = tpu.memref_squeeze %dma_start3A_49 : memref<1x64xi32, #tpu.memory_space<vmem>> -> memref<64xi32, #tpu.memory_space<vmem>>
      %dma_start3A_51 = arith.constant 0 : i32
      %dma_start3A_52 = arith.constant 0 : i32
      %dma_start3A_53 = tpu.memref_slice %arg3[%dma_start3A_51, %dma_start3A_52] : memref<10240x128xf32, #tpu.memory_space<hbm>> -> memref<10240x128xf32, #tpu.memory_space<hbm>>
      tpu.enqueue_indirect_dma source(%dma_start3A_53 : memref<10240x128xf32, #tpu.memory_space<hbm>>) target(%dma_start3A_47 : memref<64x128xf32, #tpu.memory_space<vmem>>) offsets(%dma_start3A_50 : memref<64xi32, #tpu.memory_space<vmem>>) semaphore(%arg12 : memref<!tpu.dma_semaphore, #tpu.memory_space<semaphore_mem>>)
      %dma_start3A_54 = arith.constant 2 : i32
      %dma_start3A_55 = arith.constant 2 : i32
      %dma_start3A_56 = arith.constant 0 : i32
      %dma_start3A_57 = arith.constant 0 : i32
      %dma_start3A_58 = tpu.memref_slice %arg9[%dma_start3A_55, %dma_start3A_56, %dma_start3A_57] : memref<4x64x128xf32, #tpu.memory_space<vmem>> -> memref<1x64x128xf32, #tpu.memory_space<vmem>>
      %dma_start3A_59 = tpu.memref_squeeze %dma_start3A_58 : memref<1x64x128xf32, #tpu.memory_space<vmem>> -> memref<64x128xf32, #tpu.memory_space<vmem>>
      %dma_start3A_60 = arith.constant 0 : i32
      %dma_start3A_61 = tpu.memref_slice %arg7[%dma_start3A_54, %dma_start3A_60] : memref<80x64xi32, #tpu.memory_space<vmem>> -> memref<1x64xi32, #tpu.memory_space<vmem>>
      %dma_start3A_62 = tpu.memref_squeeze %dma_start3A_61 : memref<1x64xi32, #tpu.memory_space<vmem>> -> memref<64xi32, #tpu.memory_space<vmem>>
      %dma_start3A_63 = arith.constant 0 : i32
      %dma_start3A_64 = arith.constant 0 : i32
      %dma_start3A_65 = tpu.memref_slice %arg3[%dma_start3A_63, %dma_start3A_64] : memref<10240x128xf32, #tpu.memory_space<hbm>> -> memref<10240x128xf32, #tpu.memory_space<hbm>>
      tpu.enqueue_indirect_dma source(%dma_start3A_65 : memref<10240x128xf32, #tpu.memory_space<hbm>>) target(%dma_start3A_59 : memref<64x128xf32, #tpu.memory_space<vmem>>) offsets(%dma_start3A_62 : memref<64xi32, #tpu.memory_space<vmem>>) semaphore(%arg13 : memref<!tpu.dma_semaphore, #tpu.memory_space<semaphore_mem>>)
      %dma_start3A_66 = arith.constant 3 : i32
      %dma_start3A_67 = arith.constant 3 : i32
      %dma_start3A_68 = arith.constant 0 : i32
      %dma_start3A_69 = arith.constant 0 : i32
      %dma_start3A_70 = tpu.memref_slice %arg9[%dma_start3A_67, %dma_start3A_68, %dma_start3A_69] : memref<4x64x128xf32, #tpu.memory_space<vmem>> -> memref<1x64x128xf32, #tpu.memory_space<vmem>>
      %dma_start3A_71 = tpu.memref_squeeze %dma_start3A_70 : memref<1x64x128xf32, #tpu.memory_space<vmem>> -> memref<64x128xf32, #tpu.memory_space<vmem>>
      %dma_start3A_72 = arith.constant 0 : i32
      %dma_start3A_73 = tpu.memref_slice %arg7[%dma_start3A_66, %dma_start3A_72] : memref<80x64xi32, #tpu.memory_space<vmem>> -> memref<1x64xi32, #tpu.memory_space<vmem>>
      %dma_start3A_74 = tpu.memref_squeeze %dma_start3A_73 : memref<1x64xi32, #tpu.memory_space<vmem>> -> memref<64xi32, #tpu.memory_space<vmem>>
      %dma_start3A_75 = arith.constant 0 : i32
      %dma_start3A_76 = arith.constant 0 : i32
      %dma_start3A_77 = tpu.memref_slice %arg3[%dma_start3A_75, %dma_start3A_76] : memref<10240x128xf32, #tpu.memory_space<hbm>> -> memref<10240x128xf32, #tpu.memory_space<hbm>>
      tpu.enqueue_indirect_dma source(%dma_start3A_77 : memref<10240x128xf32, #tpu.memory_space<hbm>>) target(%dma_start3A_71 : memref<64x128xf32, #tpu.memory_space<vmem>>) offsets(%dma_start3A_74 : memref<64xi32, #tpu.memory_space<vmem>>) semaphore(%arg14 : memref<!tpu.dma_semaphore, #tpu.memory_space<semaphore_mem>>)
      %scan3A_78 = arith.constant 0 : i32
      %scan3A_79 = arith.constant 0 : i32
      %scan3A_80 = arith.constant 20 : i32
      %scan3A_81 = arith.addi %scan3A_79, %scan3A_80 : i32
      %scan3A_82 = arith.constant 1 : i32
      %scan3A_83 = scf.for %scan3A_144 = %scan3A_79 to %scan3A_81 step %scan3A_82 iter_args(%scan3A_145 = %scan3A_78) -> (i32)  : i32 {
        %mul3A_146 = arith.constant 4 : i32
        %mul3A_147 = arith.muli %scan3A_144, %mul3A_146 : i32
        %add3A_148 = arith.constant 0 : i32
        %add3A_149 = arith.addi %mul3A_147, %add3A_148 : i32
        %dma_wait3A = arith.constant 0 : i32
        %dma_wait3A_150 = arith.constant 0 : i32
        %dma_wait3A_151 = arith.constant 0 : i32
        %dma_wait3A_152 = arith.constant 0 : i32
        %dma_wait3A_153 = tpu.memref_slice %arg9[%dma_wait3A_150, %dma_wait3A_151, %dma_wait3A_152] : memref<4x64x128xf32, #tpu.memory_space<vmem>> -> memref<1x64x128xf32, #tpu.memory_space<vmem>>
        %dma_wait3A_154 = tpu.memref_squeeze %dma_wait3A_153 : memref<1x64x128xf32, #tpu.memory_space<vmem>> -> memref<64x128xf32, #tpu.memory_space<vmem>>
        %dma_wait3A_155 = arith.constant 0 : i32
        %dma_wait3A_156 = tpu.memref_slice %arg7[%dma_wait3A, %dma_wait3A_155] : memref<80x64xi32, #tpu.memory_space<vmem>> -> memref<1x64xi32, #tpu.memory_space<vmem>>
        %dma_wait3A_157 = tpu.memref_squeeze %dma_wait3A_156 : memref<1x64xi32, #tpu.memory_space<vmem>> -> memref<64xi32, #tpu.memory_space<vmem>>
        %dma_wait3A_158 = arith.constant 0 : i32
        %dma_wait3A_159 = arith.constant 0 : i32
        %dma_wait3A_160 = tpu.memref_slice %arg3[%dma_wait3A_158, %dma_wait3A_159] : memref<10240x128xf32, #tpu.memory_space<hbm>> -> memref<10240x128xf32, #tpu.memory_space<hbm>>
        tpu.wait_indirect_dma semaphore(%arg11 : memref<!tpu.dma_semaphore, #tpu.memory_space<semaphore_mem>>) src(%dma_wait3A_160 : memref<10240x128xf32, #tpu.memory_space<hbm>>) dst(%dma_wait3A_154 : memref<64x128xf32, #tpu.memory_space<vmem>>)
        %run_scoped3A = arith.constant 0 : i32
        "tpu.region"() ({
          %run_scoped3A_240 = tpu.sem_alloc : memref<!tpu.dma_semaphore, #tpu.memory_space<semaphore_mem>>
          %dma_start3A_241 = arith.constant 0 : i32
          %dma_start3A_242 = arith.constant 0 : i32
          %dma_start3A_243 = tpu.memref_slice %arg9[%run_scoped3A, %dma_start3A_241, %dma_start3A_242] : memref<4x64x128xf32, #tpu.memory_space<vmem>> -> memref<1x64x128xf32, #tpu.memory_space<vmem>>
          %dma_start3A_244 = tpu.memref_squeeze %dma_start3A_243 : memref<1x64x128xf32, #tpu.memory_space<vmem>> -> memref<64x128xf32, #tpu.memory_space<vmem>>
          %dma_start3A_245 = arith.constant 0 : i32
          %dma_start3A_246 = tpu.memref_slice %arg8[%add3A_149, %dma_start3A_245] : memref<80x64xi32, #tpu.memory_space<vmem>> -> memref<1x64xi32, #tpu.memory_space<vmem>>
          %dma_start3A_247 = tpu.memref_squeeze %dma_start3A_246 : memref<1x64xi32, #tpu.memory_space<vmem>> -> memref<64xi32, #tpu.memory_space<vmem>>
          %dma_start3A_248 = arith.constant 0 : i32
          %dma_start3A_249 = arith.constant 0 : i32
          %dma_start3A_250 = tpu.memref_slice %arg10[%dma_start3A_248, %dma_start3A_249] : memref<10240x128xf32, #tpu.memory_space<vmem_shared>> -> memref<10240x128xf32, #tpu.memory_space<vmem_shared>>
          tpu.enqueue_indirect_dma source(%dma_start3A_244 : memref<64x128xf32, #tpu.memory_space<vmem>>) target(%dma_start3A_250 : memref<10240x128xf32, #tpu.memory_space<vmem_shared>>) offsets(%dma_start3A_247 : memref<64xi32, #tpu.memory_space<vmem>>) semaphore(%run_scoped3A_240 : memref<!tpu.dma_semaphore, #tpu.memory_space<semaphore_mem>>) {add = true}
          %dma_wait3A_251 = arith.constant 0 : i32
          %dma_wait3A_252 = arith.constant 0 : i32
          %dma_wait3A_253 = tpu.memref_slice %arg9[%run_scoped3A, %dma_wait3A_251, %dma_wait3A_252] : memref<4x64x128xf32, #tpu.memory_space<vmem>> -> memref<1x64x128xf32, #tpu.memory_space<vmem>>
          %dma_wait3A_254 = tpu.memref_squeeze %dma_wait3A_253 : memref<1x64x128xf32, #tpu.memory_space<vmem>> -> memref<64x128xf32, #tpu.memory_space<vmem>>
          %dma_wait3A_255 = arith.constant 0 : i32
          %dma_wait3A_256 = tpu.memref_slice %arg8[%add3A_149, %dma_wait3A_255] : memref<80x64xi32, #tpu.memory_space<vmem>> -> memref<1x64xi32, #tpu.memory_space<vmem>>
          %dma_wait3A_257 = tpu.memref_squeeze %dma_wait3A_256 : memref<1x64xi32, #tpu.memory_space<vmem>> -> memref<64xi32, #tpu.memory_space<vmem>>
          %dma_wait3A_258 = arith.constant 0 : i32
          %dma_wait3A_259 = arith.constant 0 : i32
          %dma_wait3A_260 = tpu.memref_slice %arg10[%dma_wait3A_258, %dma_wait3A_259] : memref<10240x128xf32, #tpu.memory_space<vmem_shared>> -> memref<10240x128xf32, #tpu.memory_space<vmem_shared>>
          tpu.wait_indirect_dma semaphore(%run_scoped3A_240 : memref<!tpu.dma_semaphore, #tpu.memory_space<semaphore_mem>>) src(%dma_wait3A_254 : memref<64x128xf32, #tpu.memory_space<vmem>>) dst(%dma_wait3A_260 : memref<10240x128xf32, #tpu.memory_space<vmem_shared>>)
          tpu.yield
        }) : () -> ()
        %add3A_161 = arith.constant 4 : i32
        %add3A_162 = arith.addi %add3A_149, %add3A_161 : i32
        %lt3A = arith.constant 80 : i32
        %lt3A_163 = arith.cmpi slt, %add3A_162, %lt3A : i32
        %convert_element_type3A_164 = arith.extui %lt3A_163 : i1 to i32
        %cond3A_165 = arith.constant 0 : i32
        %cond3A_166 = arith.cmpi ne, %convert_element_type3A_164, %cond3A_165 : i32
        scf.if %cond3A_166 {
          %add3A_240 = arith.constant 4 : i32
          %add3A_241 = arith.addi %add3A_149, %add3A_240 : i32
          %dma_start3A_242 = arith.constant 0 : i32
          %dma_start3A_243 = arith.constant 0 : i32
          %dma_start3A_244 = arith.constant 0 : i32
          %dma_start3A_245 = tpu.memref_slice %arg9[%dma_start3A_242, %dma_start3A_243, %dma_start3A_244] : memref<4x64x128xf32, #tpu.memory_space<vmem>> -> memref<1x64x128xf32, #tpu.memory_space<vmem>>
          %dma_start3A_246 = tpu.memref_squeeze %dma_start3A_245 : memref<1x64x128xf32, #tpu.memory_space<vmem>> -> memref<64x128xf32, #tpu.memory_space<vmem>>
          %dma_start3A_247 = arith.constant 0 : i32
          %dma_start3A_248 = tpu.memref_slice %arg7[%add3A_241, %dma_start3A_247] : memref<80x64xi32, #tpu.memory_space<vmem>> -> memref<1x64xi32, #tpu.memory_space<vmem>>
          %dma_start3A_249 = tpu.memref_squeeze %dma_start3A_248 : memref<1x64xi32, #tpu.memory_space<vmem>> -> memref<64xi32, #tpu.memory_space<vmem>>
          %dma_start3A_250 = arith.constant 0 : i32
          %dma_start3A_251 = arith.constant 0 : i32
          %dma_start3A_252 = tpu.memref_slice %arg3[%dma_start3A_250, %dma_start3A_251] : memref<10240x128xf32, #tpu.memory_space<hbm>> -> memref<10240x128xf32, #tpu.memory_space<hbm>>
          tpu.enqueue_indirect_dma source(%dma_start3A_252 : memref<10240x128xf32, #tpu.memory_space<hbm>>) target(%dma_start3A_246 : memref<64x128xf32, #tpu.memory_space<vmem>>) offsets(%dma_start3A_249 : memref<64xi32, #tpu.memory_space<vmem>>) semaphore(%arg11 : memref<!tpu.dma_semaphore, #tpu.memory_space<semaphore_mem>>)
        } else {
        }
        %mul3A_167 = arith.constant 4 : i32
        %mul3A_168 = arith.muli %scan3A_144, %mul3A_167 : i32
        %add3A_169 = arith.constant 1 : i32
        %add3A_170 = arith.addi %mul3A_168, %add3A_169 : i32
        %dma_wait3A_171 = arith.constant 0 : i32
        %dma_wait3A_172 = arith.constant 1 : i32
        %dma_wait3A_173 = arith.constant 0 : i32
        %dma_wait3A_174 = arith.constant 0 : i32
        %dma_wait3A_175 = tpu.memref_slice %arg9[%dma_wait3A_172, %dma_wait3A_173, %dma_wait3A_174] : memref<4x64x128xf32, #tpu.memory_space<vmem>> -> memref<1x64x128xf32, #tpu.memory_space<vmem>>
        %dma_wait3A_176 = tpu.memref_squeeze %dma_wait3A_175 : memref<1x64x128xf32, #tpu.memory_space<vmem>> -> memref<64x128xf32, #tpu.memory_space<vmem>>
        %dma_wait3A_177 = arith.constant 0 : i32
        %dma_wait3A_178 = tpu.memref_slice %arg7[%dma_wait3A_171, %dma_wait3A_177] : memref<80x64xi32, #tpu.memory_space<vmem>> -> memref<1x64xi32, #tpu.memory_space<vmem>>
        %dma_wait3A_179 = tpu.memref_squeeze %dma_wait3A_178 : memref<1x64xi32, #tpu.memory_space<vmem>> -> memref<64xi32, #tpu.memory_space<vmem>>
        %dma_wait3A_180 = arith.constant 0 : i32
        %dma_wait3A_181 = arith.constant 0 : i32
        %dma_wait3A_182 = tpu.memref_slice %arg3[%dma_wait3A_180, %dma_wait3A_181] : memref<10240x128xf32, #tpu.memory_space<hbm>> -> memref<10240x128xf32, #tpu.memory_space<hbm>>
        tpu.wait_indirect_dma semaphore(%arg12 : memref<!tpu.dma_semaphore, #tpu.memory_space<semaphore_mem>>) src(%dma_wait3A_182 : memref<10240x128xf32, #tpu.memory_space<hbm>>) dst(%dma_wait3A_176 : memref<64x128xf32, #tpu.memory_space<vmem>>)
        %run_scoped3A_183 = arith.constant 1 : i32
        "tpu.region"() ({
          %run_scoped3A_240 = tpu.sem_alloc : memref<!tpu.dma_semaphore, #tpu.memory_space<semaphore_mem>>
          %dma_start3A_241 = arith.constant 0 : i32
          %dma_start3A_242 = arith.constant 0 : i32
          %dma_start3A_243 = tpu.memref_slice %arg9[%run_scoped3A_183, %dma_start3A_241, %dma_start3A_242] : memref<4x64x128xf32, #tpu.memory_space<vmem>> -> memref<1x64x128xf32, #tpu.memory_space<vmem>>
          %dma_start3A_244 = tpu.memref_squeeze %dma_start3A_243 : memref<1x64x128xf32, #tpu.memory_space<vmem>> -> memref<64x128xf32, #tpu.memory_space<vmem>>
          %dma_start3A_245 = arith.constant 0 : i32
          %dma_start3A_246 = tpu.memref_slice %arg8[%add3A_170, %dma_start3A_245] : memref<80x64xi32, #tpu.memory_space<vmem>> -> memref<1x64xi32, #tpu.memory_space<vmem>>
          %dma_start3A_247 = tpu.memref_squeeze %dma_start3A_246 : memref<1x64xi32, #tpu.memory_space<vmem>> -> memref<64xi32, #tpu.memory_space<vmem>>
          %dma_start3A_248 = arith.constant 0 : i32
          %dma_start3A_249 = arith.constant 0 : i32
          %dma_start3A_250 = tpu.memref_slice %arg10[%dma_start3A_248, %dma_start3A_249] : memref<10240x128xf32, #tpu.memory_space<vmem_shared>> -> memref<10240x128xf32, #tpu.memory_space<vmem_shared>>
          tpu.enqueue_indirect_dma source(%dma_start3A_244 : memref<64x128xf32, #tpu.memory_space<vmem>>) target(%dma_start3A_250 : memref<10240x128xf32, #tpu.memory_space<vmem_shared>>) offsets(%dma_start3A_247 : memref<64xi32, #tpu.memory_space<vmem>>) semaphore(%run_scoped3A_240 : memref<!tpu.dma_semaphore, #tpu.memory_space<semaphore_mem>>) {add = true}
          %dma_wait3A_251 = arith.constant 0 : i32
          %dma_wait3A_252 = arith.constant 0 : i32
          %dma_wait3A_253 = tpu.memref_slice %arg9[%run_scoped3A_183, %dma_wait3A_251, %dma_wait3A_252] : memref<4x64x128xf32, #tpu.memory_space<vmem>> -> memref<1x64x128xf32, #tpu.memory_space<vmem>>
          %dma_wait3A_254 = tpu.memref_squeeze %dma_wait3A_253 : memref<1x64x128xf32, #tpu.memory_space<vmem>> -> memref<64x128xf32, #tpu.memory_space<vmem>>
          %dma_wait3A_255 = arith.constant 0 : i32
          %dma_wait3A_256 = tpu.memref_slice %arg8[%add3A_170, %dma_wait3A_255] : memref<80x64xi32, #tpu.memory_space<vmem>> -> memref<1x64xi32, #tpu.memory_space<vmem>>
          %dma_wait3A_257 = tpu.memref_squeeze %dma_wait3A_256 : memref<1x64xi32, #tpu.memory_space<vmem>> -> memref<64xi32, #tpu.memory_space<vmem>>
          %dma_wait3A_258 = arith.constant 0 : i32
          %dma_wait3A_259 = arith.constant 0 : i32
          %dma_wait3A_260 = tpu.memref_slice %arg10[%dma_wait3A_258, %dma_wait3A_259] : memref<10240x128xf32, #tpu.memory_space<vmem_shared>> -> memref<10240x128xf32, #tpu.memory_space<vmem_shared>>
          tpu.wait_indirect_dma semaphore(%run_scoped3A_240 : memref<!tpu.dma_semaphore, #tpu.memory_space<semaphore_mem>>) src(%dma_wait3A_254 : memref<64x128xf32, #tpu.memory_space<vmem>>) dst(%dma_wait3A_260 : memref<10240x128xf32, #tpu.memory_space<vmem_shared>>)
          tpu.yield
        }) : () -> ()
        %add3A_184 = arith.constant 4 : i32
        %add3A_185 = arith.addi %add3A_170, %add3A_184 : i32
        %lt3A_186 = arith.constant 80 : i32
        %lt3A_187 = arith.cmpi slt, %add3A_185, %lt3A_186 : i32
        %convert_element_type3A_188 = arith.extui %lt3A_187 : i1 to i32
        %cond3A_189 = arith.constant 0 : i32
        %cond3A_190 = arith.cmpi ne, %convert_element_type3A_188, %cond3A_189 : i32
        scf.if %cond3A_190 {
          %add3A_240 = arith.constant 4 : i32
          %add3A_241 = arith.addi %add3A_170, %add3A_240 : i32
          %dma_start3A_242 = arith.constant 1 : i32
          %dma_start3A_243 = arith.constant 0 : i32
          %dma_start3A_244 = arith.constant 0 : i32
          %dma_start3A_245 = tpu.memref_slice %arg9[%dma_start3A_242, %dma_start3A_243, %dma_start3A_244] : memref<4x64x128xf32, #tpu.memory_space<vmem>> -> memref<1x64x128xf32, #tpu.memory_space<vmem>>
          %dma_start3A_246 = tpu.memref_squeeze %dma_start3A_245 : memref<1x64x128xf32, #tpu.memory_space<vmem>> -> memref<64x128xf32, #tpu.memory_space<vmem>>
          %dma_start3A_247 = arith.constant 0 : i32
          %dma_start3A_248 = tpu.memref_slice %arg7[%add3A_241, %dma_start3A_247] : memref<80x64xi32, #tpu.memory_space<vmem>> -> memref<1x64xi32, #tpu.memory_space<vmem>>
          %dma_start3A_249 = tpu.memref_squeeze %dma_start3A_248 : memref<1x64xi32, #tpu.memory_space<vmem>> -> memref<64xi32, #tpu.memory_space<vmem>>
          %dma_start3A_250 = arith.constant 0 : i32
          %dma_start3A_251 = arith.constant 0 : i32
          %dma_start3A_252 = tpu.memref_slice %arg3[%dma_start3A_250, %dma_start3A_251] : memref<10240x128xf32, #tpu.memory_space<hbm>> -> memref<10240x128xf32, #tpu.memory_space<hbm>>
          tpu.enqueue_indirect_dma source(%dma_start3A_252 : memref<10240x128xf32, #tpu.memory_space<hbm>>) target(%dma_start3A_246 : memref<64x128xf32, #tpu.memory_space<vmem>>) offsets(%dma_start3A_249 : memref<64xi32, #tpu.memory_space<vmem>>) semaphore(%arg12 : memref<!tpu.dma_semaphore, #tpu.memory_space<semaphore_mem>>)
        } else {
        }
        %mul3A_191 = arith.constant 4 : i32
        %mul3A_192 = arith.muli %scan3A_144, %mul3A_191 : i32
        %add3A_193 = arith.constant 2 : i32
        %add3A_194 = arith.addi %mul3A_192, %add3A_193 : i32
        %dma_wait3A_195 = arith.constant 0 : i32
        %dma_wait3A_196 = arith.constant 2 : i32
        %dma_wait3A_197 = arith.constant 0 : i32
        %dma_wait3A_198 = arith.constant 0 : i32
        %dma_wait3A_199 = tpu.memref_slice %arg9[%dma_wait3A_196, %dma_wait3A_197, %dma_wait3A_198] : memref<4x64x128xf32, #tpu.memory_space<vmem>> -> memref<1x64x128xf32, #tpu.memory_space<vmem>>
        %dma_wait3A_200 = tpu.memref_squeeze %dma_wait3A_199 : memref<1x64x128xf32, #tpu.memory_space<vmem>> -> memref<64x128xf32, #tpu.memory_space<vmem>>
        %dma_wait3A_201 = arith.constant 0 : i32
        %dma_wait3A_202 = tpu.memref_slice %arg7[%dma_wait3A_195, %dma_wait3A_201] : memref<80x64xi32, #tpu.memory_space<vmem>> -> memref<1x64xi32, #tpu.memory_space<vmem>>
        %dma_wait3A_203 = tpu.memref_squeeze %dma_wait3A_202 : memref<1x64xi32, #tpu.memory_space<vmem>> -> memref<64xi32, #tpu.memory_space<vmem>>
        %dma_wait3A_204 = arith.constant 0 : i32
        %dma_wait3A_205 = arith.constant 0 : i32
        %dma_wait3A_206 = tpu.memref_slice %arg3[%dma_wait3A_204, %dma_wait3A_205] : memref<10240x128xf32, #tpu.memory_space<hbm>> -> memref<10240x128xf32, #tpu.memory_space<hbm>>
        tpu.wait_indirect_dma semaphore(%arg13 : memref<!tpu.dma_semaphore, #tpu.memory_space<semaphore_mem>>) src(%dma_wait3A_206 : memref<10240x128xf32, #tpu.memory_space<hbm>>) dst(%dma_wait3A_200 : memref<64x128xf32, #tpu.memory_space<vmem>>)
        %run_scoped3A_207 = arith.constant 2 : i32
        "tpu.region"() ({
          %run_scoped3A_240 = tpu.sem_alloc : memref<!tpu.dma_semaphore, #tpu.memory_space<semaphore_mem>>
          %dma_start3A_241 = arith.constant 0 : i32
          %dma_start3A_242 = arith.constant 0 : i32
          %dma_start3A_243 = tpu.memref_slice %arg9[%run_scoped3A_207, %dma_start3A_241, %dma_start3A_242] : memref<4x64x128xf32, #tpu.memory_space<vmem>> -> memref<1x64x128xf32, #tpu.memory_space<vmem>>
          %dma_start3A_244 = tpu.memref_squeeze %dma_start3A_243 : memref<1x64x128xf32, #tpu.memory_space<vmem>> -> memref<64x128xf32, #tpu.memory_space<vmem>>
          %dma_start3A_245 = arith.constant 0 : i32
          %dma_start3A_246 = tpu.memref_slice %arg8[%add3A_194, %dma_start3A_245] : memref<80x64xi32, #tpu.memory_space<vmem>> -> memref<1x64xi32, #tpu.memory_space<vmem>>
          %dma_start3A_247 = tpu.memref_squeeze %dma_start3A_246 : memref<1x64xi32, #tpu.memory_space<vmem>> -> memref<64xi32, #tpu.memory_space<vmem>>
          %dma_start3A_248 = arith.constant 0 : i32
          %dma_start3A_249 = arith.constant 0 : i32
          %dma_start3A_250 = tpu.memref_slice %arg10[%dma_start3A_248, %dma_start3A_249] : memref<10240x128xf32, #tpu.memory_space<vmem_shared>> -> memref<10240x128xf32, #tpu.memory_space<vmem_shared>>
          tpu.enqueue_indirect_dma source(%dma_start3A_244 : memref<64x128xf32, #tpu.memory_space<vmem>>) target(%dma_start3A_250 : memref<10240x128xf32, #tpu.memory_space<vmem_shared>>) offsets(%dma_start3A_247 : memref<64xi32, #tpu.memory_space<vmem>>) semaphore(%run_scoped3A_240 : memref<!tpu.dma_semaphore, #tpu.memory_space<semaphore_mem>>) {add = true}
          %dma_wait3A_251 = arith.constant 0 : i32
          %dma_wait3A_252 = arith.constant 0 : i32
          %dma_wait3A_253 = tpu.memref_slice %arg9[%run_scoped3A_207, %dma_wait3A_251, %dma_wait3A_252] : memref<4x64x128xf32, #tpu.memory_space<vmem>> -> memref<1x64x128xf32, #tpu.memory_space<vmem>>
          %dma_wait3A_254 = tpu.memref_squeeze %dma_wait3A_253 : memref<1x64x128xf32, #tpu.memory_space<vmem>> -> memref<64x128xf32, #tpu.memory_space<vmem>>
          %dma_wait3A_255 = arith.constant 0 : i32
          %dma_wait3A_256 = tpu.memref_slice %arg8[%add3A_194, %dma_wait3A_255] : memref<80x64xi32, #tpu.memory_space<vmem>> -> memref<1x64xi32, #tpu.memory_space<vmem>>
          %dma_wait3A_257 = tpu.memref_squeeze %dma_wait3A_256 : memref<1x64xi32, #tpu.memory_space<vmem>> -> memref<64xi32, #tpu.memory_space<vmem>>
          %dma_wait3A_258 = arith.constant 0 : i32
          %dma_wait3A_259 = arith.constant 0 : i32
          %dma_wait3A_260 = tpu.memref_slice %arg10[%dma_wait3A_258, %dma_wait3A_259] : memref<10240x128xf32, #tpu.memory_space<vmem_shared>> -> memref<10240x128xf32, #tpu.memory_space<vmem_shared>>
          tpu.wait_indirect_dma semaphore(%run_scoped3A_240 : memref<!tpu.dma_semaphore, #tpu.memory_space<semaphore_mem>>) src(%dma_wait3A_254 : memref<64x128xf32, #tpu.memory_space<vmem>>) dst(%dma_wait3A_260 : memref<10240x128xf32, #tpu.memory_space<vmem_shared>>)
          tpu.yield
        }) : () -> ()
        %add3A_208 = arith.constant 4 : i32
        %add3A_209 = arith.addi %add3A_194, %add3A_208 : i32
        %lt3A_210 = arith.constant 80 : i32
        %lt3A_211 = arith.cmpi slt, %add3A_209, %lt3A_210 : i32
        %convert_element_type3A_212 = arith.extui %lt3A_211 : i1 to i32
        %cond3A_213 = arith.constant 0 : i32
        %cond3A_214 = arith.cmpi ne, %convert_element_type3A_212, %cond3A_213 : i32
        scf.if %cond3A_214 {
          %add3A_240 = arith.constant 4 : i32
          %add3A_241 = arith.addi %add3A_194, %add3A_240 : i32
          %dma_start3A_242 = arith.constant 2 : i32
          %dma_start3A_243 = arith.constant 0 : i32
          %dma_start3A_244 = arith.constant 0 : i32
          %dma_start3A_245 = tpu.memref_slice %arg9[%dma_start3A_242, %dma_start3A_243, %dma_start3A_244] : memref<4x64x128xf32, #tpu.memory_space<vmem>> -> memref<1x64x128xf32, #tpu.memory_space<vmem>>
          %dma_start3A_246 = tpu.memref_squeeze %dma_start3A_245 : memref<1x64x128xf32, #tpu.memory_space<vmem>> -> memref<64x128xf32, #tpu.memory_space<vmem>>
          %dma_start3A_247 = arith.constant 0 : i32
          %dma_start3A_248 = tpu.memref_slice %arg7[%add3A_241, %dma_start3A_247] : memref<80x64xi32, #tpu.memory_space<vmem>> -> memref<1x64xi32, #tpu.memory_space<vmem>>
          %dma_start3A_249 = tpu.memref_squeeze %dma_start3A_248 : memref<1x64xi32, #tpu.memory_space<vmem>> -> memref<64xi32, #tpu.memory_space<vmem>>
          %dma_start3A_250 = arith.constant 0 : i32
          %dma_start3A_251 = arith.constant 0 : i32
          %dma_start3A_252 = tpu.memref_slice %arg3[%dma_start3A_250, %dma_start3A_251] : memref<10240x128xf32, #tpu.memory_space<hbm>> -> memref<10240x128xf32, #tpu.memory_space<hbm>>
          tpu.enqueue_indirect_dma source(%dma_start3A_252 : memref<10240x128xf32, #tpu.memory_space<hbm>>) target(%dma_start3A_246 : memref<64x128xf32, #tpu.memory_space<vmem>>) offsets(%dma_start3A_249 : memref<64xi32, #tpu.memory_space<vmem>>) semaphore(%arg13 : memref<!tpu.dma_semaphore, #tpu.memory_space<semaphore_mem>>)
        } else {
        }
        %mul3A_215 = arith.constant 4 : i32
        %mul3A_216 = arith.muli %scan3A_144, %mul3A_215 : i32
        %add3A_217 = arith.constant 3 : i32
        %add3A_218 = arith.addi %mul3A_216, %add3A_217 : i32
        %dma_wait3A_219 = arith.constant 0 : i32
        %dma_wait3A_220 = arith.constant 3 : i32
        %dma_wait3A_221 = arith.constant 0 : i32
        %dma_wait3A_222 = arith.constant 0 : i32
        %dma_wait3A_223 = tpu.memref_slice %arg9[%dma_wait3A_220, %dma_wait3A_221, %dma_wait3A_222] : memref<4x64x128xf32, #tpu.memory_space<vmem>> -> memref<1x64x128xf32, #tpu.memory_space<vmem>>
        %dma_wait3A_224 = tpu.memref_squeeze %dma_wait3A_223 : memref<1x64x128xf32, #tpu.memory_space<vmem>> -> memref<64x128xf32, #tpu.memory_space<vmem>>
        %dma_wait3A_225 = arith.constant 0 : i32
        %dma_wait3A_226 = tpu.memref_slice %arg7[%dma_wait3A_219, %dma_wait3A_225] : memref<80x64xi32, #tpu.memory_space<vmem>> -> memref<1x64xi32, #tpu.memory_space<vmem>>
        %dma_wait3A_227 = tpu.memref_squeeze %dma_wait3A_226 : memref<1x64xi32, #tpu.memory_space<vmem>> -> memref<64xi32, #tpu.memory_space<vmem>>
        %dma_wait3A_228 = arith.constant 0 : i32
        %dma_wait3A_229 = arith.constant 0 : i32
        %dma_wait3A_230 = tpu.memref_slice %arg3[%dma_wait3A_228, %dma_wait3A_229] : memref<10240x128xf32, #tpu.memory_space<hbm>> -> memref<10240x128xf32, #tpu.memory_space<hbm>>
        tpu.wait_indirect_dma semaphore(%arg14 : memref<!tpu.dma_semaphore, #tpu.memory_space<semaphore_mem>>) src(%dma_wait3A_230 : memref<10240x128xf32, #tpu.memory_space<hbm>>) dst(%dma_wait3A_224 : memref<64x128xf32, #tpu.memory_space<vmem>>)
        %run_scoped3A_231 = arith.constant 3 : i32
        "tpu.region"() ({
          %run_scoped3A_240 = tpu.sem_alloc : memref<!tpu.dma_semaphore, #tpu.memory_space<semaphore_mem>>
          %dma_start3A_241 = arith.constant 0 : i32
          %dma_start3A_242 = arith.constant 0 : i32
          %dma_start3A_243 = tpu.memref_slice %arg9[%run_scoped3A_231, %dma_start3A_241, %dma_start3A_242] : memref<4x64x128xf32, #tpu.memory_space<vmem>> -> memref<1x64x128xf32, #tpu.memory_space<vmem>>
          %dma_start3A_244 = tpu.memref_squeeze %dma_start3A_243 : memref<1x64x128xf32, #tpu.memory_space<vmem>> -> memref<64x128xf32, #tpu.memory_space<vmem>>
          %dma_start3A_245 = arith.constant 0 : i32
          %dma_start3A_246 = tpu.memref_slice %arg8[%add3A_218, %dma_start3A_245] : memref<80x64xi32, #tpu.memory_space<vmem>> -> memref<1x64xi32, #tpu.memory_space<vmem>>
          %dma_start3A_247 = tpu.memref_squeeze %dma_start3A_246 : memref<1x64xi32, #tpu.memory_space<vmem>> -> memref<64xi32, #tpu.memory_space<vmem>>
          %dma_start3A_248 = arith.constant 0 : i32
          %dma_start3A_249 = arith.constant 0 : i32
          %dma_start3A_250 = tpu.memref_slice %arg10[%dma_start3A_248, %dma_start3A_249] : memref<10240x128xf32, #tpu.memory_space<vmem_shared>> -> memref<10240x128xf32, #tpu.memory_space<vmem_shared>>
          tpu.enqueue_indirect_dma source(%dma_start3A_244 : memref<64x128xf32, #tpu.memory_space<vmem>>) target(%dma_start3A_250 : memref<10240x128xf32, #tpu.memory_space<vmem_shared>>) offsets(%dma_start3A_247 : memref<64xi32, #tpu.memory_space<vmem>>) semaphore(%run_scoped3A_240 : memref<!tpu.dma_semaphore, #tpu.memory_space<semaphore_mem>>) {add = true}
          %dma_wait3A_251 = arith.constant 0 : i32
          %dma_wait3A_252 = arith.constant 0 : i32
          %dma_wait3A_253 = tpu.memref_slice %arg9[%run_scoped3A_231, %dma_wait3A_251, %dma_wait3A_252] : memref<4x64x128xf32, #tpu.memory_space<vmem>> -> memref<1x64x128xf32, #tpu.memory_space<vmem>>
          %dma_wait3A_254 = tpu.memref_squeeze %dma_wait3A_253 : memref<1x64x128xf32, #tpu.memory_space<vmem>> -> memref<64x128xf32, #tpu.memory_space<vmem>>
          %dma_wait3A_255 = arith.constant 0 : i32
          %dma_wait3A_256 = tpu.memref_slice %arg8[%add3A_218, %dma_wait3A_255] : memref<80x64xi32, #tpu.memory_space<vmem>> -> memref<1x64xi32, #tpu.memory_space<vmem>>
          %dma_wait3A_257 = tpu.memref_squeeze %dma_wait3A_256 : memref<1x64xi32, #tpu.memory_space<vmem>> -> memref<64xi32, #tpu.memory_space<vmem>>
          %dma_wait3A_258 = arith.constant 0 : i32
          %dma_wait3A_259 = arith.constant 0 : i32
          %dma_wait3A_260 = tpu.memref_slice %arg10[%dma_wait3A_258, %dma_wait3A_259] : memref<10240x128xf32, #tpu.memory_space<vmem_shared>> -> memref<10240x128xf32, #tpu.memory_space<vmem_shared>>
          tpu.wait_indirect_dma semaphore(%run_scoped3A_240 : memref<!tpu.dma_semaphore, #tpu.memory_space<semaphore_mem>>) src(%dma_wait3A_254 : memref<64x128xf32, #tpu.memory_space<vmem>>) dst(%dma_wait3A_260 : memref<10240x128xf32, #tpu.memory_space<vmem_shared>>)
          tpu.yield
        }) : () -> ()
        %add3A_232 = arith.constant 4 : i32
        %add3A_233 = arith.addi %add3A_218, %add3A_232 : i32
        %lt3A_234 = arith.constant 80 : i32
        %lt3A_235 = arith.cmpi slt, %add3A_233, %lt3A_234 : i32
        %convert_element_type3A_236 = arith.extui %lt3A_235 : i1 to i32
        %cond3A_237 = arith.constant 0 : i32
        %cond3A_238 = arith.cmpi ne, %convert_element_type3A_236, %cond3A_237 : i32
        scf.if %cond3A_238 {
          %add3A_240 = arith.constant 4 : i32
          %add3A_241 = arith.addi %add3A_218, %add3A_240 : i32
          %dma_start3A_242 = arith.constant 3 : i32
          %dma_start3A_243 = arith.constant 0 : i32
          %dma_start3A_244 = arith.constant 0 : i32
          %dma_start3A_245 = tpu.memref_slice %arg9[%dma_start3A_242, %dma_start3A_243, %dma_start3A_244] : memref<4x64x128xf32, #tpu.memory_space<vmem>> -> memref<1x64x128xf32, #tpu.memory_space<vmem>>
          %dma_start3A_246 = tpu.memref_squeeze %dma_start3A_245 : memref<1x64x128xf32, #tpu.memory_space<vmem>> -> memref<64x128xf32, #tpu.memory_space<vmem>>
          %dma_start3A_247 = arith.constant 0 : i32
          %dma_start3A_248 = tpu.memref_slice %arg7[%add3A_241, %dma_start3A_247] : memref<80x64xi32, #tpu.memory_space<vmem>> -> memref<1x64xi32, #tpu.memory_space<vmem>>
          %dma_start3A_249 = tpu.memref_squeeze %dma_start3A_248 : memref<1x64xi32, #tpu.memory_space<vmem>> -> memref<64xi32, #tpu.memory_space<vmem>>
          %dma_start3A_250 = arith.constant 0 : i32
          %dma_start3A_251 = arith.constant 0 : i32
          %dma_start3A_252 = tpu.memref_slice %arg3[%dma_start3A_250, %dma_start3A_251] : memref<10240x128xf32, #tpu.memory_space<hbm>> -> memref<10240x128xf32, #tpu.memory_space<hbm>>
          tpu.enqueue_indirect_dma source(%dma_start3A_252 : memref<10240x128xf32, #tpu.memory_space<hbm>>) target(%dma_start3A_246 : memref<64x128xf32, #tpu.memory_space<vmem>>) offsets(%dma_start3A_249 : memref<64xi32, #tpu.memory_space<vmem>>) semaphore(%arg14 : memref<!tpu.dma_semaphore, #tpu.memory_space<semaphore_mem>>)
        } else {
        }
        %scan3A_239 = arith.constant 0 : i32
        scf.yield %scan3A_239 : i32
      }
      %scan3A_84 = arith.constant 20 : i32
      %mul3A_85 = arith.constant 160 : i32
      %mul3A_86 = arith.muli %arg1, %mul3A_85 : i32
      %add3A_87 = arith.constant 80 : i32
      %add3A_88 = arith.addi %mul3A_86, %add3A_87 : i32
      "tpu.region"() ({
        %run_scoped3A = tpu.sem_alloc : memref<!tpu.dma_semaphore, #tpu.memory_space<semaphore_mem>>
        %dma_start3A_144 = arith.constant 0 : i32
        %dma_start3A_145 = tpu.memref_slice %arg4[%add3A_88, %dma_start3A_144] : memref<2560x64xi32, #tpu.memory_space<hbm>> -> memref<80x64xi32, #tpu.memory_space<hbm>>
        %dma_start3A_146 = arith.constant 0 : i32
        %dma_start3A_147 = tpu.memref_slice %arg4[%add3A_88, %dma_start3A_146] : memref<2560x64xi32, #tpu.memory_space<hbm>> -> memref<80x64xi32, #tpu.memory_space<hbm>>
        tpu.enqueue_dma source(%dma_start3A_147 : memref<80x64xi32, #tpu.memory_space<hbm>>) target(%arg7 : memref<80x64xi32, #tpu.memory_space<vmem>>) target_semaphore(%run_scoped3A : memref<!tpu.dma_semaphore, #tpu.memory_space<semaphore_mem>>)
        %dma_wait3A = arith.constant 0 : i32
        %dma_wait3A_148 = tpu.memref_slice %arg4[%add3A_88, %dma_wait3A] : memref<2560x64xi32, #tpu.memory_space<hbm>> -> memref<80x64xi32, #tpu.memory_space<hbm>>
        %dma_wait3A_149 = arith.constant 0 : i32
        %dma_wait3A_150 = tpu.memref_slice %arg4[%add3A_88, %dma_wait3A_149] : memref<2560x64xi32, #tpu.memory_space<hbm>> -> memref<80x64xi32, #tpu.memory_space<hbm>>
        tpu.wait_dma2 semaphore(%run_scoped3A : memref<!tpu.dma_semaphore, #tpu.memory_space<semaphore_mem>>) src(%dma_wait3A_150 : memref<80x64xi32, #tpu.memory_space<hbm>>) dst(%arg7 : memref<80x64xi32, #tpu.memory_space<vmem>>)
        tpu.yield
      }) : () -> ()
      "tpu.region"() ({
        %run_scoped3A = tpu.sem_alloc : memref<!tpu.dma_semaphore, #tpu.memory_space<semaphore_mem>>
        %dma_start3A_144 = arith.constant 0 : i32
        %dma_start3A_145 = tpu.memref_slice %arg5[%add3A_88, %dma_start3A_144] : memref<2560x64xi32, #tpu.memory_space<hbm>> -> memref<80x64xi32, #tpu.memory_space<hbm>>
        %dma_start3A_146 = arith.constant 0 : i32
        %dma_start3A_147 = tpu.memref_slice %arg5[%add3A_88, %dma_start3A_146] : memref<2560x64xi32, #tpu.memory_space<hbm>> -> memref<80x64xi32, #tpu.memory_space<hbm>>
        tpu.enqueue_dma source(%dma_start3A_147 : memref<80x64xi32, #tpu.memory_space<hbm>>) target(%arg8 : memref<80x64xi32, #tpu.memory_space<vmem>>) target_semaphore(%run_scoped3A : memref<!tpu.dma_semaphore, #tpu.memory_space<semaphore_mem>>)
        %dma_wait3A = arith.constant 0 : i32
        %dma_wait3A_148 = tpu.memref_slice %arg5[%add3A_88, %dma_wait3A] : memref<2560x64xi32, #tpu.memory_space<hbm>> -> memref<80x64xi32, #tpu.memory_space<hbm>>
        %dma_wait3A_149 = arith.constant 0 : i32
        %dma_wait3A_150 = tpu.memref_slice %arg5[%add3A_88, %dma_wait3A_149] : memref<2560x64xi32, #tpu.memory_space<hbm>> -> memref<80x64xi32, #tpu.memory_space<hbm>>
        tpu.wait_dma2 semaphore(%run_scoped3A : memref<!tpu.dma_semaphore, #tpu.memory_space<semaphore_mem>>) src(%dma_wait3A_150 : memref<80x64xi32, #tpu.memory_space<hbm>>) dst(%arg8 : memref<80x64xi32, #tpu.memory_space<vmem>>)
        tpu.yield
      }) : () -> ()
      %dma_start3A_89 = arith.constant 0 : i32
      %dma_start3A_90 = arith.constant 0 : i32
      %dma_start3A_91 = arith.constant 0 : i32
      %dma_start3A_92 = arith.constant 0 : i32
      %dma_start3A_93 = tpu.memref_slice %arg9[%dma_start3A_90, %dma_start3A_91, %dma_start3A_92] : memref<4x64x128xf32, #tpu.memory_space<vmem>> -> memref<1x64x128xf32, #tpu.memory_space<vmem>>
      %dma_start3A_94 = tpu.memref_squeeze %dma_start3A_93 : memref<1x64x128xf32, #tpu.memory_space<vmem>> -> memref<64x128xf32, #tpu.memory_space<vmem>>
      %dma_start3A_95 = arith.constant 0 : i32
      %dma_start3A_96 = tpu.memref_slice %arg7[%dma_start3A_89, %dma_start3A_95] : memref<80x64xi32, #tpu.memory_space<vmem>> -> memref<1x64xi32, #tpu.memory_space<vmem>>
      %dma_start3A_97 = tpu.memref_squeeze %dma_start3A_96 : memref<1x64xi32, #tpu.memory_space<vmem>> -> memref<64xi32, #tpu.memory_space<vmem>>
      %dma_start3A_98 = arith.constant 0 : i32
      %dma_start3A_99 = arith.constant 0 : i32
      %dma_start3A_100 = tpu.memref_slice %arg3[%dma_start3A_98, %dma_start3A_99] : memref<10240x128xf32, #tpu.memory_space<hbm>> -> memref<10240x128xf32, #tpu.memory_space<hbm>>
      tpu.enqueue_indirect_dma source(%dma_start3A_100 : memref<10240x128xf32, #tpu.memory_space<hbm>>) target(%dma_start3A_94 : memref<64x128xf32, #tpu.memory_space<vmem>>) offsets(%dma_start3A_97 : memref<64xi32, #tpu.memory_space<vmem>>) semaphore(%arg11 : memref<!tpu.dma_semaphore, #tpu.memory_space<semaphore_mem>>)
      %dma_start3A_101 = arith.constant 1 : i32
      %dma_start3A_102 = arith.constant 1 : i32
      %dma_start3A_103 = arith.constant 0 : i32
      %dma_start3A_104 = arith.constant 0 : i32
      %dma_start3A_105 = tpu.memref_slice %arg9[%dma_start3A_102, %dma_start3A_103, %dma_start3A_104] : memref<4x64x128xf32, #tpu.memory_space<vmem>> -> memref<1x64x128xf32, #tpu.memory_space<vmem>>
      %dma_start3A_106 = tpu.memref_squeeze %dma_start3A_105 : memref<1x64x128xf32, #tpu.memory_space<vmem>> -> memref<64x128xf32, #tpu.memory_space<vmem>>
      %dma_start3A_107 = arith.constant 0 : i32
      %dma_start3A_108 = tpu.memref_slice %arg7[%dma_start3A_101, %dma_start3A_107] : memref<80x64xi32, #tpu.memory_space<vmem>> -> memref<1x64xi32, #tpu.memory_space<vmem>>
      %dma_start3A_109 = tpu.memref_squeeze %dma_start3A_108 : memref<1x64xi32, #tpu.memory_space<vmem>> -> memref<64xi32, #tpu.memory_space<vmem>>
      %dma_start3A_110 = arith.constant 0 : i32
      %dma_start3A_111 = arith.constant 0 : i32
      %dma_start3A_112 = tpu.memref_slice %arg3[%dma_start3A_110, %dma_start3A_111] : memref<10240x128xf32, #tpu.memory_space<hbm>> -> memref<10240x128xf32, #tpu.memory_space<hbm>>
      tpu.enqueue_indirect_dma source(%dma_start3A_112 : memref<10240x128xf32, #tpu.memory_space<hbm>>) target(%dma_start3A_106 : memref<64x128xf32, #tpu.memory_space<vmem>>) offsets(%dma_start3A_109 : memref<64xi32, #tpu.memory_space<vmem>>) semaphore(%arg12 : memref<!tpu.dma_semaphore, #tpu.memory_space<semaphore_mem>>)
      %dma_start3A_113 = arith.constant 2 : i32
      %dma_start3A_114 = arith.constant 2 : i32
      %dma_start3A_115 = arith.constant 0 : i32
      %dma_start3A_116 = arith.constant 0 : i32
      %dma_start3A_117 = tpu.memref_slice %arg9[%dma_start3A_114, %dma_start3A_115, %dma_start3A_116] : memref<4x64x128xf32, #tpu.memory_space<vmem>> -> memref<1x64x128xf32, #tpu.memory_space<vmem>>
      %dma_start3A_118 = tpu.memref_squeeze %dma_start3A_117 : memref<1x64x128xf32, #tpu.memory_space<vmem>> -> memref<64x128xf32, #tpu.memory_space<vmem>>
      %dma_start3A_119 = arith.constant 0 : i32
      %dma_start3A_120 = tpu.memref_slice %arg7[%dma_start3A_113, %dma_start3A_119] : memref<80x64xi32, #tpu.memory_space<vmem>> -> memref<1x64xi32, #tpu.memory_space<vmem>>
      %dma_start3A_121 = tpu.memref_squeeze %dma_start3A_120 : memref<1x64xi32, #tpu.memory_space<vmem>> -> memref<64xi32, #tpu.memory_space<vmem>>
      %dma_start3A_122 = arith.constant 0 : i32
      %dma_start3A_123 = arith.constant 0 : i32
      %dma_start3A_124 = tpu.memref_slice %arg3[%dma_start3A_122, %dma_start3A_123] : memref<10240x128xf32, #tpu.memory_space<hbm>> -> memref<10240x128xf32, #tpu.memory_space<hbm>>
      tpu.enqueue_indirect_dma source(%dma_start3A_124 : memref<10240x128xf32, #tpu.memory_space<hbm>>) target(%dma_start3A_118 : memref<64x128xf32, #tpu.memory_space<vmem>>) offsets(%dma_start3A_121 : memref<64xi32, #tpu.memory_space<vmem>>) semaphore(%arg13 : memref<!tpu.dma_semaphore, #tpu.memory_space<semaphore_mem>>)
      %dma_start3A_125 = arith.constant 3 : i32
      %dma_start3A_126 = arith.constant 3 : i32
      %dma_start3A_127 = arith.constant 0 : i32
      %dma_start3A_128 = arith.constant 0 : i32
      %dma_start3A_129 = tpu.memref_slice %arg9[%dma_start3A_126, %dma_start3A_127, %dma_start3A_128] : memref<4x64x128xf32, #tpu.memory_space<vmem>> -> memref<1x64x128xf32, #tpu.memory_space<vmem>>
      %dma_start3A_130 = tpu.memref_squeeze %dma_start3A_129 : memref<1x64x128xf32, #tpu.memory_space<vmem>> -> memref<64x128xf32, #tpu.memory_space<vmem>>
      %dma_start3A_131 = arith.constant 0 : i32
      %dma_start3A_132 = tpu.memref_slice %arg7[%dma_start3A_125, %dma_start3A_131] : memref<80x64xi32, #tpu.memory_space<vmem>> -> memref<1x64xi32, #tpu.memory_space<vmem>>
      %dma_start3A_133 = tpu.memref_squeeze %dma_start3A_132 : memref<1x64xi32, #tpu.memory_space<vmem>> -> memref<64xi32, #tpu.memory_space<vmem>>
      %dma_start3A_134 = arith.constant 0 : i32
      %dma_start3A_135 = arith.constant 0 : i32
      %dma_start3A_136 = tpu.memref_slice %arg3[%dma_start3A_134, %dma_start3A_135] : memref<10240x128xf32, #tpu.memory_space<hbm>> -> memref<10240x128xf32, #tpu.memory_space<hbm>>
      tpu.enqueue_indirect_dma source(%dma_start3A_136 : memref<10240x128xf32, #tpu.memory_space<hbm>>) target(%dma_start3A_130 : memref<64x128xf32, #tpu.memory_space<vmem>>) offsets(%dma_start3A_133 : memref<64xi32, #tpu.memory_space<vmem>>) semaphore(%arg14 : memref<!tpu.dma_semaphore, #tpu.memory_space<semaphore_mem>>)
      %scan3A_137 = arith.constant 0 : i32
      %scan3A_138 = arith.constant 0 : i32
      %scan3A_139 = arith.constant 20 : i32
      %scan3A_140 = arith.addi %scan3A_138, %scan3A_139 : i32
      %scan3A_141 = arith.constant 1 : i32
      %scan3A_142 = scf.for %scan3A_144 = %scan3A_138 to %scan3A_140 step %scan3A_141 iter_args(%scan3A_145 = %scan3A_137) -> (i32)  : i32 {
        %mul3A_146 = arith.constant 4 : i32
        %mul3A_147 = arith.muli %scan3A_144, %mul3A_146 : i32
        %add3A_148 = arith.constant 0 : i32
        %add3A_149 = arith.addi %mul3A_147, %add3A_148 : i32
        %dma_wait3A = arith.constant 0 : i32
        %dma_wait3A_150 = arith.constant 0 : i32
        %dma_wait3A_151 = arith.constant 0 : i32
        %dma_wait3A_152 = arith.constant 0 : i32
        %dma_wait3A_153 = tpu.memref_slice %arg9[%dma_wait3A_150, %dma_wait3A_151, %dma_wait3A_152] : memref<4x64x128xf32, #tpu.memory_space<vmem>> -> memref<1x64x128xf32, #tpu.memory_space<vmem>>
        %dma_wait3A_154 = tpu.memref_squeeze %dma_wait3A_153 : memref<1x64x128xf32, #tpu.memory_space<vmem>> -> memref<64x128xf32, #tpu.memory_space<vmem>>
        %dma_wait3A_155 = arith.constant 0 : i32
        %dma_wait3A_156 = tpu.memref_slice %arg7[%dma_wait3A, %dma_wait3A_155] : memref<80x64xi32, #tpu.memory_space<vmem>> -> memref<1x64xi32, #tpu.memory_space<vmem>>
        %dma_wait3A_157 = tpu.memref_squeeze %dma_wait3A_156 : memref<1x64xi32, #tpu.memory_space<vmem>> -> memref<64xi32, #tpu.memory_space<vmem>>
        %dma_wait3A_158 = arith.constant 0 : i32
        %dma_wait3A_159 = arith.constant 0 : i32
        %dma_wait3A_160 = tpu.memref_slice %arg3[%dma_wait3A_158, %dma_wait3A_159] : memref<10240x128xf32, #tpu.memory_space<hbm>> -> memref<10240x128xf32, #tpu.memory_space<hbm>>
        tpu.wait_indirect_dma semaphore(%arg11 : memref<!tpu.dma_semaphore, #tpu.memory_space<semaphore_mem>>) src(%dma_wait3A_160 : memref<10240x128xf32, #tpu.memory_space<hbm>>) dst(%dma_wait3A_154 : memref<64x128xf32, #tpu.memory_space<vmem>>)
        %run_scoped3A = arith.constant 0 : i32
        "tpu.region"() ({
          %run_scoped3A_240 = tpu.sem_alloc : memref<!tpu.dma_semaphore, #tpu.memory_space<semaphore_mem>>
          %dma_start3A_241 = arith.constant 0 : i32
          %dma_start3A_242 = arith.constant 0 : i32
          %dma_start3A_243 = tpu.memref_slice %arg9[%run_scoped3A, %dma_start3A_241, %dma_start3A_242] : memref<4x64x128xf32, #tpu.memory_space<vmem>> -> memref<1x64x128xf32, #tpu.memory_space<vmem>>
          %dma_start3A_244 = tpu.memref_squeeze %dma_start3A_243 : memref<1x64x128xf32, #tpu.memory_space<vmem>> -> memref<64x128xf32, #tpu.memory_space<vmem>>
          %dma_start3A_245 = arith.constant 0 : i32
          %dma_start3A_246 = tpu.memref_slice %arg8[%add3A_149, %dma_start3A_245] : memref<80x64xi32, #tpu.memory_space<vmem>> -> memref<1x64xi32, #tpu.memory_space<vmem>>
          %dma_start3A_247 = tpu.memref_squeeze %dma_start3A_246 : memref<1x64xi32, #tpu.memory_space<vmem>> -> memref<64xi32, #tpu.memory_space<vmem>>
          %dma_start3A_248 = arith.constant 0 : i32
          %dma_start3A_249 = arith.constant 0 : i32
          %dma_start3A_250 = tpu.memref_slice %arg10[%dma_start3A_248, %dma_start3A_249] : memref<10240x128xf32, #tpu.memory_space<vmem_shared>> -> memref<10240x128xf32, #tpu.memory_space<vmem_shared>>
          tpu.enqueue_indirect_dma source(%dma_start3A_244 : memref<64x128xf32, #tpu.memory_space<vmem>>) target(%dma_start3A_250 : memref<10240x128xf32, #tpu.memory_space<vmem_shared>>) offsets(%dma_start3A_247 : memref<64xi32, #tpu.memory_space<vmem>>) semaphore(%run_scoped3A_240 : memref<!tpu.dma_semaphore, #tpu.memory_space<semaphore_mem>>) {add = true}
          %dma_wait3A_251 = arith.constant 0 : i32
          %dma_wait3A_252 = arith.constant 0 : i32
          %dma_wait3A_253 = tpu.memref_slice %arg9[%run_scoped3A, %dma_wait3A_251, %dma_wait3A_252] : memref<4x64x128xf32, #tpu.memory_space<vmem>> -> memref<1x64x128xf32, #tpu.memory_space<vmem>>
          %dma_wait3A_254 = tpu.memref_squeeze %dma_wait3A_253 : memref<1x64x128xf32, #tpu.memory_space<vmem>> -> memref<64x128xf32, #tpu.memory_space<vmem>>
          %dma_wait3A_255 = arith.constant 0 : i32
          %dma_wait3A_256 = tpu.memref_slice %arg8[%add3A_149, %dma_wait3A_255] : memref<80x64xi32, #tpu.memory_space<vmem>> -> memref<1x64xi32, #tpu.memory_space<vmem>>
          %dma_wait3A_257 = tpu.memref_squeeze %dma_wait3A_256 : memref<1x64xi32, #tpu.memory_space<vmem>> -> memref<64xi32, #tpu.memory_space<vmem>>
          %dma_wait3A_258 = arith.constant 0 : i32
          %dma_wait3A_259 = arith.constant 0 : i32
          %dma_wait3A_260 = tpu.memref_slice %arg10[%dma_wait3A_258, %dma_wait3A_259] : memref<10240x128xf32, #tpu.memory_space<vmem_shared>> -> memref<10240x128xf32, #tpu.memory_space<vmem_shared>>
          tpu.wait_indirect_dma semaphore(%run_scoped3A_240 : memref<!tpu.dma_semaphore, #tpu.memory_space<semaphore_mem>>) src(%dma_wait3A_254 : memref<64x128xf32, #tpu.memory_space<vmem>>) dst(%dma_wait3A_260 : memref<10240x128xf32, #tpu.memory_space<vmem_shared>>)
          tpu.yield
        }) : () -> ()
        %add3A_161 = arith.constant 4 : i32
        %add3A_162 = arith.addi %add3A_149, %add3A_161 : i32
        %lt3A = arith.constant 80 : i32
        %lt3A_163 = arith.cmpi slt, %add3A_162, %lt3A : i32
        %convert_element_type3A_164 = arith.extui %lt3A_163 : i1 to i32
        %cond3A_165 = arith.constant 0 : i32
        %cond3A_166 = arith.cmpi ne, %convert_element_type3A_164, %cond3A_165 : i32
        scf.if %cond3A_166 {
          %add3A_240 = arith.constant 4 : i32
          %add3A_241 = arith.addi %add3A_149, %add3A_240 : i32
          %dma_start3A_242 = arith.constant 0 : i32
          %dma_start3A_243 = arith.constant 0 : i32
          %dma_start3A_244 = arith.constant 0 : i32
          %dma_start3A_245 = tpu.memref_slice %arg9[%dma_start3A_242, %dma_start3A_243, %dma_start3A_244] : memref<4x64x128xf32, #tpu.memory_space<vmem>> -> memref<1x64x128xf32, #tpu.memory_space<vmem>>
          %dma_start3A_246 = tpu.memref_squeeze %dma_start3A_245 : memref<1x64x128xf32, #tpu.memory_space<vmem>> -> memref<64x128xf32, #tpu.memory_space<vmem>>
          %dma_start3A_247 = arith.constant 0 : i32
          %dma_start3A_248 = tpu.memref_slice %arg7[%add3A_241, %dma_start3A_247] : memref<80x64xi32, #tpu.memory_space<vmem>> -> memref<1x64xi32, #tpu.memory_space<vmem>>
          %dma_start3A_249 = tpu.memref_squeeze %dma_start3A_248 : memref<1x64xi32, #tpu.memory_space<vmem>> -> memref<64xi32, #tpu.memory_space<vmem>>
          %dma_start3A_250 = arith.constant 0 : i32
          %dma_start3A_251 = arith.constant 0 : i32
          %dma_start3A_252 = tpu.memref_slice %arg3[%dma_start3A_250, %dma_start3A_251] : memref<10240x128xf32, #tpu.memory_space<hbm>> -> memref<10240x128xf32, #tpu.memory_space<hbm>>
          tpu.enqueue_indirect_dma source(%dma_start3A_252 : memref<10240x128xf32, #tpu.memory_space<hbm>>) target(%dma_start3A_246 : memref<64x128xf32, #tpu.memory_space<vmem>>) offsets(%dma_start3A_249 : memref<64xi32, #tpu.memory_space<vmem>>) semaphore(%arg11 : memref<!tpu.dma_semaphore, #tpu.memory_space<semaphore_mem>>)
        } else {
        }
        %mul3A_167 = arith.constant 4 : i32
        %mul3A_168 = arith.muli %scan3A_144, %mul3A_167 : i32
        %add3A_169 = arith.constant 1 : i32
        %add3A_170 = arith.addi %mul3A_168, %add3A_169 : i32
        %dma_wait3A_171 = arith.constant 0 : i32
        %dma_wait3A_172 = arith.constant 1 : i32
        %dma_wait3A_173 = arith.constant 0 : i32
        %dma_wait3A_174 = arith.constant 0 : i32
        %dma_wait3A_175 = tpu.memref_slice %arg9[%dma_wait3A_172, %dma_wait3A_173, %dma_wait3A_174] : memref<4x64x128xf32, #tpu.memory_space<vmem>> -> memref<1x64x128xf32, #tpu.memory_space<vmem>>
        %dma_wait3A_176 = tpu.memref_squeeze %dma_wait3A_175 : memref<1x64x128xf32, #tpu.memory_space<vmem>> -> memref<64x128xf32, #tpu.memory_space<vmem>>
        %dma_wait3A_177 = arith.constant 0 : i32
        %dma_wait3A_178 = tpu.memref_slice %arg7[%dma_wait3A_171, %dma_wait3A_177] : memref<80x64xi32, #tpu.memory_space<vmem>> -> memref<1x64xi32, #tpu.memory_space<vmem>>
        %dma_wait3A_179 = tpu.memref_squeeze %dma_wait3A_178 : memref<1x64xi32, #tpu.memory_space<vmem>> -> memref<64xi32, #tpu.memory_space<vmem>>
        %dma_wait3A_180 = arith.constant 0 : i32
        %dma_wait3A_181 = arith.constant 0 : i32
        %dma_wait3A_182 = tpu.memref_slice %arg3[%dma_wait3A_180, %dma_wait3A_181] : memref<10240x128xf32, #tpu.memory_space<hbm>> -> memref<10240x128xf32, #tpu.memory_space<hbm>>
        tpu.wait_indirect_dma semaphore(%arg12 : memref<!tpu.dma_semaphore, #tpu.memory_space<semaphore_mem>>) src(%dma_wait3A_182 : memref<10240x128xf32, #tpu.memory_space<hbm>>) dst(%dma_wait3A_176 : memref<64x128xf32, #tpu.memory_space<vmem>>)
        %run_scoped3A_183 = arith.constant 1 : i32
        "tpu.region"() ({
          %run_scoped3A_240 = tpu.sem_alloc : memref<!tpu.dma_semaphore, #tpu.memory_space<semaphore_mem>>
          %dma_start3A_241 = arith.constant 0 : i32
          %dma_start3A_242 = arith.constant 0 : i32
          %dma_start3A_243 = tpu.memref_slice %arg9[%run_scoped3A_183, %dma_start3A_241, %dma_start3A_242] : memref<4x64x128xf32, #tpu.memory_space<vmem>> -> memref<1x64x128xf32, #tpu.memory_space<vmem>>
          %dma_start3A_244 = tpu.memref_squeeze %dma_start3A_243 : memref<1x64x128xf32, #tpu.memory_space<vmem>> -> memref<64x128xf32, #tpu.memory_space<vmem>>
          %dma_start3A_245 = arith.constant 0 : i32
          %dma_start3A_246 = tpu.memref_slice %arg8[%add3A_170, %dma_start3A_245] : memref<80x64xi32, #tpu.memory_space<vmem>> -> memref<1x64xi32, #tpu.memory_space<vmem>>
          %dma_start3A_247 = tpu.memref_squeeze %dma_start3A_246 : memref<1x64xi32, #tpu.memory_space<vmem>> -> memref<64xi32, #tpu.memory_space<vmem>>
          %dma_start3A_248 = arith.constant 0 : i32
          %dma_start3A_249 = arith.constant 0 : i32
          %dma_start3A_250 = tpu.memref_slice %arg10[%dma_start3A_248, %dma_start3A_249] : memref<10240x128xf32, #tpu.memory_space<vmem_shared>> -> memref<10240x128xf32, #tpu.memory_space<vmem_shared>>
          tpu.enqueue_indirect_dma source(%dma_start3A_244 : memref<64x128xf32, #tpu.memory_space<vmem>>) target(%dma_start3A_250 : memref<10240x128xf32, #tpu.memory_space<vmem_shared>>) offsets(%dma_start3A_247 : memref<64xi32, #tpu.memory_space<vmem>>) semaphore(%run_scoped3A_240 : memref<!tpu.dma_semaphore, #tpu.memory_space<semaphore_mem>>) {add = true}
          %dma_wait3A_251 = arith.constant 0 : i32
          %dma_wait3A_252 = arith.constant 0 : i32
          %dma_wait3A_253 = tpu.memref_slice %arg9[%run_scoped3A_183, %dma_wait3A_251, %dma_wait3A_252] : memref<4x64x128xf32, #tpu.memory_space<vmem>> -> memref<1x64x128xf32, #tpu.memory_space<vmem>>
          %dma_wait3A_254 = tpu.memref_squeeze %dma_wait3A_253 : memref<1x64x128xf32, #tpu.memory_space<vmem>> -> memref<64x128xf32, #tpu.memory_space<vmem>>
          %dma_wait3A_255 = arith.constant 0 : i32
          %dma_wait3A_256 = tpu.memref_slice %arg8[%add3A_170, %dma_wait3A_255] : memref<80x64xi32, #tpu.memory_space<vmem>> -> memref<1x64xi32, #tpu.memory_space<vmem>>
          %dma_wait3A_257 = tpu.memref_squeeze %dma_wait3A_256 : memref<1x64xi32, #tpu.memory_space<vmem>> -> memref<64xi32, #tpu.memory_space<vmem>>
          %dma_wait3A_258 = arith.constant 0 : i32
          %dma_wait3A_259 = arith.constant 0 : i32
          %dma_wait3A_260 = tpu.memref_slice %arg10[%dma_wait3A_258, %dma_wait3A_259] : memref<10240x128xf32, #tpu.memory_space<vmem_shared>> -> memref<10240x128xf32, #tpu.memory_space<vmem_shared>>
          tpu.wait_indirect_dma semaphore(%run_scoped3A_240 : memref<!tpu.dma_semaphore, #tpu.memory_space<semaphore_mem>>) src(%dma_wait3A_254 : memref<64x128xf32, #tpu.memory_space<vmem>>) dst(%dma_wait3A_260 : memref<10240x128xf32, #tpu.memory_space<vmem_shared>>)
          tpu.yield
        }) : () -> ()
        %add3A_184 = arith.constant 4 : i32
        %add3A_185 = arith.addi %add3A_170, %add3A_184 : i32
        %lt3A_186 = arith.constant 80 : i32
        %lt3A_187 = arith.cmpi slt, %add3A_185, %lt3A_186 : i32
        %convert_element_type3A_188 = arith.extui %lt3A_187 : i1 to i32
        %cond3A_189 = arith.constant 0 : i32
        %cond3A_190 = arith.cmpi ne, %convert_element_type3A_188, %cond3A_189 : i32
        scf.if %cond3A_190 {
          %add3A_240 = arith.constant 4 : i32
          %add3A_241 = arith.addi %add3A_170, %add3A_240 : i32
          %dma_start3A_242 = arith.constant 1 : i32
          %dma_start3A_243 = arith.constant 0 : i32
          %dma_start3A_244 = arith.constant 0 : i32
          %dma_start3A_245 = tpu.memref_slice %arg9[%dma_start3A_242, %dma_start3A_243, %dma_start3A_244] : memref<4x64x128xf32, #tpu.memory_space<vmem>> -> memref<1x64x128xf32, #tpu.memory_space<vmem>>
          %dma_start3A_246 = tpu.memref_squeeze %dma_start3A_245 : memref<1x64x128xf32, #tpu.memory_space<vmem>> -> memref<64x128xf32, #tpu.memory_space<vmem>>
          %dma_start3A_247 = arith.constant 0 : i32
          %dma_start3A_248 = tpu.memref_slice %arg7[%add3A_241, %dma_start3A_247] : memref<80x64xi32, #tpu.memory_space<vmem>> -> memref<1x64xi32, #tpu.memory_space<vmem>>
          %dma_start3A_249 = tpu.memref_squeeze %dma_start3A_248 : memref<1x64xi32, #tpu.memory_space<vmem>> -> memref<64xi32, #tpu.memory_space<vmem>>
          %dma_start3A_250 = arith.constant 0 : i32
          %dma_start3A_251 = arith.constant 0 : i32
          %dma_start3A_252 = tpu.memref_slice %arg3[%dma_start3A_250, %dma_start3A_251] : memref<10240x128xf32, #tpu.memory_space<hbm>> -> memref<10240x128xf32, #tpu.memory_space<hbm>>
          tpu.enqueue_indirect_dma source(%dma_start3A_252 : memref<10240x128xf32, #tpu.memory_space<hbm>>) target(%dma_start3A_246 : memref<64x128xf32, #tpu.memory_space<vmem>>) offsets(%dma_start3A_249 : memref<64xi32, #tpu.memory_space<vmem>>) semaphore(%arg12 : memref<!tpu.dma_semaphore, #tpu.memory_space<semaphore_mem>>)
        } else {
        }
        %mul3A_191 = arith.constant 4 : i32
        %mul3A_192 = arith.muli %scan3A_144, %mul3A_191 : i32
        %add3A_193 = arith.constant 2 : i32
        %add3A_194 = arith.addi %mul3A_192, %add3A_193 : i32
        %dma_wait3A_195 = arith.constant 0 : i32
        %dma_wait3A_196 = arith.constant 2 : i32
        %dma_wait3A_197 = arith.constant 0 : i32
        %dma_wait3A_198 = arith.constant 0 : i32
        %dma_wait3A_199 = tpu.memref_slice %arg9[%dma_wait3A_196, %dma_wait3A_197, %dma_wait3A_198] : memref<4x64x128xf32, #tpu.memory_space<vmem>> -> memref<1x64x128xf32, #tpu.memory_space<vmem>>
        %dma_wait3A_200 = tpu.memref_squeeze %dma_wait3A_199 : memref<1x64x128xf32, #tpu.memory_space<vmem>> -> memref<64x128xf32, #tpu.memory_space<vmem>>
        %dma_wait3A_201 = arith.constant 0 : i32
        %dma_wait3A_202 = tpu.memref_slice %arg7[%dma_wait3A_195, %dma_wait3A_201] : memref<80x64xi32, #tpu.memory_space<vmem>> -> memref<1x64xi32, #tpu.memory_space<vmem>>
        %dma_wait3A_203 = tpu.memref_squeeze %dma_wait3A_202 : memref<1x64xi32, #tpu.memory_space<vmem>> -> memref<64xi32, #tpu.memory_space<vmem>>
        %dma_wait3A_204 = arith.constant 0 : i32
        %dma_wait3A_205 = arith.constant 0 : i32
        %dma_wait3A_206 = tpu.memref_slice %arg3[%dma_wait3A_204, %dma_wait3A_205] : memref<10240x128xf32, #tpu.memory_space<hbm>> -> memref<10240x128xf32, #tpu.memory_space<hbm>>
        tpu.wait_indirect_dma semaphore(%arg13 : memref<!tpu.dma_semaphore, #tpu.memory_space<semaphore_mem>>) src(%dma_wait3A_206 : memref<10240x128xf32, #tpu.memory_space<hbm>>) dst(%dma_wait3A_200 : memref<64x128xf32, #tpu.memory_space<vmem>>)
        %run_scoped3A_207 = arith.constant 2 : i32
        "tpu.region"() ({
          %run_scoped3A_240 = tpu.sem_alloc : memref<!tpu.dma_semaphore, #tpu.memory_space<semaphore_mem>>
          %dma_start3A_241 = arith.constant 0 : i32
          %dma_start3A_242 = arith.constant 0 : i32
          %dma_start3A_243 = tpu.memref_slice %arg9[%run_scoped3A_207, %dma_start3A_241, %dma_start3A_242] : memref<4x64x128xf32, #tpu.memory_space<vmem>> -> memref<1x64x128xf32, #tpu.memory_space<vmem>>
          %dma_start3A_244 = tpu.memref_squeeze %dma_start3A_243 : memref<1x64x128xf32, #tpu.memory_space<vmem>> -> memref<64x128xf32, #tpu.memory_space<vmem>>
          %dma_start3A_245 = arith.constant 0 : i32
          %dma_start3A_246 = tpu.memref_slice %arg8[%add3A_194, %dma_start3A_245] : memref<80x64xi32, #tpu.memory_space<vmem>> -> memref<1x64xi32, #tpu.memory_space<vmem>>
          %dma_start3A_247 = tpu.memref_squeeze %dma_start3A_246 : memref<1x64xi32, #tpu.memory_space<vmem>> -> memref<64xi32, #tpu.memory_space<vmem>>
          %dma_start3A_248 = arith.constant 0 : i32
          %dma_start3A_249 = arith.constant 0 : i32
          %dma_start3A_250 = tpu.memref_slice %arg10[%dma_start3A_248, %dma_start3A_249] : memref<10240x128xf32, #tpu.memory_space<vmem_shared>> -> memref<10240x128xf32, #tpu.memory_space<vmem_shared>>
          tpu.enqueue_indirect_dma source(%dma_start3A_244 : memref<64x128xf32, #tpu.memory_space<vmem>>) target(%dma_start3A_250 : memref<10240x128xf32, #tpu.memory_space<vmem_shared>>) offsets(%dma_start3A_247 : memref<64xi32, #tpu.memory_space<vmem>>) semaphore(%run_scoped3A_240 : memref<!tpu.dma_semaphore, #tpu.memory_space<semaphore_mem>>) {add = true}
          %dma_wait3A_251 = arith.constant 0 : i32
          %dma_wait3A_252 = arith.constant 0 : i32
          %dma_wait3A_253 = tpu.memref_slice %arg9[%run_scoped3A_207, %dma_wait3A_251, %dma_wait3A_252] : memref<4x64x128xf32, #tpu.memory_space<vmem>> -> memref<1x64x128xf32, #tpu.memory_space<vmem>>
          %dma_wait3A_254 = tpu.memref_squeeze %dma_wait3A_253 : memref<1x64x128xf32, #tpu.memory_space<vmem>> -> memref<64x128xf32, #tpu.memory_space<vmem>>
          %dma_wait3A_255 = arith.constant 0 : i32
          %dma_wait3A_256 = tpu.memref_slice %arg8[%add3A_194, %dma_wait3A_255] : memref<80x64xi32, #tpu.memory_space<vmem>> -> memref<1x64xi32, #tpu.memory_space<vmem>>
          %dma_wait3A_257 = tpu.memref_squeeze %dma_wait3A_256 : memref<1x64xi32, #tpu.memory_space<vmem>> -> memref<64xi32, #tpu.memory_space<vmem>>
          %dma_wait3A_258 = arith.constant 0 : i32
          %dma_wait3A_259 = arith.constant 0 : i32
          %dma_wait3A_260 = tpu.memref_slice %arg10[%dma_wait3A_258, %dma_wait3A_259] : memref<10240x128xf32, #tpu.memory_space<vmem_shared>> -> memref<10240x128xf32, #tpu.memory_space<vmem_shared>>
          tpu.wait_indirect_dma semaphore(%run_scoped3A_240 : memref<!tpu.dma_semaphore, #tpu.memory_space<semaphore_mem>>) src(%dma_wait3A_254 : memref<64x128xf32, #tpu.memory_space<vmem>>) dst(%dma_wait3A_260 : memref<10240x128xf32, #tpu.memory_space<vmem_shared>>)
          tpu.yield
        }) : () -> ()
        %add3A_208 = arith.constant 4 : i32
        %add3A_209 = arith.addi %add3A_194, %add3A_208 : i32
        %lt3A_210 = arith.constant 80 : i32
        %lt3A_211 = arith.cmpi slt, %add3A_209, %lt3A_210 : i32
        %convert_element_type3A_212 = arith.extui %lt3A_211 : i1 to i32
        %cond3A_213 = arith.constant 0 : i32
        %cond3A_214 = arith.cmpi ne, %convert_element_type3A_212, %cond3A_213 : i32
        scf.if %cond3A_214 {
          %add3A_240 = arith.constant 4 : i32
          %add3A_241 = arith.addi %add3A_194, %add3A_240 : i32
          %dma_start3A_242 = arith.constant 2 : i32
          %dma_start3A_243 = arith.constant 0 : i32
          %dma_start3A_244 = arith.constant 0 : i32
          %dma_start3A_245 = tpu.memref_slice %arg9[%dma_start3A_242, %dma_start3A_243, %dma_start3A_244] : memref<4x64x128xf32, #tpu.memory_space<vmem>> -> memref<1x64x128xf32, #tpu.memory_space<vmem>>
          %dma_start3A_246 = tpu.memref_squeeze %dma_start3A_245 : memref<1x64x128xf32, #tpu.memory_space<vmem>> -> memref<64x128xf32, #tpu.memory_space<vmem>>
          %dma_start3A_247 = arith.constant 0 : i32
          %dma_start3A_248 = tpu.memref_slice %arg7[%add3A_241, %dma_start3A_247] : memref<80x64xi32, #tpu.memory_space<vmem>> -> memref<1x64xi32, #tpu.memory_space<vmem>>
          %dma_start3A_249 = tpu.memref_squeeze %dma_start3A_248 : memref<1x64xi32, #tpu.memory_space<vmem>> -> memref<64xi32, #tpu.memory_space<vmem>>
          %dma_start3A_250 = arith.constant 0 : i32
          %dma_start3A_251 = arith.constant 0 : i32
          %dma_start3A_252 = tpu.memref_slice %arg3[%dma_start3A_250, %dma_start3A_251] : memref<10240x128xf32, #tpu.memory_space<hbm>> -> memref<10240x128xf32, #tpu.memory_space<hbm>>
          tpu.enqueue_indirect_dma source(%dma_start3A_252 : memref<10240x128xf32, #tpu.memory_space<hbm>>) target(%dma_start3A_246 : memref<64x128xf32, #tpu.memory_space<vmem>>) offsets(%dma_start3A_249 : memref<64xi32, #tpu.memory_space<vmem>>) semaphore(%arg13 : memref<!tpu.dma_semaphore, #tpu.memory_space<semaphore_mem>>)
        } else {
        }
        %mul3A_215 = arith.constant 4 : i32
        %mul3A_216 = arith.muli %scan3A_144, %mul3A_215 : i32
        %add3A_217 = arith.constant 3 : i32
        %add3A_218 = arith.addi %mul3A_216, %add3A_217 : i32
        %dma_wait3A_219 = arith.constant 0 : i32
        %dma_wait3A_220 = arith.constant 3 : i32
        %dma_wait3A_221 = arith.constant 0 : i32
        %dma_wait3A_222 = arith.constant 0 : i32
        %dma_wait3A_223 = tpu.memref_slice %arg9[%dma_wait3A_220, %dma_wait3A_221, %dma_wait3A_222] : memref<4x64x128xf32, #tpu.memory_space<vmem>> -> memref<1x64x128xf32, #tpu.memory_space<vmem>>
        %dma_wait3A_224 = tpu.memref_squeeze %dma_wait3A_223 : memref<1x64x128xf32, #tpu.memory_space<vmem>> -> memref<64x128xf32, #tpu.memory_space<vmem>>
        %dma_wait3A_225 = arith.constant 0 : i32
        %dma_wait3A_226 = tpu.memref_slice %arg7[%dma_wait3A_219, %dma_wait3A_225] : memref<80x64xi32, #tpu.memory_space<vmem>> -> memref<1x64xi32, #tpu.memory_space<vmem>>
        %dma_wait3A_227 = tpu.memref_squeeze %dma_wait3A_226 : memref<1x64xi32, #tpu.memory_space<vmem>> -> memref<64xi32, #tpu.memory_space<vmem>>
        %dma_wait3A_228 = arith.constant 0 : i32
        %dma_wait3A_229 = arith.constant 0 : i32
        %dma_wait3A_230 = tpu.memref_slice %arg3[%dma_wait3A_228, %dma_wait3A_229] : memref<10240x128xf32, #tpu.memory_space<hbm>> -> memref<10240x128xf32, #tpu.memory_space<hbm>>
        tpu.wait_indirect_dma semaphore(%arg14 : memref<!tpu.dma_semaphore, #tpu.memory_space<semaphore_mem>>) src(%dma_wait3A_230 : memref<10240x128xf32, #tpu.memory_space<hbm>>) dst(%dma_wait3A_224 : memref<64x128xf32, #tpu.memory_space<vmem>>)
        %run_scoped3A_231 = arith.constant 3 : i32
        "tpu.region"() ({
          %run_scoped3A_240 = tpu.sem_alloc : memref<!tpu.dma_semaphore, #tpu.memory_space<semaphore_mem>>
          %dma_start3A_241 = arith.constant 0 : i32
          %dma_start3A_242 = arith.constant 0 : i32
          %dma_start3A_243 = tpu.memref_slice %arg9[%run_scoped3A_231, %dma_start3A_241, %dma_start3A_242] : memref<4x64x128xf32, #tpu.memory_space<vmem>> -> memref<1x64x128xf32, #tpu.memory_space<vmem>>
          %dma_start3A_244 = tpu.memref_squeeze %dma_start3A_243 : memref<1x64x128xf32, #tpu.memory_space<vmem>> -> memref<64x128xf32, #tpu.memory_space<vmem>>
          %dma_start3A_245 = arith.constant 0 : i32
          %dma_start3A_246 = tpu.memref_slice %arg8[%add3A_218, %dma_start3A_245] : memref<80x64xi32, #tpu.memory_space<vmem>> -> memref<1x64xi32, #tpu.memory_space<vmem>>
          %dma_start3A_247 = tpu.memref_squeeze %dma_start3A_246 : memref<1x64xi32, #tpu.memory_space<vmem>> -> memref<64xi32, #tpu.memory_space<vmem>>
          %dma_start3A_248 = arith.constant 0 : i32
          %dma_start3A_249 = arith.constant 0 : i32
          %dma_start3A_250 = tpu.memref_slice %arg10[%dma_start3A_248, %dma_start3A_249] : memref<10240x128xf32, #tpu.memory_space<vmem_shared>> -> memref<10240x128xf32, #tpu.memory_space<vmem_shared>>
          tpu.enqueue_indirect_dma source(%dma_start3A_244 : memref<64x128xf32, #tpu.memory_space<vmem>>) target(%dma_start3A_250 : memref<10240x128xf32, #tpu.memory_space<vmem_shared>>) offsets(%dma_start3A_247 : memref<64xi32, #tpu.memory_space<vmem>>) semaphore(%run_scoped3A_240 : memref<!tpu.dma_semaphore, #tpu.memory_space<semaphore_mem>>) {add = true}
          %dma_wait3A_251 = arith.constant 0 : i32
          %dma_wait3A_252 = arith.constant 0 : i32
          %dma_wait3A_253 = tpu.memref_slice %arg9[%run_scoped3A_231, %dma_wait3A_251, %dma_wait3A_252] : memref<4x64x128xf32, #tpu.memory_space<vmem>> -> memref<1x64x128xf32, #tpu.memory_space<vmem>>
          %dma_wait3A_254 = tpu.memref_squeeze %dma_wait3A_253 : memref<1x64x128xf32, #tpu.memory_space<vmem>> -> memref<64x128xf32, #tpu.memory_space<vmem>>
          %dma_wait3A_255 = arith.constant 0 : i32
          %dma_wait3A_256 = tpu.memref_slice %arg8[%add3A_218, %dma_wait3A_255] : memref<80x64xi32, #tpu.memory_space<vmem>> -> memref<1x64xi32, #tpu.memory_space<vmem>>
          %dma_wait3A_257 = tpu.memref_squeeze %dma_wait3A_256 : memref<1x64xi32, #tpu.memory_space<vmem>> -> memref<64xi32, #tpu.memory_space<vmem>>
          %dma_wait3A_258 = arith.constant 0 : i32
          %dma_wait3A_259 = arith.constant 0 : i32
          %dma_wait3A_260 = tpu.memref_slice %arg10[%dma_wait3A_258, %dma_wait3A_259] : memref<10240x128xf32, #tpu.memory_space<vmem_shared>> -> memref<10240x128xf32, #tpu.memory_space<vmem_shared>>
          tpu.wait_indirect_dma semaphore(%run_scoped3A_240 : memref<!tpu.dma_semaphore, #tpu.memory_space<semaphore_mem>>) src(%dma_wait3A_254 : memref<64x128xf32, #tpu.memory_space<vmem>>) dst(%dma_wait3A_260 : memref<10240x128xf32, #tpu.memory_space<vmem_shared>>)
          tpu.yield
        }) : () -> ()
        %add3A_232 = arith.constant 4 : i32
        %add3A_233 = arith.addi %add3A_218, %add3A_232 : i32
        %lt3A_234 = arith.constant 80 : i32
        %lt3A_235 = arith.cmpi slt, %add3A_233, %lt3A_234 : i32
        %convert_element_type3A_236 = arith.extui %lt3A_235 : i1 to i32
        %cond3A_237 = arith.constant 0 : i32
        %cond3A_238 = arith.cmpi ne, %convert_element_type3A_236, %cond3A_237 : i32
        scf.if %cond3A_238 {
          %add3A_240 = arith.constant 4 : i32
          %add3A_241 = arith.addi %add3A_218, %add3A_240 : i32
          %dma_start3A_242 = arith.constant 3 : i32
          %dma_start3A_243 = arith.constant 0 : i32
          %dma_start3A_244 = arith.constant 0 : i32
          %dma_start3A_245 = tpu.memref_slice %arg9[%dma_start3A_242, %dma_start3A_243, %dma_start3A_244] : memref<4x64x128xf32, #tpu.memory_space<vmem>> -> memref<1x64x128xf32, #tpu.memory_space<vmem>>
          %dma_start3A_246 = tpu.memref_squeeze %dma_start3A_245 : memref<1x64x128xf32, #tpu.memory_space<vmem>> -> memref<64x128xf32, #tpu.memory_space<vmem>>
          %dma_start3A_247 = arith.constant 0 : i32
          %dma_start3A_248 = tpu.memref_slice %arg7[%add3A_241, %dma_start3A_247] : memref<80x64xi32, #tpu.memory_space<vmem>> -> memref<1x64xi32, #tpu.memory_space<vmem>>
          %dma_start3A_249 = tpu.memref_squeeze %dma_start3A_248 : memref<1x64xi32, #tpu.memory_space<vmem>> -> memref<64xi32, #tpu.memory_space<vmem>>
          %dma_start3A_250 = arith.constant 0 : i32
          %dma_start3A_251 = arith.constant 0 : i32
          %dma_start3A_252 = tpu.memref_slice %arg3[%dma_start3A_250, %dma_start3A_251] : memref<10240x128xf32, #tpu.memory_space<hbm>> -> memref<10240x128xf32, #tpu.memory_space<hbm>>
          tpu.enqueue_indirect_dma source(%dma_start3A_252 : memref<10240x128xf32, #tpu.memory_space<hbm>>) target(%dma_start3A_246 : memref<64x128xf32, #tpu.memory_space<vmem>>) offsets(%dma_start3A_249 : memref<64xi32, #tpu.memory_space<vmem>>) semaphore(%arg14 : memref<!tpu.dma_semaphore, #tpu.memory_space<semaphore_mem>>)
        } else {
        }
        %scan3A_239 = arith.constant 0 : i32
        scf.yield %scan3A_239 : i32
      }
      %scan3A_143 = arith.constant 20 : i32
    } else {
    }
    %barrier3A_21 = arith.constant 0 : index
    tpu.barrier barrier_id(%barrier3A_21)
    %scan3A_22 = arith.constant 0 : i32
    %scan3A_23 = arith.constant 0 : i32
    %scan3A_24 = arith.constant 10 : i32
    %scan3A_25 = arith.addi %scan3A_23, %scan3A_24 : i32
    %scan3A_26 = arith.constant 1 : i32
    %scan3A_27 = scf.for %scan3A_29 = %scan3A_23 to %scan3A_25 step %scan3A_26 iter_args(%scan3A_30 = %scan3A_22) -> (i32)  : i32 {
      %mul3A = arith.constant 640 : i32
      %mul3A_31 = arith.muli %arg1, %mul3A : i32
      %mul3A_32 = arith.constant 64 : i32
      %mul3A_33 = arith.muli %scan3A_29, %mul3A_32 : i32
      %add3A = arith.addi %mul3A_31, %mul3A_33 : i32
      %run_scoped3A = arith.constant 0 : i32
      "tpu.region"() ({
        %run_scoped3A_41 = tpu.sem_alloc : memref<!tpu.dma_semaphore, #tpu.memory_space<semaphore_mem>>
        %dma_start3A = arith.constant 0 : i32
        %dma_start3A_42 = arith.constant 0 : i32
        %dma_start3A_43 = tpu.memref_slice %arg9[%run_scoped3A, %dma_start3A, %dma_start3A_42] : memref<4x64x128xf32, #tpu.memory_space<vmem>> -> memref<1x64x128xf32, #tpu.memory_space<vmem>>
        %dma_start3A_44 = tpu.memref_squeeze %dma_start3A_43 : memref<1x64x128xf32, #tpu.memory_space<vmem>> -> memref<64x128xf32, #tpu.memory_space<vmem>>
        %dma_start3A_45 = arith.constant 0 : i32
        %dma_start3A_46 = tpu.memref_slice %arg10[%add3A, %dma_start3A_45] : memref<10240x128xf32, #tpu.memory_space<vmem_shared>> -> memref<64x128xf32, #tpu.memory_space<vmem_shared>>
        %dma_start3A_47 = arith.constant 0 : i32
        %dma_start3A_48 = arith.constant 0 : i32
        %dma_start3A_49 = tpu.memref_slice %arg9[%run_scoped3A, %dma_start3A_47, %dma_start3A_48] : memref<4x64x128xf32, #tpu.memory_space<vmem>> -> memref<1x64x128xf32, #tpu.memory_space<vmem>>
        %dma_start3A_50 = tpu.memref_squeeze %dma_start3A_49 : memref<1x64x128xf32, #tpu.memory_space<vmem>> -> memref<64x128xf32, #tpu.memory_space<vmem>>
        %dma_start3A_51 = arith.constant 0 : i32
        %dma_start3A_52 = tpu.memref_slice %arg10[%add3A, %dma_start3A_51] : memref<10240x128xf32, #tpu.memory_space<vmem_shared>> -> memref<64x128xf32, #tpu.memory_space<vmem_shared>>
        tpu.enqueue_dma source(%dma_start3A_52 : memref<64x128xf32, #tpu.memory_space<vmem_shared>>) target(%dma_start3A_50 : memref<64x128xf32, #tpu.memory_space<vmem>>) target_semaphore(%run_scoped3A_41 : memref<!tpu.dma_semaphore, #tpu.memory_space<semaphore_mem>>)
        %dma_wait3A = arith.constant 0 : i32
        %dma_wait3A_53 = arith.constant 0 : i32
        %dma_wait3A_54 = tpu.memref_slice %arg9[%run_scoped3A, %dma_wait3A, %dma_wait3A_53] : memref<4x64x128xf32, #tpu.memory_space<vmem>> -> memref<1x64x128xf32, #tpu.memory_space<vmem>>
        %dma_wait3A_55 = tpu.memref_squeeze %dma_wait3A_54 : memref<1x64x128xf32, #tpu.memory_space<vmem>> -> memref<64x128xf32, #tpu.memory_space<vmem>>
        %dma_wait3A_56 = arith.constant 0 : i32
        %dma_wait3A_57 = tpu.memref_slice %arg10[%add3A, %dma_wait3A_56] : memref<10240x128xf32, #tpu.memory_space<vmem_shared>> -> memref<64x128xf32, #tpu.memory_space<vmem_shared>>
        %dma_wait3A_58 = arith.constant 0 : i32
        %dma_wait3A_59 = arith.constant 0 : i32
        %dma_wait3A_60 = tpu.memref_slice %arg9[%run_scoped3A, %dma_wait3A_58, %dma_wait3A_59] : memref<4x64x128xf32, #tpu.memory_space<vmem>> -> memref<1x64x128xf32, #tpu.memory_space<vmem>>
        %dma_wait3A_61 = tpu.memref_squeeze %dma_wait3A_60 : memref<1x64x128xf32, #tpu.memory_space<vmem>> -> memref<64x128xf32, #tpu.memory_space<vmem>>
        %dma_wait3A_62 = arith.constant 0 : i32
        %dma_wait3A_63 = tpu.memref_slice %arg10[%add3A, %dma_wait3A_62] : memref<10240x128xf32, #tpu.memory_space<vmem_shared>> -> memref<64x128xf32, #tpu.memory_space<vmem_shared>>
        tpu.wait_dma2 semaphore(%run_scoped3A_41 : memref<!tpu.dma_semaphore, #tpu.memory_space<semaphore_mem>>) src(%dma_wait3A_63 : memref<64x128xf32, #tpu.memory_space<vmem_shared>>) dst(%dma_wait3A_61 : memref<64x128xf32, #tpu.memory_space<vmem>>)
        tpu.yield
      }) : () -> ()
      %mul3A_34 = arith.constant 640 : i32
      %mul3A_35 = arith.muli %arg1, %mul3A_34 : i32
      %mul3A_36 = arith.constant 64 : i32
      %mul3A_37 = arith.muli %scan3A_29, %mul3A_36 : i32
      %add3A_38 = arith.addi %mul3A_35, %mul3A_37 : i32
      %run_scoped3A_39 = arith.constant 0 : i32
      "tpu.region"() ({
        %run_scoped3A_41 = tpu.sem_alloc : memref<!tpu.dma_semaphore, #tpu.memory_space<semaphore_mem>>
        %dma_start3A = arith.constant 0 : i32
        %dma_start3A_42 = arith.constant 0 : i32
        %dma_start3A_43 = tpu.memref_slice %arg9[%run_scoped3A_39, %dma_start3A, %dma_start3A_42] : memref<4x64x128xf32, #tpu.memory_space<vmem>> -> memref<1x64x128xf32, #tpu.memory_space<vmem>>
        %dma_start3A_44 = tpu.memref_squeeze %dma_start3A_43 : memref<1x64x128xf32, #tpu.memory_space<vmem>> -> memref<64x128xf32, #tpu.memory_space<vmem>>
        %dma_start3A_45 = arith.constant 0 : i32
        %dma_start3A_46 = tpu.memref_slice %arg6[%arg0, %add3A_38, %dma_start3A_45] : memref<2x10240x128xf32, #tpu.memory_space<hbm>> -> memref<1x64x128xf32, #tpu.memory_space<hbm>>
        %dma_start3A_47 = tpu.memref_squeeze %dma_start3A_46 : memref<1x64x128xf32, #tpu.memory_space<hbm>> -> memref<64x128xf32, #tpu.memory_space<hbm>>
        %dma_start3A_48 = arith.constant 0 : i32
        %dma_start3A_49 = tpu.memref_slice %arg6[%arg0, %add3A_38, %dma_start3A_48] : memref<2x10240x128xf32, #tpu.memory_space<hbm>> -> memref<1x64x128xf32, #tpu.memory_space<hbm>>
        %dma_start3A_50 = tpu.memref_squeeze %dma_start3A_49 : memref<1x64x128xf32, #tpu.memory_space<hbm>> -> memref<64x128xf32, #tpu.memory_space<hbm>>
        %dma_start3A_51 = arith.constant 0 : i32
        %dma_start3A_52 = arith.constant 0 : i32
        %dma_start3A_53 = tpu.memref_slice %arg9[%run_scoped3A_39, %dma_start3A_51, %dma_start3A_52] : memref<4x64x128xf32, #tpu.memory_space<vmem>> -> memref<1x64x128xf32, #tpu.memory_space<vmem>>
        %dma_start3A_54 = tpu.memref_squeeze %dma_start3A_53 : memref<1x64x128xf32, #tpu.memory_space<vmem>> -> memref<64x128xf32, #tpu.memory_space<vmem>>
        tpu.enqueue_dma source(%dma_start3A_54 : memref<64x128xf32, #tpu.memory_space<vmem>>) target(%dma_start3A_50 : memref<64x128xf32, #tpu.memory_space<hbm>>) target_semaphore(%run_scoped3A_41 : memref<!tpu.dma_semaphore, #tpu.memory_space<semaphore_mem>>)
        %dma_wait3A = arith.constant 0 : i32
        %dma_wait3A_55 = arith.constant 0 : i32
        %dma_wait3A_56 = tpu.memref_slice %arg9[%run_scoped3A_39, %dma_wait3A, %dma_wait3A_55] : memref<4x64x128xf32, #tpu.memory_space<vmem>> -> memref<1x64x128xf32, #tpu.memory_space<vmem>>
        %dma_wait3A_57 = tpu.memref_squeeze %dma_wait3A_56 : memref<1x64x128xf32, #tpu.memory_space<vmem>> -> memref<64x128xf32, #tpu.memory_space<vmem>>
        %dma_wait3A_58 = arith.constant 0 : i32
        %dma_wait3A_59 = tpu.memref_slice %arg6[%arg0, %add3A_38, %dma_wait3A_58] : memref<2x10240x128xf32, #tpu.memory_space<hbm>> -> memref<1x64x128xf32, #tpu.memory_space<hbm>>
        %dma_wait3A_60 = tpu.memref_squeeze %dma_wait3A_59 : memref<1x64x128xf32, #tpu.memory_space<hbm>> -> memref<64x128xf32, #tpu.memory_space<hbm>>
        %dma_wait3A_61 = arith.constant 0 : i32
        %dma_wait3A_62 = tpu.memref_slice %arg6[%arg0, %add3A_38, %dma_wait3A_61] : memref<2x10240x128xf32, #tpu.memory_space<hbm>> -> memref<1x64x128xf32, #tpu.memory_space<hbm>>
        %dma_wait3A_63 = tpu.memref_squeeze %dma_wait3A_62 : memref<1x64x128xf32, #tpu.memory_space<hbm>> -> memref<64x128xf32, #tpu.memory_space<hbm>>
        %dma_wait3A_64 = arith.constant 0 : i32
        %dma_wait3A_65 = arith.constant 0 : i32
        %dma_wait3A_66 = tpu.memref_slice %arg9[%run_scoped3A_39, %dma_wait3A_64, %dma_wait3A_65] : memref<4x64x128xf32, #tpu.memory_space<vmem>> -> memref<1x64x128xf32, #tpu.memory_space<vmem>>
        %dma_wait3A_67 = tpu.memref_squeeze %dma_wait3A_66 : memref<1x64x128xf32, #tpu.memory_space<vmem>> -> memref<64x128xf32, #tpu.memory_space<vmem>>
        tpu.wait_dma2 semaphore(%run_scoped3A_41 : memref<!tpu.dma_semaphore, #tpu.memory_space<semaphore_mem>>) src(%dma_wait3A_67 : memref<64x128xf32, #tpu.memory_space<vmem>>) dst(%dma_wait3A_63 : memref<64x128xf32, #tpu.memory_space<hbm>>)
        tpu.yield
      }) : () -> ()
      %scan3A_40 = arith.constant 0 : i32
      scf.yield %scan3A_40 : i32
    }
    %scan3A_28 = arith.constant 10 : i32
    return
  }
}

module attributes {stable_mosaic.version = 14 : i64} {
  func.func @_k1_body(%arg0: i32, %arg1: i32, %arg2: memref<512x256xf32, #tpu.memory_space<vmem>>, %arg3: memref<256x128xf32, #tpu.memory_space<vmem>>, %arg4: memref<2x2x512xf32, #tpu.memory_space<vmem>>, %arg5: memref<1x512x128xf32, #tpu.memory_space<vmem>>, %arg6: memref<2x512xf32, #tpu.memory_space<vmem>>) attributes {dimension_semantics = [#tpu.dimension_semantics<arbitrary>, #tpu.dimension_semantics<arbitrary>], iteration_bounds = array<i64: 2, 20>, scalar_prefetch = 0 : i64, scratch_operands = 0 : i64, tpu.core_type = #tpu.core_type<tc>, window_params = [{transform_indices = @transform_0, window_bounds = array<i64: 512, 256>}, {transform_indices = @transform_1, window_bounds = array<i64: 256, 128>}, {transform_indices = @transform_2, window_bounds = array<i64: 2, 2, 512>}, {transform_indices = @transform_3, window_bounds = array<i64: 1, 512, 128>}, {transform_indices = @transform_4, window_bounds = array<i64: 2, 512>}]} {
    %get3A = arith.constant 0 : index
    %get3A_0 = arith.constant 0 : index
    %get3A_1 = arith.constant 0 : index
    %get3A_2 = vector.load %arg4[%get3A, %get3A_0, %get3A_1] : memref<2x2x512xf32, #tpu.memory_space<vmem>>, vector<2x2x512xf32>
    %slice3A = vector.extract_strided_slice %get3A_2 {offsets = [0, 0, 0], sizes = [1, 2, 512], strides = [1, 1, 1]} : vector<2x2x512xf32> to vector<1x2x512xf32>
    %squeeze3A = vector.shape_cast %slice3A : vector<1x2x512xf32> to vector<2x512xf32>
    %slice3A_3 = vector.extract_strided_slice %get3A_2 {offsets = [1, 0, 0], sizes = [1, 2, 512], strides = [1, 1, 1]} : vector<2x2x512xf32> to vector<1x2x512xf32>
    %squeeze3A_4 = vector.shape_cast %slice3A_3 : vector<1x2x512xf32> to vector<2x512xf32>
    %add3A = arith.addf %squeeze3A, %squeeze3A_4 : vector<2x512xf32>
    %max3A = arith.constant 1.000000e+00 : f32
    %max3A_5 = vector.broadcast %max3A : f32 to vector<2x512xf32>
    %max3A_6 = arith.maximumf %add3A, %max3A_5 : vector<2x512xf32>
    %rsqrt3A = math.rsqrt %max3A_6 : vector<2x512xf32>
    %swap3A = arith.constant 0 : index
    %swap3A_7 = arith.constant 0 : index
    %swap3A_8 = vector.load %arg6[%swap3A, %swap3A_7] : memref<2x512xf32, #tpu.memory_space<vmem>>, vector<2x512xf32>
    tpu.vector_store %arg6[%swap3A, %swap3A_7], %rsqrt3A {strides = array<i32>} : memref<2x512xf32, #tpu.memory_space<vmem>>, vector<2x512xf32>,
    %get3A_9 = arith.constant 0 : index
    %get3A_10 = arith.constant 0 : index
    %get3A_11 = vector.load %arg2[%get3A_9, %get3A_10] : memref<512x256xf32, #tpu.memory_space<vmem>>, vector<512x256xf32>
    %get3A_12 = arith.constant 0 : index
    %get3A_13 = arith.constant 0 : index
    %get3A_14 = vector.load %arg3[%get3A_12, %get3A_13] : memref<256x128xf32, #tpu.memory_space<vmem>>, vector<256x128xf32>
    %dot_general3A = arith.constant dense<0.000000e+00> : vector<512x128xf32>
    %dot_general3A_15 = tpu.matmul %get3A_11, %get3A_14, %dot_general3A {dimension_numbers = #tpu.dot_dimension_numbers<[1], [0], [0], [1], [0, 0, 1, 1], [], []>, transpose_lhs_hint = false} : vector<512x256xf32>, vector<256x128xf32>, vector<512x128xf32> -> vector<512x128xf32>
    %slice3A_16 = vector.extract_strided_slice %rsqrt3A {offsets = [0, 0], sizes = [1, 512], strides = [1, 1]} : vector<2x512xf32> to vector<1x512xf32>
    %squeeze3A_17 = vector.shape_cast %slice3A_16 : vector<1x512xf32> to vector<512xf32>
    %broadcast_in_dim3A = vector.shape_cast %squeeze3A_17 : vector<512xf32> to vector<512x1xf32>
    %mul3A = vector.broadcast %broadcast_in_dim3A : vector<512x1xf32> to vector<512x128xf32>
    %mul3A_18 = arith.mulf %dot_general3A_15, %mul3A : vector<512x128xf32>
    %swap3A_19 = arith.constant 0 : index
    %swap3A_20 = arith.constant 0 : index
    %swap3A_21 = arith.constant 0 : index
    %swap3A_22 = vector.load %arg5[%swap3A_19, %swap3A_20, %swap3A_21] : memref<1x512x128xf32, #tpu.memory_space<vmem>>, vector<1x512x128xf32>
    %swap3A_23 = vector.shape_cast %swap3A_22 : vector<1x512x128xf32> to vector<512x128xf32>
    %swap3A_24 = vector.shape_cast %mul3A_18 : vector<512x128xf32> to vector<1x512x128xf32>
    tpu.vector_store %arg5[%swap3A_19, %swap3A_20, %swap3A_21], %swap3A_24 {strides = array<i32>} : memref<1x512x128xf32, #tpu.memory_space<vmem>>, vector<1x512x128xf32>,
    return
  }
  func.func @transform_0(%arg0: i32, %arg1: i32) -> (i32, i32) {
    %c0_i32 = arith.constant 0 : i32
    %c0_i32_0 = arith.constant 0 : i32
    return %arg1, %c0_i32 : i32, i32
  }
  func.func @transform_1(%arg0: i32, %arg1: i32) -> (i32, i32) {
    %c0_i32 = arith.constant 0 : i32
    %c0_i32_0 = arith.constant 0 : i32
    return %c0_i32, %arg0 : i32, i32
  }
  func.func @transform_2(%arg0: i32, %arg1: i32) -> (i32, i32, i32) {
    %c0_i32 = arith.constant 0 : i32
    %c0_i32_0 = arith.constant 0 : i32
    %c0_i32_1 = arith.constant 0 : i32
    return %c0_i32, %c0_i32_0, %arg1 : i32, i32, i32
  }
  func.func @transform_3(%arg0: i32, %arg1: i32) -> (i32, i32, i32) {
    %c0_i32 = arith.constant 0 : i32
    %c0_i32_0 = arith.constant 0 : i32
    return %arg0, %arg1, %c0_i32 : i32, i32, i32
  }
  func.func @transform_4(%arg0: i32, %arg1: i32) -> (i32, i32) {
    %c0_i32 = arith.constant 0 : i32
    %c0_i32_0 = arith.constant 0 : i32
    return %c0_i32, %arg1 : i32, i32
  }
}

module attributes {stable_mosaic.version = 14 : i64} {
  func.func @_k2_body(%arg0: i32, %arg1: memref<2x512x128xf32, #tpu.memory_space<vmem>>, %arg2: memref<2x512xf32, #tpu.memory_space<vmem>>, %arg3: memref<1x256xf32, #tpu.memory_space<vmem>>, %arg4: memref<256x16xf32, #tpu.memory_space<vmem>>, %arg5: memref<2x16xf32, #tpu.memory_space<vmem>>, %arg6: memref<1024x2xf32, #tpu.memory_space<vmem>>, %arg7: memref<256x256xf32, #tpu.memory_space<vmem>>, %arg8: memref<1x2xf32, #tpu.memory_space<vmem>>, %arg9: memref<512x4xi32, #tpu.memory_space<vmem>>, %arg10: memref<512x16xf32, #tpu.memory_space<vmem>>) attributes {dimension_semantics = [#tpu.dimension_semantics<arbitrary>], iteration_bounds = array<i64: 20>, scalar_prefetch = 0 : i64, scratch_operands = 0 : i64, tpu.core_type = #tpu.core_type<tc>, window_params = [{transform_indices = @transform_0, window_bounds = array<i64: 2, 512, 128>}, {transform_indices = @transform_1, window_bounds = array<i64: 2, 512>}, {pipeline_mode = #tpu.pipeline_mode<synchronous>, transform_indices = @transform_2, window_bounds = array<i64: 1, 256>}, {pipeline_mode = #tpu.pipeline_mode<synchronous>, transform_indices = @transform_3, window_bounds = array<i64: 256, 16>}, {pipeline_mode = #tpu.pipeline_mode<synchronous>, transform_indices = @transform_4, window_bounds = array<i64: 2, 16>}, {pipeline_mode = #tpu.pipeline_mode<synchronous>, transform_indices = @transform_5, window_bounds = array<i64: 1024, 2>}, {pipeline_mode = #tpu.pipeline_mode<synchronous>, transform_indices = @transform_6, window_bounds = array<i64: 256, 256>}, {pipeline_mode = #tpu.pipeline_mode<synchronous>, transform_indices = @transform_7, window_bounds = array<i64: 1, 2>}, {transform_indices = @transform_8, window_bounds = array<i64: 512, 4>}, {transform_indices = @transform_9, window_bounds = array<i64: 512, 16>}]} {
    %get3A = arith.constant 0 : index
    %get3A_0 = arith.constant 0 : index
    %get3A_1 = arith.constant 0 : index
    %get3A_2 = vector.load %arg1[%get3A, %get3A_0, %get3A_1] : memref<2x512x128xf32, #tpu.memory_space<vmem>>, vector<2x512x128xf32>
    %get3A_3 = arith.constant 0 : index
    %get3A_4 = arith.constant 0 : index
    %get3A_5 = vector.load %arg2[%get3A_3, %get3A_4] : memref<2x512xf32, #tpu.memory_space<vmem>>, vector<2x512xf32>
    %slice3A = vector.extract_strided_slice %get3A_2 {offsets = [0, 0, 0], sizes = [1, 512, 128], strides = [1, 1, 1]} : vector<2x512x128xf32> to vector<1x512x128xf32>
    %squeeze3A = vector.shape_cast %slice3A : vector<1x512x128xf32> to vector<512x128xf32>
    %slice3A_6 = vector.extract_strided_slice %get3A_2 {offsets = [1, 0, 0], sizes = [1, 512, 128], strides = [1, 1, 1]} : vector<2x512x128xf32> to vector<1x512x128xf32>
    %squeeze3A_7 = vector.shape_cast %slice3A_6 : vector<1x512x128xf32> to vector<512x128xf32>
    %concatenate3A = tpu.concatenate %squeeze3A, %squeeze3A_7 in 1 : vector<512x128xf32>, vector<512x128xf32> -> vector<512x256xf32>
    %slice3A_8 = vector.extract_strided_slice %get3A_5 {offsets = [1, 0], sizes = [1, 512], strides = [1, 1]} : vector<2x512xf32> to vector<1x512xf32>
    %squeeze3A_9 = vector.shape_cast %slice3A_8 : vector<1x512xf32> to vector<512xf32>
    %broadcast_in_dim3A = vector.shape_cast %squeeze3A_9 : vector<512xf32> to vector<512x1xf32>
    %mul3A = vector.broadcast %broadcast_in_dim3A : vector<512x1xf32> to vector<512x256xf32>
    %mul3A_10 = arith.mulf %concatenate3A, %mul3A : vector<512x256xf32>
    %get3A_11 = arith.constant 0 : index
    %get3A_12 = arith.constant 0 : index
    %get3A_13 = vector.load %arg3[%get3A_11, %get3A_12] : memref<1x256xf32, #tpu.memory_space<vmem>>, vector<1x256xf32>
    %add3A = vector.broadcast %get3A_13 : vector<1x256xf32> to vector<512x256xf32>
    %add3A_14 = arith.addf %mul3A_10, %add3A : vector<512x256xf32>
    %max3A = arith.constant 0.000000e+00 : f32
    %max3A_15 = vector.broadcast %max3A : f32 to vector<512x256xf32>
    %max3A_16 = arith.maximumf %add3A_14, %max3A_15 : vector<512x256xf32>
    %get3A_17 = arith.constant 0 : index
    %get3A_18 = arith.constant 0 : index
    %get3A_19 = vector.load %arg4[%get3A_17, %get3A_18] : memref<256x16xf32, #tpu.memory_space<vmem>>, vector<256x16xf32>
    %dot_general3A = arith.constant dense<0.000000e+00> : vector<512x16xf32>
    %dot_general3A_20 = tpu.matmul %max3A_16, %get3A_19, %dot_general3A {dimension_numbers = #tpu.dot_dimension_numbers<[1], [0], [0], [1], [0, 0, 1, 1], [], []>, transpose_lhs_hint = false} : vector<512x256xf32>, vector<256x16xf32>, vector<512x16xf32> -> vector<512x16xf32>
    %get3A_21 = arith.constant 0 : index
    %get3A_22 = arith.constant 0 : index
    %get3A_23 = vector.load %arg6[%get3A_21, %get3A_22] : memref<1024x2xf32, #tpu.memory_space<vmem>>, vector<1024x2xf32>
    %get3A_24 = arith.constant 0 : index
    %get3A_25 = arith.constant 0 : index
    %get3A_26 = vector.load %arg5[%get3A_24, %get3A_25] : memref<2x16xf32, #tpu.memory_space<vmem>>, vector<2x16xf32>
    %dot_general3A_27 = arith.constant dense<0.000000e+00> : vector<1024x16xf32>
    %dot_general3A_28 = tpu.matmul %get3A_23, %get3A_26, %dot_general3A_27 {dimension_numbers = #tpu.dot_dimension_numbers<[1], [0], [0], [1], [0, 0, 1, 1], [], []>, transpose_lhs_hint = false} : vector<1024x2xf32>, vector<2x16xf32>, vector<1024x16xf32> -> vector<1024x16xf32>
    %reshape3A = vector.shape_cast %dot_general3A_28 : vector<1024x16xf32> to vector<4x256x16xf32>
    %get3A_29 = arith.constant 0 : index
    %get3A_30 = arith.constant 0 : index
    %get3A_31 = vector.load %arg9[%get3A_29, %get3A_30] : memref<512x4xi32, #tpu.memory_space<vmem>>, vector<512x4xi32>
    %get3A_32 = arith.constant 0 : index
    %get3A_33 = arith.constant 0 : index
    %get3A_34 = vector.load %arg7[%get3A_32, %get3A_33] : memref<256x256xf32, #tpu.memory_space<vmem>>, vector<256x256xf32>
    %slice3A_35 = vector.extract_strided_slice %reshape3A {offsets = [0, 0, 0], sizes = [1, 256, 16], strides = [1, 1, 1]} : vector<4x256x16xf32> to vector<1x256x16xf32>
    %squeeze3A_36 = vector.shape_cast %slice3A_35 : vector<1x256x16xf32> to vector<256x16xf32>
    %dot_general3A_37 = arith.constant dense<0.000000e+00> : vector<256x16xf32>
    %dot_general3A_38 = tpu.matmul %get3A_34, %squeeze3A_36, %dot_general3A_37 {dimension_numbers = #tpu.dot_dimension_numbers<[1], [0], [0], [1], [0, 0, 1, 1], [], []>, transpose_lhs_hint = false} : vector<256x256xf32>, vector<256x16xf32>, vector<256x16xf32> -> vector<256x16xf32>
    %slice3A_39 = vector.extract_strided_slice %get3A_31 {offsets = [0, 0], sizes = [512, 1], strides = [1, 1]} : vector<512x4xi32> to vector<512x1xi32>
    %squeeze3A_40 = vector.shape_cast %slice3A_39 : vector<512x1xi32> to vector<512xi32>
    %broadcast_in_dim3A_41 = vector.shape_cast %squeeze3A_40 : vector<512xi32> to vector<512x1xi32>
    %iota3A = tpu.iota {dimensions = array<i32: 1>} : vector<512x256xi32>
    %eq3A = vector.broadcast %broadcast_in_dim3A_41 : vector<512x1xi32> to vector<512x256xi32>
    %eq3A_42 = arith.cmpi eq, %eq3A, %iota3A : vector<512x256xi32>
    %convert_element_type3A = arith.extui %eq3A_42 : vector<512x256xi1> to vector<512x256xi32>
    %convert_element_type3A_43 = arith.sitofp %convert_element_type3A : vector<512x256xi32> to vector<512x256xf32>
    %dot_general3A_44 = arith.constant dense<0.000000e+00> : vector<512x16xf32>
    %dot_general3A_45 = tpu.matmul %convert_element_type3A_43, %dot_general3A_38, %dot_general3A_44 {dimension_numbers = #tpu.dot_dimension_numbers<[1], [0], [0], [1], [0, 0, 1, 1], [], []>, transpose_lhs_hint = false} : vector<512x256xf32>, vector<256x16xf32>, vector<512x16xf32> -> vector<512x16xf32>
    %add3A_46 = arith.addf %dot_general3A_20, %dot_general3A_45 : vector<512x16xf32>
    %slice3A_47 = vector.extract_strided_slice %reshape3A {offsets = [1, 0, 0], sizes = [1, 256, 16], strides = [1, 1, 1]} : vector<4x256x16xf32> to vector<1x256x16xf32>
    %squeeze3A_48 = vector.shape_cast %slice3A_47 : vector<1x256x16xf32> to vector<256x16xf32>
    %dot_general3A_49 = arith.constant dense<0.000000e+00> : vector<256x16xf32>
    %dot_general3A_50 = tpu.matmul %get3A_34, %squeeze3A_48, %dot_general3A_49 {dimension_numbers = #tpu.dot_dimension_numbers<[1], [0], [0], [1], [0, 0, 1, 1], [], []>, transpose_lhs_hint = false} : vector<256x256xf32>, vector<256x16xf32>, vector<256x16xf32> -> vector<256x16xf32>
    %slice3A_51 = vector.extract_strided_slice %get3A_31 {offsets = [0, 1], sizes = [512, 1], strides = [1, 1]} : vector<512x4xi32> to vector<512x1xi32>
    %squeeze3A_52 = vector.shape_cast %slice3A_51 : vector<512x1xi32> to vector<512xi32>
    %broadcast_in_dim3A_53 = vector.shape_cast %squeeze3A_52 : vector<512xi32> to vector<512x1xi32>
    %iota3A_54 = tpu.iota {dimensions = array<i32: 1>} : vector<512x256xi32>
    %eq3A_55 = vector.broadcast %broadcast_in_dim3A_53 : vector<512x1xi32> to vector<512x256xi32>
    %eq3A_56 = arith.cmpi eq, %eq3A_55, %iota3A_54 : vector<512x256xi32>
    %convert_element_type3A_57 = arith.extui %eq3A_56 : vector<512x256xi1> to vector<512x256xi32>
    %convert_element_type3A_58 = arith.sitofp %convert_element_type3A_57 : vector<512x256xi32> to vector<512x256xf32>
    %dot_general3A_59 = arith.constant dense<0.000000e+00> : vector<512x16xf32>
    %dot_general3A_60 = tpu.matmul %convert_element_type3A_58, %dot_general3A_50, %dot_general3A_59 {dimension_numbers = #tpu.dot_dimension_numbers<[1], [0], [0], [1], [0, 0, 1, 1], [], []>, transpose_lhs_hint = false} : vector<512x256xf32>, vector<256x16xf32>, vector<512x16xf32> -> vector<512x16xf32>
    %add3A_61 = arith.addf %add3A_46, %dot_general3A_60 : vector<512x16xf32>
    %slice3A_62 = vector.extract_strided_slice %reshape3A {offsets = [2, 0, 0], sizes = [1, 256, 16], strides = [1, 1, 1]} : vector<4x256x16xf32> to vector<1x256x16xf32>
    %squeeze3A_63 = vector.shape_cast %slice3A_62 : vector<1x256x16xf32> to vector<256x16xf32>
    %dot_general3A_64 = arith.constant dense<0.000000e+00> : vector<256x16xf32>
    %dot_general3A_65 = tpu.matmul %get3A_34, %squeeze3A_63, %dot_general3A_64 {dimension_numbers = #tpu.dot_dimension_numbers<[1], [0], [0], [1], [0, 0, 1, 1], [], []>, transpose_lhs_hint = false} : vector<256x256xf32>, vector<256x16xf32>, vector<256x16xf32> -> vector<256x16xf32>
    %slice3A_66 = vector.extract_strided_slice %get3A_31 {offsets = [0, 2], sizes = [512, 1], strides = [1, 1]} : vector<512x4xi32> to vector<512x1xi32>
    %squeeze3A_67 = vector.shape_cast %slice3A_66 : vector<512x1xi32> to vector<512xi32>
    %broadcast_in_dim3A_68 = vector.shape_cast %squeeze3A_67 : vector<512xi32> to vector<512x1xi32>
    %iota3A_69 = tpu.iota {dimensions = array<i32: 1>} : vector<512x256xi32>
    %eq3A_70 = vector.broadcast %broadcast_in_dim3A_68 : vector<512x1xi32> to vector<512x256xi32>
    %eq3A_71 = arith.cmpi eq, %eq3A_70, %iota3A_69 : vector<512x256xi32>
    %convert_element_type3A_72 = arith.extui %eq3A_71 : vector<512x256xi1> to vector<512x256xi32>
    %convert_element_type3A_73 = arith.sitofp %convert_element_type3A_72 : vector<512x256xi32> to vector<512x256xf32>
    %dot_general3A_74 = arith.constant dense<0.000000e+00> : vector<512x16xf32>
    %dot_general3A_75 = tpu.matmul %convert_element_type3A_73, %dot_general3A_65, %dot_general3A_74 {dimension_numbers = #tpu.dot_dimension_numbers<[1], [0], [0], [1], [0, 0, 1, 1], [], []>, transpose_lhs_hint = false} : vector<512x256xf32>, vector<256x16xf32>, vector<512x16xf32> -> vector<512x16xf32>
    %add3A_76 = arith.addf %add3A_61, %dot_general3A_75 : vector<512x16xf32>
    %slice3A_77 = vector.extract_strided_slice %reshape3A {offsets = [3, 0, 0], sizes = [1, 256, 16], strides = [1, 1, 1]} : vector<4x256x16xf32> to vector<1x256x16xf32>
    %squeeze3A_78 = vector.shape_cast %slice3A_77 : vector<1x256x16xf32> to vector<256x16xf32>
    %dot_general3A_79 = arith.constant dense<0.000000e+00> : vector<256x16xf32>
    %dot_general3A_80 = tpu.matmul %get3A_34, %squeeze3A_78, %dot_general3A_79 {dimension_numbers = #tpu.dot_dimension_numbers<[1], [0], [0], [1], [0, 0, 1, 1], [], []>, transpose_lhs_hint = false} : vector<256x256xf32>, vector<256x16xf32>, vector<256x16xf32> -> vector<256x16xf32>
    %slice3A_81 = vector.extract_strided_slice %get3A_31 {offsets = [0, 3], sizes = [512, 1], strides = [1, 1]} : vector<512x4xi32> to vector<512x1xi32>
    %squeeze3A_82 = vector.shape_cast %slice3A_81 : vector<512x1xi32> to vector<512xi32>
    %broadcast_in_dim3A_83 = vector.shape_cast %squeeze3A_82 : vector<512xi32> to vector<512x1xi32>
    %iota3A_84 = tpu.iota {dimensions = array<i32: 1>} : vector<512x256xi32>
    %eq3A_85 = vector.broadcast %broadcast_in_dim3A_83 : vector<512x1xi32> to vector<512x256xi32>
    %eq3A_86 = arith.cmpi eq, %eq3A_85, %iota3A_84 : vector<512x256xi32>
    %convert_element_type3A_87 = arith.extui %eq3A_86 : vector<512x256xi1> to vector<512x256xi32>
    %convert_element_type3A_88 = arith.sitofp %convert_element_type3A_87 : vector<512x256xi32> to vector<512x256xf32>
    %dot_general3A_89 = arith.constant dense<0.000000e+00> : vector<512x16xf32>
    %dot_general3A_90 = tpu.matmul %convert_element_type3A_88, %dot_general3A_80, %dot_general3A_89 {dimension_numbers = #tpu.dot_dimension_numbers<[1], [0], [0], [1], [0, 0, 1, 1], [], []>, transpose_lhs_hint = false} : vector<512x256xf32>, vector<256x16xf32>, vector<512x16xf32> -> vector<512x16xf32>
    %add3A_91 = arith.addf %add3A_76, %dot_general3A_90 : vector<512x16xf32>
    %get3A_92 = arith.constant 0 : index
    %get3A_93 = arith.constant 0 : index
    %get3A_94 = vector.load %arg8[%get3A_92, %get3A_93] : memref<1x2xf32, #tpu.memory_space<vmem>>, vector<1x2xf32>
    %get3A_95 = arith.constant 0 : index
    %get3A_96 = arith.constant 0 : index
    %get3A_97 = vector.load %arg5[%get3A_95, %get3A_96] : memref<2x16xf32, #tpu.memory_space<vmem>>, vector<2x16xf32>
    %dot_general3A_98 = arith.constant dense<0.000000e+00> : vector<1x16xf32>
    %dot_general3A_99 = tpu.matmul %get3A_94, %get3A_97, %dot_general3A_98 {dimension_numbers = #tpu.dot_dimension_numbers<[1], [0], [0], [1], [0, 0, 1, 1], [], []>, transpose_lhs_hint = false} : vector<1x2xf32>, vector<2x16xf32>, vector<1x16xf32> -> vector<1x16xf32>
    %add3A_100 = vector.broadcast %dot_general3A_99 : vector<1x16xf32> to vector<512x16xf32>
    %add3A_101 = arith.addf %add3A_91, %add3A_100 : vector<512x16xf32>
    %slice3A_102 = vector.extract_strided_slice %get3A_5 {offsets = [0, 0], sizes = [1, 512], strides = [1, 1]} : vector<2x512xf32> to vector<1x512xf32>
    %squeeze3A_103 = vector.shape_cast %slice3A_102 : vector<1x512xf32> to vector<512xf32>
    %broadcast_in_dim3A_104 = vector.shape_cast %squeeze3A_103 : vector<512xf32> to vector<512x1xf32>
    %mul3A_105 = vector.broadcast %broadcast_in_dim3A_104 : vector<512x1xf32> to vector<512x16xf32>
    %mul3A_106 = arith.mulf %add3A_101, %mul3A_105 : vector<512x16xf32>
    %swap3A = arith.constant 0 : index
    %swap3A_107 = arith.constant 0 : index
    %swap3A_108 = vector.load %arg10[%swap3A, %swap3A_107] : memref<512x16xf32, #tpu.memory_space<vmem>>, vector<512x16xf32>
    tpu.vector_store %arg10[%swap3A, %swap3A_107], %mul3A_106 {strides = array<i32>} : memref<512x16xf32, #tpu.memory_space<vmem>>, vector<512x16xf32>,
    return
  }
  func.func @transform_0(%arg0: i32) -> (i32, i32, i32) {
    %c0_i32 = arith.constant 0 : i32
    %c0_i32_0 = arith.constant 0 : i32
    %c0_i32_1 = arith.constant 0 : i32
    return %c0_i32, %arg0, %c0_i32_0 : i32, i32, i32
  }
  func.func @transform_1(%arg0: i32) -> (i32, i32) {
    %c0_i32 = arith.constant 0 : i32
    %c0_i32_0 = arith.constant 0 : i32
    return %c0_i32, %arg0 : i32, i32
  }
  func.func @transform_2(%arg0: i32) -> (i32, i32) {
    %c0_i32 = arith.constant 0 : i32
    %c0_i32_0 = arith.constant 0 : i32
    %c0_i32_1 = arith.constant 0 : i32
    return %c0_i32, %c0_i32_0 : i32, i32
  }
  func.func @transform_3(%arg0: i32) -> (i32, i32) {
    %c0_i32 = arith.constant 0 : i32
    %c0_i32_0 = arith.constant 0 : i32
    %c0_i32_1 = arith.constant 0 : i32
    return %c0_i32, %c0_i32_0 : i32, i32
  }
  func.func @transform_4(%arg0: i32) -> (i32, i32) {
    %c0_i32 = arith.constant 0 : i32
    %c0_i32_0 = arith.constant 0 : i32
    %c0_i32_1 = arith.constant 0 : i32
    return %c0_i32, %c0_i32_0 : i32, i32
  }
  func.func @transform_5(%arg0: i32) -> (i32, i32) {
    %c0_i32 = arith.constant 0 : i32
    %c0_i32_0 = arith.constant 0 : i32
    %c0_i32_1 = arith.constant 0 : i32
    return %c0_i32, %c0_i32_0 : i32, i32
  }
  func.func @transform_6(%arg0: i32) -> (i32, i32) {
    %c0_i32 = arith.constant 0 : i32
    %c0_i32_0 = arith.constant 0 : i32
    %c0_i32_1 = arith.constant 0 : i32
    return %c0_i32, %c0_i32_0 : i32, i32
  }
  func.func @transform_7(%arg0: i32) -> (i32, i32) {
    %c0_i32 = arith.constant 0 : i32
    %c0_i32_0 = arith.constant 0 : i32
    %c0_i32_1 = arith.constant 0 : i32
    return %c0_i32, %c0_i32_0 : i32, i32
  }
  func.func @transform_8(%arg0: i32) -> (i32, i32) {
    %c0_i32 = arith.constant 0 : i32
    %c0_i32_0 = arith.constant 0 : i32
    return %arg0, %c0_i32 : i32, i32
  }
  func.func @transform_9(%arg0: i32) -> (i32, i32) {
    %c0_i32 = arith.constant 0 : i32
    %c0_i32_0 = arith.constant 0 : i32
    return %arg0, %c0_i32 : i32, i32
  }
}

module attributes {stable_mosaic.version = 14 : i64} {
  func.func @_k3_body(%arg0: i32, %arg1: memref<2x512x16xf32, #tpu.memory_space<vmem>>, %arg2: memref<2x512xf32, #tpu.memory_space<vmem>>, %arg3: memref<1x16xf32, #tpu.memory_space<vmem>>, %arg4: memref<512x16xf32, #tpu.memory_space<vmem>>) attributes {dimension_semantics = [#tpu.dimension_semantics<arbitrary>], iteration_bounds = array<i64: 20>, scalar_prefetch = 0 : i64, scratch_operands = 0 : i64, tpu.core_type = #tpu.core_type<tc>, window_params = [{transform_indices = @transform_0, window_bounds = array<i64: 2, 512, 16>}, {transform_indices = @transform_1, window_bounds = array<i64: 2, 512>}, {pipeline_mode = #tpu.pipeline_mode<synchronous>, transform_indices = @transform_2, window_bounds = array<i64: 1, 16>}, {transform_indices = @transform_3, window_bounds = array<i64: 512, 16>}]} {
    %get3A = arith.constant 0 : index
    %get3A_0 = arith.constant 0 : index
    %get3A_1 = arith.constant 0 : index
    %get3A_2 = vector.load %arg1[%get3A, %get3A_0, %get3A_1] : memref<2x512x16xf32, #tpu.memory_space<vmem>>, vector<2x512x16xf32>
    %slice3A = vector.extract_strided_slice %get3A_2 {offsets = [0, 0, 0], sizes = [1, 512, 16], strides = [1, 1, 1]} : vector<2x512x16xf32> to vector<1x512x16xf32>
    %squeeze3A = vector.shape_cast %slice3A : vector<1x512x16xf32> to vector<512x16xf32>
    %slice3A_3 = vector.extract_strided_slice %get3A_2 {offsets = [1, 0, 0], sizes = [1, 512, 16], strides = [1, 1, 1]} : vector<2x512x16xf32> to vector<1x512x16xf32>
    %squeeze3A_4 = vector.shape_cast %slice3A_3 : vector<1x512x16xf32> to vector<512x16xf32>
    %add3A = arith.addf %squeeze3A, %squeeze3A_4 : vector<512x16xf32>
    %get3A_5 = arith.constant 0 : index
    %get3A_6 = arith.constant 0 : index
    %get3A_7 = vector.load %arg2[%get3A_5, %get3A_6] : memref<2x512xf32, #tpu.memory_space<vmem>>, vector<2x512xf32>
    %slice3A_8 = vector.extract_strided_slice %get3A_7 {offsets = [1, 0], sizes = [1, 512], strides = [1, 1]} : vector<2x512xf32> to vector<1x512xf32>
    %squeeze3A_9 = vector.shape_cast %slice3A_8 : vector<1x512xf32> to vector<512xf32>
    %broadcast_in_dim3A = vector.shape_cast %squeeze3A_9 : vector<512xf32> to vector<512x1xf32>
    %mul3A = vector.broadcast %broadcast_in_dim3A : vector<512x1xf32> to vector<512x16xf32>
    %mul3A_10 = arith.mulf %add3A, %mul3A : vector<512x16xf32>
    %get3A_11 = arith.constant 0 : index
    %get3A_12 = arith.constant 0 : index
    %get3A_13 = vector.load %arg3[%get3A_11, %get3A_12] : memref<1x16xf32, #tpu.memory_space<vmem>>, vector<1x16xf32>
    %add3A_14 = vector.broadcast %get3A_13 : vector<1x16xf32> to vector<512x16xf32>
    %add3A_15 = arith.addf %mul3A_10, %add3A_14 : vector<512x16xf32>
    %swap3A = arith.constant 0 : index
    %swap3A_16 = arith.constant 0 : index
    %swap3A_17 = vector.load %arg4[%swap3A, %swap3A_16] : memref<512x16xf32, #tpu.memory_space<vmem>>, vector<512x16xf32>
    tpu.vector_store %arg4[%swap3A, %swap3A_16], %add3A_15 {strides = array<i32>} : memref<512x16xf32, #tpu.memory_space<vmem>>, vector<512x16xf32>,
    return
  }
  func.func @transform_0(%arg0: i32) -> (i32, i32, i32) {
    %c0_i32 = arith.constant 0 : i32
    %c0_i32_0 = arith.constant 0 : i32
    %c0_i32_1 = arith.constant 0 : i32
    return %c0_i32, %arg0, %c0_i32_0 : i32, i32, i32
  }
  func.func @transform_1(%arg0: i32) -> (i32, i32) {
    %c0_i32 = arith.constant 0 : i32
    %c0_i32_0 = arith.constant 0 : i32
    return %c0_i32, %arg0 : i32, i32
  }
  func.func @transform_2(%arg0: i32) -> (i32, i32) {
    %c0_i32 = arith.constant 0 : i32
    %c0_i32_0 = arith.constant 0 : i32
    %c0_i32_1 = arith.constant 0 : i32
    return %c0_i32, %c0_i32_0 : i32, i32
  }
  func.func @transform_3(%arg0: i32) -> (i32, i32) {
    %c0_i32 = arith.constant 0 : i32
    %c0_i32_0 = arith.constant 0 : i32
    return %arg0, %c0_i32 : i32, i32
  }
}

</mosaic_0001>

<sc_bundles>
// kernel: kernel.11.cloned.1.call-start
scs
__scs_entry_jumppad:
0x0: {  	(pc) =	sbr.rel $0x88, $3  }
0x1: {  	(tag) =	ssettag $0x0;
	lr =	simm.s32 $0x1  }
0x2: {  	[smem:$0x3F97] =	sst lr;
	_ =	strace $0xD0000000  }
0x3: {  	_ = 	snop  }
0x4: {  	_ = 	snop  }
0x5: {  	_ = 	snop  }
0x6: {  	_ = 	snop  }
0x7: {  	_ = 	snop  }
__scs_overlays_trampoline_lowered:
0x8: {  	[smem:$0x3FA6] =	sst s0  }
0x9: {  	[smem:$0x3FA7] =	sst s1  }
0xa: {  	[smem:$0x3FA8] =	sst s2  }
0xb: {  	[smem:$0x3FA9] =	sst s3  }
0xc: {  	[smem:$0x3FAA] =	sst s4  }
0xd: {  	[smem:$0x3FAB] =	sst s5  }
0xe: {  	[smem:$0x3FAC] =	sst s6  }
0xf: {  	[smem:$0x3FAD] =	sst s7  }
0x10: {  	[smem:$0x3FAE] =	sst s8  }
0x11: {  	[smem:$0x3FAF] =	sst s9;
	s0 =	simm.s32 @!p0 $0x0  }
0x12: {  	s1 =	sld [smem:$0x3F95];
	s0 =	simm.s32 @p0 $0x1  }
0x13: {  	[smem:$0x3FB0] =	sst s0;
	s0 =	simm.s32 @!p1 $0x0  }
0x14: {  	s2 =	sld [smem:$0x3F94];
	s0 =	simm.s32 @p1 $0x1  }
0x15: {  	[smem:$0x3FB1] =	sst s0;
	s0 =	simm.s32 @!p2 $0x0  }
0x16: {  	s3 =	sld [smem:$0x3FDB];
	s0 =	simm.s32 @p2 $0x1  }
0x17: {  	s4 =	simm.s32 $0x1BF5;
	[smem:$0x3FB3] =	sst s0  }
0x18: {  	s0 =	sld [smem:$0x3F96];
	_ =	swait.ge [sflag:s4], $0x0  }
0x19: {  	s7 =	sld [smem:$0x3F97]  }
0x1a: {  	s8 =	sadd.s32 $0xFFFFE003, lr  }
0x1b: {  	s9 =	sadd.s32 $0xFFFFFEF7, lr;
	s5 =	simm.s32 $0xFFFFFFFF;
	p2 =	slt.u32 s8, $0xFFFFF086  }
0x1c: {  	p1 =	slt.u32 s9, $0xF7A;
	s5 =	simm.s32 @!p2 $0x0  }
0x1d: {  	s5 =	simm.s32 @p1 $0x1;
	p0 =	seq.s32 s7, s2  }
0x1e: {  	s7 =	smul.u32 @!p0 $0xF7A, s2;
	p2 =	seq.s32 @!p0 s5, $0x0  }
0x1f: {  	s9 =	smul.u32 $0xF7A, s1;
	s8 =	simm.s32 @!p0 $0x1BF5;
	p2 =	por !p2, p0  }
0x20: {  	[sflag:s8] =	ssyncset.s32 @!p0 $0xFFFFF086;
	s6 =	sadd.s32 @!p0 s3, s7;
	s7 =	simm.s32 @!p0 $0x108  }
0x21: {  	s3 =	sadd.s32 s3, s9;
	s6 =	sadd.s32 @!p0 $0x88, s6;
	s7 =	simm.s32 @p2 $0x1082  }
0x22: {  	[simem:s7], [sflag:s8] =	dma.local @!p0 [hbm:s6], $0xF7A  }
0x23: {  	s9 =	sor.u32 $0xD0000000, s2;
	s6 =	simm.s32 $0x108;
	_ =	swait.ge @!p0 [sflag:s8], $0x0  }
0x24: {  	s3 =	sadd.s32 $0x88, s3;
	s6 =	simm.s32 @!p1 $0x1082;
	[sflag:s4] =	ssyncset.s32 $0xFFFFF086  }
0x25: {  	[simem:s6], [sflag:s4] =	dma.local [hbm:s3], $0xF7A  }
0x26: {  	[smem:$0x3F97] =	sst s1;
	(tag) =	ssettag s2;
	_ =	strace s9  }
0x27: {  	s1 =	sld [smem:$0x3FA7]  }
0x28: {  	s2 =	sld [smem:$0x3FA8]  }
0x29: {  	s4 =	sld [smem:$0x3FAA]  }
0x2a: {  	p0 =	seq.s32 s5, $0x0;
	s5 =	sld [smem:$0x3FAB]  }
0x2b: {  	s6 =	sld [smem:$0x3FAC]  }
0x2c: {  	s7 =	sld [smem:$0x3FAD]  }
0x2d: {  	s3 =	simm.s32 $0x108;
	s8 =	sld [smem:$0x3FAE]  }
0x2e: {  	s3 =	simm.s32 @!p0 $0x1082;
	s9 =	sld [smem:$0x3FAF]  }
0x2f: {  	lr =	sadd.s32 s0, s3;
	s0 =	sld [smem:$0x3FA6]  }
0x30: {  	s3 =	sld [smem:$0x3FA9]  }
0x31: {  	[smem:$0x3FB2] =	sst s10  }
0x32: {  	s10 =	sld [smem:$0x3FB0];
	_ =	sdelay $0x3  }
0x33: {  	p0 =	seq.s32 s10, $0x1;
	s10 =	sld [smem:$0x3FB2];
	_ =	sdelay $0x3  }
0x34: {  	[smem:$0x3FB2] =	sst s10  }
0x35: {  	s10 =	sld [smem:$0x3FB1];
	_ =	sdelay $0x3  }
0x36: {  	p1 =	seq.s32 s10, $0x1;
	s10 =	sld [smem:$0x3FB2];
	_ =	sdelay $0x3  }
0x37: {  	[smem:$0x3FB2] =	sst s10  }
0x38: {  	s10 =	sld [smem:$0x3FB3]  }
0x39: {  	_ = 	snop;
	(pc) =	sbr.ind lr, $3  }
0x3a: {  	_ = 	snop  }
0x3b: {  	_ = 	snop  }
0x3c: {  	p2 =	seq.s32 s10, $0x1;
	s10 =	sld [smem:$0x3FB2]  }
0x3d: {  	_ =	shalt  }
0x3e: {  	_ =	shalt  }
0x3f: {  	_ =	shalt  }
0x40: {  	_ =	shalt  }
0x41: {  	_ =	shalt  }
0x42: {  	_ =	shalt  }
0x43: {  	_ =	shalt  }
0x44: {  	_ =	shalt  }
0x45: {  	_ =	shalt  }
0x46: {  	_ =	shalt  }
0x47: {  	_ =	shalt  }
0x48: {  	_ =	shalt  }
0x49: {  	_ =	shalt  }
0x4a: {  	_ =	shalt  }
0x4b: {  	_ =	shalt  }
0x4c: {  	_ =	shalt  }
0x4d: {  	_ =	shalt  }
0x4e: {  	_ =	shalt  }
0x4f: {  	_ =	shalt  }
0x50: {  	_ =	shalt  }
0x51: {  	_ =	shalt  }
0x52: {  	_ =	shalt  }
0x53: {  	_ =	shalt  }
0x54: {  	_ =	shalt  }
0x55: {  	_ =	shalt  }
0x56: {  	_ =	shalt  }
0x57: {  	_ =	shalt  }
0x58: {  	_ =	shalt  }
0x59: {  	_ =	shalt  }
0x5a: {  	_ =	shalt  }
0x5b: {  	_ =	shalt  }
0x5c: {  	_ =	shalt  }
0x5d: {  	_ =	shalt  }
0x5e: {  	_ =	shalt  }
0x5f: {  	_ =	shalt  }
0x60: {  	_ =	shalt  }
0x61: {  	_ =	shalt  }
0x62: {  	_ =	shalt  }
0x63: {  	_ =	shalt  }
0x64: {  	_ =	shalt  }
0x65: {  	_ =	shalt  }
0x66: {  	_ =	shalt  }
0x67: {  	_ =	shalt  }
0x68: {  	_ =	shalt  }
0x69: {  	_ =	shalt  }
0x6a: {  	_ =	shalt  }
0x6b: {  	_ =	shalt  }
0x6c: {  	_ =	shalt  }
0x6d: {  	_ =	shalt  }
0x6e: {  	_ =	shalt  }
0x6f: {  	_ =	shalt  }
0x70: {  	_ =	shalt  }
0x71: {  	_ =	shalt  }
0x72: {  	_ =	shalt  }
0x73: {  	_ =	shalt  }
0x74: {  	_ =	shalt  }
0x75: {  	_ =	shalt  }
0x76: {  	_ =	shalt  }
0x77: {  	_ =	shalt  }
0x78: {  	_ =	shalt  }
0x79: {  	_ =	shalt  }
0x7a: {  	_ =	shalt  }
0x7b: {  	_ =	shalt  }
0x7c: {  	_ =	shalt  }
0x7d: {  	_ =	shalt  }
0x7e: {  	_ =	shalt  }
0x7f: {  	_ =	shalt  }
0x80: {  	_ =	shalt  }
0x81: {  	_ =	shalt  }
0x82: {  	_ =	shalt  }
0x83: {  	_ =	shalt  }
0x84: {  	_ =	shalt  }
0x85: {  	_ =	shalt  }
0x86: {  	_ =	shalt  }
0x87: {  	_ =	shalt  }
.Lfunc_end0:
.L_simem_size_0:
called_computation.1_lowered:
.L_overlay_start_0:
0x88: {  	s2 =	sld [smem:$0x3FD9]  }
0x89: {  	s3 =	sld [smem:$0x3FFE];
	_ =	sdelay $0x1  }
0x8a: {  	s1 =	srdreg.scid  }
0x8b: {  	s0 =	sand.u32 $0x1, s1  }
0x8c: {  	s16 =	sshll.u32 s0, $0xA;
	s2 =	sadd.s32 s3, s2  }
0x8d: {  	s2 =	sadd.s32 s2, s16  }
0x8e: {  	[smem:$0x3FBE] =	sst s2  }
0x8f: {  	_ = 	snop  }
0x90: {  	(tm) =	ssettm $0x1  }
0x91: {  	s17 =	sld [smem:$0x3FFB];
	_ =	sdelay $0x3  }
0x92: {  	_ =	strace s17  }
0x93: {  	s2 =	sld [smem:$0x3FFC];
	_ =	sdelay $0x3  }
0x94: {  	_ =	strace s2  }
0x95: {  	s2 =	sld [smem:$0x3FFD];
	_ =	sdelay $0x3  }
0x96: {  	_ =	strace s2  }
0x97: {  	_ =	strace $0x8FFFFFFF  }
0x98: {  	s18 =	sld [smem:$0x3FDB];
	_ =	sdelay $0x1  }
0x99: {  	s19 =	simm.s32 $_scs_section_size  }
0x9a: {  	s4 =	simm.s32 $_size__tile_overlayer_lowered;
	s5 =	simm.s32 $_tile_overlayer_lowered  }
0x9b: {  	s22 =	simm.s32 $0x1BFF;
	s21 =	sshll.u32 s5, $0x1;
	s2 =	sadd.s32 s19, s18  }
0x9c: {  	s6 =	simm.s32 $0x0;
	s20 =	sshll.u32 s4, $0x1;
	s4 =	sadd.s32 s21, s2  }
0x9d: {  	[timem:s6], [sflag:s22] =	dma.local [hbm:s4], s20  }
0x9e: {  	_ =	swait.ge [sflag:s22], s20  }
0x9f: {  	s3 =	ssub.s32 $0x0, s20;
	[sflag:s22] =	ssyncset.done $0x0  }
0xa0: {  	[sflag:s22] =	ssyncadd.s32 s3;
	_ =	sdelay $0x1  }
0xa1: {  	s23 =	simm.s32 $0x1B8B  }
0xa2: {  	_ =	swait.ge [sflag:s23], $0x1  }
0xa3: {  	[sflag:s23] =	ssyncset.done $0x0  }
0xa4: {  	s25 =	simm.s32 $0x1B8E;
	s24 =	sld [smem:$0x3FFE];
	[sflag:s23] =	ssyncadd.s32 $0xFFFFFFFF  }
0xa5: {  	s26 =	simm.s32 $execute0_lowered;
	[smem:$0x3FD2] =	sst s25  }
0xa6: {  	s4 =	sshll.u32 s26, $0x1;
	_ =	strace $0x80000049;
	[dreg:$0x1] =	wrdreg $0xFFFFFFFF  }
0xa7: {  	s28 =	simm.s32 $_size_execute0_lowered;
	s2 =	sadd.s32 s2, s4;
	[dreg:$0x0] =	wrdreg $0x0  }
0xa8: {  	s4 =	sshll.u32 s28, $0x1;
	[dreg:$0x2] =	wrdreg s2  }
0xa9: {  	[dreg:$0x3] =	wrdreg s4  }
0xaa: {  	[dreg:$0x4] =	wrdreg $0xC0  }
0xab: {  	_ =	task [dreg:s6], $0x5FFFF  }
0xac: {  	[dreg:$0x1] =	wrdreg $0xFFFFFFFF  }
0xad: {  	[dreg:$0x0] =	wrdreg $0x60  }
0xae: {  	[dreg:$0x2] =	wrdreg s24  }
0xaf: {  	[dreg:$0x3] =	wrdreg $0xA8000  }
0xb0: {  	[dreg:$0x4] =	wrdreg $0x9  }
0xb1: {  	_ =	task.clear_ibuf [dreg:s6], $0x5FFFF;
	_ =	strace $0x90000049  }
0xb2: {  	s29 =	simm.s32 $0x9;
	_ =	strace $0x8000004B  }
0xb3: {  	_ =	swait.ge [sflag:s29], $0x1  }
0xb4: {  	[sflag:s29] =	ssyncadd.s32 $0xFFFFFFFF  }
0xb5: {  	_ =	strace $0x9000004B  }
0xb6: {  	_ =	sfence  }
0xb7: {  	s30 =	sld [smem:$0x0];
	_ =	sdelay $0x2  }
0xb8: {  	s31 =	sshll.u32 s1, $0xD;
	s1 =	sshrl.u32 s1, $0x2  }
0xb9: {  	s3 =	sand.u32 $0x4000, s31;
	s1 =	sadd.s32 s1, s30  }
0xba: {  	s0 =	sor.u32 s3, s0;
	s1 =	sshll.u32 s1, $0x11  }
0xbb: {  	s0 =	sor.u32 s1, s0  }
0xbc: {  	s0 =	sadd.s32 $0x8F2B, s0  }
0xbd: {  	[sflag:s0] =	ssyncadd.remote.s32 $0x1  }
0xbe: {  	_ =	sfence.sel $0xFFFF  }
0xbf: {  	[dreg:$0x0] =	wrdreg $0xFFFFFFFF;
	(pc) =	sbr.abs _section_cstart, $3  }
0xc0: {  	[dreg:$0x1] =	wrdreg $0xFFFFFFFF  }
0xc1: {  	_ =	task.clear_ibuf [dreg:s6], $0x2FFFF;
	_ =	strace $0x9FFFFFFF  }
0xc2: {  	(tm) =	ssettm $0x7FFFFFFF  }
0xc3: {  	_ =	shalt  }
tec
execute0_lowered:
.L_overlay_start_1:
0x0: {  	(tag) =	ssettag $0x1  }
0x1: {  	s0 =	rddreg [dreg:$0x0];
	s1 =	simm.s32 $0x0  }
0x2: {  	s2 =	srdreg.scid;
	s17 =	stileid.u32;
	s28 =	simm.s32 $0x4  }
0x3: {  	s29 =	simm.s32 $0x2700;
	s30 =	simm.s32 $0x2740;
	[smem:$0x7FF] =	sst s1  }
0x4: {  	s2 =	sand.u32 $0x1, s2;
	s3 =	sadd.s32 $0x7000, s0;
	s5 =	smul.u32 $0x500, s17  }
0x5: {  	s6 =	sadd.s32 $0x2000, s0;
	s8 =	smul.u32 $0x2800, s17;
	s4 =	ssub.s32 $0x2, s2  }
0x6: {  	p0 =	seq.s32 s2, $0x1;
	s2 =	smul.u32 $0x140000, s2;
	s7 =	sshrl.u32 s4, $0x1  }
0x7: {  	s8 =	sshrl.u32 s8, $0x3;
	s10 =	sadd.s32 s3, s5;
	s5 =	sadd.s32 s6, s5  }
0x8: {  	s4 =	ssub.s32 s4, s7;
	[dreg:$0x3] =	wrdreg s10;
	s10 =	sadd.s32 $0x280, s8  }
0x9: {  	s7 =	smul.u32 $0x14000, s17;
	[dreg:$0x4] =	wrdreg s5;
	s3 =	sadd.s32 s3, s10  }
0xa: {  	s9 =	sadd.s32 $0x5C000, s0;
	s5 =	sadd.s32 s6, s10;
	[dreg:$0x5] =	wrdreg s3  }
0xb: {  	s11 =	sadd.s32 s2, s7;
	s8 =	sor.u32 $0x2000, s7;
	[dreg:$0x6] =	wrdreg s5  }
0xc: {  	s5 =	sadd.s32 $0x4000, s7;
	s6 =	sadd.s32 $0x6000, s7;
	s10 =	sadd.s32 $0xA000, s7  }
0xd: {  	s24 =	sadd.s32 $0x10000, s7;
	s3 =	sshrl.u32 s11, $0x3;
	s12 =	sadd.s32 s2, s8  }
0xe: {  	s14 =	sadd.s32 s2, s5;
	s15 =	sadd.s32 s2, s6;
	s11 =	sadd.s32 $0x8000, s7  }
0xf: {  	s20 =	sadd.s32 s2, s10;
	s25 =	sadd.s32 s2, s24;
	s3 =	sadd.s32 s9, s3  }
0x10: {  	s13 =	sshrl.u32 s12, $0x3;
	s16 =	sshrl.u32 s15, $0x3;
	s15 =	rddreg [dreg:$0x1]  }
0x11: {  	s18 =	sadd.s32 s2, s11;
	[dreg:$0x7] =	wrdreg s3;
	s3 =	sadd.s32 s9, s13  }
0x12: {  	s12 =	sadd.s32 $0xC000, s7;
	[dreg:$0x8] =	wrdreg s3;
	s3 =	sshrl.u32 s14, $0x3  }
0x13: {  	s19 =	sshrl.u32 s18, $0x3;
	s13 =	sadd.s32 s2, s12;
	s3 =	sadd.s32 s9, s3  }
0x14: {  	s14 =	sadd.s32 $0xE000, s7;
	[dreg:$0x9] =	wrdreg s3;
	s3 =	sadd.s32 s9, s16  }
0x15: {  	s21 =	sshrl.u32 s13, $0x3;
	[dreg:$0xa] =	wrdreg s3;
	s3 =	sadd.s32 s9, s19  }
0x16: {  	s22 =	sadd.s32 s2, s14;
	[dreg:$0xb] =	wrdreg s3;
	s3 =	sshrl.u32 s20, $0x3  }
0x17: {  	s23 =	sshrl.u32 s22, $0x3;
	s16 =	sadd.s32 $0x12000, s7;
	s3 =	sadd.s32 s9, s3  }
0x18: {  	s2 =	sadd.s32 s2, s16;
	[dreg:$0xc] =	wrdreg s3;
	s3 =	sadd.s32 s9, s21  }
0x19: {  	s2 =	sshrl.u32 s2, $0x3;
	[dreg:$0xd] =	wrdreg s3;
	s3 =	sadd.s32 s9, s23  }
0x1a: {  	s2 =	sadd.s32 s9, s2;
	[dreg:$0xe] =	wrdreg s3;
	s3 =	sshrl.u32 s25, $0x3  }
0x1b: {  	s31 =	simm.s32 $0x2780;
	[dreg:$0x10] =	wrdreg s2;
	s3 =	sadd.s32 s9, s3  }
0x1c: {  	s17 =	smul.u32 $0x50000, s17;
	s2 =	sadd.s32 s7, s15;
	[dreg:$0xf] =	wrdreg s3  }
0x1d: {  	s3 =	smax.u32 s4, $0x1;
	_ =	strace $0x8000004A;
	[dreg:$0x11] =	wrdreg s2  }
0x1e: {  	s26 =	sshrl.u32 s17, $0x2;
	s4 =	sadd.s32 s8, s15;
	[dreg:$0x12] =	wrdreg s3  }
0x1f: {  	s18 =	sadd.s32 $0x34000, s0;
	s7 =	sadd.s32 s5, s15;
	[dreg:$0x13] =	wrdreg s4  }
0x20: {  	s17 =	sadd.s32 s12, s15;
	s8 =	sadd.s32 s6, s15;
	[dreg:$0x14] =	wrdreg s7  }
0x21: {  	s12 =	simm.s32 $0x27C0;
	s9 =	sadd.s32 s11, s15;
	[dreg:$0x15] =	wrdreg s8  }
0x22: {  	s13 =	simm.s32 $0x40;
	s11 =	sadd.s32 s10, s15;
	[dreg:$0x16] =	wrdreg s9  }
0x23: {  	s22 =	sadd.s32 s24, s15;
	s19 =	sadd.s32 $0xC000, s0;
	[dreg:$0x17] =	wrdreg s11  }
0x24: {  	s20 =	sadd.s32 s26, s15;
	s21 =	sadd.s32 s14, s15;
	[dreg:$0x18] =	wrdreg s17  }
0x25: {  	s24 =	sadd.s32 $0x2000, s20;
	s26 =	sadd.s32 $0x6000, s20;
	[dreg:$0x19] =	wrdreg s21  }
0x26: {  	s5 =	sadd.s32 $0xA000, s20;
	s23 =	sadd.s32 s16, s15;
	[dreg:$0x1a] =	wrdreg s22  }
0x27: {  	s14 =	simm.s32 $0x0;
	s16 =	simm.s32 $0x4800;
	[dreg:$0x1b] =	wrdreg s23  }
0x28: {  	s25 =	sadd.s32 $0x4000, s20;
	s10 =	simm.s32 $0x2800;
	[dreg:$0x1c] =	wrdreg s24  }
.Ltmp0:
0x29: {  	s6 =	sadd.s32 $0xC000, s20;
	[dreg:$0x1d] =	wrdreg s25;
	(pc) =	sbr.rel .LBB2_1-.Ltmp0, $4  }
0x2a: {  	[dreg:$0x1e] =	wrdreg s26;
	s4 =	sadd.s32 $0x8000, s20;
	s7 =	sadd.s32 $0xE000, s20  }
0x2b: {  	s8 =	sadd.s32 $0x10000, s20;
	s9 =	sadd.s32 $0x12000, s20;
	s11 =	simm.s32 $0x5  }
0x2c: {  	s21 =	simm.s32 $0x6800;
	s22 =	simm.s32 $0xC0;
	s23 =	simm.s32 $0x8800  }
0x2d: {  	v0 =	vimm.f32 $0.0e+00;
	s24 =	simm.s32 $0x1;
	s25 =	simm.s32 $0x2;
	s26 =	simm.s32 $0x3  }
.LBB2_8:
0x2e: {  	[tilespmem:s23], [sflag:$0x4] =	stream.indirect.gather [hbm4b:s18+s13], $0x80, s2, s13, $0xb8;
	[tilespmem:$0x1E800] =	vst v63  }
.LBB2_14:
0x2f: {  	_ =	swait.ge [sflag:s24], $0x2000  }
0x30: {  	[sflag:s24] =	ssyncset.done $0x0  }
0x31: {  	[sflag:s24] =	ssyncadd.s32 $0xFFFFE000  }
0x32: {  	[spmem:s15] =	stream.indirect.scatter.add.f32 [tilespmem:s10], [sflag:$0x5], $0x80, s29, s13, $0xb8;
	[tilespmem:$0x1E800] =	vst v63  }
0x33: {  	_ =	swait.ge [sflag:s11], $0x2000  }
0x34: {  	[sflag:s11] =	ssyncset.done $0x0  }
0x35: {  	[sflag:s11] =	ssyncadd.s32 $0xFFFFE000  }
0x36: {  	_ =	swait.ge [sflag:s25], $0x2000  }
0x37: {  	[sflag:s25] =	ssyncset.done $0x0  }
0x38: {  	[sflag:s25] =	ssyncadd.s32 $0xFFFFE000  }
0x39: {  	[spmem:s15] =	stream.indirect.scatter.add.f32 [tilespmem:s16], [sflag:$0x5], $0x80, s30, s13, $0xb8;
	[tilespmem:$0x1E800] =	vst v63  }
0x3a: {  	_ =	swait.ge [sflag:s11], $0x2000  }
0x3b: {  	[sflag:s11] =	ssyncset.done $0x0  }
0x3c: {  	[sflag:s11] =	ssyncadd.s32 $0xFFFFE000  }
0x3d: {  	_ =	swait.ge [sflag:s26], $0x2000  }
0x3e: {  	[sflag:s26] =	ssyncset.done $0x0  }
0x3f: {  	[sflag:s26] =	ssyncadd.s32 $0xFFFFE000  }
0x40: {  	[spmem:s15] =	stream.indirect.scatter.add.f32 [tilespmem:s21], [sflag:$0x5], $0x80, s31, s13, $0xb8;
	[tilespmem:$0x1E800] =	vst v63  }
0x41: {  	_ =	swait.ge [sflag:s11], $0x2000  }
0x42: {  	[sflag:s11] =	ssyncset.done $0x0  }
0x43: {  	[sflag:s11] =	ssyncadd.s32 $0xFFFFE000  }
0x44: {  	_ =	swait.ge [sflag:s28], $0x2000  }
0x45: {  	[sflag:s28] =	ssyncset.done $0x0  }
0x46: {  	[sflag:s28] =	ssyncadd.s32 $0xFFFFE000  }
0x47: {  	[spmem:s15] =	stream.indirect.scatter.add.f32 [tilespmem:s23], [sflag:$0x5], $0x80, s12, s13, $0xb8;
	[tilespmem:$0x1E800] =	vst v63  }
0x48: {  	_ =	swait.ge [sflag:s11], $0x2000  }
0x49: {  	[sflag:s11] =	ssyncset.done $0x0  }
0x4a: {  	[sflag:s11] =	ssyncadd.s32 $0xFFFFE000  }
0x4b: {  	[bflag:$0x0] =	sbarrier.arrive $0xFFFF  }
0x4c: {  	s0 =	rddreg [dreg:$0x11]  }
0x4d: {  	[tilespmem:s10], [sflag:$0x5] =	stream.linear.gather [spmem:s0], $0x2000, $0x38;
	[tilespmem:$0x1E800] =	vst v63  }
0x4e: {  	_ =	swait.ge [sflag:s11], $0x2000  }
0x4f: {  	[sflag:s11] =	ssyncset.done $0x0  }
0x50: {  	s3 =	rddreg [dreg:$0x7];
	[sflag:s11] =	ssyncadd.s32 $0xFFFFE000  }
0x51: {  	[hbm4b:s3+s1] =	stream.linear.scatter [tilespmem:s10], [sflag:$0x5], $0x2000, $0x38;
	[tilespmem:$0x1E800] =	vst v63  }
0x52: {  	_ =	swait.ge [sflag:s11], $0x2000  }
0x53: {  	[sflag:s11] =	ssyncset.done $0x0  }
0x54: {  	s17 =	rddreg [dreg:$0x13];
	[sflag:s11] =	ssyncadd.s32 $0xFFFFE000  }
0x55: {  	[tilespmem:s10], [sflag:$0x5] =	stream.linear.gather [spmem:s17], $0x2000, $0x38;
	[tilespmem:$0x1E800] =	vst v63  }
0x56: {  	_ =	swait.ge [sflag:s11], $0x2000  }
0x57: {  	[sflag:s11] =	ssyncset.done $0x0  }
0x58: {  	s2 =	rddreg [dreg:$0x8];
	[sflag:s11] =	ssyncadd.s32 $0xFFFFE000  }
0x59: {  	[hbm4b:s2+s1] =	stream.linear.scatter [tilespmem:s10], [sflag:$0x5], $0x2000, $0x38;
	[tilespmem:$0x1E800] =	vst v63  }
0x5a: {  	_ =	swait.ge [sflag:s11], $0x2000  }
0x5b: {  	[sflag:s11] =	ssyncset.done $0x0  }
0x5c: {  	s3 =	rddreg [dreg:$0x14];
	[sflag:s11] =	ssyncadd.s32 $0xFFFFE000  }
0x5d: {  	[tilespmem:s10], [sflag:$0x5] =	stream.linear.gather [spmem:s3], $0x2000, $0x38;
	[tilespmem:$0x1E800] =	vst v63  }
0x5e: {  	_ =	swait.ge [sflag:s11], $0x2000  }
0x5f: {  	[sflag:s11] =	ssyncset.done $0x0  }
0x60: {  	s17 =	rddreg [dreg:$0x9];
	[sflag:s11] =	ssyncadd.s32 $0xFFFFE000  }
0x61: {  	[hbm4b:s17+s1] =	stream.linear.scatter [tilespmem:s10], [sflag:$0x5], $0x2000, $0x38;
	[tilespmem:$0x1E800] =	vst v63  }
0x62: {  	_ =	swait.ge [sflag:s11], $0x2000  }
0x63: {  	[sflag:s11] =	ssyncset.done $0x0  }
0x64: {  	s2 =	rddreg [dreg:$0x15];
	[sflag:s11] =	ssyncadd.s32 $0xFFFFE000  }
0x65: {  	[tilespmem:s10], [sflag:$0x5] =	stream.linear.gather [spmem:s2], $0x2000, $0x38;
	[tilespmem:$0x1E800] =	vst v63  }
0x66: {  	_ =	swait.ge [sflag:s11], $0x2000  }
0x67: {  	[sflag:s11] =	ssyncset.done $0x0  }
0x68: {  	s3 =	rddreg [dreg:$0xa];
	[sflag:s11] =	ssyncadd.s32 $0xFFFFE000  }
0x69: {  	[hbm4b:s3+s1] =	stream.linear.scatter [tilespmem:s10], [sflag:$0x5], $0x2000, $0x38;
	[tilespmem:$0x1E800] =	vst v63  }
0x6a: {  	_ =	swait.ge [sflag:s11], $0x2000  }
0x6b: {  	[sflag:s11] =	ssyncset.done $0x0  }
0x6c: {  	s17 =	rddreg [dreg:$0x16];
	[sflag:s11] =	ssyncadd.s32 $0xFFFFE000  }
0x6d: {  	[tilespmem:s10], [sflag:$0x5] =	stream.linear.gather [spmem:s17], $0x2000, $0x38;
	[tilespmem:$0x1E800] =	vst v63  }
0x6e: {  	_ =	swait.ge [sflag:s11], $0x2000  }
0x6f: {  	[sflag:s11] =	ssyncset.done $0x0  }
0x70: {  	s2 =	rddreg [dreg:$0xb];
	[sflag:s11] =	ssyncadd.s32 $0xFFFFE000  }
0x71: {  	[hbm4b:s2+s1] =	stream.linear.scatter [tilespmem:s10], [sflag:$0x5], $0x2000, $0x38;
	[tilespmem:$0x1E800] =	vst v63  }
0x72: {  	_ =	swait.ge [sflag:s11], $0x2000  }
0x73: {  	[sflag:s11] =	ssyncset.done $0x0  }
0x74: {  	s3 =	rddreg [dreg:$0x17];
	[sflag:s11] =	ssyncadd.s32 $0xFFFFE000  }
0x75: {  	[tilespmem:s10], [sflag:$0x5] =	stream.linear.gather [spmem:s3], $0x2000, $0x38;
	[tilespmem:$0x1E800] =	vst v63  }
0x76: {  	_ =	swait.ge [sflag:s11], $0x2000  }
0x77: {  	[sflag:s11] =	ssyncset.done $0x0  }
0x78: {  	s17 =	rddreg [dreg:$0xc];
	[sflag:s11] =	ssyncadd.s32 $0xFFFFE000  }
0x79: {  	[hbm4b:s17+s1] =	stream.linear.scatter [tilespmem:s10], [sflag:$0x5], $0x2000, $0x38;
	[tilespmem:$0x1E800] =	vst v63  }
0x7a: {  	_ =	swait.ge [sflag:s11], $0x2000  }
0x7b: {  	[sflag:s11] =	ssyncset.done $0x0  }
0x7c: {  	s2 =	rddreg [dreg:$0x18];
	[sflag:s11] =	ssyncadd.s32 $0xFFFFE000  }
0x7d: {  	[tilespmem:s10], [sflag:$0x5] =	stream.linear.gather [spmem:s2], $0x2000, $0x38;
	[tilespmem:$0x1E800] =	vst v63  }
0x7e: {  	_ =	swait.ge [sflag:s11], $0x2000  }
0x7f: {  	[sflag:s11] =	ssyncset.done $0x0  }
0x80: {  	s3 =	rddreg [dreg:$0xd];
	[sflag:s11] =	ssyncadd.s32 $0xFFFFE000  }
0x81: {  	[hbm4b:s3+s1] =	stream.linear.scatter [tilespmem:s10], [sflag:$0x5], $0x2000, $0x38;
	[tilespmem:$0x1E800] =	vst v63  }
0x82: {  	_ =	swait.ge [sflag:s11], $0x2000  }
0x83: {  	[sflag:s11] =	ssyncset.done $0x0  }
0x84: {  	s17 =	rddreg [dreg:$0x19];
	[sflag:s11] =	ssyncadd.s32 $0xFFFFE000  }
0x85: {  	[tilespmem:s10], [sflag:$0x5] =	stream.linear.gather [spmem:s17], $0x2000, $0x38;
	[tilespmem:$0x1E800] =	vst v63  }
0x86: {  	_ =	swait.ge [sflag:s11], $0x2000  }
0x87: {  	[sflag:s11] =	ssyncset.done $0x0  }
0x88: {  	s2 =	rddreg [dreg:$0xe];
	[sflag:s11] =	ssyncadd.s32 $0xFFFFE000  }
0x89: {  	[hbm4b:s2+s1] =	stream.linear.scatter [tilespmem:s10], [sflag:$0x5], $0x2000, $0x38;
	[tilespmem:$0x1E800] =	vst v63  }
0x8a: {  	_ =	swait.ge [sflag:s11], $0x2000  }
0x8b: {  	[sflag:s11] =	ssyncset.done $0x0  }
0x8c: {  	s3 =	rddreg [dreg:$0x1a];
	[sflag:s11] =	ssyncadd.s32 $0xFFFFE000  }
0x8d: {  	[tilespmem:s10], [sflag:$0x5] =	stream.linear.gather [spmem:s3], $0x2000, $0x38;
	[tilespmem:$0x1E800] =	vst v63  }
0x8e: {  	_ =	swait.ge [sflag:s11], $0x2000  }
0x8f: {  	[sflag:s11] =	ssyncset.done $0x0  }
0x90: {  	s17 =	rddreg [dreg:$0xf];
	[sflag:s11] =	ssyncadd.s32 $0xFFFFE000  }
0x91: {  	[hbm4b:s17+s1] =	stream.linear.scatter [tilespmem:s10], [sflag:$0x5], $0x2000, $0x38;
	[tilespmem:$0x1E800] =	vst v63  }
0x92: {  	_ =	swait.ge [sflag:s11], $0x2000  }
0x93: {  	[sflag:s11] =	ssyncset.done $0x0  }
0x94: {  	s2 =	rddreg [dreg:$0x1b];
	[sflag:s11] =	ssyncadd.s32 $0xFFFFE000  }
0x95: {  	[tilespmem:s10], [sflag:$0x5] =	stream.linear.gather [spmem:s2], $0x2000, $0x38;
	[tilespmem:$0x1E800] =	vst v63  }
0x96: {  	_ =	swait.ge [sflag:s11], $0x2000  }
0x97: {  	[sflag:s11] =	ssyncset.done $0x0  }
0x98: {  	s3 =	rddreg [dreg:$0x10];
	[sflag:s11] =	ssyncadd.s32 $0xFFFFE000  }
0x99: {  	[hbm4b:s3+s1] =	stream.linear.scatter [tilespmem:s10], [sflag:$0x5], $0x2000, $0x38;
	[tilespmem:$0x1E800] =	vst v63  }
0x9a: {  	_ =	swait.ge [sflag:s11], $0x2000  }
0x9b: {  	s14 =	sadd.s32 $0x1, s14;
	s17 =	rddreg [dreg:$0x12]  }
0x9c: {  	p1 =	sne.s32 s14, s17  }
.Ltmp1:
0x9d: {  	_ = 	snop;
	(pc) =	sbr.rel @!p1 .LBB2_15-.Ltmp1, $3  }
0x9e: {  	_ =	sdelay $0x1  }
0x9f: {  	[sflag:s11] =	ssyncset.done $0x0  }
0xa0: {  	[sflag:s11] =	ssyncadd.s32 $0xFFFFE000  }
.LBB2_1:
0xa1: {  	s0 =	sand.u32 $0x7E00, s1  }
0xa2: {  	s2 =	sand.u32 $0x70, s1;
	s17 =	sshrl.u32 s0, $0x2  }
0xa3: {  	s0 =	simm.s32 $0x40;
	s17 =	sor.u32 s2, s17;
	s2 =	simm.s32 $0x0  }
.LBB2_2:
0xa4: {  	p1 =	sne.s32 s0, $0x7FC0  }
0xa5: {  	[tilespmem:s17+$0x2800] =	vst v0;
	s2 =	sadd.s32 $0x10, s2;
	s17 =	smov.u32 s0;
	s0 =	sadd.s32 $0x40, s0  }
.Ltmp2:
0xa6: {  	(pc) =	sbr.rel @p1 .LBB2_2-.Ltmp2, $4  }
0xa7: {  	_ = 	snop  }
0xa8: {  	s17 =	sand.u32 $0x7E00, s17  }
0xa9: {  	s3 =	sand.u32 $0x70, s2;
	s17 =	sshrl.u32 s17, $0x2  }
0xaa: {  	s17 =	sor.u32 s3, s17  }
0xab: {  	[tilespmem:s17+$0x2800] =	vst v0  }
0xac: {  	[spmem:s20] =	stream.linear.scatter [tilespmem:s10], [sflag:$0x5], $0x2000, $0x38;
	[tilespmem:$0x1E800] =	vst v63  }
0xad: {  	_ =	swait.ge [sflag:s11], $0x2000  }
0xae: {  	[sflag:s11] =	ssyncset.done $0x0  }
0xaf: {  	s0 =	rddreg [dreg:$0x1c];
	[sflag:s11] =	ssyncadd.s32 $0xFFFFE000  }
0xb0: {  	[spmem:s0] =	stream.linear.scatter [tilespmem:s10], [sflag:$0x5], $0x2000, $0x38;
	[tilespmem:$0x1E800] =	vst v63  }
0xb1: {  	_ =	swait.ge [sflag:s11], $0x2000  }
0xb2: {  	[sflag:s11] =	ssyncset.done $0x0  }
0xb3: {  	s3 =	rddreg [dreg:$0x1d];
	[sflag:s11] =	ssyncadd.s32 $0xFFFFE000  }
0xb4: {  	[spmem:s3] =	stream.linear.scatter [tilespmem:s10], [sflag:$0x5], $0x2000, $0x38;
	[tilespmem:$0x1E800] =	vst v63  }
0xb5: {  	_ =	swait.ge [sflag:s11], $0x2000  }
0xb6: {  	[sflag:s11] =	ssyncset.done $0x0  }
0xb7: {  	s17 =	rddreg [dreg:$0x1e];
	[sflag:s11] =	ssyncadd.s32 $0xFFFFE000  }
0xb8: {  	[spmem:s17] =	stream.linear.scatter [tilespmem:s10], [sflag:$0x5], $0x2000, $0x38;
	[tilespmem:$0x1E800] =	vst v63  }
0xb9: {  	_ =	swait.ge [sflag:s11], $0x2000  }
0xba: {  	[sflag:s11] =	ssyncset.done $0x0  }
0xbb: {  	[sflag:s11] =	ssyncadd.s32 $0xFFFFE000  }
0xbc: {  	[spmem:s4] =	stream.linear.scatter [tilespmem:s10], [sflag:$0x5], $0x2000, $0x38;
	[tilespmem:$0x1E800] =	vst v63  }
0xbd: {  	_ =	swait.ge [sflag:s11], $0x2000  }
0xbe: {  	[sflag:s11] =	ssyncset.done $0x0  }
0xbf: {  	[sflag:s11] =	ssyncadd.s32 $0xFFFFE000  }
0xc0: {  	[spmem:s5] =	stream.linear.scatter [tilespmem:s10], [sflag:$0x5], $0x2000, $0x38;
	[tilespmem:$0x1E800] =	vst v63  }
0xc1: {  	_ =	swait.ge [sflag:s11], $0x2000  }
0xc2: {  	[sflag:s11] =	ssyncset.done $0x0  }
0xc3: {  	[sflag:s11] =	ssyncadd.s32 $0xFFFFE000  }
0xc4: {  	[spmem:s6] =	stream.linear.scatter [tilespmem:s10], [sflag:$0x5], $0x2000, $0x38;
	[tilespmem:$0x1E800] =	vst v63  }
0xc5: {  	_ =	swait.ge [sflag:s11], $0x2000  }
0xc6: {  	[sflag:s11] =	ssyncset.done $0x0  }
0xc7: {  	[sflag:s11] =	ssyncadd.s32 $0xFFFFE000  }
0xc8: {  	[spmem:s7] =	stream.linear.scatter [tilespmem:s10], [sflag:$0x5], $0x2000, $0x38;
	[tilespmem:$0x1E800] =	vst v63  }
0xc9: {  	_ =	swait.ge [sflag:s11], $0x2000  }
0xca: {  	[sflag:s11] =	ssyncset.done $0x0  }
0xcb: {  	[sflag:s11] =	ssyncadd.s32 $0xFFFFE000  }
0xcc: {  	[spmem:s8] =	stream.linear.scatter [tilespmem:s10], [sflag:$0x5], $0x2000, $0x38;
	[tilespmem:$0x1E800] =	vst v63  }
0xcd: {  	_ =	swait.ge [sflag:s11], $0x2000  }
0xce: {  	[sflag:s11] =	ssyncset.done $0x0  }
0xcf: {  	[sflag:s11] =	ssyncadd.s32 $0xFFFFE000  }
0xd0: {  	[spmem:s9] =	stream.linear.scatter [tilespmem:s10], [sflag:$0x5], $0x2000, $0x38;
	[tilespmem:$0x1E800] =	vst v63  }
0xd1: {  	_ =	swait.ge [sflag:s11], $0x2000  }
0xd2: {  	[sflag:s11] =	ssyncset.done $0x0  }
0xd3: {  	[sflag:s11] =	ssyncadd.s32 $0xFFFFE000  }
0xd4: {  	[bflag:$0x0] =	sbarrier.arrive $0xFFFF  }
0xd5: {  	s2 =	rddreg [dreg:$0x3]  }
0xd6: {  	[tilespmem:s1], [sflag:$0x5] =	stream.linear.gather [hbm4b:s2+s1], $0x1400, $0x38;
	[tilespmem:$0x1E800] =	vst v63  }
0xd7: {  	_ =	swait.ge [sflag:s11], $0x1400  }
0xd8: {  	s17 =	simm.s32 $0x1400;
	[sflag:s11] =	ssyncset.done $0x0  }
.Ltmp3:
0xd9: {  	s3 =	rddreg [dreg:$0x4];
	[sflag:s11] =	ssyncadd.s32 $0xFFFFEC00;
	(pc) =	sbr.rel @!p0 .LBB2_4-.Ltmp3, $4  }
0xda: {  	[tilespmem:s17], [sflag:$0x5] =	stream.linear.gather [hbm4b:s3+s1], $0x1400, $0x38;
	[tilespmem:$0x1E800] =	vst v63  }
0xdb: {  	_ =	swait.ge [sflag:s11], $0x1400  }
0xdc: {  	[sflag:s11] =	ssyncset.done $0x0  }
0xdd: {  	s0 =	simm.s32 $0x0;
	[sflag:s11] =	ssyncadd.s32 $0xFFFFEC00  }
0xde: {  	[tilespmem:s10], [sflag:$0x1] =	stream.indirect.gather [hbm4b:s19+s13], $0x80, s0, s13, $0xb8;
	[tilespmem:$0x1E800] =	vst v63  }
0xdf: {  	_ = 	snop  }
0xe0: {  	[tilespmem:s16], [sflag:$0x2] =	stream.indirect.gather [hbm4b:s19+s13], $0x80, s13, s13, $0xb8;
	[tilespmem:$0x1E800] =	vst v63  }
0xe1: {  	s2 =	simm.s32 $0x80  }
0xe2: {  	[tilespmem:s21], [sflag:$0x3] =	stream.indirect.gather [hbm4b:s19+s13], $0x80, s2, s13, $0xb8;
	[tilespmem:$0x1E800] =	vst v63  }
0xe3: {  	_ = 	snop  }
0xe4: {  	[tilespmem:s23], [sflag:$0x4] =	stream.indirect.gather [hbm4b:s19+s13], $0x80, s22, s13, $0xb8;
	[tilespmem:$0x1E800] =	vst v63  }
0xe5: {  	_ =	swait.ge [sflag:s24], $0x2000  }
0xe6: {  	[sflag:s24] =	ssyncset.done $0x0  }
0xe7: {  	s3 =	simm.s32 $0x1400;
	[sflag:s24] =	ssyncadd.s32 $0xFFFFE000  }
0xe8: {  	[spmem:s15] =	stream.indirect.scatter.add.f32 [tilespmem:s10], [sflag:$0x5], $0x80, s3, s13, $0xb8;
	[tilespmem:$0x1E800] =	vst v63  }
0xe9: {  	_ =	swait.ge [sflag:s11], $0x2000  }
0xea: {  	[sflag:s11] =	ssyncset.done $0x0  }
0xeb: {  	s2 =	simm.s32 $0x100;
	[sflag:s11] =	ssyncadd.s32 $0xFFFFE000  }
0xec: {  	[tilespmem:s10], [sflag:$0x1] =	stream.indirect.gather [hbm4b:s19+s13], $0x80, s2, s13, $0xb8;
	[tilespmem:$0x1E800] =	vst v63  }
0xed: {  	_ =	swait.ge [sflag:s25], $0x2000  }
0xee: {  	[sflag:s25] =	ssyncset.done $0x0  }
0xef: {  	s3 =	simm.s32 $0x1440;
	[sflag:s25] =	ssyncadd.s32 $0xFFFFE000  }
0xf0: {  	[spmem:s15] =	stream.indirect.scatter.add.f32 [tilespmem:s16], [sflag:$0x5], $0x80, s3, s13, $0xb8;
	[tilespmem:$0x1E800] =	vst v63  }
0xf1: {  	_ =	swait.ge [sflag:s11], $0x2000  }
0xf2: {  	[sflag:s11] =	ssyncset.done $0x0  }
0xf3: {  	s2 =	simm.s32 $0x140;
	[sflag:s11] =	ssyncadd.s32 $0xFFFFE000  }
0xf4: {  	[tilespmem:s16], [sflag:$0x2] =	stream.indirect.gather [hbm4b:s19+s13], $0x80, s2, s13, $0xb8;
	[tilespmem:$0x1E800] =	vst v63  }
0xf5: {  	_ =	swait.ge [sflag:s26], $0x2000  }
0xf6: {  	[sflag:s26] =	ssyncset.done $0x0  }
0xf7: {  	s3 =	simm.s32 $0x1480;
	[sflag:s26] =	ssyncadd.s32 $0xFFFFE000  }
0xf8: {  	[spmem:s15] =	stream.indirect.scatter.add.f32 [tilespmem:s21], [sflag:$0x5], $0x80, s3, s13, $0xb8;
	[tilespmem:$0x1E800] =	vst v63  }
0xf9: {  	_ =	swait.ge [sflag:s11], $0x2000  }
0xfa: {  	[sflag:s11] =	ssyncset.done $0x0  }
0xfb: {  	s2 =	simm.s32 $0x180;
	[sflag:s11] =	ssyncadd.s32 $0xFFFFE000  }
0xfc: {  	[tilespmem:s21], [sflag:$0x3] =	stream.indirect.gather [hbm4b:s19+s13], $0x80, s2, s13, $0xb8;
	[tilespmem:$0x1E800] =	vst v63  }
0xfd: {  	_ =	swait.ge [sflag:s28], $0x2000  }
0xfe: {  	[sflag:s28] =	ssyncset.done $0x0  }
0xff: {  	s3 =	simm.s32 $0x14C0;
	[sflag:s28] =	ssyncadd.s32 $0xFFFFE000  }
0x100: {  	[spmem:s15] =	stream.indirect.scatter.add.f32 [tilespmem:s23], [sflag:$0x5], $0x80, s3, s13, $0xb8;
	[tilespmem:$0x1E800] =	vst v63  }
0x101: {  	_ =	swait.ge [sflag:s11], $0x2000  }
0x102: {  	[sflag:s11] =	ssyncset.done $0x0  }
0x103: {  	s0 =	simm.s32 $0x400;
	s2 =	simm.s32 $0x1C0;
	[sflag:s11] =	ssyncadd.s32 $0xFFFFE000  }
.LBB2_10:
0x104: {  	[tilespmem:s23], [sflag:$0x4] =	stream.indirect.gather [hbm4b:s19+s13], $0x80, s2, s13, $0xb8;
	[tilespmem:$0x1E800] =	vst v63  }
0x105: {  	s2 =	smov.u32 s0  }
0x106: {  	p1 =	sne.s32 s0, $0x4800;
	s0 =	sadd.s32 $0x400, s0;
	_ =	swait.ge [sflag:s24], $0x2000  }
0x107: {  	s2 =	sshra.s32 s2, $0x2;
	[sflag:s24] =	ssyncset.done $0x0  }
0x108: {  	s3 =	sadd.s32 $0x1400, s2;
	[sflag:s24] =	ssyncadd.s32 $0xFFFFE000  }
0x109: {  	[spmem:s15] =	stream.indirect.scatter.add.f32 [tilespmem:s10], [sflag:$0x5], $0x80, s3, s13, $0xb8;
	[tilespmem:$0x1E800] =	vst v63  }
0x10a: {  	_ =	swait.ge [sflag:s11], $0x2000  }
0x10b: {  	[sflag:s11] =	ssyncset.done $0x0  }
0x10c: {  	s3 =	sadd.s32 $0x100, s2;
	[sflag:s11] =	ssyncadd.s32 $0xFFFFE000  }
0x10d: {  	[tilespmem:s10], [sflag:$0x1] =	stream.indirect.gather [hbm4b:s19+s13], $0x80, s3, s13, $0xb8;
	[tilespmem:$0x1E800] =	vst v63  }
0x10e: {  	_ =	swait.ge [sflag:s25], $0x2000  }
0x10f: {  	[sflag:s25] =	ssyncset.done $0x0  }
0x110: {  	s3 =	sadd.s32 $0x1440, s2;
	[sflag:s25] =	ssyncadd.s32 $0xFFFFE000  }
0x111: {  	[spmem:s15] =	stream.indirect.scatter.add.f32 [tilespmem:s16], [sflag:$0x5], $0x80, s3, s13, $0xb8;
	[tilespmem:$0x1E800] =	vst v63  }
0x112: {  	_ =	swait.ge [sflag:s11], $0x2000  }
0x113: {  	[sflag:s11] =	ssyncset.done $0x0  }
0x114: {  	s3 =	sadd.s32 $0x140, s2;
	[sflag:s11] =	ssyncadd.s32 $0xFFFFE000  }
0x115: {  	[tilespmem:s16], [sflag:$0x2] =	stream.indirect.gather [hbm4b:s19+s13], $0x80, s3, s13, $0xb8;
	[tilespmem:$0x1E800] =	vst v63  }
0x116: {  	_ =	swait.ge [sflag:s26], $0x2000  }
0x117: {  	[sflag:s26] =	ssyncset.done $0x0  }
0x118: {  	s3 =	sadd.s32 $0x1480, s2;
	[sflag:s26] =	ssyncadd.s32 $0xFFFFE000  }
0x119: {  	[spmem:s15] =	stream.indirect.scatter.add.f32 [tilespmem:s21], [sflag:$0x5], $0x80, s3, s13, $0xb8;
	[tilespmem:$0x1E800] =	vst v63  }
0x11a: {  	_ =	swait.ge [sflag:s11], $0x2000  }
0x11b: {  	[sflag:s11] =	ssyncset.done $0x0  }
0x11c: {  	s3 =	sadd.s32 $0x180, s2;
	[sflag:s11] =	ssyncadd.s32 $0xFFFFE000  }
0x11d: {  	[tilespmem:s21], [sflag:$0x3] =	stream.indirect.gather [hbm4b:s19+s13], $0x80, s3, s13, $0xb8;
	[tilespmem:$0x1E800] =	vst v63  }
0x11e: {  	_ =	swait.ge [sflag:s28], $0x2000  }
0x11f: {  	[sflag:s28] =	ssyncset.done $0x0  }
.Ltmp4:
0x120: {  	s3 =	sadd.s32 $0x14C0, s2;
	[sflag:s28] =	ssyncadd.s32 $0xFFFFE000;
	(pc) =	sbr.rel @p1 .LBB2_10-.Ltmp4, $4  }
0x121: {  	[spmem:s15] =	stream.indirect.scatter.add.f32 [tilespmem:s23], [sflag:$0x5], $0x80, s3, s13, $0xb8;
	[tilespmem:$0x1E800] =	vst v63  }
0x122: {  	_ =	swait.ge [sflag:s11], $0x2000  }
0x123: {  	[sflag:s11] =	ssyncset.done $0x0  }
0x124: {  	s2 =	sadd.s32 $0x1C0, s2;
	[sflag:s11] =	ssyncadd.s32 $0xFFFFE000  }
0x125: {  	[tilespmem:s23], [sflag:$0x4] =	stream.indirect.gather [hbm4b:s19+s13], $0x80, s2, s13, $0xb8;
	[tilespmem:$0x1E800] =	vst v63  }
0x126: {  	_ =	swait.ge [sflag:s24], $0x2000  }
0x127: {  	[sflag:s24] =	ssyncset.done $0x0  }
0x128: {  	[sflag:s24] =	ssyncadd.s32 $0xFFFFE000  }
0x129: {  	[spmem:s15] =	stream.indirect.scatter.add.f32 [tilespmem:s10], [sflag:$0x5], $0x80, s29, s13, $0xb8;
	[tilespmem:$0x1E800] =	vst v63  }
0x12a: {  	_ =	swait.ge [sflag:s11], $0x2000  }
0x12b: {  	[sflag:s11] =	ssyncset.done $0x0  }
0x12c: {  	[sflag:s11] =	ssyncadd.s32 $0xFFFFE000  }
0x12d: {  	_ =	swait.ge [sflag:s25], $0x2000  }
0x12e: {  	[sflag:s25] =	ssyncset.done $0x0  }
0x12f: {  	[sflag:s25] =	ssyncadd.s32 $0xFFFFE000  }
0x130: {  	[spmem:s15] =	stream.indirect.scatter.add.f32 [tilespmem:s16], [sflag:$0x5], $0x80, s30, s13, $0xb8;
	[tilespmem:$0x1E800] =	vst v63  }
0x131: {  	_ =	swait.ge [sflag:s11], $0x2000  }
0x132: {  	[sflag:s11] =	ssyncset.done $0x0  }
0x133: {  	[sflag:s11] =	ssyncadd.s32 $0xFFFFE000  }
0x134: {  	_ =	swait.ge [sflag:s26], $0x2000  }
0x135: {  	[sflag:s26] =	ssyncset.done $0x0  }
0x136: {  	[sflag:s26] =	ssyncadd.s32 $0xFFFFE000  }
0x137: {  	[spmem:s15] =	stream.indirect.scatter.add.f32 [tilespmem:s21], [sflag:$0x5], $0x80, s31, s13, $0xb8;
	[tilespmem:$0x1E800] =	vst v63  }
0x138: {  	_ =	swait.ge [sflag:s11], $0x2000  }
0x139: {  	[sflag:s11] =	ssyncset.done $0x0  }
0x13a: {  	[sflag:s11] =	ssyncadd.s32 $0xFFFFE000  }
0x13b: {  	_ =	swait.ge [sflag:s28], $0x2000  }
0x13c: {  	[sflag:s28] =	ssyncset.done $0x0  }
0x13d: {  	[sflag:s28] =	ssyncadd.s32 $0xFFFFE000  }
0x13e: {  	[spmem:s15] =	stream.indirect.scatter.add.f32 [tilespmem:s23], [sflag:$0x5], $0x80, s12, s13, $0xb8;
	[tilespmem:$0x1E800] =	vst v63  }
0x13f: {  	_ =	swait.ge [sflag:s11], $0x2000  }
0x140: {  	[sflag:s11] =	ssyncset.done $0x0  }
0x141: {  	s0 =	simm.s32 $0x0;
	s3 =	rddreg [dreg:$0x5];
	[sflag:s11] =	ssyncadd.s32 $0xFFFFE000  }
0x142: {  	[tilespmem:s0], [sflag:$0x5] =	stream.linear.gather [hbm4b:s3+s0], $0x1400, $0x38;
	[tilespmem:$0x1E800] =	vst v63  }
0x143: {  	_ =	swait.ge [sflag:s11], $0x1400  }
0x144: {  	[sflag:s11] =	ssyncset.done $0x0  }
0x145: {  	s3 =	rddreg [dreg:$0x6];
	[sflag:s11] =	ssyncadd.s32 $0xFFFFEC00  }
0x146: {  	[tilespmem:s17], [sflag:$0x5] =	stream.linear.gather [hbm4b:s3+s0], $0x1400, $0x38;
	[tilespmem:$0x1E800] =	vst v63  }
0x147: {  	_ =	swait.ge [sflag:s11], $0x1400  }
0x148: {  	[sflag:s11] =	ssyncset.done $0x0  }
0x149: {  	[sflag:s11] =	ssyncadd.s32 $0xFFFFEC00  }
0x14a: {  	[tilespmem:s10], [sflag:$0x1] =	stream.indirect.gather [hbm4b:s19+s13], $0x80, s0, s13, $0xb8;
	[tilespmem:$0x1E800] =	vst v63  }
0x14b: {  	_ = 	snop  }
0x14c: {  	[tilespmem:s16], [sflag:$0x2] =	stream.indirect.gather [hbm4b:s19+s13], $0x80, s13, s13, $0xb8;
	[tilespmem:$0x1E800] =	vst v63  }
0x14d: {  	s3 =	simm.s32 $0x80  }
0x14e: {  	[tilespmem:s21], [sflag:$0x3] =	stream.indirect.gather [hbm4b:s19+s13], $0x80, s3, s13, $0xb8;
	[tilespmem:$0x1E800] =	vst v63  }
0x14f: {  	_ = 	snop  }
0x150: {  	[tilespmem:s23], [sflag:$0x4] =	stream.indirect.gather [hbm4b:s19+s13], $0x80, s22, s13, $0xb8;
	[tilespmem:$0x1E800] =	vst v63  }
0x151: {  	_ =	swait.ge [sflag:s24], $0x2000  }
0x152: {  	[sflag:s24] =	ssyncset.done $0x0  }
0x153: {  	s17 =	simm.s32 $0x1400;
	[sflag:s24] =	ssyncadd.s32 $0xFFFFE000  }
0x154: {  	[spmem:s15] =	stream.indirect.scatter.add.f32 [tilespmem:s10], [sflag:$0x5], $0x80, s17, s13, $0xb8;
	[tilespmem:$0x1E800] =	vst v63  }
0x155: {  	_ =	swait.ge [sflag:s11], $0x2000  }
0x156: {  	[sflag:s11] =	ssyncset.done $0x0  }
0x157: {  	s2 =	simm.s32 $0x100;
	[sflag:s11] =	ssyncadd.s32 $0xFFFFE000  }
0x158: {  	[tilespmem:s10], [sflag:$0x1] =	stream.indirect.gather [hbm4b:s19+s13], $0x80, s2, s13, $0xb8;
	[tilespmem:$0x1E800] =	vst v63  }
0x159: {  	_ =	swait.ge [sflag:s25], $0x2000  }
0x15a: {  	[sflag:s25] =	ssyncset.done $0x0  }
0x15b: {  	s3 =	simm.s32 $0x1440;
	[sflag:s25] =	ssyncadd.s32 $0xFFFFE000  }
0x15c: {  	[spmem:s15] =	stream.indirect.scatter.add.f32 [tilespmem:s16], [sflag:$0x5], $0x80, s3, s13, $0xb8;
	[tilespmem:$0x1E800] =	vst v63  }
0x15d: {  	_ =	swait.ge [sflag:s11], $0x2000  }
0x15e: {  	[sflag:s11] =	ssyncset.done $0x0  }
0x15f: {  	s17 =	simm.s32 $0x140;
	[sflag:s11] =	ssyncadd.s32 $0xFFFFE000  }
0x160: {  	[tilespmem:s16], [sflag:$0x2] =	stream.indirect.gather [hbm4b:s19+s13], $0x80, s17, s13, $0xb8;
	[tilespmem:$0x1E800] =	vst v63  }
0x161: {  	_ =	swait.ge [sflag:s26], $0x2000  }
0x162: {  	[sflag:s26] =	ssyncset.done $0x0  }
0x163: {  	s2 =	simm.s32 $0x1480;
	[sflag:s26] =	ssyncadd.s32 $0xFFFFE000  }
0x164: {  	[spmem:s15] =	stream.indirect.scatter.add.f32 [tilespmem:s21], [sflag:$0x5], $0x80, s2, s13, $0xb8;
	[tilespmem:$0x1E800] =	vst v63  }
0x165: {  	_ =	swait.ge [sflag:s11], $0x2000  }
0x166: {  	[sflag:s11] =	ssyncset.done $0x0  }
0x167: {  	s3 =	simm.s32 $0x180;
	[sflag:s11] =	ssyncadd.s32 $0xFFFFE000  }
0x168: {  	[tilespmem:s21], [sflag:$0x3] =	stream.indirect.gather [hbm4b:s19+s13], $0x80, s3, s13, $0xb8;
	[tilespmem:$0x1E800] =	vst v63  }
0x169: {  	_ =	swait.ge [sflag:s28], $0x2000  }
0x16a: {  	[sflag:s28] =	ssyncset.done $0x0  }
0x16b: {  	s17 =	simm.s32 $0x14C0;
	[sflag:s28] =	ssyncadd.s32 $0xFFFFE000  }
0x16c: {  	[spmem:s15] =	stream.indirect.scatter.add.f32 [tilespmem:s23], [sflag:$0x5], $0x80, s17, s13, $0xb8;
	[tilespmem:$0x1E800] =	vst v63  }
0x16d: {  	_ =	swait.ge [sflag:s11], $0x2000  }
0x16e: {  	[sflag:s11] =	ssyncset.done $0x0  }
0x16f: {  	s0 =	simm.s32 $0x400;
	s2 =	simm.s32 $0x1C0;
	[sflag:s11] =	ssyncadd.s32 $0xFFFFE000  }
.LBB2_12:
0x170: {  	[tilespmem:s23], [sflag:$0x4] =	stream.indirect.gather [hbm4b:s19+s13], $0x80, s2, s13, $0xb8;
	[tilespmem:$0x1E800] =	vst v63  }
0x171: {  	s2 =	smov.u32 s0  }
0x172: {  	p1 =	sne.s32 s0, $0x4800;
	s0 =	sadd.s32 $0x400, s0;
	_ =	swait.ge [sflag:s24], $0x2000  }
0x173: {  	s2 =	sshra.s32 s2, $0x2;
	[sflag:s24] =	ssyncset.done $0x0  }
0x174: {  	s3 =	sadd.s32 $0x1400, s2;
	[sflag:s24] =	ssyncadd.s32 $0xFFFFE000  }
0x175: {  	[spmem:s15] =	stream.indirect.scatter.add.f32 [tilespmem:s10], [sflag:$0x5], $0x80, s3, s13, $0xb8;
	[tilespmem:$0x1E800] =	vst v63  }
0x176: {  	_ =	swait.ge [sflag:s11], $0x2000  }
0x177: {  	[sflag:s11] =	ssyncset.done $0x0  }
0x178: {  	s3 =	sadd.s32 $0x100, s2;
	[sflag:s11] =	ssyncadd.s32 $0xFFFFE000  }
0x179: {  	[tilespmem:s10], [sflag:$0x1] =	stream.indirect.gather [hbm4b:s19+s13], $0x80, s3, s13, $0xb8;
	[tilespmem:$0x1E800] =	vst v63  }
0x17a: {  	_ =	swait.ge [sflag:s25], $0x2000  }
0x17b: {  	[sflag:s25] =	ssyncset.done $0x0  }
0x17c: {  	s3 =	sadd.s32 $0x1440, s2;
	[sflag:s25] =	ssyncadd.s32 $0xFFFFE000  }
0x17d: {  	[spmem:s15] =	stream.indirect.scatter.add.f32 [tilespmem:s16], [sflag:$0x5], $0x80, s3, s13, $0xb8;
	[tilespmem:$0x1E800] =	vst v63  }
0x17e: {  	_ =	swait.ge [sflag:s11], $0x2000  }
0x17f: {  	[sflag:s11] =	ssyncset.done $0x0  }
0x180: {  	s3 =	sadd.s32 $0x140, s2;
	[sflag:s11] =	ssyncadd.s32 $0xFFFFE000  }
0x181: {  	[tilespmem:s16], [sflag:$0x2] =	stream.indirect.gather [hbm4b:s19+s13], $0x80, s3, s13, $0xb8;
	[tilespmem:$0x1E800] =	vst v63  }
0x182: {  	_ =	swait.ge [sflag:s26], $0x2000  }
0x183: {  	[sflag:s26] =	ssyncset.done $0x0  }
0x184: {  	s3 =	sadd.s32 $0x1480, s2;
	[sflag:s26] =	ssyncadd.s32 $0xFFFFE000  }
0x185: {  	[spmem:s15] =	stream.indirect.scatter.add.f32 [tilespmem:s21], [sflag:$0x5], $0x80, s3, s13, $0xb8;
	[tilespmem:$0x1E800] =	vst v63  }
0x186: {  	_ =	swait.ge [sflag:s11], $0x2000  }
0x187: {  	[sflag:s11] =	ssyncset.done $0x0  }
0x188: {  	s3 =	sadd.s32 $0x180, s2;
	[sflag:s11] =	ssyncadd.s32 $0xFFFFE000  }
0x189: {  	[tilespmem:s21], [sflag:$0x3] =	stream.indirect.gather [hbm4b:s19+s13], $0x80, s3, s13, $0xb8;
	[tilespmem:$0x1E800] =	vst v63  }
0x18a: {  	_ =	swait.ge [sflag:s28], $0x2000  }
0x18b: {  	[sflag:s28] =	ssyncset.done $0x0  }
.Ltmp5:
0x18c: {  	s3 =	sadd.s32 $0x14C0, s2;
	[sflag:s28] =	ssyncadd.s32 $0xFFFFE000;
	(pc) =	sbr.rel @p1 .LBB2_12-.Ltmp5, $4  }
0x18d: {  	[spmem:s15] =	stream.indirect.scatter.add.f32 [tilespmem:s23], [sflag:$0x5], $0x80, s3, s13, $0xb8;
	[tilespmem:$0x1E800] =	vst v63  }
0x18e: {  	_ =	swait.ge [sflag:s11], $0x2000  }
0x18f: {  	[sflag:s11] =	ssyncset.done $0x0  }
0x190: {  	s2 =	sadd.s32 $0x1C0, s2;
	[sflag:s11] =	ssyncadd.s32 $0xFFFFE000  }
.Ltmp6:
0x191: {  	(pc) =	sbr.rel .LBB2_14-.Ltmp6, $2  }
0x192: {  	_ =	sdelay $0x2  }
0x193: {  	[tilespmem:s23], [sflag:$0x4] =	stream.indirect.gather [hbm4b:s19+s13], $0x80, s2, s13, $0xb8;
	[tilespmem:$0x1E800] =	vst v63  }
.LBB2_4:
0x194: {  	[tilespmem:s10], [sflag:$0x1] =	stream.indirect.gather [hbm4b:s18+s13], $0x80, s0, s13, $0xb8;
	[tilespmem:$0x1E800] =	vst v63  }
0x195: {  	_ = 	snop  }
0x196: {  	[tilespmem:s16], [sflag:$0x2] =	stream.indirect.gather [hbm4b:s18+s13], $0x80, s13, s13, $0xb8;
	[tilespmem:$0x1E800] =	vst v63  }
0x197: {  	s2 =	simm.s32 $0x80  }
0x198: {  	[tilespmem:s21], [sflag:$0x3] =	stream.indirect.gather [hbm4b:s18+s13], $0x80, s2, s13, $0xb8;
	[tilespmem:$0x1E800] =	vst v63  }
0x199: {  	_ = 	snop  }
0x19a: {  	[tilespmem:s23], [sflag:$0x4] =	stream.indirect.gather [hbm4b:s18+s13], $0x80, s22, s13, $0xb8;
	[tilespmem:$0x1E800] =	vst v63  }
0x19b: {  	_ =	swait.ge [sflag:s24], $0x2000  }
0x19c: {  	[sflag:s24] =	ssyncset.done $0x0  }
0x19d: {  	s3 =	simm.s32 $0x1400;
	[sflag:s24] =	ssyncadd.s32 $0xFFFFE000  }
0x19e: {  	[spmem:s15] =	stream.indirect.scatter.add.f32 [tilespmem:s10], [sflag:$0x5], $0x80, s3, s13, $0xb8;
	[tilespmem:$0x1E800] =	vst v63  }
0x19f: {  	_ =	swait.ge [sflag:s11], $0x2000  }
0x1a0: {  	[sflag:s11] =	ssyncset.done $0x0  }
0x1a1: {  	s2 =	simm.s32 $0x100;
	[sflag:s11] =	ssyncadd.s32 $0xFFFFE000  }
0x1a2: {  	[tilespmem:s10], [sflag:$0x1] =	stream.indirect.gather [hbm4b:s18+s13], $0x80, s2, s13, $0xb8;
	[tilespmem:$0x1E800] =	vst v63  }
0x1a3: {  	_ =	swait.ge [sflag:s25], $0x2000  }
0x1a4: {  	[sflag:s25] =	ssyncset.done $0x0  }
0x1a5: {  	s3 =	simm.s32 $0x1440;
	[sflag:s25] =	ssyncadd.s32 $0xFFFFE000  }
0x1a6: {  	[spmem:s15] =	stream.indirect.scatter.add.f32 [tilespmem:s16], [sflag:$0x5], $0x80, s3, s13, $0xb8;
	[tilespmem:$0x1E800] =	vst v63  }
0x1a7: {  	_ =	swait.ge [sflag:s11], $0x2000  }
0x1a8: {  	[sflag:s11] =	ssyncset.done $0x0  }
0x1a9: {  	s2 =	simm.s32 $0x140;
	[sflag:s11] =	ssyncadd.s32 $0xFFFFE000  }
0x1aa: {  	[tilespmem:s16], [sflag:$0x2] =	stream.indirect.gather [hbm4b:s18+s13], $0x80, s2, s13, $0xb8;
	[tilespmem:$0x1E800] =	vst v63  }
0x1ab: {  	_ =	swait.ge [sflag:s26], $0x2000  }
0x1ac: {  	[sflag:s26] =	ssyncset.done $0x0  }
0x1ad: {  	s3 =	simm.s32 $0x1480;
	[sflag:s26] =	ssyncadd.s32 $0xFFFFE000  }
0x1ae: {  	[spmem:s15] =	stream.indirect.scatter.add.f32 [tilespmem:s21], [sflag:$0x5], $0x80, s3, s13, $0xb8;
	[tilespmem:$0x1E800] =	vst v63  }
0x1af: {  	_ =	swait.ge [sflag:s11], $0x2000  }
0x1b0: {  	[sflag:s11] =	ssyncset.done $0x0  }
0x1b1: {  	s2 =	simm.s32 $0x180;
	[sflag:s11] =	ssyncadd.s32 $0xFFFFE000  }
0x1b2: {  	[tilespmem:s21], [sflag:$0x3] =	stream.indirect.gather [hbm4b:s18+s13], $0x80, s2, s13, $0xb8;
	[tilespmem:$0x1E800] =	vst v63  }
0x1b3: {  	_ =	swait.ge [sflag:s28], $0x2000  }
0x1b4: {  	[sflag:s28] =	ssyncset.done $0x0  }
0x1b5: {  	s3 =	simm.s32 $0x14C0;
	[sflag:s28] =	ssyncadd.s32 $0xFFFFE000  }
0x1b6: {  	[spmem:s15] =	stream.indirect.scatter.add.f32 [tilespmem:s23], [sflag:$0x5], $0x80, s3, s13, $0xb8;
	[tilespmem:$0x1E800] =	vst v63  }
0x1b7: {  	_ =	swait.ge [sflag:s11], $0x2000  }
0x1b8: {  	[sflag:s11] =	ssyncset.done $0x0  }
0x1b9: {  	s0 =	simm.s32 $0x400;
	s2 =	simm.s32 $0x1C0;
	[sflag:s11] =	ssyncadd.s32 $0xFFFFE000  }
.LBB2_5:
0x1ba: {  	[tilespmem:s23], [sflag:$0x4] =	stream.indirect.gather [hbm4b:s18+s13], $0x80, s2, s13, $0xb8;
	[tilespmem:$0x1E800] =	vst v63  }
0x1bb: {  	s2 =	smov.u32 s0  }
0x1bc: {  	p1 =	sne.s32 s0, $0x4800;
	s0 =	sadd.s32 $0x400, s0;
	_ =	swait.ge [sflag:s24], $0x2000  }
0x1bd: {  	s2 =	sshra.s32 s2, $0x2;
	[sflag:s24] =	ssyncset.done $0x0  }
0x1be: {  	s3 =	sadd.s32 $0x1400, s2;
	[sflag:s24] =	ssyncadd.s32 $0xFFFFE000  }
0x1bf: {  	[spmem:s15] =	stream.indirect.scatter.add.f32 [tilespmem:s10], [sflag:$0x5], $0x80, s3, s13, $0xb8;
	[tilespmem:$0x1E800] =	vst v63  }
0x1c0: {  	_ =	swait.ge [sflag:s11], $0x2000  }
0x1c1: {  	[sflag:s11] =	ssyncset.done $0x0  }
0x1c2: {  	s3 =	sadd.s32 $0x100, s2;
	[sflag:s11] =	ssyncadd.s32 $0xFFFFE000  }
0x1c3: {  	[tilespmem:s10], [sflag:$0x1] =	stream.indirect.gather [hbm4b:s18+s13], $0x80, s3, s13, $0xb8;
	[tilespmem:$0x1E800] =	vst v63  }
0x1c4: {  	_ =	swait.ge [sflag:s25], $0x2000  }
0x1c5: {  	[sflag:s25] =	ssyncset.done $0x0  }
0x1c6: {  	s3 =	sadd.s32 $0x1440, s2;
	[sflag:s25] =	ssyncadd.s32 $0xFFFFE000  }
0x1c7: {  	[spmem:s15] =	stream.indirect.scatter.add.f32 [tilespmem:s16], [sflag:$0x5], $0x80, s3, s13, $0xb8;
	[tilespmem:$0x1E800] =	vst v63  }
0x1c8: {  	_ =	swait.ge [sflag:s11], $0x2000  }
0x1c9: {  	[sflag:s11] =	ssyncset.done $0x0  }
0x1ca: {  	s3 =	sadd.s32 $0x140, s2;
	[sflag:s11] =	ssyncadd.s32 $0xFFFFE000  }
0x1cb: {  	[tilespmem:s16], [sflag:$0x2] =	stream.indirect.gather [hbm4b:s18+s13], $0x80, s3, s13, $0xb8;
	[tilespmem:$0x1E800] =	vst v63  }
0x1cc: {  	_ =	swait.ge [sflag:s26], $0x2000  }
0x1cd: {  	[sflag:s26] =	ssyncset.done $0x0  }
0x1ce: {  	s3 =	sadd.s32 $0x1480, s2;
	[sflag:s26] =	ssyncadd.s32 $0xFFFFE000  }
0x1cf: {  	[spmem:s15] =	stream.indirect.scatter.add.f32 [tilespmem:s21], [sflag:$0x5], $0x80, s3, s13, $0xb8;
	[tilespmem:$0x1E800] =	vst v63  }
0x1d0: {  	_ =	swait.ge [sflag:s11], $0x2000  }
0x1d1: {  	[sflag:s11] =	ssyncset.done $0x0  }
0x1d2: {  	s3 =	sadd.s32 $0x180, s2;
	[sflag:s11] =	ssyncadd.s32 $0xFFFFE000  }
0x1d3: {  	[tilespmem:s21], [sflag:$0x3] =	stream.indirect.gather [hbm4b:s18+s13], $0x80, s3, s13, $0xb8;
	[tilespmem:$0x1E800] =	vst v63  }
0x1d4: {  	_ =	swait.ge [sflag:s28], $0x2000  }
0x1d5: {  	[sflag:s28] =	ssyncset.done $0x0  }
.Ltmp7:
0x1d6: {  	s3 =	sadd.s32 $0x14C0, s2;
	[sflag:s28] =	ssyncadd.s32 $0xFFFFE000;
	(pc) =	sbr.rel @p1 .LBB2_5-.Ltmp7, $4  }
0x1d7: {  	[spmem:s15] =	stream.indirect.scatter.add.f32 [tilespmem:s23], [sflag:$0x5], $0x80, s3, s13, $0xb8;
	[tilespmem:$0x1E800] =	vst v63  }
0x1d8: {  	_ =	swait.ge [sflag:s11], $0x2000  }
0x1d9: {  	[sflag:s11] =	ssyncset.done $0x0  }
0x1da: {  	s2 =	sadd.s32 $0x1C0, s2;
	[sflag:s11] =	ssyncadd.s32 $0xFFFFE000  }
0x1db: {  	[tilespmem:s23], [sflag:$0x4] =	stream.indirect.gather [hbm4b:s18+s13], $0x80, s2, s13, $0xb8;
	[tilespmem:$0x1E800] =	vst v63  }
0x1dc: {  	_ =	swait.ge [sflag:s24], $0x2000  }
0x1dd: {  	[sflag:s24] =	ssyncset.done $0x0  }
0x1de: {  	[sflag:s24] =	ssyncadd.s32 $0xFFFFE000  }
0x1df: {  	[spmem:s15] =	stream.indirect.scatter.add.f32 [tilespmem:s10], [sflag:$0x5], $0x80, s29, s13, $0xb8;
	[tilespmem:$0x1E800] =	vst v63  }
0x1e0: {  	_ =	swait.ge [sflag:s11], $0x2000  }
0x1e1: {  	[sflag:s11] =	ssyncset.done $0x0  }
0x1e2: {  	[sflag:s11] =	ssyncadd.s32 $0xFFFFE000  }
0x1e3: {  	_ =	swait.ge [sflag:s25], $0x2000  }
0x1e4: {  	[sflag:s25] =	ssyncset.done $0x0  }
0x1e5: {  	[sflag:s25] =	ssyncadd.s32 $0xFFFFE000  }
0x1e6: {  	[spmem:s15] =	stream.indirect.scatter.add.f32 [tilespmem:s16], [sflag:$0x5], $0x80, s30, s13, $0xb8;
	[tilespmem:$0x1E800] =	vst v63  }
0x1e7: {  	_ =	swait.ge [sflag:s11], $0x2000  }
0x1e8: {  	[sflag:s11] =	ssyncset.done $0x0  }
0x1e9: {  	[sflag:s11] =	ssyncadd.s32 $0xFFFFE000  }
0x1ea: {  	_ =	swait.ge [sflag:s26], $0x2000  }
0x1eb: {  	[sflag:s26] =	ssyncset.done $0x0  }
0x1ec: {  	[sflag:s26] =	ssyncadd.s32 $0xFFFFE000  }
0x1ed: {  	[spmem:s15] =	stream.indirect.scatter.add.f32 [tilespmem:s21], [sflag:$0x5], $0x80, s31, s13, $0xb8;
	[tilespmem:$0x1E800] =	vst v63  }
0x1ee: {  	_ =	swait.ge [sflag:s11], $0x2000  }
0x1ef: {  	[sflag:s11] =	ssyncset.done $0x0  }
0x1f0: {  	[sflag:s11] =	ssyncadd.s32 $0xFFFFE000  }
0x1f1: {  	_ =	swait.ge [sflag:s28], $0x2000  }
0x1f2: {  	[sflag:s28] =	ssyncset.done $0x0  }
0x1f3: {  	[sflag:s28] =	ssyncadd.s32 $0xFFFFE000  }
0x1f4: {  	[spmem:s15] =	stream.indirect.scatter.add.f32 [tilespmem:s23], [sflag:$0x5], $0x80, s12, s13, $0xb8;
	[tilespmem:$0x1E800] =	vst v63  }
0x1f5: {  	_ =	swait.ge [sflag:s11], $0x2000  }
0x1f6: {  	[sflag:s11] =	ssyncset.done $0x0  }
0x1f7: {  	s0 =	simm.s32 $0x0;
	s3 =	rddreg [dreg:$0x5];
	[sflag:s11] =	ssyncadd.s32 $0xFFFFE000  }
0x1f8: {  	[tilespmem:s0], [sflag:$0x5] =	stream.linear.gather [hbm4b:s3+s0], $0x1400, $0x38;
	[tilespmem:$0x1E800] =	vst v63  }
0x1f9: {  	_ =	swait.ge [sflag:s11], $0x1400  }
0x1fa: {  	[sflag:s11] =	ssyncset.done $0x0  }
0x1fb: {  	s3 =	rddreg [dreg:$0x6];
	[sflag:s11] =	ssyncadd.s32 $0xFFFFEC00  }
0x1fc: {  	[tilespmem:s17], [sflag:$0x5] =	stream.linear.gather [hbm4b:s3+s0], $0x1400, $0x38;
	[tilespmem:$0x1E800] =	vst v63  }
0x1fd: {  	_ =	swait.ge [sflag:s11], $0x1400  }
0x1fe: {  	[sflag:s11] =	ssyncset.done $0x0  }
0x1ff: {  	[sflag:s11] =	ssyncadd.s32 $0xFFFFEC00  }
0x200: {  	[tilespmem:s10], [sflag:$0x1] =	stream.indirect.gather [hbm4b:s18+s13], $0x80, s0, s13, $0xb8;
	[tilespmem:$0x1E800] =	vst v63  }
0x201: {  	_ = 	snop  }
0x202: {  	[tilespmem:s16], [sflag:$0x2] =	stream.indirect.gather [hbm4b:s18+s13], $0x80, s13, s13, $0xb8;
	[tilespmem:$0x1E800] =	vst v63  }
0x203: {  	s3 =	simm.s32 $0x80  }
0x204: {  	[tilespmem:s21], [sflag:$0x3] =	stream.indirect.gather [hbm4b:s18+s13], $0x80, s3, s13, $0xb8;
	[tilespmem:$0x1E800] =	vst v63  }
0x205: {  	_ = 	snop  }
0x206: {  	[tilespmem:s23], [sflag:$0x4] =	stream.indirect.gather [hbm4b:s18+s13], $0x80, s22, s13, $0xb8;
	[tilespmem:$0x1E800] =	vst v63  }
0x207: {  	_ =	swait.ge [sflag:s24], $0x2000  }
0x208: {  	[sflag:s24] =	ssyncset.done $0x0  }
0x209: {  	s17 =	simm.s32 $0x1400;
	[sflag:s24] =	ssyncadd.s32 $0xFFFFE000  }
0x20a: {  	[spmem:s15] =	stream.indirect.scatter.add.f32 [tilespmem:s10], [sflag:$0x5], $0x80, s17, s13, $0xb8;
	[tilespmem:$0x1E800] =	vst v63  }
0x20b: {  	_ =	swait.ge [sflag:s11], $0x2000  }
0x20c: {  	[sflag:s11] =	ssyncset.done $0x0  }
0x20d: {  	s2 =	simm.s32 $0x100;
	[sflag:s11] =	ssyncadd.s32 $0xFFFFE000  }
0x20e: {  	[tilespmem:s10], [sflag:$0x1] =	stream.indirect.gather [hbm4b:s18+s13], $0x80, s2, s13, $0xb8;
	[tilespmem:$0x1E800] =	vst v63  }
0x20f: {  	_ =	swait.ge [sflag:s25], $0x2000  }
0x210: {  	[sflag:s25] =	ssyncset.done $0x0  }
0x211: {  	s3 =	simm.s32 $0x1440;
	[sflag:s25] =	ssyncadd.s32 $0xFFFFE000  }
0x212: {  	[spmem:s15] =	stream.indirect.scatter.add.f32 [tilespmem:s16], [sflag:$0x5], $0x80, s3, s13, $0xb8;
	[tilespmem:$0x1E800] =	vst v63  }
0x213: {  	_ =	swait.ge [sflag:s11], $0x2000  }
0x214: {  	[sflag:s11] =	ssyncset.done $0x0  }
0x215: {  	s17 =	simm.s32 $0x140;
	[sflag:s11] =	ssyncadd.s32 $0xFFFFE000  }
0x216: {  	[tilespmem:s16], [sflag:$0x2] =	stream.indirect.gather [hbm4b:s18+s13], $0x80, s17, s13, $0xb8;
	[tilespmem:$0x1E800] =	vst v63  }
0x217: {  	_ =	swait.ge [sflag:s26], $0x2000  }
0x218: {  	[sflag:s26] =	ssyncset.done $0x0  }
0x219: {  	s2 =	simm.s32 $0x1480;
	[sflag:s26] =	ssyncadd.s32 $0xFFFFE000  }
0x21a: {  	[spmem:s15] =	stream.indirect.scatter.add.f32 [tilespmem:s21], [sflag:$0x5], $0x80, s2, s13, $0xb8;
	[tilespmem:$0x1E800] =	vst v63  }
0x21b: {  	_ =	swait.ge [sflag:s11], $0x2000  }
0x21c: {  	[sflag:s11] =	ssyncset.done $0x0  }
0x21d: {  	s3 =	simm.s32 $0x180;
	[sflag:s11] =	ssyncadd.s32 $0xFFFFE000  }
0x21e: {  	[tilespmem:s21], [sflag:$0x3] =	stream.indirect.gather [hbm4b:s18+s13], $0x80, s3, s13, $0xb8;
	[tilespmem:$0x1E800] =	vst v63  }
0x21f: {  	_ =	swait.ge [sflag:s28], $0x2000  }
0x220: {  	[sflag:s28] =	ssyncset.done $0x0  }
0x221: {  	s17 =	simm.s32 $0x14C0;
	[sflag:s28] =	ssyncadd.s32 $0xFFFFE000  }
0x222: {  	[spmem:s15] =	stream.indirect.scatter.add.f32 [tilespmem:s23], [sflag:$0x5], $0x80, s17, s13, $0xb8;
	[tilespmem:$0x1E800] =	vst v63  }
0x223: {  	_ =	swait.ge [sflag:s11], $0x2000  }
0x224: {  	[sflag:s11] =	ssyncset.done $0x0  }
0x225: {  	s0 =	simm.s32 $0x400;
	s2 =	simm.s32 $0x1C0;
	[sflag:s11] =	ssyncadd.s32 $0xFFFFE000  }
.LBB2_7:
0x226: {  	[tilespmem:s23], [sflag:$0x4] =	stream.indirect.gather [hbm4b:s18+s13], $0x80, s2, s13, $0xb8;
	[tilespmem:$0x1E800] =	vst v63  }
0x227: {  	s2 =	smov.u32 s0  }
0x228: {  	p1 =	seq.s32 s0, $0x4800;
	s0 =	sadd.s32 $0x400, s0;
	_ =	swait.ge [sflag:s24], $0x2000  }
0x229: {  	s2 =	sshra.s32 s2, $0x2;
	[sflag:s24] =	ssyncset.done $0x0  }
0x22a: {  	s3 =	sadd.s32 $0x1400, s2;
	[sflag:s24] =	ssyncadd.s32 $0xFFFFE000  }
0x22b: {  	[spmem:s15] =	stream.indirect.scatter.add.f32 [tilespmem:s10], [sflag:$0x5], $0x80, s3, s13, $0xb8;
	[tilespmem:$0x1E800] =	vst v63  }
0x22c: {  	_ =	swait.ge [sflag:s11], $0x2000  }
0x22d: {  	[sflag:s11] =	ssyncset.done $0x0  }
0x22e: {  	s3 =	sadd.s32 $0x100, s2;
	[sflag:s11] =	ssyncadd.s32 $0xFFFFE000  }
0x22f: {  	[tilespmem:s10], [sflag:$0x1] =	stream.indirect.gather [hbm4b:s18+s13], $0x80, s3, s13, $0xb8;
	[tilespmem:$0x1E800] =	vst v63  }
0x230: {  	_ =	swait.ge [sflag:s25], $0x2000  }
0x231: {  	[sflag:s25] =	ssyncset.done $0x0  }
0x232: {  	s3 =	sadd.s32 $0x1440, s2;
	[sflag:s25] =	ssyncadd.s32 $0xFFFFE000  }
0x233: {  	[spmem:s15] =	stream.indirect.scatter.add.f32 [tilespmem:s16], [sflag:$0x5], $0x80, s3, s13, $0xb8;
	[tilespmem:$0x1E800] =	vst v63  }
0x234: {  	_ =	swait.ge [sflag:s11], $0x2000  }
0x235: {  	[sflag:s11] =	ssyncset.done $0x0  }
0x236: {  	s3 =	sadd.s32 $0x140, s2;
	[sflag:s11] =	ssyncadd.s32 $0xFFFFE000  }
0x237: {  	[tilespmem:s16], [sflag:$0x2] =	stream.indirect.gather [hbm4b:s18+s13], $0x80, s3, s13, $0xb8;
	[tilespmem:$0x1E800] =	vst v63  }
0x238: {  	_ =	swait.ge [sflag:s26], $0x2000  }
0x239: {  	[sflag:s26] =	ssyncset.done $0x0  }
0x23a: {  	s3 =	sadd.s32 $0x1480, s2;
	[sflag:s26] =	ssyncadd.s32 $0xFFFFE000  }
0x23b: {  	[spmem:s15] =	stream.indirect.scatter.add.f32 [tilespmem:s21], [sflag:$0x5], $0x80, s3, s13, $0xb8;
	[tilespmem:$0x1E800] =	vst v63  }
0x23c: {  	_ =	swait.ge [sflag:s11], $0x2000  }
0x23d: {  	[sflag:s11] =	ssyncset.done $0x0  }
0x23e: {  	s3 =	sadd.s32 $0x180, s2;
	[sflag:s11] =	ssyncadd.s32 $0xFFFFE000  }
0x23f: {  	[tilespmem:s21], [sflag:$0x3] =	stream.indirect.gather [hbm4b:s18+s13], $0x80, s3, s13, $0xb8;
	[tilespmem:$0x1E800] =	vst v63  }
0x240: {  	_ =	swait.ge [sflag:s28], $0x2000  }
0x241: {  	[sflag:s28] =	ssyncset.done $0x0  }
.Ltmp8:
0x242: {  	s3 =	sadd.s32 $0x14C0, s2;
	[sflag:s28] =	ssyncadd.s32 $0xFFFFE000;
	(pc) =	sbr.rel @!p1 .LBB2_7-.Ltmp8, $4  }
0x243: {  	[spmem:s15] =	stream.indirect.scatter.add.f32 [tilespmem:s23], [sflag:$0x5], $0x80, s3, s13, $0xb8;
	[tilespmem:$0x1E800] =	vst v63  }
0x244: {  	_ =	swait.ge [sflag:s11], $0x2000  }
0x245: {  	[sflag:s11] =	ssyncset.done $0x0  }
0x246: {  	s2 =	sadd.s32 $0x1C0, s2;
	[sflag:s11] =	ssyncadd.s32 $0xFFFFE000  }
.Ltmp9:
0x247: {  	_ = 	snop;
	(pc) =	sbr.rel .LBB2_8-.Ltmp9, $1  }
0x248: {  	_ =	sdelay $0x3  }
.LBB2_15:
0x249: {  	_ =	sfence.sel $0x180000  }
0x24a: {  	[bflag:$0x0] =	sbarrier.arrive $0xFFFF  }
0x24b: {  	_ =	strace $0x9000004A  }
0x24c: {  	s0 =	stileid.u32;
	[bflag:$0x2] =	sbarrier.arrive $0xFFFF  }
0x24d: {  	p0 =	sne.s32 s0, $0x0;
	s0 =	rddreg [dreg:$0x2]  }
0x24e: {  	s0 =	sadd.s32 @!p0 $0x100000, s0  }
0x24f: {  	[sflag:s0] =	ssyncadd.tile.s32 @!p0 $0x1;
	_ =	shalt  }
.Lfunc_end2:
_tile_overlayer_lowered:
.L_overlay_start_2:
0x250: {  	(tag) =	ssettag $0x2  }
0x251: {  	s0 =	rddreg [dreg:$0x0];
	s2 =	stileid.u32  }
0x252: {  	s1 =	rddreg [dreg:$0x1];
	p0 =	sne.s32 s2, $0x0  }
0x253: {  	s3 =	rddreg [dreg:$0x2];
	[bflag:$0x3] =	sbarrier.arrive $0xFFFF;
	s2 =	simm.s32 @!p0 $0x1C05  }
0x254: {  	[timem:s3], [sflag:s2] =	dma.local @!p0 [hbm:s0], s1  }
0x255: {  	s0 =	simm.s32 @!p0 $0x5  }
0x256: {  	_ =	swait.ge @!p0 [sflag:s0], s1  }
0x257: {  	s1 =	ssub.s32 @!p0 $0x0, s1;
	[sflag:s0] =	ssyncset.done @!p0 $0x0  }
0x258: {  	[sflag:s0] =	ssyncadd.s32 @!p0 s1  }
0x259: {  	[bflag:$0x3] =	sbarrier.arrive $0xFFFF  }
0x25a: {  	_ =	shalt  }

// kernel: kernel.14.cloned.1.call-start
scs
__scs_entry_jumppad:
0x0: {  	(pc) =	sbr.rel $0x88, $3  }
0x1: {  	(tag) =	ssettag $0x0;
	lr =	simm.s32 $0x1  }
0x2: {  	[smem:$0x3F97] =	sst lr;
	_ =	strace $0xD0000000  }
0x3: {  	_ = 	snop  }
0x4: {  	_ = 	snop  }
0x5: {  	_ = 	snop  }
0x6: {  	_ = 	snop  }
0x7: {  	_ = 	snop  }
__scs_overlays_trampoline_lowered:
0x8: {  	[smem:$0x3FA6] =	sst s0  }
0x9: {  	[smem:$0x3FA7] =	sst s1  }
0xa: {  	[smem:$0x3FA8] =	sst s2  }
0xb: {  	[smem:$0x3FA9] =	sst s3  }
0xc: {  	[smem:$0x3FAA] =	sst s4  }
0xd: {  	[smem:$0x3FAB] =	sst s5  }
0xe: {  	[smem:$0x3FAC] =	sst s6  }
0xf: {  	[smem:$0x3FAD] =	sst s7  }
0x10: {  	[smem:$0x3FAE] =	sst s8  }
0x11: {  	[smem:$0x3FAF] =	sst s9;
	s0 =	simm.s32 @!p0 $0x0  }
0x12: {  	s1 =	sld [smem:$0x3F95];
	s0 =	simm.s32 @p0 $0x1  }
0x13: {  	[smem:$0x3FB0] =	sst s0;
	s0 =	simm.s32 @!p1 $0x0  }
0x14: {  	s2 =	sld [smem:$0x3F94];
	s0 =	simm.s32 @p1 $0x1  }
0x15: {  	[smem:$0x3FB1] =	sst s0;
	s0 =	simm.s32 @!p2 $0x0  }
0x16: {  	s3 =	sld [smem:$0x3FDB];
	s0 =	simm.s32 @p2 $0x1  }
0x17: {  	s4 =	simm.s32 $0x1BF5;
	[smem:$0x3FB3] =	sst s0  }
0x18: {  	s0 =	sld [smem:$0x3F96];
	_ =	swait.ge [sflag:s4], $0x0  }
0x19: {  	s7 =	sld [smem:$0x3F97]  }
0x1a: {  	s8 =	sadd.s32 $0xFFFFE003, lr  }
0x1b: {  	s9 =	sadd.s32 $0xFFFFFEF7, lr;
	s5 =	simm.s32 $0xFFFFFFFF;
	p2 =	slt.u32 s8, $0xFFFFF086  }
0x1c: {  	p1 =	slt.u32 s9, $0xF7A;
	s5 =	simm.s32 @!p2 $0x0  }
0x1d: {  	s5 =	simm.s32 @p1 $0x1;
	p0 =	seq.s32 s7, s2  }
0x1e: {  	s7 =	smul.u32 @!p0 $0xF7A, s2;
	p2 =	seq.s32 @!p0 s5, $0x0  }
0x1f: {  	s9 =	smul.u32 $0xF7A, s1;
	s8 =	simm.s32 @!p0 $0x1BF5;
	p2 =	por !p2, p0  }
0x20: {  	[sflag:s8] =	ssyncset.s32 @!p0 $0xFFFFF086;
	s6 =	sadd.s32 @!p0 s3, s7;
	s7 =	simm.s32 @!p0 $0x108  }
0x21: {  	s3 =	sadd.s32 s3, s9;
	s6 =	sadd.s32 @!p0 $0x88, s6;
	s7 =	simm.s32 @p2 $0x1082  }
0x22: {  	[simem:s7], [sflag:s8] =	dma.local @!p0 [hbm:s6], $0xF7A  }
0x23: {  	s9 =	sor.u32 $0xD0000000, s2;
	s6 =	simm.s32 $0x108;
	_ =	swait.ge @!p0 [sflag:s8], $0x0  }
0x24: {  	s3 =	sadd.s32 $0x88, s3;
	s6 =	simm.s32 @!p1 $0x1082;
	[sflag:s4] =	ssyncset.s32 $0xFFFFF086  }
0x25: {  	[simem:s6], [sflag:s4] =	dma.local [hbm:s3], $0xF7A  }
0x26: {  	[smem:$0x3F97] =	sst s1;
	(tag) =	ssettag s2;
	_ =	strace s9  }
0x27: {  	s1 =	sld [smem:$0x3FA7]  }
0x28: {  	s2 =	sld [smem:$0x3FA8]  }
0x29: {  	s4 =	sld [smem:$0x3FAA]  }
0x2a: {  	p0 =	seq.s32 s5, $0x0;
	s5 =	sld [smem:$0x3FAB]  }
0x2b: {  	s6 =	sld [smem:$0x3FAC]  }
0x2c: {  	s7 =	sld [smem:$0x3FAD]  }
0x2d: {  	s3 =	simm.s32 $0x108;
	s8 =	sld [smem:$0x3FAE]  }
0x2e: {  	s3 =	simm.s32 @!p0 $0x1082;
	s9 =	sld [smem:$0x3FAF]  }
0x2f: {  	lr =	sadd.s32 s0, s3;
	s0 =	sld [smem:$0x3FA6]  }
0x30: {  	s3 =	sld [smem:$0x3FA9]  }
0x31: {  	[smem:$0x3FB2] =	sst s10  }
0x32: {  	s10 =	sld [smem:$0x3FB0];
	_ =	sdelay $0x3  }
0x33: {  	p0 =	seq.s32 s10, $0x1;
	s10 =	sld [smem:$0x3FB2];
	_ =	sdelay $0x3  }
0x34: {  	[smem:$0x3FB2] =	sst s10  }
0x35: {  	s10 =	sld [smem:$0x3FB1];
	_ =	sdelay $0x3  }
0x36: {  	p1 =	seq.s32 s10, $0x1;
	s10 =	sld [smem:$0x3FB2];
	_ =	sdelay $0x3  }
0x37: {  	[smem:$0x3FB2] =	sst s10  }
0x38: {  	s10 =	sld [smem:$0x3FB3]  }
0x39: {  	_ = 	snop;
	(pc) =	sbr.ind lr, $3  }
0x3a: {  	_ = 	snop  }
0x3b: {  	_ = 	snop  }
0x3c: {  	p2 =	seq.s32 s10, $0x1;
	s10 =	sld [smem:$0x3FB2]  }
0x3d: {  	_ =	shalt  }
0x3e: {  	_ =	shalt  }
0x3f: {  	_ =	shalt  }
0x40: {  	_ =	shalt  }
0x41: {  	_ =	shalt  }
0x42: {  	_ =	shalt  }
0x43: {  	_ =	shalt  }
0x44: {  	_ =	shalt  }
0x45: {  	_ =	shalt  }
0x46: {  	_ =	shalt  }
0x47: {  	_ =	shalt  }
0x48: {  	_ =	shalt  }
0x49: {  	_ =	shalt  }
0x4a: {  	_ =	shalt  }
0x4b: {  	_ =	shalt  }
0x4c: {  	_ =	shalt  }
0x4d: {  	_ =	shalt  }
0x4e: {  	_ =	shalt  }
0x4f: {  	_ =	shalt  }
0x50: {  	_ =	shalt  }
0x51: {  	_ =	shalt  }
0x52: {  	_ =	shalt  }
0x53: {  	_ =	shalt  }
0x54: {  	_ =	shalt  }
0x55: {  	_ =	shalt  }
0x56: {  	_ =	shalt  }
0x57: {  	_ =	shalt  }
0x58: {  	_ =	shalt  }
0x59: {  	_ =	shalt  }
0x5a: {  	_ =	shalt  }
0x5b: {  	_ =	shalt  }
0x5c: {  	_ =	shalt  }
0x5d: {  	_ =	shalt  }
0x5e: {  	_ =	shalt  }
0x5f: {  	_ =	shalt  }
0x60: {  	_ =	shalt  }
0x61: {  	_ =	shalt  }
0x62: {  	_ =	shalt  }
0x63: {  	_ =	shalt  }
0x64: {  	_ =	shalt  }
0x65: {  	_ =	shalt  }
0x66: {  	_ =	shalt  }
0x67: {  	_ =	shalt  }
0x68: {  	_ =	shalt  }
0x69: {  	_ =	shalt  }
0x6a: {  	_ =	shalt  }
0x6b: {  	_ =	shalt  }
0x6c: {  	_ =	shalt  }
0x6d: {  	_ =	shalt  }
0x6e: {  	_ =	shalt  }
0x6f: {  	_ =	shalt  }
0x70: {  	_ =	shalt  }
0x71: {  	_ =	shalt  }
0x72: {  	_ =	shalt  }
0x73: {  	_ =	shalt  }
0x74: {  	_ =	shalt  }
0x75: {  	_ =	shalt  }
0x76: {  	_ =	shalt  }
0x77: {  	_ =	shalt  }
0x78: {  	_ =	shalt  }
0x79: {  	_ =	shalt  }
0x7a: {  	_ =	shalt  }
0x7b: {  	_ =	shalt  }
0x7c: {  	_ =	shalt  }
0x7d: {  	_ =	shalt  }
0x7e: {  	_ =	shalt  }
0x7f: {  	_ =	shalt  }
0x80: {  	_ =	shalt  }
0x81: {  	_ =	shalt  }
0x82: {  	_ =	shalt  }
0x83: {  	_ =	shalt  }
0x84: {  	_ =	shalt  }
0x85: {  	_ =	shalt  }
0x86: {  	_ =	shalt  }
0x87: {  	_ =	shalt  }
.Lfunc_end0:
.L_simem_size_0:
called_computation.2_lowered:
.L_overlay_start_0:
0x88: {  	s2 =	sld [smem:$0x3FD9]  }
0x89: {  	s3 =	sld [smem:$0x3FFE];
	_ =	sdelay $0x1  }
0x8a: {  	s1 =	srdreg.scid  }
0x8b: {  	s0 =	sand.u32 $0x1, s1  }
0x8c: {  	s16 =	sshll.u32 s0, $0xA;
	s2 =	sadd.s32 s3, s2  }
0x8d: {  	s2 =	sadd.s32 s2, s16  }
0x8e: {  	[smem:$0x3FBE] =	sst s2  }
0x8f: {  	_ = 	snop  }
0x90: {  	(tm) =	ssettm $0x1  }
0x91: {  	s17 =	sld [smem:$0x3FFB];
	_ =	sdelay $0x3  }
0x92: {  	_ =	strace s17  }
0x93: {  	s2 =	sld [smem:$0x3FFC];
	_ =	sdelay $0x3  }
0x94: {  	_ =	strace s2  }
0x95: {  	s2 =	sld [smem:$0x3FFD];
	_ =	sdelay $0x3  }
0x96: {  	_ =	strace s2  }
0x97: {  	_ =	strace $0x8FFFFFFF  }
0x98: {  	s18 =	sld [smem:$0x3FDB];
	_ =	sdelay $0x1  }
0x99: {  	s19 =	simm.s32 $_scs_section_size  }
0x9a: {  	s4 =	simm.s32 $_size__tile_overlayer_lowered;
	s5 =	simm.s32 $_tile_overlayer_lowered  }
0x9b: {  	s22 =	simm.s32 $0x1BFF;
	s21 =	sshll.u32 s5, $0x1;
	s2 =	sadd.s32 s19, s18  }
0x9c: {  	s6 =	simm.s32 $0x0;
	s20 =	sshll.u32 s4, $0x1;
	s4 =	sadd.s32 s21, s2  }
0x9d: {  	[timem:s6], [sflag:s22] =	dma.local [hbm:s4], s20  }
0x9e: {  	_ =	swait.ge [sflag:s22], s20  }
0x9f: {  	s3 =	ssub.s32 $0x0, s20;
	[sflag:s22] =	ssyncset.done $0x0  }
0xa0: {  	[sflag:s22] =	ssyncadd.s32 s3;
	_ =	sdelay $0x1  }
0xa1: {  	s23 =	simm.s32 $0x1B8B  }
0xa2: {  	_ =	swait.ge [sflag:s23], $0x1  }
0xa3: {  	[sflag:s23] =	ssyncset.done $0x0  }
0xa4: {  	s25 =	simm.s32 $0x1B8E;
	s24 =	sld [smem:$0x3FFE];
	[sflag:s23] =	ssyncadd.s32 $0xFFFFFFFF  }
0xa5: {  	s26 =	simm.s32 $execute0_lowered;
	[smem:$0x3FD2] =	sst s25  }
0xa6: {  	s4 =	sshll.u32 s26, $0x1;
	_ =	strace $0x8000004C;
	[dreg:$0x1] =	wrdreg $0xFFFFFFFF  }
0xa7: {  	s28 =	simm.s32 $_size_execute0_lowered;
	s2 =	sadd.s32 s2, s4;
	[dreg:$0x0] =	wrdreg $0x0  }
0xa8: {  	s4 =	sshll.u32 s28, $0x1;
	[dreg:$0x2] =	wrdreg s2  }
0xa9: {  	[dreg:$0x3] =	wrdreg s4  }
0xaa: {  	[dreg:$0x4] =	wrdreg $0xC0  }
0xab: {  	_ =	task [dreg:s6], $0x5FFFF  }
0xac: {  	[dreg:$0x1] =	wrdreg $0xFFFFFFFF  }
0xad: {  	[dreg:$0x0] =	wrdreg $0x60  }
0xae: {  	[dreg:$0x2] =	wrdreg s24  }
0xaf: {  	[dreg:$0x3] =	wrdreg $0x48000  }
0xb0: {  	[dreg:$0x4] =	wrdreg $0x9  }
0xb1: {  	_ =	task.clear_ibuf [dreg:s6], $0x5FFFF;
	_ =	strace $0x9000004C  }
0xb2: {  	s29 =	simm.s32 $0x9;
	_ =	strace $0x8000004E  }
0xb3: {  	_ =	swait.ge [sflag:s29], $0x1  }
0xb4: {  	[sflag:s29] =	ssyncadd.s32 $0xFFFFFFFF  }
0xb5: {  	_ =	strace $0x9000004E  }
0xb6: {  	_ =	sfence  }
0xb7: {  	s30 =	sld [smem:$0x0];
	_ =	sdelay $0x2  }
0xb8: {  	s31 =	sshll.u32 s1, $0xD;
	s1 =	sshrl.u32 s1, $0x2  }
0xb9: {  	s3 =	sand.u32 $0x4000, s31;
	s1 =	sadd.s32 s1, s30  }
0xba: {  	s0 =	sor.u32 s3, s0;
	s1 =	sshll.u32 s1, $0x11  }
0xbb: {  	s0 =	sor.u32 s1, s0  }
0xbc: {  	s0 =	sadd.s32 $0x8F2B, s0  }
0xbd: {  	[sflag:s0] =	ssyncadd.remote.s32 $0x1  }
0xbe: {  	_ =	sfence.sel $0xFFFF  }
0xbf: {  	[dreg:$0x0] =	wrdreg $0xFFFFFFFF;
	(pc) =	sbr.abs _section_cstart, $3  }
0xc0: {  	[dreg:$0x1] =	wrdreg $0xFFFFFFFF  }
0xc1: {  	_ =	task.clear_ibuf [dreg:s6], $0x2FFFF;
	_ =	strace $0x9FFFFFFF  }
0xc2: {  	(tm) =	ssettm $0x7FFFFFFF  }
0xc3: {  	_ =	shalt  }
tec
execute0_lowered:
.L_overlay_start_1:
0x0: {  	(tag) =	ssettag $0x1  }
0x1: {  	s0 =	srdreg.scid;
	s1 =	rddreg [dreg:$0x0]  }
0x2: {  	s2 =	rddreg [dreg:$0x1];
	s9 =	stileid.u32;
	s3 =	simm.s32 $0x0  }
0x3: {  	s28 =	simm.s32 $0x3000;
	s30 =	simm.s32 $0x3800;
	s29 =	simm.s32 $0x3  }
0x4: {  	s31 =	simm.s32 $0x4;
	s0 =	sand.u32 $0x1, s0;
	s8 =	smul.u32 $0xA000, s9  }
0x5: {  	[smem:$0x7FF] =	sst s3;
	s18 =	smul.u32 $0x2800, s9;
	s4 =	sshll.u32 s0, $0x4  }
0x6: {  	_ =	strace $0x8000004D;
	s6 =	ssub.s32 $0x2, s0;
	s0 =	smul.u32 $0x28000, s0  }
0x7: {  	s4 =	sor.u32 s9, s4;
	s7 =	sshrl.u32 s6, $0x1;
	s15 =	sshrl.u32 s8, $0x2  }
0x8: {  	s16 =	sadd.s32 s18, s2;
	s20 =	sadd.s32 $0x800, s18;
	s22 =	sadd.s32 $0x1000, s18  }
0x9: {  	s24 =	sadd.s32 $0x1800, s18;
	s25 =	sadd.s32 $0x2000, s18;
	s5 =	smul.u32 $0x280, s4  }
0xa: {  	s4 =	sadd.s32 $0xC000, s1;
	s6 =	ssub.s32 s6, s7;
	s7 =	sadd.s32 s15, s2  }
0xb: {  	[dreg:$0x5] =	wrdreg s16;
	s19 =	sadd.s32 s0, s18;
	s21 =	sadd.s32 s0, s20  }
0xc: {  	s15 =	sadd.s32 s20, s2;
	s23 =	sadd.s32 s0, s22;
	s26 =	sadd.s32 s0, s24  }
0xd: {  	s0 =	sadd.s32 s0, s25;
	s17 =	smax.u32 s6, $0x1;
	s10 =	sadd.s32 $0x800, s7  }
0xe: {  	s11 =	sadd.s32 $0x1000, s7;
	s12 =	sadd.s32 $0x1800, s7;
	s13 =	sadd.s32 $0x2000, s7  }
0xf: {  	s0 =	sshrl.u32 s0, $0x3;
	s5 =	sadd.s32 s5, s1;
	s1 =	sadd.s32 $0x11000, s1  }
0x10: {  	[dreg:$0x6] =	wrdreg s17;
	s17 =	sadd.s32 s22, s2;
	s14 =	sadd.s32 $0x7000, s5  }
0x11: {  	s5 =	sadd.s32 $0x2000, s5;
	s22 =	sadd.s32 s1, s0;
	[dreg:$0x3] =	wrdreg s14  }
0x12: {  	s0 =	simm.s32 $0x4000;
	[dreg:$0x4] =	wrdreg s5;
	s5 =	sshrl.u32 s19, $0x3  }
0x13: {  	s19 =	sadd.s32 s24, s2;
	s24 =	simm.s32 $0x2;
	s14 =	sadd.s32 s1, s5  }
0x14: {  	s5 =	sshrl.u32 s21, $0x3;
	s21 =	sadd.s32 s25, s2;
	s25 =	simm.s32 $0x2800  }
0x15: {  	s16 =	sadd.s32 s1, s5;
	s5 =	sshrl.u32 s23, $0x3;
	s23 =	simm.s32 $0x5  }
0x16: {  	s18 =	sadd.s32 s1, s5;
	s5 =	sshrl.u32 s26, $0x3;
	s26 =	simm.s32 $0x80  }
0x17: {  	v0 =	vimm.f32 $0.0e+00;
	s20 =	sadd.s32 s1, s5;
	s1 =	simm.s32 $0x1;
	s5 =	simm.s32 $0x0  }
.LBB2_1:
0x18: {  	s6 =	rddreg [dreg:$0x3]  }
0x19: {  	[tilespmem:s3], [sflag:$0x5] =	stream.linear.gather [hbm4b:s6+s3], $0x1400, $0x38;
	[tilespmem:$0x7000] =	vst v63  }
0x1a: {  	_ =	swait.ge [sflag:s23], $0x1400  }
0x1b: {  	[sflag:s23] =	ssyncset.done $0x0  }
0x1c: {  	s8 =	simm.s32 $0x1400;
	s9 =	rddreg [dreg:$0x4];
	[sflag:s23] =	ssyncadd.s32 $0xFFFFEC00  }
0x1d: {  	[tilespmem:s8], [sflag:$0x5] =	stream.linear.gather [hbm4b:s9+s3], $0x1400, $0x38;
	[tilespmem:$0x7000] =	vst v63  }
0x1e: {  	_ =	swait.ge [sflag:s23], $0x1400  }
0x1f: {  	[sflag:s23] =	ssyncset.done $0x0  }
0x20: {  	s6 =	simm.s32 $0x40;
	s8 =	simm.s32 $0x0;
	[sflag:s23] =	ssyncadd.s32 $0xFFFFEC00  }
.LBB2_2:
0x21: {  	p0 =	sne.s32 s6, $0x1FC0;
	[tilespmem:s8+$0x2800] =	vst v0;
	s8 =	smov.u32 s6;
	s6 =	sadd.s32 $0x40, s6  }
.Ltmp0:
0x22: {  	(pc) =	sbr.rel @p0 .LBB2_2-.Ltmp0, $2  }
0x23: {  	_ =	sdelay $0x2  }
0x24: {  	s8 =	sshra.s32 s8, $0x2  }
0x25: {  	[tilespmem:s8+$0x2800] =	vst v0  }
0x26: {  	[spmem:s7] =	stream.linear.scatter [tilespmem:s25], [sflag:$0x5], $0x800, $0x38;
	[tilespmem:$0x7000] =	vst v63  }
0x27: {  	_ =	swait.ge [sflag:s23], $0x800  }
0x28: {  	[sflag:s23] =	ssyncset.done $0x0  }
0x29: {  	[sflag:s23] =	ssyncadd.s32 $0xFFFFF800  }
0x2a: {  	[spmem:s10] =	stream.linear.scatter [tilespmem:s25], [sflag:$0x5], $0x800, $0x38;
	[tilespmem:$0x7000] =	vst v63  }
0x2b: {  	_ =	swait.ge [sflag:s23], $0x800  }
0x2c: {  	[sflag:s23] =	ssyncset.done $0x0  }
0x2d: {  	[sflag:s23] =	ssyncadd.s32 $0xFFFFF800  }
0x2e: {  	[spmem:s11] =	stream.linear.scatter [tilespmem:s25], [sflag:$0x5], $0x800, $0x38;
	[tilespmem:$0x7000] =	vst v63  }
0x2f: {  	_ =	swait.ge [sflag:s23], $0x800  }
0x30: {  	[sflag:s23] =	ssyncset.done $0x0  }
0x31: {  	[sflag:s23] =	ssyncadd.s32 $0xFFFFF800  }
0x32: {  	[spmem:s12] =	stream.linear.scatter [tilespmem:s25], [sflag:$0x5], $0x800, $0x38;
	[tilespmem:$0x7000] =	vst v63  }
0x33: {  	_ =	swait.ge [sflag:s23], $0x800  }
0x34: {  	[sflag:s23] =	ssyncset.done $0x0  }
0x35: {  	[sflag:s23] =	ssyncadd.s32 $0xFFFFF800  }
0x36: {  	[spmem:s13] =	stream.linear.scatter [tilespmem:s25], [sflag:$0x5], $0x800, $0x38;
	[tilespmem:$0x7000] =	vst v63  }
0x37: {  	_ =	swait.ge [sflag:s23], $0x800  }
0x38: {  	[sflag:s23] =	ssyncset.done $0x0  }
0x39: {  	[sflag:s23] =	ssyncadd.s32 $0xFFFFF800  }
0x3a: {  	s6 =	simm.s32 $0x0;
	[bflag:$0x0] =	sbarrier.arrive $0xFFFF  }
0x3b: {  	[tilespmem:s25], [sflag:$0x1] =	stream.indirect.gather [hbm4b:s4+s26], $0x10, s6, s26, $0xb8;
	[tilespmem:$0x7000] =	vst v63  }
0x3c: {  	_ = 	snop  }
0x3d: {  	[tilespmem:s28], [sflag:$0x2] =	stream.indirect.gather [hbm4b:s4+s26], $0x10, s26, s26, $0xb8;
	[tilespmem:$0x7000] =	vst v63  }
0x3e: {  	s9 =	simm.s32 $0x100  }
0x3f: {  	[tilespmem:s30], [sflag:$0x3] =	stream.indirect.gather [hbm4b:s4+s26], $0x10, s9, s26, $0xb8;
	[tilespmem:$0x7000] =	vst v63  }
0x40: {  	s8 =	simm.s32 $0x180  }
0x41: {  	[tilespmem:s0], [sflag:$0x4] =	stream.indirect.gather [hbm4b:s4+s26], $0x10, s8, s26, $0xb8;
	[tilespmem:$0x7000] =	vst v63  }
0x42: {  	_ =	swait.ge [sflag:s1], $0x800  }
0x43: {  	[sflag:s1] =	ssyncset.done $0x0  }
0x44: {  	s9 =	simm.s32 $0x1400;
	[sflag:s1] =	ssyncadd.s32 $0xFFFFF800  }
0x45: {  	[spmem:s2] =	stream.indirect.scatter.add.f32 [tilespmem:s25], [sflag:$0x5], $0x10, s9, s26, $0xb8;
	[tilespmem:$0x7000] =	vst v63  }
0x46: {  	_ =	swait.ge [sflag:s23], $0x800  }
0x47: {  	[sflag:s23] =	ssyncset.done $0x0  }
0x48: {  	s8 =	simm.s32 $0x200;
	[sflag:s23] =	ssyncadd.s32 $0xFFFFF800  }
0x49: {  	[tilespmem:s25], [sflag:$0x1] =	stream.indirect.gather [hbm4b:s4+s26], $0x10, s8, s26, $0xb8;
	[tilespmem:$0x7000] =	vst v63  }
0x4a: {  	_ =	swait.ge [sflag:s24], $0x800  }
0x4b: {  	[sflag:s24] =	ssyncset.done $0x0  }
0x4c: {  	s9 =	simm.s32 $0x1480;
	[sflag:s24] =	ssyncadd.s32 $0xFFFFF800  }
0x4d: {  	[spmem:s2] =	stream.indirect.scatter.add.f32 [tilespmem:s28], [sflag:$0x5], $0x10, s9, s26, $0xb8;
	[tilespmem:$0x7000] =	vst v63  }
0x4e: {  	_ =	swait.ge [sflag:s23], $0x800  }
0x4f: {  	[sflag:s23] =	ssyncset.done $0x0  }
0x50: {  	s8 =	simm.s32 $0x280;
	[sflag:s23] =	ssyncadd.s32 $0xFFFFF800  }
0x51: {  	[tilespmem:s28], [sflag:$0x2] =	stream.indirect.gather [hbm4b:s4+s26], $0x10, s8, s26, $0xb8;
	[tilespmem:$0x7000] =	vst v63  }
0x52: {  	_ =	swait.ge [sflag:s29], $0x800  }
0x53: {  	[sflag:s29] =	ssyncset.done $0x0  }
0x54: {  	s9 =	simm.s32 $0x1500;
	[sflag:s29] =	ssyncadd.s32 $0xFFFFF800  }
0x55: {  	[spmem:s2] =	stream.indirect.scatter.add.f32 [tilespmem:s30], [sflag:$0x5], $0x10, s9, s26, $0xb8;
	[tilespmem:$0x7000] =	vst v63  }
0x56: {  	_ =	swait.ge [sflag:s23], $0x800  }
0x57: {  	[sflag:s23] =	ssyncset.done $0x0  }
0x58: {  	s8 =	simm.s32 $0x300;
	[sflag:s23] =	ssyncadd.s32 $0xFFFFF800  }
0x59: {  	[tilespmem:s30], [sflag:$0x3] =	stream.indirect.gather [hbm4b:s4+s26], $0x10, s8, s26, $0xb8;
	[tilespmem:$0x7000] =	vst v63  }
0x5a: {  	_ =	swait.ge [sflag:s31], $0x800  }
0x5b: {  	[sflag:s31] =	ssyncset.done $0x0  }
0x5c: {  	s9 =	simm.s32 $0x1580;
	[sflag:s31] =	ssyncadd.s32 $0xFFFFF800  }
0x5d: {  	[spmem:s2] =	stream.indirect.scatter.add.f32 [tilespmem:s0], [sflag:$0x5], $0x10, s9, s26, $0xb8;
	[tilespmem:$0x7000] =	vst v63  }
0x5e: {  	_ =	swait.ge [sflag:s23], $0x800  }
0x5f: {  	[sflag:s23] =	ssyncset.done $0x0  }
0x60: {  	s6 =	simm.s32 $0x800;
	s8 =	simm.s32 $0x380;
	[sflag:s23] =	ssyncadd.s32 $0xFFFFF800  }
.LBB2_4:
0x61: {  	[tilespmem:s0], [sflag:$0x4] =	stream.indirect.gather [hbm4b:s4+s26], $0x10, s8, s26, $0xb8;
	[tilespmem:$0x7000] =	vst v63  }
0x62: {  	s8 =	smov.u32 s6  }
0x63: {  	p0 =	sne.s32 s6, $0x4000;
	s6 =	sadd.s32 $0x800, s6;
	_ =	swait.ge [sflag:s1], $0x800  }
0x64: {  	s8 =	sshra.s32 s8, $0x2;
	[sflag:s1] =	ssyncset.done $0x0  }
0x65: {  	s9 =	sadd.s32 $0x1400, s8;
	[sflag:s1] =	ssyncadd.s32 $0xFFFFF800  }
0x66: {  	[spmem:s2] =	stream.indirect.scatter.add.f32 [tilespmem:s25], [sflag:$0x5], $0x10, s9, s26, $0xb8;
	[tilespmem:$0x7000] =	vst v63  }
0x67: {  	_ =	swait.ge [sflag:s23], $0x800  }
0x68: {  	[sflag:s23] =	ssyncset.done $0x0  }
0x69: {  	s9 =	sadd.s32 $0x200, s8;
	[sflag:s23] =	ssyncadd.s32 $0xFFFFF800  }
0x6a: {  	[tilespmem:s25], [sflag:$0x1] =	stream.indirect.gather [hbm4b:s4+s26], $0x10, s9, s26, $0xb8;
	[tilespmem:$0x7000] =	vst v63  }
0x6b: {  	_ =	swait.ge [sflag:s24], $0x800  }
0x6c: {  	[sflag:s24] =	ssyncset.done $0x0  }
0x6d: {  	s9 =	sadd.s32 $0x1480, s8;
	[sflag:s24] =	ssyncadd.s32 $0xFFFFF800  }
0x6e: {  	[spmem:s2] =	stream.indirect.scatter.add.f32 [tilespmem:s28], [sflag:$0x5], $0x10, s9, s26, $0xb8;
	[tilespmem:$0x7000] =	vst v63  }
0x6f: {  	_ =	swait.ge [sflag:s23], $0x800  }
0x70: {  	[sflag:s23] =	ssyncset.done $0x0  }
0x71: {  	s9 =	sadd.s32 $0x280, s8;
	[sflag:s23] =	ssyncadd.s32 $0xFFFFF800  }
0x72: {  	[tilespmem:s28], [sflag:$0x2] =	stream.indirect.gather [hbm4b:s4+s26], $0x10, s9, s26, $0xb8;
	[tilespmem:$0x7000] =	vst v63  }
0x73: {  	_ =	swait.ge [sflag:s29], $0x800  }
0x74: {  	[sflag:s29] =	ssyncset.done $0x0  }
0x75: {  	s9 =	sadd.s32 $0x1500, s8;
	[sflag:s29] =	ssyncadd.s32 $0xFFFFF800  }
0x76: {  	[spmem:s2] =	stream.indirect.scatter.add.f32 [tilespmem:s30], [sflag:$0x5], $0x10, s9, s26, $0xb8;
	[tilespmem:$0x7000] =	vst v63  }
0x77: {  	_ =	swait.ge [sflag:s23], $0x800  }
0x78: {  	[sflag:s23] =	ssyncset.done $0x0  }
0x79: {  	s9 =	sadd.s32 $0x300, s8;
	[sflag:s23] =	ssyncadd.s32 $0xFFFFF800  }
0x7a: {  	[tilespmem:s30], [sflag:$0x3] =	stream.indirect.gather [hbm4b:s4+s26], $0x10, s9, s26, $0xb8;
	[tilespmem:$0x7000] =	vst v63  }
0x7b: {  	_ =	swait.ge [sflag:s31], $0x800  }
0x7c: {  	[sflag:s31] =	ssyncset.done $0x0  }
.Ltmp1:
0x7d: {  	s9 =	sadd.s32 $0x1580, s8;
	[sflag:s31] =	ssyncadd.s32 $0xFFFFF800;
	(pc) =	sbr.rel @p0 .LBB2_4-.Ltmp1, $4  }
0x7e: {  	[spmem:s2] =	stream.indirect.scatter.add.f32 [tilespmem:s0], [sflag:$0x5], $0x10, s9, s26, $0xb8;
	[tilespmem:$0x7000] =	vst v63  }
0x7f: {  	_ =	swait.ge [sflag:s23], $0x800  }
0x80: {  	[sflag:s23] =	ssyncset.done $0x0  }
0x81: {  	s8 =	sadd.s32 $0x380, s8;
	[sflag:s23] =	ssyncadd.s32 $0xFFFFF800  }
0x82: {  	[tilespmem:s0], [sflag:$0x4] =	stream.indirect.gather [hbm4b:s4+s26], $0x10, s8, s26, $0xb8;
	[tilespmem:$0x7000] =	vst v63  }
0x83: {  	_ =	swait.ge [sflag:s1], $0x800  }
0x84: {  	[sflag:s1] =	ssyncset.done $0x0  }
0x85: {  	s6 =	simm.s32 $0x2600;
	[sflag:s1] =	ssyncadd.s32 $0xFFFFF800  }
0x86: {  	[spmem:s2] =	stream.indirect.scatter.add.f32 [tilespmem:s25], [sflag:$0x5], $0x10, s6, s26, $0xb8;
	[tilespmem:$0x7000] =	vst v63  }
0x87: {  	_ =	swait.ge [sflag:s23], $0x800  }
0x88: {  	[sflag:s23] =	ssyncset.done $0x0  }
0x89: {  	[sflag:s23] =	ssyncadd.s32 $0xFFFFF800  }
0x8a: {  	_ =	swait.ge [sflag:s24], $0x800  }
0x8b: {  	[sflag:s24] =	ssyncset.done $0x0  }
0x8c: {  	s9 =	simm.s32 $0x2680;
	[sflag:s24] =	ssyncadd.s32 $0xFFFFF800  }
0x8d: {  	[spmem:s2] =	stream.indirect.scatter.add.f32 [tilespmem:s28], [sflag:$0x5], $0x10, s9, s26, $0xb8;
	[tilespmem:$0x7000] =	vst v63  }
0x8e: {  	_ =	swait.ge [sflag:s23], $0x800  }
0x8f: {  	[sflag:s23] =	ssyncset.done $0x0  }
0x90: {  	[sflag:s23] =	ssyncadd.s32 $0xFFFFF800  }
0x91: {  	_ =	swait.ge [sflag:s29], $0x800  }
0x92: {  	[sflag:s29] =	ssyncset.done $0x0  }
0x93: {  	s8 =	simm.s32 $0x2700;
	[sflag:s29] =	ssyncadd.s32 $0xFFFFF800  }
0x94: {  	[spmem:s2] =	stream.indirect.scatter.add.f32 [tilespmem:s30], [sflag:$0x5], $0x10, s8, s26, $0xb8;
	[tilespmem:$0x7000] =	vst v63  }
0x95: {  	_ =	swait.ge [sflag:s23], $0x800  }
0x96: {  	[sflag:s23] =	ssyncset.done $0x0  }
0x97: {  	[sflag:s23] =	ssyncadd.s32 $0xFFFFF800  }
0x98: {  	_ =	swait.ge [sflag:s31], $0x800  }
0x99: {  	[sflag:s31] =	ssyncset.done $0x0  }
0x9a: {  	s9 =	simm.s32 $0x2780;
	[sflag:s31] =	ssyncadd.s32 $0xFFFFF800  }
0x9b: {  	[spmem:s2] =	stream.indirect.scatter.add.f32 [tilespmem:s0], [sflag:$0x5], $0x10, s9, s26, $0xb8;
	[tilespmem:$0x7000] =	vst v63  }
0x9c: {  	_ =	swait.ge [sflag:s23], $0x800  }
0x9d: {  	[sflag:s23] =	ssyncset.done $0x0  }
0x9e: {  	[sflag:s23] =	ssyncadd.s32 $0xFFFFF800  }
0x9f: {  	[bflag:$0x0] =	sbarrier.arrive $0xFFFF  }
0xa0: {  	s8 =	rddreg [dreg:$0x5]  }
0xa1: {  	[tilespmem:s25], [sflag:$0x5] =	stream.linear.gather [spmem:s8], $0x800, $0x38;
	[tilespmem:$0x7000] =	vst v63  }
0xa2: {  	_ =	swait.ge [sflag:s23], $0x800  }
0xa3: {  	[sflag:s23] =	ssyncset.done $0x0  }
0xa4: {  	[sflag:s23] =	ssyncadd.s32 $0xFFFFF800  }
0xa5: {  	[hbm4b:s14+s3] =	stream.linear.scatter [tilespmem:s25], [sflag:$0x5], $0x800, $0x38;
	[tilespmem:$0x7000] =	vst v63  }
0xa6: {  	_ =	swait.ge [sflag:s23], $0x800  }
0xa7: {  	[sflag:s23] =	ssyncset.done $0x0  }
0xa8: {  	[sflag:s23] =	ssyncadd.s32 $0xFFFFF800  }
0xa9: {  	[tilespmem:s25], [sflag:$0x5] =	stream.linear.gather [spmem:s15], $0x800, $0x38;
	[tilespmem:$0x7000] =	vst v63  }
0xaa: {  	_ =	swait.ge [sflag:s23], $0x800  }
0xab: {  	[sflag:s23] =	ssyncset.done $0x0  }
0xac: {  	[sflag:s23] =	ssyncadd.s32 $0xFFFFF800  }
0xad: {  	[hbm4b:s16+s3] =	stream.linear.scatter [tilespmem:s25], [sflag:$0x5], $0x800, $0x38;
	[tilespmem:$0x7000] =	vst v63  }
0xae: {  	_ =	swait.ge [sflag:s23], $0x800  }
0xaf: {  	[sflag:s23] =	ssyncset.done $0x0  }
0xb0: {  	[sflag:s23] =	ssyncadd.s32 $0xFFFFF800  }
0xb1: {  	[tilespmem:s25], [sflag:$0x5] =	stream.linear.gather [spmem:s17], $0x800, $0x38;
	[tilespmem:$0x7000] =	vst v63  }
0xb2: {  	_ =	swait.ge [sflag:s23], $0x800  }
0xb3: {  	[sflag:s23] =	ssyncset.done $0x0  }
0xb4: {  	[sflag:s23] =	ssyncadd.s32 $0xFFFFF800  }
0xb5: {  	[hbm4b:s18+s3] =	stream.linear.scatter [tilespmem:s25], [sflag:$0x5], $0x800, $0x38;
	[tilespmem:$0x7000] =	vst v63  }
0xb6: {  	_ =	swait.ge [sflag:s23], $0x800  }
0xb7: {  	[sflag:s23] =	ssyncset.done $0x0  }
0xb8: {  	[sflag:s23] =	ssyncadd.s32 $0xFFFFF800  }
0xb9: {  	[tilespmem:s25], [sflag:$0x5] =	stream.linear.gather [spmem:s19], $0x800, $0x38;
	[tilespmem:$0x7000] =	vst v63  }
0xba: {  	_ =	swait.ge [sflag:s23], $0x800  }
0xbb: {  	[sflag:s23] =	ssyncset.done $0x0  }
0xbc: {  	[sflag:s23] =	ssyncadd.s32 $0xFFFFF800  }
0xbd: {  	[hbm4b:s20+s3] =	stream.linear.scatter [tilespmem:s25], [sflag:$0x5], $0x800, $0x38;
	[tilespmem:$0x7000] =	vst v63  }
0xbe: {  	_ =	swait.ge [sflag:s23], $0x800  }
0xbf: {  	[sflag:s23] =	ssyncset.done $0x0  }
0xc0: {  	[sflag:s23] =	ssyncadd.s32 $0xFFFFF800  }
0xc1: {  	[tilespmem:s25], [sflag:$0x5] =	stream.linear.gather [spmem:s21], $0x800, $0x38;
	[tilespmem:$0x7000] =	vst v63  }
0xc2: {  	_ =	swait.ge [sflag:s23], $0x800  }
0xc3: {  	[sflag:s23] =	ssyncset.done $0x0  }
0xc4: {  	[sflag:s23] =	ssyncadd.s32 $0xFFFFF800  }
0xc5: {  	[hbm4b:s22+s3] =	stream.linear.scatter [tilespmem:s25], [sflag:$0x5], $0x800, $0x38;
	[tilespmem:$0x7000] =	vst v63  }
0xc6: {  	_ =	swait.ge [sflag:s23], $0x800  }
0xc7: {  	s5 =	sadd.s32 $0x1, s5;
	s9 =	rddreg [dreg:$0x6]  }
0xc8: {  	p0 =	sne.s32 s5, s9  }
.Ltmp2:
0xc9: {  	_ = 	snop;
	(pc) =	sbr.rel @p0 .LBB2_1-.Ltmp2, $3  }
0xca: {  	_ =	sdelay $0x1  }
0xcb: {  	[sflag:s23] =	ssyncset.done $0x0  }
0xcc: {  	[sflag:s23] =	ssyncadd.s32 $0xFFFFF800  }
0xcd: {  	_ =	sfence.sel $0x180000  }
0xce: {  	[bflag:$0x0] =	sbarrier.arrive $0xFFFF  }
0xcf: {  	_ =	strace $0x9000004D  }
0xd0: {  	s0 =	stileid.u32;
	[bflag:$0x2] =	sbarrier.arrive $0xFFFF  }
0xd1: {  	p0 =	sne.s32 s0, $0x0;
	s0 =	rddreg [dreg:$0x2]  }
0xd2: {  	s0 =	sadd.s32 @!p0 $0x100000, s0  }
0xd3: {  	[sflag:s0] =	ssyncadd.tile.s32 @!p0 $0x1;
	_ =	shalt  }
.Lfunc_end2:
_tile_overlayer_lowered:
.L_overlay_start_2:
0xd4: {  	(tag) =	ssettag $0x2  }
0xd5: {  	s0 =	rddreg [dreg:$0x0];
	s2 =	stileid.u32  }
0xd6: {  	s1 =	rddreg [dreg:$0x1];
	p0 =	sne.s32 s2, $0x0  }
0xd7: {  	s3 =	rddreg [dreg:$0x2];
	[bflag:$0x3] =	sbarrier.arrive $0xFFFF;
	s2 =	simm.s32 @!p0 $0x1C05  }
0xd8: {  	[timem:s3], [sflag:s2] =	dma.local @!p0 [hbm:s0], s1  }
0xd9: {  	s0 =	simm.s32 @!p0 $0x5  }
0xda: {  	_ =	swait.ge @!p0 [sflag:s0], s1  }
0xdb: {  	s1 =	ssub.s32 @!p0 $0x0, s1;
	[sflag:s0] =	ssyncset.done @!p0 $0x0  }
0xdc: {  	[sflag:s0] =	ssyncadd.s32 @!p0 s1  }
0xdd: {  	[bflag:$0x3] =	sbarrier.arrive $0xFFFF  }
0xde: {  	_ =	shalt  }

// kernel: kernel.8.cloned.1.call-start
scs
__scs_entry_jumppad:
0x0: {  	(pc) =	sbr.rel $0x88, $3  }
0x1: {  	(tag) =	ssettag $0x0;
	lr =	simm.s32 $0x1  }
0x2: {  	[smem:$0x3F97] =	sst lr;
	_ =	strace $0xD0000000  }
0x3: {  	_ = 	snop  }
0x4: {  	_ = 	snop  }
0x5: {  	_ = 	snop  }
0x6: {  	_ = 	snop  }
0x7: {  	_ = 	snop  }
__scs_overlays_trampoline_lowered:
0x8: {  	[smem:$0x3FA6] =	sst s0  }
0x9: {  	[smem:$0x3FA7] =	sst s1  }
0xa: {  	[smem:$0x3FA8] =	sst s2  }
0xb: {  	[smem:$0x3FA9] =	sst s3  }
0xc: {  	[smem:$0x3FAA] =	sst s4  }
0xd: {  	[smem:$0x3FAB] =	sst s5  }
0xe: {  	[smem:$0x3FAC] =	sst s6  }
0xf: {  	[smem:$0x3FAD] =	sst s7  }
0x10: {  	[smem:$0x3FAE] =	sst s8  }
0x11: {  	[smem:$0x3FAF] =	sst s9;
	s0 =	simm.s32 @!p0 $0x0  }
0x12: {  	s1 =	sld [smem:$0x3F95];
	s0 =	simm.s32 @p0 $0x1  }
0x13: {  	[smem:$0x3FB0] =	sst s0;
	s0 =	simm.s32 @!p1 $0x0  }
0x14: {  	s2 =	sld [smem:$0x3F94];
	s0 =	simm.s32 @p1 $0x1  }
0x15: {  	[smem:$0x3FB1] =	sst s0;
	s0 =	simm.s32 @!p2 $0x0  }
0x16: {  	s3 =	sld [smem:$0x3FDB];
	s0 =	simm.s32 @p2 $0x1  }
0x17: {  	s4 =	simm.s32 $0x1BF5;
	[smem:$0x3FB3] =	sst s0  }
0x18: {  	s0 =	sld [smem:$0x3F96];
	_ =	swait.ge [sflag:s4], $0x0  }
0x19: {  	s7 =	sld [smem:$0x3F97]  }
0x1a: {  	s8 =	sadd.s32 $0xFFFFE003, lr  }
0x1b: {  	s9 =	sadd.s32 $0xFFFFFEF7, lr;
	s5 =	simm.s32 $0xFFFFFFFF;
	p2 =	slt.u32 s8, $0xFFFFF086  }
0x1c: {  	p1 =	slt.u32 s9, $0xF7A;
	s5 =	simm.s32 @!p2 $0x0  }
0x1d: {  	s5 =	simm.s32 @p1 $0x1;
	p0 =	seq.s32 s7, s2  }
0x1e: {  	s7 =	smul.u32 @!p0 $0xF7A, s2;
	p2 =	seq.s32 @!p0 s5, $0x0  }
0x1f: {  	s9 =	smul.u32 $0xF7A, s1;
	s8 =	simm.s32 @!p0 $0x1BF5;
	p2 =	por !p2, p0  }
0x20: {  	[sflag:s8] =	ssyncset.s32 @!p0 $0xFFFFF086;
	s6 =	sadd.s32 @!p0 s3, s7;
	s7 =	simm.s32 @!p0 $0x108  }
0x21: {  	s3 =	sadd.s32 s3, s9;
	s6 =	sadd.s32 @!p0 $0x88, s6;
	s7 =	simm.s32 @p2 $0x1082  }
0x22: {  	[simem:s7], [sflag:s8] =	dma.local @!p0 [hbm:s6], $0xF7A  }
0x23: {  	s9 =	sor.u32 $0xD0000000, s2;
	s6 =	simm.s32 $0x108;
	_ =	swait.ge @!p0 [sflag:s8], $0x0  }
0x24: {  	s3 =	sadd.s32 $0x88, s3;
	s6 =	simm.s32 @!p1 $0x1082;
	[sflag:s4] =	ssyncset.s32 $0xFFFFF086  }
0x25: {  	[simem:s6], [sflag:s4] =	dma.local [hbm:s3], $0xF7A  }
0x26: {  	[smem:$0x3F97] =	sst s1;
	(tag) =	ssettag s2;
	_ =	strace s9  }
0x27: {  	s1 =	sld [smem:$0x3FA7]  }
0x28: {  	s2 =	sld [smem:$0x3FA8]  }
0x29: {  	s4 =	sld [smem:$0x3FAA]  }
0x2a: {  	p0 =	seq.s32 s5, $0x0;
	s5 =	sld [smem:$0x3FAB]  }
0x2b: {  	s6 =	sld [smem:$0x3FAC]  }
0x2c: {  	s7 =	sld [smem:$0x3FAD]  }
0x2d: {  	s3 =	simm.s32 $0x108;
	s8 =	sld [smem:$0x3FAE]  }
0x2e: {  	s3 =	simm.s32 @!p0 $0x1082;
	s9 =	sld [smem:$0x3FAF]  }
0x2f: {  	lr =	sadd.s32 s0, s3;
	s0 =	sld [smem:$0x3FA6]  }
0x30: {  	s3 =	sld [smem:$0x3FA9]  }
0x31: {  	[smem:$0x3FB2] =	sst s10  }
0x32: {  	s10 =	sld [smem:$0x3FB0];
	_ =	sdelay $0x3  }
0x33: {  	p0 =	seq.s32 s10, $0x1;
	s10 =	sld [smem:$0x3FB2];
	_ =	sdelay $0x3  }
0x34: {  	[smem:$0x3FB2] =	sst s10  }
0x35: {  	s10 =	sld [smem:$0x3FB1];
	_ =	sdelay $0x3  }
0x36: {  	p1 =	seq.s32 s10, $0x1;
	s10 =	sld [smem:$0x3FB2];
	_ =	sdelay $0x3  }
0x37: {  	[smem:$0x3FB2] =	sst s10  }
0x38: {  	s10 =	sld [smem:$0x3FB3]  }
0x39: {  	_ = 	snop;
	(pc) =	sbr.ind lr, $3  }
0x3a: {  	_ = 	snop  }
0x3b: {  	_ = 	snop  }
0x3c: {  	p2 =	seq.s32 s10, $0x1;
	s10 =	sld [smem:$0x3FB2]  }
0x3d: {  	_ =	shalt  }
0x3e: {  	_ =	shalt  }
0x3f: {  	_ =	shalt  }
0x40: {  	_ =	shalt  }
0x41: {  	_ =	shalt  }
0x42: {  	_ =	shalt  }
0x43: {  	_ =	shalt  }
0x44: {  	_ =	shalt  }
0x45: {  	_ =	shalt  }
0x46: {  	_ =	shalt  }
0x47: {  	_ =	shalt  }
0x48: {  	_ =	shalt  }
0x49: {  	_ =	shalt  }
0x4a: {  	_ =	shalt  }
0x4b: {  	_ =	shalt  }
0x4c: {  	_ =	shalt  }
0x4d: {  	_ =	shalt  }
0x4e: {  	_ =	shalt  }
0x4f: {  	_ =	shalt  }
0x50: {  	_ =	shalt  }
0x51: {  	_ =	shalt  }
0x52: {  	_ =	shalt  }
0x53: {  	_ =	shalt  }
0x54: {  	_ =	shalt  }
0x55: {  	_ =	shalt  }
0x56: {  	_ =	shalt  }
0x57: {  	_ =	shalt  }
0x58: {  	_ =	shalt  }
0x59: {  	_ =	shalt  }
0x5a: {  	_ =	shalt  }
0x5b: {  	_ =	shalt  }
0x5c: {  	_ =	shalt  }
0x5d: {  	_ =	shalt  }
0x5e: {  	_ =	shalt  }
0x5f: {  	_ =	shalt  }
0x60: {  	_ =	shalt  }
0x61: {  	_ =	shalt  }
0x62: {  	_ =	shalt  }
0x63: {  	_ =	shalt  }
0x64: {  	_ =	shalt  }
0x65: {  	_ =	shalt  }
0x66: {  	_ =	shalt  }
0x67: {  	_ =	shalt  }
0x68: {  	_ =	shalt  }
0x69: {  	_ =	shalt  }
0x6a: {  	_ =	shalt  }
0x6b: {  	_ =	shalt  }
0x6c: {  	_ =	shalt  }
0x6d: {  	_ =	shalt  }
0x6e: {  	_ =	shalt  }
0x6f: {  	_ =	shalt  }
0x70: {  	_ =	shalt  }
0x71: {  	_ =	shalt  }
0x72: {  	_ =	shalt  }
0x73: {  	_ =	shalt  }
0x74: {  	_ =	shalt  }
0x75: {  	_ =	shalt  }
0x76: {  	_ =	shalt  }
0x77: {  	_ =	shalt  }
0x78: {  	_ =	shalt  }
0x79: {  	_ =	shalt  }
0x7a: {  	_ =	shalt  }
0x7b: {  	_ =	shalt  }
0x7c: {  	_ =	shalt  }
0x7d: {  	_ =	shalt  }
0x7e: {  	_ =	shalt  }
0x7f: {  	_ =	shalt  }
0x80: {  	_ =	shalt  }
0x81: {  	_ =	shalt  }
0x82: {  	_ =	shalt  }
0x83: {  	_ =	shalt  }
0x84: {  	_ =	shalt  }
0x85: {  	_ =	shalt  }
0x86: {  	_ =	shalt  }
0x87: {  	_ =	shalt  }
.Lfunc_end0:
.L_simem_size_0:
called_computation_lowered:
.L_overlay_start_0:
0x88: {  	s2 =	sld [smem:$0x3FD9]  }
0x89: {  	s3 =	sld [smem:$0x3FFE];
	_ =	sdelay $0x1  }
0x8a: {  	s1 =	srdreg.scid  }
0x8b: {  	s0 =	sand.u32 $0x1, s1  }
0x8c: {  	s17 =	sshll.u32 s0, $0xA;
	s2 =	sadd.s32 s3, s2  }
0x8d: {  	s2 =	sadd.s32 s2, s17  }
0x8e: {  	[smem:$0x3FBE] =	sst s2  }
0x8f: {  	_ = 	snop  }
0x90: {  	s2 =	sld [smem:$0x3FD0];
	(tm) =	ssettm $0x1  }
0x91: {  	s18 =	sld [smem:$0x3FFB];
	_ =	sdelay $0x3  }
0x92: {  	_ =	strace s18  }
0x93: {  	s3 =	sld [smem:$0x3FFC];
	_ =	sdelay $0x3  }
0x94: {  	_ =	strace s3  }
0x95: {  	s3 =	sld [smem:$0x3FFD];
	_ =	sdelay $0x3  }
0x96: {  	_ =	strace s3  }
0x97: {  	_ =	strace $0x8FFFFFFF  }
0x98: {  	s19 =	sld [smem:$0x3FDB];
	_ =	sdelay $0x1  }
0x99: {  	s4 =	simm.s32 $_scs_section_size  }
0x9a: {  	s5 =	simm.s32 $_size__tile_overlayer_lowered;
	s6 =	simm.s32 $_tile_overlayer_lowered  }
0x9b: {  	s22 =	simm.s32 $0x1BFF;
	s21 =	sshll.u32 s6, $0x1;
	s3 =	sadd.s32 s4, s19  }
0x9c: {  	s7 =	simm.s32 $0x0;
	s20 =	sshll.u32 s5, $0x1;
	s5 =	sadd.s32 s21, s3  }
0x9d: {  	[timem:s7], [sflag:s22] =	dma.local [hbm:s5], s20  }
0x9e: {  	_ =	swait.ge [sflag:s22], s20  }
0x9f: {  	s4 =	ssub.s32 $0x0, s20;
	[sflag:s22] =	ssyncset.done $0x0  }
0xa0: {  	[sflag:s22] =	ssyncadd.s32 s4;
	_ =	sdelay $0x1  }
0xa1: {  	s23 =	simm.s32 $0x1B8B  }
0xa2: {  	_ =	swait.ge [sflag:s23], $0x1  }
0xa3: {  	[sflag:s23] =	ssyncset.done $0x0  }
0xa4: {  	s25 =	simm.s32 $0x1B8E;
	s24 =	sld [smem:$0x3FFE];
	[sflag:s23] =	ssyncadd.s32 $0xFFFFFFFF  }
0xa5: {  	s26 =	simm.s32 $execute0_lowered;
	[smem:$0x3FD2] =	sst s25  }
0xa6: {  	s5 =	sshll.u32 s26, $0x1;
	_ =	strace $0x80000046;
	[dreg:$0x1] =	wrdreg $0xFFFFFFFF  }
0xa7: {  	s28 =	simm.s32 $_size_execute0_lowered;
	s3 =	sadd.s32 s3, s5;
	[dreg:$0x0] =	wrdreg $0x0  }
0xa8: {  	s5 =	sshll.u32 s28, $0x1;
	[dreg:$0x2] =	wrdreg s3  }
0xa9: {  	[dreg:$0x3] =	wrdreg s5  }
0xaa: {  	[dreg:$0x4] =	wrdreg $0xC0  }
0xab: {  	_ =	task [dreg:s7], $0x5FFFF  }
0xac: {  	[dreg:$0x1] =	wrdreg $0xFFFFFFFF  }
0xad: {  	[dreg:$0x0] =	wrdreg $0x60  }
0xae: {  	[dreg:$0x2] =	wrdreg s24  }
0xaf: {  	[dreg:$0x3] =	wrdreg s2  }
0xb0: {  	[dreg:$0x4] =	wrdreg $0x7F800  }
0xb1: {  	[dreg:$0x5] =	wrdreg $0x9  }
0xb2: {  	_ =	task.clear_ibuf [dreg:s7], $0x6FFFF;
	_ =	strace $0x90000046  }
0xb3: {  	s29 =	simm.s32 $0x9;
	_ =	strace $0x80000048  }
0xb4: {  	_ =	swait.ge [sflag:s29], $0x1  }
0xb5: {  	[sflag:s29] =	ssyncadd.s32 $0xFFFFFFFF  }
0xb6: {  	_ =	strace $0x90000048  }
0xb7: {  	_ =	sfence  }
0xb8: {  	s30 =	sld [smem:$0x0];
	_ =	sdelay $0x2  }
0xb9: {  	s31 =	sshll.u32 s1, $0xD;
	s1 =	sshrl.u32 s1, $0x2  }
0xba: {  	s3 =	sand.u32 $0x4000, s31;
	s1 =	sadd.s32 s1, s30  }
0xbb: {  	s0 =	sor.u32 s3, s0;
	s1 =	sshll.u32 s1, $0x11  }
0xbc: {  	s0 =	sor.u32 s1, s0  }
0xbd: {  	s0 =	sadd.s32 $0x8F2B, s0  }
0xbe: {  	[sflag:s0] =	ssyncadd.remote.s32 $0x1  }
0xbf: {  	_ =	sfence.sel $0xFFFF  }
0xc0: {  	[dreg:$0x0] =	wrdreg $0xFFFFFFFF;
	(pc) =	sbr.abs _section_cstart, $3  }
0xc1: {  	[dreg:$0x1] =	wrdreg $0xFFFFFFFF  }
0xc2: {  	_ =	task.clear_ibuf [dreg:s7], $0x2FFFF;
	_ =	strace $0x9FFFFFFF  }
0xc3: {  	(tm) =	ssettm $0x7FFFFFFF  }
tec
execute0_lowered:
.L_overlay_start_1:
0x0: {  	(tag) =	ssettag $0x1  }
0x1: {  	s4 =	rddreg [dreg:$0x0]  }
0x2: {  	s0 =	srdreg.scid;
	s6 =	rddreg [dreg:$0x1]  }
0x3: {  	s8 =	rddreg [dreg:$0x2];
	s2 =	simm.s32 $0x0;
	s12 =	simm.s32 $0x1  }
0x4: {  	s13 =	simm.s32 $0x6400;
	s14 =	simm.s32 $0x2800;
	s15 =	simm.s32 $0x7800  }
0x5: {  	s16 =	simm.s32 $0x7A80;
	s3 =	sand.u32 $0x1, s0;
	s0 =	stileid.u32  }
0x6: {  	s17 =	simm.s32 $0x7D00;
	s18 =	simm.s32 $0x0;
	s9 =	smul.u32 $0x280, s0  }
0x7: {  	s1 =	sshll.u32 s3, $0x4;
	s7 =	ssub.s32 $0x2, s3;
	s3 =	smul.u32 $0x5000, s3  }
0x8: {  	[smem:$0x7FF] =	sst s2;
	s11 =	smul.u32 $0x14000, s0;
	s1 =	sor.u32 s0, s1  }
0x9: {  	s10 =	sshrl.u32 s7, $0x1;
	s5 =	smul.u32 $0x280, s1;
	s1 =	rddreg [dreg:$0x3]  }
0xa: {  	_ =	strace $0x80000047;
	s10 =	ssub.s32 s7, s10;
	s29 =	sadd.s32 s9, s3  }
0xb: {  	s30 =	sshrl.u32 s11, $0x2;
	s11 =	simm.s32 $0x5000;
	s31 =	sshrl.u32 s29, $0x3  }
0xc: {  	s10 =	smax.u32 s10, $0x1;
	s4 =	sadd.s32 s5, s4;
	s5 =	sadd.s32 s30, s8  }
0xd: {  	s6 =	sadd.s32 s6, s31;
	s8 =	sadd.s32 s9, s8;
	s3 =	sadd.s32 $0x7000, s4  }
0xe: {  	v0 =	vimm.f32 $0.0e+00;
	v1 =	vimm.f32 $1.000000000e+00;
	s4 =	sadd.s32 $0x2000, s4;
	s7 =	sadd.s32 $0x2800, s5;
	s9 =	sadd.s32 $0x500, s6  }
.LBB2_1:
0xf: {  	s19 =	simm.s32 $0x40;
	s20 =	simm.s32 $0x0  }
.LBB2_2:
0x10: {  	p0 =	sne.s32 s19, $0x9FC0;
	[tilespmem:s20+$0x0] =	vst v0;
	s21 =	smov.u32 s19;
	s19 =	sadd.s32 $0x40, s19  }
.Ltmp0:
0x11: {  	[tilespmem:s20+$0x2800] =	vst v0;
	(pc) =	sbr.rel @p0 .LBB2_2-.Ltmp0, $2  }
0x12: {  	_ =	sdelay $0x2  }
0x13: {  	s20 =	sshra.s32 s21, $0x2  }
0x14: {  	[tilespmem:s20+$0x0] =	vst v0  }
0x15: {  	[tilespmem:s20+$0x2800] =	vst v0;
	s19 =	simm.s32 $0x0  }
0x16: {  	[tilespmem:s11], [sflag:$0x1] =	stream.linear.gather [hbm4b:s3+s19], $0x1400, $0x38;
	[tilespmem:$0xCF80] =	vst v63  }
0x17: {  	_ =	swait.ge [sflag:s12], $0x1400  }
0x18: {  	[sflag:s12] =	ssyncset.done $0x0  }
0x19: {  	[sflag:s12] =	ssyncadd.s32 $0xFFFFEC00  }
0x1a: {  	[tilespmem:s13], [sflag:$0x1] =	stream.linear.gather [hbm4b:s4+s19], $0x1400, $0x38;
	[tilespmem:$0xCF80] =	vst v63  }
0x1b: {  	_ =	swait.ge [sflag:s12], $0x1400  }
0x1c: {  	[sflag:s12] =	ssyncset.done $0x0  }
0x1d: {  	s20 =	simm.s32 $0x0;
	s19 =	simm.s32 $0x40;
	[sflag:s12] =	ssyncadd.s32 $0xFFFFEC00  }
.LBB2_4:
0x1e: {  	p0 =	sne.s32 s19, $0x4FC0;
	v2 =	vld [tilespmem:s20+$0x5000];
	_ =	sdelay $0x7  }
0x1f: {  	[tilespmem:v2+s2+$0x0] =	vst.idx.add.f32.msk $0xffff, v1  }
0x20: {  	v2 =	vld [tilespmem:s20+$0x6400];
	_ =	sdelay $0x3  }
.Ltmp1:
0x21: {  	(pc) =	sbr.rel @p0 .LBB2_4-.Ltmp1, $2  }
0x22: {  	_ =	sdelay $0x2  }
0x23: {  	s20 =	sshra.s32 s19, $0x2;
	s19 =	sadd.s32 $0x40, s19;
	[tilespmem:v2+s14+$0x0] =	vst.idx.add.f32.msk $0xffff, v1  }
0x24: {  	v2 =	vld [tilespmem:s20+$0x5000];
	_ =	sdelay $0x7  }
0x25: {  	[tilespmem:v2+s2+$0x0] =	vst.idx.add.f32.msk $0xffff, v1  }
0x26: {  	v2 =	vld [tilespmem:s20+$0x6400];
	_ =	sdelay $0x7  }
0x27: {  	s19 =	simm.s32 $0x0;
	[tilespmem:v2+s14+$0x0] =	vst.idx.add.f32.msk $0xffff, v1  }
0x28: {  	[spmem:s5] =	stream.linear.scatter [tilespmem:s19], [sflag:$0x1], $0x2800, $0x38;
	[tilespmem:$0xCF80] =	vst v63  }
0x29: {  	_ =	swait.ge [sflag:s12], $0x2800  }
0x2a: {  	[sflag:s12] =	ssyncset.done $0x0  }
0x2b: {  	[sflag:s12] =	ssyncadd.s32 $0xFFFFD800  }
0x2c: {  	[spmem:s7] =	stream.linear.scatter [tilespmem:s14], [sflag:$0x1], $0x2800, $0x38;
	[tilespmem:$0xCF80] =	vst v63  }
0x2d: {  	_ =	swait.ge [sflag:s12], $0x2800  }
0x2e: {  	[sflag:s12] =	ssyncset.done $0x0  }
0x2f: {  	[sflag:s12] =	ssyncadd.s32 $0xFFFFD800  }
0x30: {  	s21 =	simm.s32 $0x0;
	s20 =	simm.s32 $0x40;
	[bflag:$0x0] =	sbarrier.arrive $0xFFFF  }
.LBB2_6:
0x31: {  	p0 =	sne.s32 s20, $0x9C0;
	[tilespmem:s21+$0x7A80] =	vst v0;
	s22 =	smov.u32 s20;
	s20 =	sadd.s32 $0x40, s20  }
.Ltmp2:
0x32: {  	[tilespmem:s21+$0x7D00] =	vst v0;
	(pc) =	sbr.rel @p0 .LBB2_6-.Ltmp2, $2  }
0x33: {  	_ =	sdelay $0x2  }
0x34: {  	s21 =	sshra.s32 s22, $0x2  }
0x35: {  	[tilespmem:s21+$0x7A80] =	vst v0  }
0x36: {  	[tilespmem:s21+$0x7D00] =	vst v0  }
.LBB2_8:
0x37: {  	s20 =	smul.u32 $0x14000, s19;
	_ =	sdelay $0x1  }
0x38: {  	s20 =	sshra.s32 s20, $0x2  }
0x39: {  	s20 =	sadd.s32 s20, s8  }
0x3a: {  	[tilespmem:s15], [sflag:$0x1] =	stream.linear.gather [spmem:s20], $0x280, $0x38;
	[tilespmem:$0xCF80] =	vst v63  }
0x3b: {  	_ =	swait.ge [sflag:s12], $0x280  }
0x3c: {  	[sflag:s12] =	ssyncset.done $0x0  }
0x3d: {  	s21 =	simm.s32 $0x0;
	[sflag:s12] =	ssyncadd.s32 $0xFFFFFD80  }
0x3e: {  	s22 =	simm.s32 $0x40;
	v2 =	vld [tilespmem:s21+$0x7800]  }
.LBB2_9:
0x3f: {  	p0 =	sne.s32 s22, $0x9C0;
	v3 =	vld [tilespmem:s21+$0x7A80];
	_ =	sdelay $0x2  }
.Ltmp3:
0x40: {  	(pc) =	sbr.rel @p0 .LBB2_9-.Ltmp3, $4  }
0x41: {  	_ = 	snop  }
0x42: {  	v3 =	vadd.f32 v2, v3  }
0x43: {  	s23 =	sshra.s32 s22, $0x2  }
0x44: {  	s22 =	sadd.s32 $0x40, s22;
	v2 =	vld [tilespmem:s23+$0x7800];
	[tilespmem:s21+$0x7A80] =	vst v3;
	s21 =	smov.u32 s23  }
0x45: {  	v3 =	vld [tilespmem:s21+$0x7A80];
	_ =	sdelay $0x4  }
0x46: {  	v2 =	vadd.f32 v2, v3;
	_ =	sdelay $0x1  }
0x47: {  	s20 =	sadd.s32 $0x2800, s20;
	[tilespmem:s21+$0x7A80] =	vst v2  }
0x48: {  	[tilespmem:s15], [sflag:$0x1] =	stream.linear.gather [spmem:s20], $0x280, $0x38;
	[tilespmem:$0xCF80] =	vst v63  }
0x49: {  	_ =	swait.ge [sflag:s12], $0x280  }
0x4a: {  	[sflag:s12] =	ssyncset.done $0x0  }
0x4b: {  	s20 =	simm.s32 $0x0;
	[sflag:s12] =	ssyncadd.s32 $0xFFFFFD80  }
0x4c: {  	s21 =	simm.s32 $0x40;
	v2 =	vld [tilespmem:s20+$0x7800]  }
.LBB2_11:
0x4d: {  	p0 =	sne.s32 s21, $0x9C0;
	v3 =	vld [tilespmem:s20+$0x7D00];
	_ =	sdelay $0x2  }
.Ltmp4:
0x4e: {  	(pc) =	sbr.rel @p0 .LBB2_11-.Ltmp4, $4  }
0x4f: {  	_ = 	snop  }
0x50: {  	v3 =	vadd.f32 v2, v3  }
0x51: {  	s22 =	sshra.s32 s21, $0x2  }
0x52: {  	s21 =	sadd.s32 $0x40, s21;
	v2 =	vld [tilespmem:s22+$0x7800];
	[tilespmem:s20+$0x7D00] =	vst v3;
	s20 =	smov.u32 s22  }
0x53: {  	v3 =	vld [tilespmem:s20+$0x7D00]  }
0x54: {  	s19 =	sadd.s32 $0x1, s19  }
0x55: {  	p0 =	sne.s32 s19, $0x10  }
.Ltmp5:
0x56: {  	_ = 	snop;
	(pc) =	sbr.rel @p0 .LBB2_8-.Ltmp5, $3  }
0x57: {  	_ = 	snop  }
0x58: {  	v2 =	vadd.f32 v2, v3;
	_ =	sdelay $0x1  }
0x59: {  	[tilespmem:s20+$0x7D00] =	vst v2  }
0x5a: {  	[hbm4b:s6+s2] =	stream.linear.scatter [tilespmem:s16], [sflag:$0x1], $0x280, $0x38;
	[tilespmem:$0xCF80] =	vst v63  }
0x5b: {  	s18 =	sadd.s32 $0x1, s18;
	_ =	swait.ge [sflag:s12], $0x280  }
0x5c: {  	p0 =	sne.s32 s18, s10;
	[sflag:s12] =	ssyncset.done $0x0  }
.Ltmp6:
0x5d: {  	[sflag:s12] =	ssyncadd.s32 $0xFFFFFD80;
	(pc) =	sbr.rel @p0 .LBB2_1-.Ltmp6, $4  }
0x5e: {  	[hbm4b:s9+s2] =	stream.linear.scatter [tilespmem:s17], [sflag:$0x1], $0x280, $0x38;
	[tilespmem:$0xCF80] =	vst v63  }
0x5f: {  	_ =	swait.ge [sflag:s12], $0x280  }
0x60: {  	[sflag:s12] =	ssyncset.done $0x0  }
0x61: {  	[sflag:s12] =	ssyncadd.s32 $0xFFFFFD80  }
0x62: {  	_ =	sfence.sel $0x180000  }
0x63: {  	[bflag:$0x0] =	sbarrier.arrive $0xFFFF  }
0x64: {  	p0 =	sne.s32 s0, $0x0;
	_ =	strace $0x90000047  }
0x65: {  	s0 =	sadd.s32 @!p0 $0x100000, s1;
	[bflag:$0x2] =	sbarrier.arrive $0xFFFF  }
0x66: {  	[sflag:s0] =	ssyncadd.tile.s32 @!p0 $0x1;
	_ =	shalt  }
.Lfunc_end2:
_tile_overlayer_lowered:
.L_overlay_start_2:
0x67: {  	(tag) =	ssettag $0x2  }
0x68: {  	s0 =	rddreg [dreg:$0x0];
	s2 =	stileid.u32  }
0x69: {  	s1 =	rddreg [dreg:$0x1];
	p0 =	sne.s32 s2, $0x0  }
0x6a: {  	s3 =	rddreg [dreg:$0x2];
	[bflag:$0x3] =	sbarrier.arrive $0xFFFF;
	s2 =	simm.s32 @!p0 $0x1C01  }
0x6b: {  	[timem:s3], [sflag:s2] =	dma.local @!p0 [hbm:s0], s1  }
0x6c: {  	s0 =	simm.s32 @!p0 $0x1  }
0x6d: {  	_ =	swait.ge @!p0 [sflag:s0], s1  }
0x6e: {  	s1 =	ssub.s32 @!p0 $0x0, s1;
	[sflag:s0] =	ssyncset.done @!p0 $0x0  }
0x6f: {  	[sflag:s0] =	ssyncadd.s32 @!p0 s1  }
0x70: {  	[bflag:$0x3] =	sbarrier.arrive $0xFFFF  }
0x71: {  	_ =	shalt  }

</sc_bundles>
